<compile_context>
chip_gen: v7x
topology: tpu7x:2x2x1
jax: 0.10.2.dev20260603
libtpu: 0.0.44.dev20260713+nightly
codegen_flags: <defaults>
</compile_context>

<pallas_src>
import dataclasses
import functools

import jax
import jax.numpy as jnp
from jax import lax
from jax.experimental import pallas as pl
from jax.experimental.pallas import tpu as pltpu
from jax.experimental.pallas import tpu_sc as plsc

NC = 2
NS = 16
NW = NC * NS
CHUNK = 64
KGROUP = 4
ROW_BLOCK = 2000


def _sc_segment_sum(t, idx3, n_pad, with_cnt):
    n_chunks = idx3.shape[0] // (2 * NW)
    d = t.shape[1]
    rows_per_sub = n_pad // NS
    n_groups = n_chunks // KGROUP
    n_lin = rows_per_sub // CHUNK

    out_type = [jax.ShapeDtypeStruct((NC * n_pad, d), jnp.float32)]
    scratch = [
        pltpu.VMEM((2 * KGROUP, CHUNK), jnp.int32),
        pltpu.VMEM((n_lin, CHUNK), jnp.int32),
        pltpu.VMEM((KGROUP, CHUNK, d), jnp.float32),
        pltpu.SemaphoreType.DMA,
        pltpu.SemaphoreType.DMA,
        pltpu.VMEM_SHARED((n_pad, d), jnp.float32),
    ]
    if with_cnt:
        out_type.append(jax.ShapeDtypeStruct((NW, n_pad), jnp.float32))
        scratch.append(pltpu.VMEM((n_pad,), jnp.float32))

    mesh = plsc.VectorSubcoreMesh(core_axis_name="c", subcore_axis_name="s",
                                  num_cores=NC)
    cp = pltpu.CompilerParams()
    if "needs_layout_passes" in pltpu.CompilerParams.__dataclass_fields__:
        cp = dataclasses.replace(cp, needs_layout_passes=False)

    @functools.partial(pl.kernel, out_type=out_type, mesh=mesh,
                       scratch_types=scratch, compiler_params=cp)
    def k(t_hbm, idx_hbm, lin_hbm, *rest):
        if with_cnt:
            (agg_hbm, cnt_hbm, idx_v, lin_v, rows_v, gsem, ssem,
             agg_sh, cnt_tile) = rest
        else:
            agg_hbm, idx_v, lin_v, rows_v, gsem, ssem, agg_sh = rest
        sem = gsem
        cid = lax.axis_index("c")
        sid = lax.axis_index("s")
        wid = cid * NS + sid
        base = sid * rows_per_sub
        idx_base = wid * 2 * n_chunks

        pltpu.sync_copy(lin_hbm.at[sid], lin_v)

        @pl.loop(0, CHUNK)
        def _(i):
            @pl.loop(0, d, step=16)
            def _(j):
                rows_v[0, i, pl.ds(j, 16)] = jnp.zeros((16,), jnp.float32)

        if with_cnt:
            @pl.loop(0, n_pad, step=16)
            def _(i):
                cnt_tile[pl.ds(i, 16)] = jnp.zeros((16,), jnp.float32)

        for r in range(n_lin):
            pltpu.sync_copy(rows_v.at[0], agg_sh.at[lin_v.at[r]])

        plsc.subcore_barrier()

        @pl.loop(0, n_groups)
        def _(g):
            pltpu.sync_copy(
                idx_hbm.at[pl.ds(idx_base + g * 2 * KGROUP, 2 * KGROUP)],
                idx_v)
            gh = [pltpu.async_copy(t_hbm.at[idx_v.at[2 * kk]],
                                   rows_v.at[kk], gsem)
                  for kk in range(KGROUP)]
            for h in gh:
                h.wait()
            sh = [pltpu.async_copy(rows_v.at[kk],
                                   agg_sh.at[idx_v.at[2 * kk + 1]], ssem,
                                   add=True)
                  for kk in range(KGROUP)]
            if with_cnt:
                for kk in range(KGROUP):
                    for l in range(CHUNK // 16):
                        dst16 = idx_v[2 * kk + 1, pl.ds(l * 16, 16)]
                        plsc.addupdate_scatter(
                            cnt_tile, [dst16],
                            jnp.ones((16,), jnp.float32))
            for h in sh:
                h.wait()

        plsc.subcore_barrier()

        for r in range(n_lin):
            pltpu.async_copy(agg_sh.at[lin_v.at[r]], rows_v.at[0],
                             sem).wait()
            pltpu.sync_copy(
                rows_v.at[0],
                agg_hbm.at[pl.ds(cid * n_pad + base + r * CHUNK, CHUNK)])
        if with_cnt:
            pltpu.sync_copy(cnt_tile, cnt_hbm.at[wid])

    lin = jnp.arange(n_pad, dtype=jnp.int32).reshape(NS, n_lin, CHUNK)
    res = k(t, idx3, lin)
    if with_cnt:
        agg, cnt = res
        return agg.reshape(NC, n_pad, d), cnt
    if isinstance(res, (list, tuple)):
        res = res[0]
    return res.reshape(NC, n_pad, d)


def _tc_pre(x, w_l, w_r):
    n, d_in = x.shape
    d_out = w_l.shape[1]
    grid = n // ROW_BLOCK

    def body(x_ref, wl_ref, wr_ref, t_ref, r_ref):
        xb = x_ref[...]
        t_ref[...] = jnp.dot(xb, wl_ref[...],
                             preferred_element_type=jnp.float32)
        r_ref[...] = jnp.dot(xb, wr_ref[...],
                             preferred_element_type=jnp.float32)

    return pl.pallas_call(
        body,
        grid=(grid,),
        in_specs=[
            pl.BlockSpec((ROW_BLOCK, d_in), lambda i: (i, 0)),
            pl.BlockSpec((d_in, d_out), lambda i: (0, 0)),
            pl.BlockSpec((d_in, d_out), lambda i: (0, 0)),
        ],
        out_specs=[
            pl.BlockSpec((ROW_BLOCK, d_out), lambda i: (i, 0)),
            pl.BlockSpec((ROW_BLOCK, d_out), lambda i: (i, 0)),
        ],
        out_shape=[
            jax.ShapeDtypeStruct((n, d_out), jnp.float32),
            jax.ShapeDtypeStruct((n, d_out), jnp.float32),
        ],
    )(x, w_l, w_r)


def _tc_mid(agg, cnt, r1, b1, w_r2):
    n, d_h = r1.shape
    d2 = w_r2.shape[1]
    grid = n // ROW_BLOCK

    def body(agg_ref, cnt_ref, r1_ref, b1_ref, wr_ref, h_ref, r2_ref):
        s = jnp.sum(agg_ref[...], axis=0)
        c = jnp.sum(cnt_ref[...], axis=1)[:, None]
        mean = s / jnp.maximum(c, 1.0)
        h = jnp.maximum(mean + b1_ref[...] + r1_ref[...], 0.0)
        h_ref[...] = h
        r2_ref[...] = jnp.dot(h, wr_ref[...],
                              preferred_element_type=jnp.float32)

    return pl.pallas_call(
        body,
        grid=(grid,),
        in_specs=[
            pl.BlockSpec((NC, ROW_BLOCK, d_h), lambda i: (0, i, 0)),
            pl.BlockSpec((ROW_BLOCK, NW), lambda i: (i, 0)),
            pl.BlockSpec((ROW_BLOCK, d_h), lambda i: (i, 0)),
            pl.BlockSpec((1, d_h), lambda i: (0, 0)),
            pl.BlockSpec((d_h, d2), lambda i: (0, 0)),
        ],
        out_specs=[
            pl.BlockSpec((ROW_BLOCK, d_h), lambda i: (i, 0)),
            pl.BlockSpec((ROW_BLOCK, d2), lambda i: (i, 0)),
        ],
        out_shape=[
            jax.ShapeDtypeStruct((n, d_h), jnp.float32),
            jax.ShapeDtypeStruct((n, d2), jnp.float32),
        ],
    )(agg, cnt, r1, b1, w_r2)


def _tc_post(agg, cnt, r2, b2, w_l2):
    n, d2 = r2.shape
    d_h = w_l2.shape[0]
    grid = n // ROW_BLOCK

    def body(agg_ref, cnt_ref, r2_ref, b2_ref, wl_ref, o_ref):
        s = jnp.sum(agg_ref[...], axis=0)
        c = jnp.sum(cnt_ref[...], axis=1)[:, None]
        mean = s / jnp.maximum(c, 1.0)
        m2 = jnp.dot(mean, wl_ref[...], preferred_element_type=jnp.float32)
        o_ref[...] = jnp.maximum(m2 + b2_ref[...] + r2_ref[...], 0.0)

    return pl.pallas_call(
        body,
        grid=(grid,),
        in_specs=[
            pl.BlockSpec((NC, ROW_BLOCK, d_h), lambda i: (0, i, 0)),
            pl.BlockSpec((ROW_BLOCK, NW), lambda i: (i, 0)),
            pl.BlockSpec((ROW_BLOCK, d2), lambda i: (i, 0)),
            pl.BlockSpec((1, d2), lambda i: (0, 0)),
            pl.BlockSpec((d_h, d2), lambda i: (0, 0)),
        ],
        out_specs=pl.BlockSpec((ROW_BLOCK, d2), lambda i: (i, 0)),
        out_shape=jax.ShapeDtypeStruct((n, d2), jnp.float32),
    )(agg, cnt, r2, b2, w_l2)


def kernel(x, edge_index, W_l1, b_l1, W_r1, W_l2, b_l2, W_r2):
    n = x.shape[0]
    e = edge_index.shape[1]
    n_pad = ((n + NS * CHUNK) // (NS * CHUNK)) * (NS * CHUNK)
    grain = NW * CHUNK * KGROUP
    n_chunks = (-(-e // grain)) * KGROUP
    e_pad = NW * n_chunks * CHUNK

    src = edge_index[0]
    dst = edge_index[1]
    if e_pad > e:
        pad = e_pad - e
        src = jnp.concatenate([src, jnp.zeros((pad,), jnp.int32)])
        dst = jnp.concatenate(
            [dst, n + (jnp.arange(pad, dtype=jnp.int32) % (n_pad - n))])
    idx3 = jnp.stack([src.reshape(NW, n_chunks, CHUNK),
                      dst.reshape(NW, n_chunks, CHUNK)], axis=2)
    idx3 = idx3.reshape(NW * 2 * n_chunks, CHUNK)

    b1 = b_l1.reshape(1, -1)
    b2 = b_l2.reshape(1, -1)

    t1, r1 = _tc_pre(x, W_l1, W_r1)
    agg1, cnt = _sc_segment_sum(t1, idx3, n_pad, with_cnt=True)
    cnt = cnt.T
    h1, r2 = _tc_mid(agg1, cnt, r1, b1, W_r2)

    agg2 = _sc_segment_sum(h1, idx3, n_pad, with_cnt=False)
    return _tc_post(agg2, cnt, r2, b2, W_l2)

# --- scband reference (transcript-rebuilt; emitter-appended) ---
"""Pipeline reference for scband-graph-sage-31954556682875 (READ-ONLY COPY).

The authoritative reference and input builder live on the scoring server;
editing this copy changes nothing except your own understanding.
"""

import jax, jax.numpy as jnp
import numpy as np

N = 10000
E = 320000
D_IN = 128
D_H = 128
D_OUT = 64


def setup_inputs(seed: int = 0) -> dict:
    key = jax.random.key(seed)
    ks = jax.random.split(key, 9)
    x = jax.random.normal(ks[0], (N, D_IN), dtype=jnp.float32)
    edge_index = jax.random.randint(ks[1], (2, E), 0, N, dtype=jnp.int32)
    s1 = 1.0 / np.sqrt(D_IN)
    s2 = 1.0 / np.sqrt(D_H)
    W_l1 = jax.random.uniform(ks[2], (D_IN, D_H), jnp.float32, -s1, s1)
    b_l1 = jax.random.uniform(ks[3], (D_H,), jnp.float32, -s1, s1)
    W_r1 = jax.random.uniform(ks[4], (D_IN, D_H), jnp.float32, -s1, s1)
    W_l2 = jax.random.uniform(ks[5], (D_H, D_OUT), jnp.float32, -s2, s2)
    b_l2 = jax.random.uniform(ks[6], (D_OUT,), jnp.float32, -s2, s2)
    W_r2 = jax.random.uniform(ks[7], (D_H, D_OUT), jnp.float32, -s2, s2)
    return {"x": x, "edge_index": edge_index, "W_l1": W_l1, "b_l1": b_l1,
            "W_r1": W_r1, "W_l2": W_l2, "b_l2": b_l2, "W_r2": W_r2}


def _sage_conv(h, edge_index, W_l, b_l, W_r):
    # PyG SAGEConv (mean aggr): out = lin_l(mean_{j in N(i)} x_j) + lin_r(x_i)
    src = edge_index[0]
    dst = edge_index[1]
    msg = jnp.take(h, src, axis=0)                      # gather over sources
    agg = jax.ops.segment_sum(msg, dst, num_segments=N) # scatter-add at dst
    cnt = jax.ops.segment_sum(jnp.ones((E,), h.dtype), dst, num_segments=N)
    mean = agg / jnp.clip(cnt, 1.0)[:, None]
    return mean @ W_l + b_l + h @ W_r


def reference(x, edge_index, W_l1, b_l1, W_r1, W_l2, b_l2, W_r2):
    h = jax.nn.relu(_sage_conv(x, edge_index, W_l1, b_l1, W_r1))
    h = jax.nn.relu(_sage_conv(h, edge_index, W_l2, b_l2, W_r2))
    return h

if __name__ == "__main__":
    import jax
    _d = setup_inputs()
    print(jax.jit(kernel)(*tuple(_d.values())))

</pallas_src>

<mosaic_0001>
#map = affine_map<(d0, d1) -> (0, 0)>
#map1 = affine_map<(d0, d1) -> (0, 0, 0)>
module attributes {stable_mosaic.version = 14 : i64} {
  func.func @k(%arg0: i32, %arg1: i32, %arg2: memref<10000x128xf32, #tpu.memory_space<hbm>>, %arg3: memref<10240x64xi32, #tpu.memory_space<hbm>>, %arg4: memref<16x10x64xi32, #tpu.memory_space<hbm>>, %arg5: memref<20480x128xf32, #tpu.memory_space<hbm>>, %arg6: memref<8x64xi32, #tpu.memory_space<vmem>>, %arg7: memref<10x64xi32, #tpu.memory_space<vmem>>, %arg8: memref<4x64x128xf32, #tpu.memory_space<vmem>>, %arg9: memref<!tpu.dma_semaphore, #tpu.memory_space<semaphore_mem>>, %arg10: memref<!tpu.dma_semaphore, #tpu.memory_space<semaphore_mem>>, %arg11: memref<10240x128xf32, #tpu.memory_space<vmem_shared>>) attributes {dimension_semantics = [#tpu.dimension_semantics<core_parallel>, #tpu.dimension_semantics<subcore_parallel>], iteration_bounds = array<i64: 2, 16>, scalar_prefetch = 0 : i64, scratch_operands = 6 : i64, tpu.core_type = #tpu.core_type<sc_vector_subcore>, window_params = [{transform_indices = #map}, {transform_indices = #map}, {transform_indices = #map1}, {transform_indices = #map}]} {
    %mul3A = arith.constant 16 : i32
    %mul3A_0 = arith.muli %arg0, %mul3A : i32
    %add3A = arith.addi %mul3A_0, %arg1 : i32
    %mul3A_1 = arith.constant 640 : i32
    %mul3A_2 = arith.muli %arg1, %mul3A_1 : i32
    %mul3A_3 = arith.constant 2 : i32
    %mul3A_4 = arith.muli %add3A, %mul3A_3 : i32
    %mul3A_5 = arith.constant 160 : i32
    %mul3A_6 = arith.muli %mul3A_4, %mul3A_5 : i32
    "tpu.region"() ({
      %run_scoped3A_334 = tpu.sem_alloc : memref<!tpu.dma_semaphore, #tpu.memory_space<semaphore_mem>>
      %dma_start3A_335 = arith.constant 0 : i32
      %dma_start3A_336 = arith.constant 0 : i32
      %dma_start3A_337 = tpu.memref_slice %arg4[%arg1, %dma_start3A_335, %dma_start3A_336] : memref<16x10x64xi32, #tpu.memory_space<hbm>> -> memref<1x10x64xi32, #tpu.memory_space<hbm>>
      %dma_start3A_338 = tpu.memref_squeeze %dma_start3A_337 : memref<1x10x64xi32, #tpu.memory_space<hbm>> -> memref<10x64xi32, #tpu.memory_space<hbm>>
      %dma_start3A_339 = arith.constant 0 : i32
      %dma_start3A_340 = arith.constant 0 : i32
      %dma_start3A_341 = tpu.memref_slice %arg4[%arg1, %dma_start3A_339, %dma_start3A_340] : memref<16x10x64xi32, #tpu.memory_space<hbm>> -> memref<1x10x64xi32, #tpu.memory_space<hbm>>
      %dma_start3A_342 = tpu.memref_squeeze %dma_start3A_341 : memref<1x10x64xi32, #tpu.memory_space<hbm>> -> memref<10x64xi32, #tpu.memory_space<hbm>>
      tpu.enqueue_dma source(%dma_start3A_342 : memref<10x64xi32, #tpu.memory_space<hbm>>) target(%arg7 : memref<10x64xi32, #tpu.memory_space<vmem>>) target_semaphore(%run_scoped3A_334 : memref<!tpu.dma_semaphore, #tpu.memory_space<semaphore_mem>>)
      %dma_wait3A_343 = arith.constant 0 : i32
      %dma_wait3A_344 = arith.constant 0 : i32
      %dma_wait3A_345 = tpu.memref_slice %arg4[%arg1, %dma_wait3A_343, %dma_wait3A_344] : memref<16x10x64xi32, #tpu.memory_space<hbm>> -> memref<1x10x64xi32, #tpu.memory_space<hbm>>
      %dma_wait3A_346 = tpu.memref_squeeze %dma_wait3A_345 : memref<1x10x64xi32, #tpu.memory_space<hbm>> -> memref<10x64xi32, #tpu.memory_space<hbm>>
      %dma_wait3A_347 = arith.constant 0 : i32
      %dma_wait3A_348 = arith.constant 0 : i32
      %dma_wait3A_349 = tpu.memref_slice %arg4[%arg1, %dma_wait3A_347, %dma_wait3A_348] : memref<16x10x64xi32, #tpu.memory_space<hbm>> -> memref<1x10x64xi32, #tpu.memory_space<hbm>>
      %dma_wait3A_350 = tpu.memref_squeeze %dma_wait3A_349 : memref<1x10x64xi32, #tpu.memory_space<hbm>> -> memref<10x64xi32, #tpu.memory_space<hbm>>
      tpu.wait_dma2 semaphore(%run_scoped3A_334 : memref<!tpu.dma_semaphore, #tpu.memory_space<semaphore_mem>>) src(%dma_wait3A_350 : memref<10x64xi32, #tpu.memory_space<hbm>>) dst(%arg7 : memref<10x64xi32, #tpu.memory_space<vmem>>)
      tpu.yield
    }) : () -> ()
    %scan3A = arith.constant 0 : i32
    %scan3A_7 = arith.constant 64 : i32
    %scan3A_8 = arith.addi %scan3A, %scan3A_7 : i32
    %scan3A_9 = arith.constant 1 : i32
    scf.for %scan3A_334 = %scan3A to %scan3A_8 step %scan3A_9  : i32 {
      %mul3A_335 = arith.constant 1 : i32
      %mul3A_336 = arith.muli %scan3A_334, %mul3A_335 : i32
      %add3A_337 = arith.constant 0 : i32
      %add3A_338 = arith.addi %add3A_337, %mul3A_336 : i32
      %scan3A_339 = arith.constant 0 : i32
      %scan3A_340 = arith.constant 8 : i32
      %scan3A_341 = arith.addi %scan3A_339, %scan3A_340 : i32
      %scan3A_342 = arith.constant 1 : i32
      scf.for %scan3A_344 = %scan3A_339 to %scan3A_341 step %scan3A_342  : i32 {
        %mul3A_345 = arith.constant 16 : i32
        %mul3A_346 = arith.muli %scan3A_344, %mul3A_345 : i32
        %add3A_347 = arith.constant 0 : i32
        %add3A_348 = arith.addi %add3A_347, %mul3A_346 : i32
        %broadcast_in_dim3A = arith.constant 0.000000e+00 : f32
        %broadcast_in_dim3A_349 = vector.broadcast %broadcast_in_dim3A : f32 to vector<16xf32>
        %swap3A = arith.constant 0 : i32
        %swap3A_350 = arith.index_cast %swap3A : i32 to index
        %swap3A_351 = arith.index_cast %add3A_338 : i32 to index
        %swap3A_352 = arith.index_cast %add3A_348 : i32 to index
        %swap3A_353 = tpu.vector_load %arg8[%swap3A_350, %swap3A_351, %swap3A_352] {strides = array<i32>} : memref<4x64x128xf32, #tpu.memory_space<vmem>>, vector<16xf32>,
        tpu.vector_store %arg8[%swap3A_350, %swap3A_351, %swap3A_352], %broadcast_in_dim3A_349 {strides = array<i32>} : memref<4x64x128xf32, #tpu.memory_space<vmem>>, vector<16xf32>,
      }
      %scan3A_343 = arith.constant 8 : i32
    }
    %scan3A_10 = arith.constant 64 : i32
    %run_scoped3A = arith.constant 0 : i32
    %run_scoped3A_11 = arith.constant 0 : i32
    "tpu.region"() ({
      %run_scoped3A_334 = tpu.sem_alloc : memref<!tpu.dma_semaphore, #tpu.memory_space<semaphore_mem>>
      %dma_start3A_335 = arith.constant 0 : i32
      %dma_start3A_336 = arith.constant 0 : i32
      %dma_start3A_337 = tpu.memref_slice %arg8[%run_scoped3A, %dma_start3A_335, %dma_start3A_336] : memref<4x64x128xf32, #tpu.memory_space<vmem>> -> memref<1x64x128xf32, #tpu.memory_space<vmem>>
      %dma_start3A_338 = tpu.memref_squeeze %dma_start3A_337 : memref<1x64x128xf32, #tpu.memory_space<vmem>> -> memref<64x128xf32, #tpu.memory_space<vmem>>
      %dma_start3A_339 = arith.constant 0 : i32
      %dma_start3A_340 = tpu.memref_slice %arg7[%run_scoped3A_11, %dma_start3A_339] : memref<10x64xi32, #tpu.memory_space<vmem>> -> memref<1x64xi32, #tpu.memory_space<vmem>>
      %dma_start3A_341 = tpu.memref_squeeze %dma_start3A_340 : memref<1x64xi32, #tpu.memory_space<vmem>> -> memref<64xi32, #tpu.memory_space<vmem>>
      %dma_start3A_342 = arith.constant 0 : i32
      %dma_start3A_343 = arith.constant 0 : i32
      %dma_start3A_344 = tpu.memref_slice %arg11[%dma_start3A_342, %dma_start3A_343] : memref<10240x128xf32, #tpu.memory_space<vmem_shared>> -> memref<10240x128xf32, #tpu.memory_space<vmem_shared>>
      tpu.enqueue_indirect_dma source(%dma_start3A_338 : memref<64x128xf32, #tpu.memory_space<vmem>>) target(%dma_start3A_344 : memref<10240x128xf32, #tpu.memory_space<vmem_shared>>) offsets(%dma_start3A_341 : memref<64xi32, #tpu.memory_space<vmem>>) semaphore(%run_scoped3A_334 : memref<!tpu.dma_semaphore, #tpu.memory_space<semaphore_mem>>)
      %dma_wait3A_345 = arith.constant 0 : i32
      %dma_wait3A_346 = arith.constant 0 : i32
      %dma_wait3A_347 = tpu.memref_slice %arg8[%run_scoped3A, %dma_wait3A_345, %dma_wait3A_346] : memref<4x64x128xf32, #tpu.memory_space<vmem>> -> memref<1x64x128xf32, #tpu.memory_space<vmem>>
      %dma_wait3A_348 = tpu.memref_squeeze %dma_wait3A_347 : memref<1x64x128xf32, #tpu.memory_space<vmem>> -> memref<64x128xf32, #tpu.memory_space<vmem>>
      %dma_wait3A_349 = arith.constant 0 : i32
      %dma_wait3A_350 = tpu.memref_slice %arg7[%run_scoped3A_11, %dma_wait3A_349] : memref<10x64xi32, #tpu.memory_space<vmem>> -> memref<1x64xi32, #tpu.memory_space<vmem>>
      %dma_wait3A_351 = tpu.memref_squeeze %dma_wait3A_350 : memref<1x64xi32, #tpu.memory_space<vmem>> -> memref<64xi32, #tpu.memory_space<vmem>>
      %dma_wait3A_352 = arith.constant 0 : i32
      %dma_wait3A_353 = arith.constant 0 : i32
      %dma_wait3A_354 = tpu.memref_slice %arg11[%dma_wait3A_352, %dma_wait3A_353] : memref<10240x128xf32, #tpu.memory_space<vmem_shared>> -> memref<10240x128xf32, #tpu.memory_space<vmem_shared>>
      tpu.wait_indirect_dma semaphore(%run_scoped3A_334 : memref<!tpu.dma_semaphore, #tpu.memory_space<semaphore_mem>>) src(%dma_wait3A_348 : memref<64x128xf32, #tpu.memory_space<vmem>>) dst(%dma_wait3A_354 : memref<10240x128xf32, #tpu.memory_space<vmem_shared>>)
      tpu.yield
    }) : () -> ()
    %run_scoped3A_12 = arith.constant 0 : i32
    %run_scoped3A_13 = arith.constant 1 : i32
    "tpu.region"() ({
      %run_scoped3A_334 = tpu.sem_alloc : memref<!tpu.dma_semaphore, #tpu.memory_space<semaphore_mem>>
      %dma_start3A_335 = arith.constant 0 : i32
      %dma_start3A_336 = arith.constant 0 : i32
      %dma_start3A_337 = tpu.memref_slice %arg8[%run_scoped3A_12, %dma_start3A_335, %dma_start3A_336] : memref<4x64x128xf32, #tpu.memory_space<vmem>> -> memref<1x64x128xf32, #tpu.memory_space<vmem>>
      %dma_start3A_338 = tpu.memref_squeeze %dma_start3A_337 : memref<1x64x128xf32, #tpu.memory_space<vmem>> -> memref<64x128xf32, #tpu.memory_space<vmem>>
      %dma_start3A_339 = arith.constant 0 : i32
      %dma_start3A_340 = tpu.memref_slice %arg7[%run_scoped3A_13, %dma_start3A_339] : memref<10x64xi32, #tpu.memory_space<vmem>> -> memref<1x64xi32, #tpu.memory_space<vmem>>
      %dma_start3A_341 = tpu.memref_squeeze %dma_start3A_340 : memref<1x64xi32, #tpu.memory_space<vmem>> -> memref<64xi32, #tpu.memory_space<vmem>>
      %dma_start3A_342 = arith.constant 0 : i32
      %dma_start3A_343 = arith.constant 0 : i32
      %dma_start3A_344 = tpu.memref_slice %arg11[%dma_start3A_342, %dma_start3A_343] : memref<10240x128xf32, #tpu.memory_space<vmem_shared>> -> memref<10240x128xf32, #tpu.memory_space<vmem_shared>>
      tpu.enqueue_indirect_dma source(%dma_start3A_338 : memref<64x128xf32, #tpu.memory_space<vmem>>) target(%dma_start3A_344 : memref<10240x128xf32, #tpu.memory_space<vmem_shared>>) offsets(%dma_start3A_341 : memref<64xi32, #tpu.memory_space<vmem>>) semaphore(%run_scoped3A_334 : memref<!tpu.dma_semaphore, #tpu.memory_space<semaphore_mem>>)
      %dma_wait3A_345 = arith.constant 0 : i32
      %dma_wait3A_346 = arith.constant 0 : i32
      %dma_wait3A_347 = tpu.memref_slice %arg8[%run_scoped3A_12, %dma_wait3A_345, %dma_wait3A_346] : memref<4x64x128xf32, #tpu.memory_space<vmem>> -> memref<1x64x128xf32, #tpu.memory_space<vmem>>
      %dma_wait3A_348 = tpu.memref_squeeze %dma_wait3A_347 : memref<1x64x128xf32, #tpu.memory_space<vmem>> -> memref<64x128xf32, #tpu.memory_space<vmem>>
      %dma_wait3A_349 = arith.constant 0 : i32
      %dma_wait3A_350 = tpu.memref_slice %arg7[%run_scoped3A_13, %dma_wait3A_349] : memref<10x64xi32, #tpu.memory_space<vmem>> -> memref<1x64xi32, #tpu.memory_space<vmem>>
      %dma_wait3A_351 = tpu.memref_squeeze %dma_wait3A_350 : memref<1x64xi32, #tpu.memory_space<vmem>> -> memref<64xi32, #tpu.memory_space<vmem>>
      %dma_wait3A_352 = arith.constant 0 : i32
      %dma_wait3A_353 = arith.constant 0 : i32
      %dma_wait3A_354 = tpu.memref_slice %arg11[%dma_wait3A_352, %dma_wait3A_353] : memref<10240x128xf32, #tpu.memory_space<vmem_shared>> -> memref<10240x128xf32, #tpu.memory_space<vmem_shared>>
      tpu.wait_indirect_dma semaphore(%run_scoped3A_334 : memref<!tpu.dma_semaphore, #tpu.memory_space<semaphore_mem>>) src(%dma_wait3A_348 : memref<64x128xf32, #tpu.memory_space<vmem>>) dst(%dma_wait3A_354 : memref<10240x128xf32, #tpu.memory_space<vmem_shared>>)
      tpu.yield
    }) : () -> ()
    %run_scoped3A_14 = arith.constant 0 : i32
    %run_scoped3A_15 = arith.constant 2 : i32
    "tpu.region"() ({
      %run_scoped3A_334 = tpu.sem_alloc : memref<!tpu.dma_semaphore, #tpu.memory_space<semaphore_mem>>
      %dma_start3A_335 = arith.constant 0 : i32
      %dma_start3A_336 = arith.constant 0 : i32
      %dma_start3A_337 = tpu.memref_slice %arg8[%run_scoped3A_14, %dma_start3A_335, %dma_start3A_336] : memref<4x64x128xf32, #tpu.memory_space<vmem>> -> memref<1x64x128xf32, #tpu.memory_space<vmem>>
      %dma_start3A_338 = tpu.memref_squeeze %dma_start3A_337 : memref<1x64x128xf32, #tpu.memory_space<vmem>> -> memref<64x128xf32, #tpu.memory_space<vmem>>
      %dma_start3A_339 = arith.constant 0 : i32
      %dma_start3A_340 = tpu.memref_slice %arg7[%run_scoped3A_15, %dma_start3A_339] : memref<10x64xi32, #tpu.memory_space<vmem>> -> memref<1x64xi32, #tpu.memory_space<vmem>>
      %dma_start3A_341 = tpu.memref_squeeze %dma_start3A_340 : memref<1x64xi32, #tpu.memory_space<vmem>> -> memref<64xi32, #tpu.memory_space<vmem>>
      %dma_start3A_342 = arith.constant 0 : i32
      %dma_start3A_343 = arith.constant 0 : i32
      %dma_start3A_344 = tpu.memref_slice %arg11[%dma_start3A_342, %dma_start3A_343] : memref<10240x128xf32, #tpu.memory_space<vmem_shared>> -> memref<10240x128xf32, #tpu.memory_space<vmem_shared>>
      tpu.enqueue_indirect_dma source(%dma_start3A_338 : memref<64x128xf32, #tpu.memory_space<vmem>>) target(%dma_start3A_344 : memref<10240x128xf32, #tpu.memory_space<vmem_shared>>) offsets(%dma_start3A_341 : memref<64xi32, #tpu.memory_space<vmem>>) semaphore(%run_scoped3A_334 : memref<!tpu.dma_semaphore, #tpu.memory_space<semaphore_mem>>)
      %dma_wait3A_345 = arith.constant 0 : i32
      %dma_wait3A_346 = arith.constant 0 : i32
      %dma_wait3A_347 = tpu.memref_slice %arg8[%run_scoped3A_14, %dma_wait3A_345, %dma_wait3A_346] : memref<4x64x128xf32, #tpu.memory_space<vmem>> -> memref<1x64x128xf32, #tpu.memory_space<vmem>>
      %dma_wait3A_348 = tpu.memref_squeeze %dma_wait3A_347 : memref<1x64x128xf32, #tpu.memory_space<vmem>> -> memref<64x128xf32, #tpu.memory_space<vmem>>
      %dma_wait3A_349 = arith.constant 0 : i32
      %dma_wait3A_350 = tpu.memref_slice %arg7[%run_scoped3A_15, %dma_wait3A_349] : memref<10x64xi32, #tpu.memory_space<vmem>> -> memref<1x64xi32, #tpu.memory_space<vmem>>
      %dma_wait3A_351 = tpu.memref_squeeze %dma_wait3A_350 : memref<1x64xi32, #tpu.memory_space<vmem>> -> memref<64xi32, #tpu.memory_space<vmem>>
      %dma_wait3A_352 = arith.constant 0 : i32
      %dma_wait3A_353 = arith.constant 0 : i32
      %dma_wait3A_354 = tpu.memref_slice %arg11[%dma_wait3A_352, %dma_wait3A_353] : memref<10240x128xf32, #tpu.memory_space<vmem_shared>> -> memref<10240x128xf32, #tpu.memory_space<vmem_shared>>
      tpu.wait_indirect_dma semaphore(%run_scoped3A_334 : memref<!tpu.dma_semaphore, #tpu.memory_space<semaphore_mem>>) src(%dma_wait3A_348 : memref<64x128xf32, #tpu.memory_space<vmem>>) dst(%dma_wait3A_354 : memref<10240x128xf32, #tpu.memory_space<vmem_shared>>)
      tpu.yield
    }) : () -> ()
    %run_scoped3A_16 = arith.constant 0 : i32
    %run_scoped3A_17 = arith.constant 3 : i32
    "tpu.region"() ({
      %run_scoped3A_334 = tpu.sem_alloc : memref<!tpu.dma_semaphore, #tpu.memory_space<semaphore_mem>>
      %dma_start3A_335 = arith.constant 0 : i32
      %dma_start3A_336 = arith.constant 0 : i32
      %dma_start3A_337 = tpu.memref_slice %arg8[%run_scoped3A_16, %dma_start3A_335, %dma_start3A_336] : memref<4x64x128xf32, #tpu.memory_space<vmem>> -> memref<1x64x128xf32, #tpu.memory_space<vmem>>
      %dma_start3A_338 = tpu.memref_squeeze %dma_start3A_337 : memref<1x64x128xf32, #tpu.memory_space<vmem>> -> memref<64x128xf32, #tpu.memory_space<vmem>>
      %dma_start3A_339 = arith.constant 0 : i32
      %dma_start3A_340 = tpu.memref_slice %arg7[%run_scoped3A_17, %dma_start3A_339] : memref<10x64xi32, #tpu.memory_space<vmem>> -> memref<1x64xi32, #tpu.memory_space<vmem>>
      %dma_start3A_341 = tpu.memref_squeeze %dma_start3A_340 : memref<1x64xi32, #tpu.memory_space<vmem>> -> memref<64xi32, #tpu.memory_space<vmem>>
      %dma_start3A_342 = arith.constant 0 : i32
      %dma_start3A_343 = arith.constant 0 : i32
      %dma_start3A_344 = tpu.memref_slice %arg11[%dma_start3A_342, %dma_start3A_343] : memref<10240x128xf32, #tpu.memory_space<vmem_shared>> -> memref<10240x128xf32, #tpu.memory_space<vmem_shared>>
      tpu.enqueue_indirect_dma source(%dma_start3A_338 : memref<64x128xf32, #tpu.memory_space<vmem>>) target(%dma_start3A_344 : memref<10240x128xf32, #tpu.memory_space<vmem_shared>>) offsets(%dma_start3A_341 : memref<64xi32, #tpu.memory_space<vmem>>) semaphore(%run_scoped3A_334 : memref<!tpu.dma_semaphore, #tpu.memory_space<semaphore_mem>>)
      %dma_wait3A_345 = arith.constant 0 : i32
      %dma_wait3A_346 = arith.constant 0 : i32
      %dma_wait3A_347 = tpu.memref_slice %arg8[%run_scoped3A_16, %dma_wait3A_345, %dma_wait3A_346] : memref<4x64x128xf32, #tpu.memory_space<vmem>> -> memref<1x64x128xf32, #tpu.memory_space<vmem>>
      %dma_wait3A_348 = tpu.memref_squeeze %dma_wait3A_347 : memref<1x64x128xf32, #tpu.memory_space<vmem>> -> memref<64x128xf32, #tpu.memory_space<vmem>>
      %dma_wait3A_349 = arith.constant 0 : i32
      %dma_wait3A_350 = tpu.memref_slice %arg7[%run_scoped3A_17, %dma_wait3A_349] : memref<10x64xi32, #tpu.memory_space<vmem>> -> memref<1x64xi32, #tpu.memory_space<vmem>>
      %dma_wait3A_351 = tpu.memref_squeeze %dma_wait3A_350 : memref<1x64xi32, #tpu.memory_space<vmem>> -> memref<64xi32, #tpu.memory_space<vmem>>
      %dma_wait3A_352 = arith.constant 0 : i32
      %dma_wait3A_353 = arith.constant 0 : i32
      %dma_wait3A_354 = tpu.memref_slice %arg11[%dma_wait3A_352, %dma_wait3A_353] : memref<10240x128xf32, #tpu.memory_space<vmem_shared>> -> memref<10240x128xf32, #tpu.memory_space<vmem_shared>>
      tpu.wait_indirect_dma semaphore(%run_scoped3A_334 : memref<!tpu.dma_semaphore, #tpu.memory_space<semaphore_mem>>) src(%dma_wait3A_348 : memref<64x128xf32, #tpu.memory_space<vmem>>) dst(%dma_wait3A_354 : memref<10240x128xf32, #tpu.memory_space<vmem_shared>>)
      tpu.yield
    }) : () -> ()
    %run_scoped3A_18 = arith.constant 0 : i32
    %run_scoped3A_19 = arith.constant 4 : i32
    "tpu.region"() ({
      %run_scoped3A_334 = tpu.sem_alloc : memref<!tpu.dma_semaphore, #tpu.memory_space<semaphore_mem>>
      %dma_start3A_335 = arith.constant 0 : i32
      %dma_start3A_336 = arith.constant 0 : i32
      %dma_start3A_337 = tpu.memref_slice %arg8[%run_scoped3A_18, %dma_start3A_335, %dma_start3A_336] : memref<4x64x128xf32, #tpu.memory_space<vmem>> -> memref<1x64x128xf32, #tpu.memory_space<vmem>>
      %dma_start3A_338 = tpu.memref_squeeze %dma_start3A_337 : memref<1x64x128xf32, #tpu.memory_space<vmem>> -> memref<64x128xf32, #tpu.memory_space<vmem>>
      %dma_start3A_339 = arith.constant 0 : i32
      %dma_start3A_340 = tpu.memref_slice %arg7[%run_scoped3A_19, %dma_start3A_339] : memref<10x64xi32, #tpu.memory_space<vmem>> -> memref<1x64xi32, #tpu.memory_space<vmem>>
      %dma_start3A_341 = tpu.memref_squeeze %dma_start3A_340 : memref<1x64xi32, #tpu.memory_space<vmem>> -> memref<64xi32, #tpu.memory_space<vmem>>
      %dma_start3A_342 = arith.constant 0 : i32
      %dma_start3A_343 = arith.constant 0 : i32
      %dma_start3A_344 = tpu.memref_slice %arg11[%dma_start3A_342, %dma_start3A_343] : memref<10240x128xf32, #tpu.memory_space<vmem_shared>> -> memref<10240x128xf32, #tpu.memory_space<vmem_shared>>
      tpu.enqueue_indirect_dma source(%dma_start3A_338 : memref<64x128xf32, #tpu.memory_space<vmem>>) target(%dma_start3A_344 : memref<10240x128xf32, #tpu.memory_space<vmem_shared>>) offsets(%dma_start3A_341 : memref<64xi32, #tpu.memory_space<vmem>>) semaphore(%run_scoped3A_334 : memref<!tpu.dma_semaphore, #tpu.memory_space<semaphore_mem>>)
      %dma_wait3A_345 = arith.constant 0 : i32
      %dma_wait3A_346 = arith.constant 0 : i32
      %dma_wait3A_347 = tpu.memref_slice %arg8[%run_scoped3A_18, %dma_wait3A_345, %dma_wait3A_346] : memref<4x64x128xf32, #tpu.memory_space<vmem>> -> memref<1x64x128xf32, #tpu.memory_space<vmem>>
      %dma_wait3A_348 = tpu.memref_squeeze %dma_wait3A_347 : memref<1x64x128xf32, #tpu.memory_space<vmem>> -> memref<64x128xf32, #tpu.memory_space<vmem>>
      %dma_wait3A_349 = arith.constant 0 : i32
      %dma_wait3A_350 = tpu.memref_slice %arg7[%run_scoped3A_19, %dma_wait3A_349] : memref<10x64xi32, #tpu.memory_space<vmem>> -> memref<1x64xi32, #tpu.memory_space<vmem>>
      %dma_wait3A_351 = tpu.memref_squeeze %dma_wait3A_350 : memref<1x64xi32, #tpu.memory_space<vmem>> -> memref<64xi32, #tpu.memory_space<vmem>>
      %dma_wait3A_352 = arith.constant 0 : i32
      %dma_wait3A_353 = arith.constant 0 : i32
      %dma_wait3A_354 = tpu.memref_slice %arg11[%dma_wait3A_352, %dma_wait3A_353] : memref<10240x128xf32, #tpu.memory_space<vmem_shared>> -> memref<10240x128xf32, #tpu.memory_space<vmem_shared>>
      tpu.wait_indirect_dma semaphore(%run_scoped3A_334 : memref<!tpu.dma_semaphore, #tpu.memory_space<semaphore_mem>>) src(%dma_wait3A_348 : memref<64x128xf32, #tpu.memory_space<vmem>>) dst(%dma_wait3A_354 : memref<10240x128xf32, #tpu.memory_space<vmem_shared>>)
      tpu.yield
    }) : () -> ()
    %run_scoped3A_20 = arith.constant 0 : i32
    %run_scoped3A_21 = arith.constant 5 : i32
    "tpu.region"() ({
      %run_scoped3A_334 = tpu.sem_alloc : memref<!tpu.dma_semaphore, #tpu.memory_space<semaphore_mem>>
      %dma_start3A_335 = arith.constant 0 : i32
      %dma_start3A_336 = arith.constant 0 : i32
      %dma_start3A_337 = tpu.memref_slice %arg8[%run_scoped3A_20, %dma_start3A_335, %dma_start3A_336] : memref<4x64x128xf32, #tpu.memory_space<vmem>> -> memref<1x64x128xf32, #tpu.memory_space<vmem>>
      %dma_start3A_338 = tpu.memref_squeeze %dma_start3A_337 : memref<1x64x128xf32, #tpu.memory_space<vmem>> -> memref<64x128xf32, #tpu.memory_space<vmem>>
      %dma_start3A_339 = arith.constant 0 : i32
      %dma_start3A_340 = tpu.memref_slice %arg7[%run_scoped3A_21, %dma_start3A_339] : memref<10x64xi32, #tpu.memory_space<vmem>> -> memref<1x64xi32, #tpu.memory_space<vmem>>
      %dma_start3A_341 = tpu.memref_squeeze %dma_start3A_340 : memref<1x64xi32, #tpu.memory_space<vmem>> -> memref<64xi32, #tpu.memory_space<vmem>>
      %dma_start3A_342 = arith.constant 0 : i32
      %dma_start3A_343 = arith.constant 0 : i32
      %dma_start3A_344 = tpu.memref_slice %arg11[%dma_start3A_342, %dma_start3A_343] : memref<10240x128xf32, #tpu.memory_space<vmem_shared>> -> memref<10240x128xf32, #tpu.memory_space<vmem_shared>>
      tpu.enqueue_indirect_dma source(%dma_start3A_338 : memref<64x128xf32, #tpu.memory_space<vmem>>) target(%dma_start3A_344 : memref<10240x128xf32, #tpu.memory_space<vmem_shared>>) offsets(%dma_start3A_341 : memref<64xi32, #tpu.memory_space<vmem>>) semaphore(%run_scoped3A_334 : memref<!tpu.dma_semaphore, #tpu.memory_space<semaphore_mem>>)
      %dma_wait3A_345 = arith.constant 0 : i32
      %dma_wait3A_346 = arith.constant 0 : i32
      %dma_wait3A_347 = tpu.memref_slice %arg8[%run_scoped3A_20, %dma_wait3A_345, %dma_wait3A_346] : memref<4x64x128xf32, #tpu.memory_space<vmem>> -> memref<1x64x128xf32, #tpu.memory_space<vmem>>
      %dma_wait3A_348 = tpu.memref_squeeze %dma_wait3A_347 : memref<1x64x128xf32, #tpu.memory_space<vmem>> -> memref<64x128xf32, #tpu.memory_space<vmem>>
      %dma_wait3A_349 = arith.constant 0 : i32
      %dma_wait3A_350 = tpu.memref_slice %arg7[%run_scoped3A_21, %dma_wait3A_349] : memref<10x64xi32, #tpu.memory_space<vmem>> -> memref<1x64xi32, #tpu.memory_space<vmem>>
      %dma_wait3A_351 = tpu.memref_squeeze %dma_wait3A_350 : memref<1x64xi32, #tpu.memory_space<vmem>> -> memref<64xi32, #tpu.memory_space<vmem>>
      %dma_wait3A_352 = arith.constant 0 : i32
      %dma_wait3A_353 = arith.constant 0 : i32
      %dma_wait3A_354 = tpu.memref_slice %arg11[%dma_wait3A_352, %dma_wait3A_353] : memref<10240x128xf32, #tpu.memory_space<vmem_shared>> -> memref<10240x128xf32, #tpu.memory_space<vmem_shared>>
      tpu.wait_indirect_dma semaphore(%run_scoped3A_334 : memref<!tpu.dma_semaphore, #tpu.memory_space<semaphore_mem>>) src(%dma_wait3A_348 : memref<64x128xf32, #tpu.memory_space<vmem>>) dst(%dma_wait3A_354 : memref<10240x128xf32, #tpu.memory_space<vmem_shared>>)
      tpu.yield
    }) : () -> ()
    %run_scoped3A_22 = arith.constant 0 : i32
    %run_scoped3A_23 = arith.constant 6 : i32
    "tpu.region"() ({
      %run_scoped3A_334 = tpu.sem_alloc : memref<!tpu.dma_semaphore, #tpu.memory_space<semaphore_mem>>
      %dma_start3A_335 = arith.constant 0 : i32
      %dma_start3A_336 = arith.constant 0 : i32
      %dma_start3A_337 = tpu.memref_slice %arg8[%run_scoped3A_22, %dma_start3A_335, %dma_start3A_336] : memref<4x64x128xf32, #tpu.memory_space<vmem>> -> memref<1x64x128xf32, #tpu.memory_space<vmem>>
      %dma_start3A_338 = tpu.memref_squeeze %dma_start3A_337 : memref<1x64x128xf32, #tpu.memory_space<vmem>> -> memref<64x128xf32, #tpu.memory_space<vmem>>
      %dma_start3A_339 = arith.constant 0 : i32
      %dma_start3A_340 = tpu.memref_slice %arg7[%run_scoped3A_23, %dma_start3A_339] : memref<10x64xi32, #tpu.memory_space<vmem>> -> memref<1x64xi32, #tpu.memory_space<vmem>>
      %dma_start3A_341 = tpu.memref_squeeze %dma_start3A_340 : memref<1x64xi32, #tpu.memory_space<vmem>> -> memref<64xi32, #tpu.memory_space<vmem>>
      %dma_start3A_342 = arith.constant 0 : i32
      %dma_start3A_343 = arith.constant 0 : i32
      %dma_start3A_344 = tpu.memref_slice %arg11[%dma_start3A_342, %dma_start3A_343] : memref<10240x128xf32, #tpu.memory_space<vmem_shared>> -> memref<10240x128xf32, #tpu.memory_space<vmem_shared>>
      tpu.enqueue_indirect_dma source(%dma_start3A_338 : memref<64x128xf32, #tpu.memory_space<vmem>>) target(%dma_start3A_344 : memref<10240x128xf32, #tpu.memory_space<vmem_shared>>) offsets(%dma_start3A_341 : memref<64xi32, #tpu.memory_space<vmem>>) semaphore(%run_scoped3A_334 : memref<!tpu.dma_semaphore, #tpu.memory_space<semaphore_mem>>)
      %dma_wait3A_345 = arith.constant 0 : i32
      %dma_wait3A_346 = arith.constant 0 : i32
      %dma_wait3A_347 = tpu.memref_slice %arg8[%run_scoped3A_22, %dma_wait3A_345, %dma_wait3A_346] : memref<4x64x128xf32, #tpu.memory_space<vmem>> -> memref<1x64x128xf32, #tpu.memory_space<vmem>>
      %dma_wait3A_348 = tpu.memref_squeeze %dma_wait3A_347 : memref<1x64x128xf32, #tpu.memory_space<vmem>> -> memref<64x128xf32, #tpu.memory_space<vmem>>
      %dma_wait3A_349 = arith.constant 0 : i32
      %dma_wait3A_350 = tpu.memref_slice %arg7[%run_scoped3A_23, %dma_wait3A_349] : memref<10x64xi32, #tpu.memory_space<vmem>> -> memref<1x64xi32, #tpu.memory_space<vmem>>
      %dma_wait3A_351 = tpu.memref_squeeze %dma_wait3A_350 : memref<1x64xi32, #tpu.memory_space<vmem>> -> memref<64xi32, #tpu.memory_space<vmem>>
      %dma_wait3A_352 = arith.constant 0 : i32
      %dma_wait3A_353 = arith.constant 0 : i32
      %dma_wait3A_354 = tpu.memref_slice %arg11[%dma_wait3A_352, %dma_wait3A_353] : memref<10240x128xf32, #tpu.memory_space<vmem_shared>> -> memref<10240x128xf32, #tpu.memory_space<vmem_shared>>
      tpu.wait_indirect_dma semaphore(%run_scoped3A_334 : memref<!tpu.dma_semaphore, #tpu.memory_space<semaphore_mem>>) src(%dma_wait3A_348 : memref<64x128xf32, #tpu.memory_space<vmem>>) dst(%dma_wait3A_354 : memref<10240x128xf32, #tpu.memory_space<vmem_shared>>)
      tpu.yield
    }) : () -> ()
    %run_scoped3A_24 = arith.constant 0 : i32
    %run_scoped3A_25 = arith.constant 7 : i32
    "tpu.region"() ({
      %run_scoped3A_334 = tpu.sem_alloc : memref<!tpu.dma_semaphore, #tpu.memory_space<semaphore_mem>>
      %dma_start3A_335 = arith.constant 0 : i32
      %dma_start3A_336 = arith.constant 0 : i32
      %dma_start3A_337 = tpu.memref_slice %arg8[%run_scoped3A_24, %dma_start3A_335, %dma_start3A_336] : memref<4x64x128xf32, #tpu.memory_space<vmem>> -> memref<1x64x128xf32, #tpu.memory_space<vmem>>
      %dma_start3A_338 = tpu.memref_squeeze %dma_start3A_337 : memref<1x64x128xf32, #tpu.memory_space<vmem>> -> memref<64x128xf32, #tpu.memory_space<vmem>>
      %dma_start3A_339 = arith.constant 0 : i32
      %dma_start3A_340 = tpu.memref_slice %arg7[%run_scoped3A_25, %dma_start3A_339] : memref<10x64xi32, #tpu.memory_space<vmem>> -> memref<1x64xi32, #tpu.memory_space<vmem>>
      %dma_start3A_341 = tpu.memref_squeeze %dma_start3A_340 : memref<1x64xi32, #tpu.memory_space<vmem>> -> memref<64xi32, #tpu.memory_space<vmem>>
      %dma_start3A_342 = arith.constant 0 : i32
      %dma_start3A_343 = arith.constant 0 : i32
      %dma_start3A_344 = tpu.memref_slice %arg11[%dma_start3A_342, %dma_start3A_343] : memref<10240x128xf32, #tpu.memory_space<vmem_shared>> -> memref<10240x128xf32, #tpu.memory_space<vmem_shared>>
      tpu.enqueue_indirect_dma source(%dma_start3A_338 : memref<64x128xf32, #tpu.memory_space<vmem>>) target(%dma_start3A_344 : memref<10240x128xf32, #tpu.memory_space<vmem_shared>>) offsets(%dma_start3A_341 : memref<64xi32, #tpu.memory_space<vmem>>) semaphore(%run_scoped3A_334 : memref<!tpu.dma_semaphore, #tpu.memory_space<semaphore_mem>>)
      %dma_wait3A_345 = arith.constant 0 : i32
      %dma_wait3A_346 = arith.constant 0 : i32
      %dma_wait3A_347 = tpu.memref_slice %arg8[%run_scoped3A_24, %dma_wait3A_345, %dma_wait3A_346] : memref<4x64x128xf32, #tpu.memory_space<vmem>> -> memref<1x64x128xf32, #tpu.memory_space<vmem>>
      %dma_wait3A_348 = tpu.memref_squeeze %dma_wait3A_347 : memref<1x64x128xf32, #tpu.memory_space<vmem>> -> memref<64x128xf32, #tpu.memory_space<vmem>>
      %dma_wait3A_349 = arith.constant 0 : i32
      %dma_wait3A_350 = tpu.memref_slice %arg7[%run_scoped3A_25, %dma_wait3A_349] : memref<10x64xi32, #tpu.memory_space<vmem>> -> memref<1x64xi32, #tpu.memory_space<vmem>>
      %dma_wait3A_351 = tpu.memref_squeeze %dma_wait3A_350 : memref<1x64xi32, #tpu.memory_space<vmem>> -> memref<64xi32, #tpu.memory_space<vmem>>
      %dma_wait3A_352 = arith.constant 0 : i32
      %dma_wait3A_353 = arith.constant 0 : i32
      %dma_wait3A_354 = tpu.memref_slice %arg11[%dma_wait3A_352, %dma_wait3A_353] : memref<10240x128xf32, #tpu.memory_space<vmem_shared>> -> memref<10240x128xf32, #tpu.memory_space<vmem_shared>>
      tpu.wait_indirect_dma semaphore(%run_scoped3A_334 : memref<!tpu.dma_semaphore, #tpu.memory_space<semaphore_mem>>) src(%dma_wait3A_348 : memref<64x128xf32, #tpu.memory_space<vmem>>) dst(%dma_wait3A_354 : memref<10240x128xf32, #tpu.memory_space<vmem_shared>>)
      tpu.yield
    }) : () -> ()
    %run_scoped3A_26 = arith.constant 0 : i32
    %run_scoped3A_27 = arith.constant 8 : i32
    "tpu.region"() ({
      %run_scoped3A_334 = tpu.sem_alloc : memref<!tpu.dma_semaphore, #tpu.memory_space<semaphore_mem>>
      %dma_start3A_335 = arith.constant 0 : i32
      %dma_start3A_336 = arith.constant 0 : i32
      %dma_start3A_337 = tpu.memref_slice %arg8[%run_scoped3A_26, %dma_start3A_335, %dma_start3A_336] : memref<4x64x128xf32, #tpu.memory_space<vmem>> -> memref<1x64x128xf32, #tpu.memory_space<vmem>>
      %dma_start3A_338 = tpu.memref_squeeze %dma_start3A_337 : memref<1x64x128xf32, #tpu.memory_space<vmem>> -> memref<64x128xf32, #tpu.memory_space<vmem>>
      %dma_start3A_339 = arith.constant 0 : i32
      %dma_start3A_340 = tpu.memref_slice %arg7[%run_scoped3A_27, %dma_start3A_339] : memref<10x64xi32, #tpu.memory_space<vmem>> -> memref<1x64xi32, #tpu.memory_space<vmem>>
      %dma_start3A_341 = tpu.memref_squeeze %dma_start3A_340 : memref<1x64xi32, #tpu.memory_space<vmem>> -> memref<64xi32, #tpu.memory_space<vmem>>
      %dma_start3A_342 = arith.constant 0 : i32
      %dma_start3A_343 = arith.constant 0 : i32
      %dma_start3A_344 = tpu.memref_slice %arg11[%dma_start3A_342, %dma_start3A_343] : memref<10240x128xf32, #tpu.memory_space<vmem_shared>> -> memref<10240x128xf32, #tpu.memory_space<vmem_shared>>
      tpu.enqueue_indirect_dma source(%dma_start3A_338 : memref<64x128xf32, #tpu.memory_space<vmem>>) target(%dma_start3A_344 : memref<10240x128xf32, #tpu.memory_space<vmem_shared>>) offsets(%dma_start3A_341 : memref<64xi32, #tpu.memory_space<vmem>>) semaphore(%run_scoped3A_334 : memref<!tpu.dma_semaphore, #tpu.memory_space<semaphore_mem>>)
      %dma_wait3A_345 = arith.constant 0 : i32
      %dma_wait3A_346 = arith.constant 0 : i32
      %dma_wait3A_347 = tpu.memref_slice %arg8[%run_scoped3A_26, %dma_wait3A_345, %dma_wait3A_346] : memref<4x64x128xf32, #tpu.memory_space<vmem>> -> memref<1x64x128xf32, #tpu.memory_space<vmem>>
      %dma_wait3A_348 = tpu.memref_squeeze %dma_wait3A_347 : memref<1x64x128xf32, #tpu.memory_space<vmem>> -> memref<64x128xf32, #tpu.memory_space<vmem>>
      %dma_wait3A_349 = arith.constant 0 : i32
      %dma_wait3A_350 = tpu.memref_slice %arg7[%run_scoped3A_27, %dma_wait3A_349] : memref<10x64xi32, #tpu.memory_space<vmem>> -> memref<1x64xi32, #tpu.memory_space<vmem>>
      %dma_wait3A_351 = tpu.memref_squeeze %dma_wait3A_350 : memref<1x64xi32, #tpu.memory_space<vmem>> -> memref<64xi32, #tpu.memory_space<vmem>>
      %dma_wait3A_352 = arith.constant 0 : i32
      %dma_wait3A_353 = arith.constant 0 : i32
      %dma_wait3A_354 = tpu.memref_slice %arg11[%dma_wait3A_352, %dma_wait3A_353] : memref<10240x128xf32, #tpu.memory_space<vmem_shared>> -> memref<10240x128xf32, #tpu.memory_space<vmem_shared>>
      tpu.wait_indirect_dma semaphore(%run_scoped3A_334 : memref<!tpu.dma_semaphore, #tpu.memory_space<semaphore_mem>>) src(%dma_wait3A_348 : memref<64x128xf32, #tpu.memory_space<vmem>>) dst(%dma_wait3A_354 : memref<10240x128xf32, #tpu.memory_space<vmem_shared>>)
      tpu.yield
    }) : () -> ()
    %run_scoped3A_28 = arith.constant 0 : i32
    %run_scoped3A_29 = arith.constant 9 : i32
    "tpu.region"() ({
      %run_scoped3A_334 = tpu.sem_alloc : memref<!tpu.dma_semaphore, #tpu.memory_space<semaphore_mem>>
      %dma_start3A_335 = arith.constant 0 : i32
      %dma_start3A_336 = arith.constant 0 : i32
      %dma_start3A_337 = tpu.memref_slice %arg8[%run_scoped3A_28, %dma_start3A_335, %dma_start3A_336] : memref<4x64x128xf32, #tpu.memory_space<vmem>> -> memref<1x64x128xf32, #tpu.memory_space<vmem>>
      %dma_start3A_338 = tpu.memref_squeeze %dma_start3A_337 : memref<1x64x128xf32, #tpu.memory_space<vmem>> -> memref<64x128xf32, #tpu.memory_space<vmem>>
      %dma_start3A_339 = arith.constant 0 : i32
      %dma_start3A_340 = tpu.memref_slice %arg7[%run_scoped3A_29, %dma_start3A_339] : memref<10x64xi32, #tpu.memory_space<vmem>> -> memref<1x64xi32, #tpu.memory_space<vmem>>
      %dma_start3A_341 = tpu.memref_squeeze %dma_start3A_340 : memref<1x64xi32, #tpu.memory_space<vmem>> -> memref<64xi32, #tpu.memory_space<vmem>>
      %dma_start3A_342 = arith.constant 0 : i32
      %dma_start3A_343 = arith.constant 0 : i32
      %dma_start3A_344 = tpu.memref_slice %arg11[%dma_start3A_342, %dma_start3A_343] : memref<10240x128xf32, #tpu.memory_space<vmem_shared>> -> memref<10240x128xf32, #tpu.memory_space<vmem_shared>>
      tpu.enqueue_indirect_dma source(%dma_start3A_338 : memref<64x128xf32, #tpu.memory_space<vmem>>) target(%dma_start3A_344 : memref<10240x128xf32, #tpu.memory_space<vmem_shared>>) offsets(%dma_start3A_341 : memref<64xi32, #tpu.memory_space<vmem>>) semaphore(%run_scoped3A_334 : memref<!tpu.dma_semaphore, #tpu.memory_space<semaphore_mem>>)
      %dma_wait3A_345 = arith.constant 0 : i32
      %dma_wait3A_346 = arith.constant 0 : i32
      %dma_wait3A_347 = tpu.memref_slice %arg8[%run_scoped3A_28, %dma_wait3A_345, %dma_wait3A_346] : memref<4x64x128xf32, #tpu.memory_space<vmem>> -> memref<1x64x128xf32, #tpu.memory_space<vmem>>
      %dma_wait3A_348 = tpu.memref_squeeze %dma_wait3A_347 : memref<1x64x128xf32, #tpu.memory_space<vmem>> -> memref<64x128xf32, #tpu.memory_space<vmem>>
      %dma_wait3A_349 = arith.constant 0 : i32
      %dma_wait3A_350 = tpu.memref_slice %arg7[%run_scoped3A_29, %dma_wait3A_349] : memref<10x64xi32, #tpu.memory_space<vmem>> -> memref<1x64xi32, #tpu.memory_space<vmem>>
      %dma_wait3A_351 = tpu.memref_squeeze %dma_wait3A_350 : memref<1x64xi32, #tpu.memory_space<vmem>> -> memref<64xi32, #tpu.memory_space<vmem>>
      %dma_wait3A_352 = arith.constant 0 : i32
      %dma_wait3A_353 = arith.constant 0 : i32
      %dma_wait3A_354 = tpu.memref_slice %arg11[%dma_wait3A_352, %dma_wait3A_353] : memref<10240x128xf32, #tpu.memory_space<vmem_shared>> -> memref<10240x128xf32, #tpu.memory_space<vmem_shared>>
      tpu.wait_indirect_dma semaphore(%run_scoped3A_334 : memref<!tpu.dma_semaphore, #tpu.memory_space<semaphore_mem>>) src(%dma_wait3A_348 : memref<64x128xf32, #tpu.memory_space<vmem>>) dst(%dma_wait3A_354 : memref<10240x128xf32, #tpu.memory_space<vmem_shared>>)
      tpu.yield
    }) : () -> ()
    %barrier3A = arith.constant 0 : index
    tpu.barrier barrier_id(%barrier3A)
    %scan3A_30 = arith.constant 0 : i32
    %scan3A_31 = arith.constant 40 : i32
    %scan3A_32 = arith.addi %scan3A_30, %scan3A_31 : i32
    %scan3A_33 = arith.constant 1 : i32
    scf.for %scan3A_334 = %scan3A_30 to %scan3A_32 step %scan3A_33  : i32 {
      %mul3A_335 = arith.constant 1 : i32
      %mul3A_336 = arith.muli %scan3A_334, %mul3A_335 : i32
      %add3A_337 = arith.constant 0 : i32
      %add3A_338 = arith.addi %add3A_337, %mul3A_336 : i32
      %mul3A_339 = arith.constant 2 : i32
      %mul3A_340 = arith.muli %add3A_338, %mul3A_339 : i32
      %mul3A_341 = arith.constant 4 : i32
      %mul3A_342 = arith.muli %mul3A_340, %mul3A_341 : i32
      %add3A_343 = arith.addi %mul3A_6, %mul3A_342 : i32
      "tpu.region"() ({
        %run_scoped3A_536 = tpu.sem_alloc : memref<!tpu.dma_semaphore, #tpu.memory_space<semaphore_mem>>
        %dma_start3A_537 = arith.constant 0 : i32
        %dma_start3A_538 = tpu.memref_slice %arg3[%add3A_343, %dma_start3A_537] : memref<10240x64xi32, #tpu.memory_space<hbm>> -> memref<8x64xi32, #tpu.memory_space<hbm>>
        %dma_start3A_539 = arith.constant 0 : i32
        %dma_start3A_540 = tpu.memref_slice %arg3[%add3A_343, %dma_start3A_539] : memref<10240x64xi32, #tpu.memory_space<hbm>> -> memref<8x64xi32, #tpu.memory_space<hbm>>
        tpu.enqueue_dma source(%dma_start3A_540 : memref<8x64xi32, #tpu.memory_space<hbm>>) target(%arg6 : memref<8x64xi32, #tpu.memory_space<vmem>>) target_semaphore(%run_scoped3A_536 : memref<!tpu.dma_semaphore, #tpu.memory_space<semaphore_mem>>)
        %dma_wait3A_541 = arith.constant 0 : i32
        %dma_wait3A_542 = tpu.memref_slice %arg3[%add3A_343, %dma_wait3A_541] : memref<10240x64xi32, #tpu.memory_space<hbm>> -> memref<8x64xi32, #tpu.memory_space<hbm>>
        %dma_wait3A_543 = arith.constant 0 : i32
        %dma_wait3A_544 = tpu.memref_slice %arg3[%add3A_343, %dma_wait3A_543] : memref<10240x64xi32, #tpu.memory_space<hbm>> -> memref<8x64xi32, #tpu.memory_space<hbm>>
        tpu.wait_dma2 semaphore(%run_scoped3A_536 : memref<!tpu.dma_semaphore, #tpu.memory_space<semaphore_mem>>) src(%dma_wait3A_544 : memref<8x64xi32, #tpu.memory_space<hbm>>) dst(%arg6 : memref<8x64xi32, #tpu.memory_space<vmem>>)
        tpu.yield
      }) : () -> ()
      %dma_start3A_344 = arith.constant 0 : i32
      %dma_start3A_345 = arith.constant 0 : i32
      %dma_start3A_346 = arith.constant 0 : i32
      %dma_start3A_347 = arith.constant 0 : i32
      %dma_start3A_348 = tpu.memref_slice %arg8[%dma_start3A_345, %dma_start3A_346, %dma_start3A_347] : memref<4x64x128xf32, #tpu.memory_space<vmem>> -> memref<1x64x128xf32, #tpu.memory_space<vmem>>
      %dma_start3A_349 = tpu.memref_squeeze %dma_start3A_348 : memref<1x64x128xf32, #tpu.memory_space<vmem>> -> memref<64x128xf32, #tpu.memory_space<vmem>>
      %dma_start3A_350 = arith.constant 0 : i32
      %dma_start3A_351 = tpu.memref_slice %arg6[%dma_start3A_344, %dma_start3A_350] : memref<8x64xi32, #tpu.memory_space<vmem>> -> memref<1x64xi32, #tpu.memory_space<vmem>>
      %dma_start3A_352 = tpu.memref_squeeze %dma_start3A_351 : memref<1x64xi32, #tpu.memory_space<vmem>> -> memref<64xi32, #tpu.memory_space<vmem>>
      %dma_start3A_353 = arith.constant 0 : i32
      %dma_start3A_354 = arith.constant 0 : i32
      %dma_start3A_355 = tpu.memref_slice %arg2[%dma_start3A_353, %dma_start3A_354] : memref<10000x128xf32, #tpu.memory_space<hbm>> -> memref<10000x128xf32, #tpu.memory_space<hbm>>
      tpu.enqueue_indirect_dma source(%dma_start3A_355 : memref<10000x128xf32, #tpu.memory_space<hbm>>) target(%dma_start3A_349 : memref<64x128xf32, #tpu.memory_space<vmem>>) offsets(%dma_start3A_352 : memref<64xi32, #tpu.memory_space<vmem>>) semaphore(%arg9 : memref<!tpu.dma_semaphore, #tpu.memory_space<semaphore_mem>>)
      %dma_start3A_356 = arith.constant 2 : i32
      %dma_start3A_357 = arith.constant 1 : i32
      %dma_start3A_358 = arith.constant 0 : i32
      %dma_start3A_359 = arith.constant 0 : i32
      %dma_start3A_360 = tpu.memref_slice %arg8[%dma_start3A_357, %dma_start3A_358, %dma_start3A_359] : memref<4x64x128xf32, #tpu.memory_space<vmem>> -> memref<1x64x128xf32, #tpu.memory_space<vmem>>
      %dma_start3A_361 = tpu.memref_squeeze %dma_start3A_360 : memref<1x64x128xf32, #tpu.memory_space<vmem>> -> memref<64x128xf32, #tpu.memory_space<vmem>>
      %dma_start3A_362 = arith.constant 0 : i32
      %dma_start3A_363 = tpu.memref_slice %arg6[%dma_start3A_356, %dma_start3A_362] : memref<8x64xi32, #tpu.memory_space<vmem>> -> memref<1x64xi32, #tpu.memory_space<vmem>>
      %dma_start3A_364 = tpu.memref_squeeze %dma_start3A_363 : memref<1x64xi32, #tpu.memory_space<vmem>> -> memref<64xi32, #tpu.memory_space<vmem>>
      %dma_start3A_365 = arith.constant 0 : i32
      %dma_start3A_366 = arith.constant 0 : i32
      %dma_start3A_367 = tpu.memref_slice %arg2[%dma_start3A_365, %dma_start3A_366] : memref<10000x128xf32, #tpu.memory_space<hbm>> -> memref<10000x128xf32, #tpu.memory_space<hbm>>
      tpu.enqueue_indirect_dma source(%dma_start3A_367 : memref<10000x128xf32, #tpu.memory_space<hbm>>) target(%dma_start3A_361 : memref<64x128xf32, #tpu.memory_space<vmem>>) offsets(%dma_start3A_364 : memref<64xi32, #tpu.memory_space<vmem>>) semaphore(%arg9 : memref<!tpu.dma_semaphore, #tpu.memory_space<semaphore_mem>>)
      %dma_start3A_368 = arith.constant 4 : i32
      %dma_start3A_369 = arith.constant 2 : i32
      %dma_start3A_370 = arith.constant 0 : i32
      %dma_start3A_371 = arith.constant 0 : i32
      %dma_start3A_372 = tpu.memref_slice %arg8[%dma_start3A_369, %dma_start3A_370, %dma_start3A_371] : memref<4x64x128xf32, #tpu.memory_space<vmem>> -> memref<1x64x128xf32, #tpu.memory_space<vmem>>
      %dma_start3A_373 = tpu.memref_squeeze %dma_start3A_372 : memref<1x64x128xf32, #tpu.memory_space<vmem>> -> memref<64x128xf32, #tpu.memory_space<vmem>>
      %dma_start3A_374 = arith.constant 0 : i32
      %dma_start3A_375 = tpu.memref_slice %arg6[%dma_start3A_368, %dma_start3A_374] : memref<8x64xi32, #tpu.memory_space<vmem>> -> memref<1x64xi32, #tpu.memory_space<vmem>>
      %dma_start3A_376 = tpu.memref_squeeze %dma_start3A_375 : memref<1x64xi32, #tpu.memory_space<vmem>> -> memref<64xi32, #tpu.memory_space<vmem>>
      %dma_start3A_377 = arith.constant 0 : i32
      %dma_start3A_378 = arith.constant 0 : i32
      %dma_start3A_379 = tpu.memref_slice %arg2[%dma_start3A_377, %dma_start3A_378] : memref<10000x128xf32, #tpu.memory_space<hbm>> -> memref<10000x128xf32, #tpu.memory_space<hbm>>
      tpu.enqueue_indirect_dma source(%dma_start3A_379 : memref<10000x128xf32, #tpu.memory_space<hbm>>) target(%dma_start3A_373 : memref<64x128xf32, #tpu.memory_space<vmem>>) offsets(%dma_start3A_376 : memref<64xi32, #tpu.memory_space<vmem>>) semaphore(%arg9 : memref<!tpu.dma_semaphore, #tpu.memory_space<semaphore_mem>>)
      %dma_start3A_380 = arith.constant 6 : i32
      %dma_start3A_381 = arith.constant 3 : i32
      %dma_start3A_382 = arith.constant 0 : i32
      %dma_start3A_383 = arith.constant 0 : i32
      %dma_start3A_384 = tpu.memref_slice %arg8[%dma_start3A_381, %dma_start3A_382, %dma_start3A_383] : memref<4x64x128xf32, #tpu.memory_space<vmem>> -> memref<1x64x128xf32, #tpu.memory_space<vmem>>
      %dma_start3A_385 = tpu.memref_squeeze %dma_start3A_384 : memref<1x64x128xf32, #tpu.memory_space<vmem>> -> memref<64x128xf32, #tpu.memory_space<vmem>>
      %dma_start3A_386 = arith.constant 0 : i32
      %dma_start3A_387 = tpu.memref_slice %arg6[%dma_start3A_380, %dma_start3A_386] : memref<8x64xi32, #tpu.memory_space<vmem>> -> memref<1x64xi32, #tpu.memory_space<vmem>>
      %dma_start3A_388 = tpu.memref_squeeze %dma_start3A_387 : memref<1x64xi32, #tpu.memory_space<vmem>> -> memref<64xi32, #tpu.memory_space<vmem>>
      %dma_start3A_389 = arith.constant 0 : i32
      %dma_start3A_390 = arith.constant 0 : i32
      %dma_start3A_391 = tpu.memref_slice %arg2[%dma_start3A_389, %dma_start3A_390] : memref<10000x128xf32, #tpu.memory_space<hbm>> -> memref<10000x128xf32, #tpu.memory_space<hbm>>
      tpu.enqueue_indirect_dma source(%dma_start3A_391 : memref<10000x128xf32, #tpu.memory_space<hbm>>) target(%dma_start3A_385 : memref<64x128xf32, #tpu.memory_space<vmem>>) offsets(%dma_start3A_388 : memref<64xi32, #tpu.memory_space<vmem>>) semaphore(%arg9 : memref<!tpu.dma_semaphore, #tpu.memory_space<semaphore_mem>>)
      %dma_wait3A_392 = arith.constant 0 : i32
      %dma_wait3A_393 = arith.constant 0 : i32
      %dma_wait3A_394 = arith.constant 0 : i32
      %dma_wait3A_395 = arith.constant 0 : i32
      %dma_wait3A_396 = tpu.memref_slice %arg8[%dma_wait3A_393, %dma_wait3A_394, %dma_wait3A_395] : memref<4x64x128xf32, #tpu.memory_space<vmem>> -> memref<1x64x128xf32, #tpu.memory_space<vmem>>
      %dma_wait3A_397 = tpu.memref_squeeze %dma_wait3A_396 : memref<1x64x128xf32, #tpu.memory_space<vmem>> -> memref<64x128xf32, #tpu.memory_space<vmem>>
      %dma_wait3A_398 = arith.constant 0 : i32
      %dma_wait3A_399 = tpu.memref_slice %arg6[%dma_wait3A_392, %dma_wait3A_398] : memref<8x64xi32, #tpu.memory_space<vmem>> -> memref<1x64xi32, #tpu.memory_space<vmem>>
      %dma_wait3A_400 = tpu.memref_squeeze %dma_wait3A_399 : memref<1x64xi32, #tpu.memory_space<vmem>> -> memref<64xi32, #tpu.memory_space<vmem>>
      %dma_wait3A_401 = arith.constant 0 : i32
      %dma_wait3A_402 = arith.constant 0 : i32
      %dma_wait3A_403 = tpu.memref_slice %arg2[%dma_wait3A_401, %dma_wait3A_402] : memref<10000x128xf32, #tpu.memory_space<hbm>> -> memref<10000x128xf32, #tpu.memory_space<hbm>>
      tpu.wait_indirect_dma semaphore(%arg9 : memref<!tpu.dma_semaphore, #tpu.memory_space<semaphore_mem>>) src(%dma_wait3A_403 : memref<10000x128xf32, #tpu.memory_space<hbm>>) dst(%dma_wait3A_397 : memref<64x128xf32, #tpu.memory_space<vmem>>)
      %dma_wait3A_404 = arith.constant 2 : i32
      %dma_wait3A_405 = arith.constant 1 : i32
      %dma_wait3A_406 = arith.constant 0 : i32
      %dma_wait3A_407 = arith.constant 0 : i32
      %dma_wait3A_408 = tpu.memref_slice %arg8[%dma_wait3A_405, %dma_wait3A_406, %dma_wait3A_407] : memref<4x64x128xf32, #tpu.memory_space<vmem>> -> memref<1x64x128xf32, #tpu.memory_space<vmem>>
      %dma_wait3A_409 = tpu.memref_squeeze %dma_wait3A_408 : memref<1x64x128xf32, #tpu.memory_space<vmem>> -> memref<64x128xf32, #tpu.memory_space<vmem>>
      %dma_wait3A_410 = arith.constant 0 : i32
      %dma_wait3A_411 = tpu.memref_slice %arg6[%dma_wait3A_404, %dma_wait3A_410] : memref<8x64xi32, #tpu.memory_space<vmem>> -> memref<1x64xi32, #tpu.memory_space<vmem>>
      %dma_wait3A_412 = tpu.memref_squeeze %dma_wait3A_411 : memref<1x64xi32, #tpu.memory_space<vmem>> -> memref<64xi32, #tpu.memory_space<vmem>>
      %dma_wait3A_413 = arith.constant 0 : i32
      %dma_wait3A_414 = arith.constant 0 : i32
      %dma_wait3A_415 = tpu.memref_slice %arg2[%dma_wait3A_413, %dma_wait3A_414] : memref<10000x128xf32, #tpu.memory_space<hbm>> -> memref<10000x128xf32, #tpu.memory_space<hbm>>
      tpu.wait_indirect_dma semaphore(%arg9 : memref<!tpu.dma_semaphore, #tpu.memory_space<semaphore_mem>>) src(%dma_wait3A_415 : memref<10000x128xf32, #tpu.memory_space<hbm>>) dst(%dma_wait3A_409 : memref<64x128xf32, #tpu.memory_space<vmem>>)
      %dma_wait3A_416 = arith.constant 4 : i32
      %dma_wait3A_417 = arith.constant 2 : i32
      %dma_wait3A_418 = arith.constant 0 : i32
      %dma_wait3A_419 = arith.constant 0 : i32
      %dma_wait3A_420 = tpu.memref_slice %arg8[%dma_wait3A_417, %dma_wait3A_418, %dma_wait3A_419] : memref<4x64x128xf32, #tpu.memory_space<vmem>> -> memref<1x64x128xf32, #tpu.memory_space<vmem>>
      %dma_wait3A_421 = tpu.memref_squeeze %dma_wait3A_420 : memref<1x64x128xf32, #tpu.memory_space<vmem>> -> memref<64x128xf32, #tpu.memory_space<vmem>>
      %dma_wait3A_422 = arith.constant 0 : i32
      %dma_wait3A_423 = tpu.memref_slice %arg6[%dma_wait3A_416, %dma_wait3A_422] : memref<8x64xi32, #tpu.memory_space<vmem>> -> memref<1x64xi32, #tpu.memory_space<vmem>>
      %dma_wait3A_424 = tpu.memref_squeeze %dma_wait3A_423 : memref<1x64xi32, #tpu.memory_space<vmem>> -> memref<64xi32, #tpu.memory_space<vmem>>
      %dma_wait3A_425 = arith.constant 0 : i32
      %dma_wait3A_426 = arith.constant 0 : i32
      %dma_wait3A_427 = tpu.memref_slice %arg2[%dma_wait3A_425, %dma_wait3A_426] : memref<10000x128xf32, #tpu.memory_space<hbm>> -> memref<10000x128xf32, #tpu.memory_space<hbm>>
      tpu.wait_indirect_dma semaphore(%arg9 : memref<!tpu.dma_semaphore, #tpu.memory_space<semaphore_mem>>) src(%dma_wait3A_427 : memref<10000x128xf32, #tpu.memory_space<hbm>>) dst(%dma_wait3A_421 : memref<64x128xf32, #tpu.memory_space<vmem>>)
      %dma_wait3A_428 = arith.constant 6 : i32
      %dma_wait3A_429 = arith.constant 3 : i32
      %dma_wait3A_430 = arith.constant 0 : i32
      %dma_wait3A_431 = arith.constant 0 : i32
      %dma_wait3A_432 = tpu.memref_slice %arg8[%dma_wait3A_429, %dma_wait3A_430, %dma_wait3A_431] : memref<4x64x128xf32, #tpu.memory_space<vmem>> -> memref<1x64x128xf32, #tpu.memory_space<vmem>>
      %dma_wait3A_433 = tpu.memref_squeeze %dma_wait3A_432 : memref<1x64x128xf32, #tpu.memory_space<vmem>> -> memref<64x128xf32, #tpu.memory_space<vmem>>
      %dma_wait3A_434 = arith.constant 0 : i32
      %dma_wait3A_435 = tpu.memref_slice %arg6[%dma_wait3A_428, %dma_wait3A_434] : memref<8x64xi32, #tpu.memory_space<vmem>> -> memref<1x64xi32, #tpu.memory_space<vmem>>
      %dma_wait3A_436 = tpu.memref_squeeze %dma_wait3A_435 : memref<1x64xi32, #tpu.memory_space<vmem>> -> memref<64xi32, #tpu.memory_space<vmem>>
      %dma_wait3A_437 = arith.constant 0 : i32
      %dma_wait3A_438 = arith.constant 0 : i32
      %dma_wait3A_439 = tpu.memref_slice %arg2[%dma_wait3A_437, %dma_wait3A_438] : memref<10000x128xf32, #tpu.memory_space<hbm>> -> memref<10000x128xf32, #tpu.memory_space<hbm>>
      tpu.wait_indirect_dma semaphore(%arg9 : memref<!tpu.dma_semaphore, #tpu.memory_space<semaphore_mem>>) src(%dma_wait3A_439 : memref<10000x128xf32, #tpu.memory_space<hbm>>) dst(%dma_wait3A_433 : memref<64x128xf32, #tpu.memory_space<vmem>>)
      %dma_start3A_440 = arith.constant 0 : i32
      %dma_start3A_441 = arith.constant 1 : i32
      %dma_start3A_442 = arith.constant 0 : i32
      %dma_start3A_443 = arith.constant 0 : i32
      %dma_start3A_444 = tpu.memref_slice %arg8[%dma_start3A_440, %dma_start3A_442, %dma_start3A_443] : memref<4x64x128xf32, #tpu.memory_space<vmem>> -> memref<1x64x128xf32, #tpu.memory_space<vmem>>
      %dma_start3A_445 = tpu.memref_squeeze %dma_start3A_444 : memref<1x64x128xf32, #tpu.memory_space<vmem>> -> memref<64x128xf32, #tpu.memory_space<vmem>>
      %dma_start3A_446 = arith.constant 0 : i32
      %dma_start3A_447 = tpu.memref_slice %arg6[%dma_start3A_441, %dma_start3A_446] : memref<8x64xi32, #tpu.memory_space<vmem>> -> memref<1x64xi32, #tpu.memory_space<vmem>>
      %dma_start3A_448 = tpu.memref_squeeze %dma_start3A_447 : memref<1x64xi32, #tpu.memory_space<vmem>> -> memref<64xi32, #tpu.memory_space<vmem>>
      %dma_start3A_449 = arith.constant 0 : i32
      %dma_start3A_450 = arith.constant 0 : i32
      %dma_start3A_451 = tpu.memref_slice %arg11[%dma_start3A_449, %dma_start3A_450] : memref<10240x128xf32, #tpu.memory_space<vmem_shared>> -> memref<10240x128xf32, #tpu.memory_space<vmem_shared>>
      tpu.enqueue_indirect_dma source(%dma_start3A_445 : memref<64x128xf32, #tpu.memory_space<vmem>>) target(%dma_start3A_451 : memref<10240x128xf32, #tpu.memory_space<vmem_shared>>) offsets(%dma_start3A_448 : memref<64xi32, #tpu.memory_space<vmem>>) semaphore(%arg10 : memref<!tpu.dma_semaphore, #tpu.memory_space<semaphore_mem>>) {add = true}
      %dma_start3A_452 = arith.constant 1 : i32
      %dma_start3A_453 = arith.constant 3 : i32
      %dma_start3A_454 = arith.constant 0 : i32
      %dma_start3A_455 = arith.constant 0 : i32
      %dma_start3A_456 = tpu.memref_slice %arg8[%dma_start3A_452, %dma_start3A_454, %dma_start3A_455] : memref<4x64x128xf32, #tpu.memory_space<vmem>> -> memref<1x64x128xf32, #tpu.memory_space<vmem>>
      %dma_start3A_457 = tpu.memref_squeeze %dma_start3A_456 : memref<1x64x128xf32, #tpu.memory_space<vmem>> -> memref<64x128xf32, #tpu.memory_space<vmem>>
      %dma_start3A_458 = arith.constant 0 : i32
      %dma_start3A_459 = tpu.memref_slice %arg6[%dma_start3A_453, %dma_start3A_458] : memref<8x64xi32, #tpu.memory_space<vmem>> -> memref<1x64xi32, #tpu.memory_space<vmem>>
      %dma_start3A_460 = tpu.memref_squeeze %dma_start3A_459 : memref<1x64xi32, #tpu.memory_space<vmem>> -> memref<64xi32, #tpu.memory_space<vmem>>
      %dma_start3A_461 = arith.constant 0 : i32
      %dma_start3A_462 = arith.constant 0 : i32
      %dma_start3A_463 = tpu.memref_slice %arg11[%dma_start3A_461, %dma_start3A_462] : memref<10240x128xf32, #tpu.memory_space<vmem_shared>> -> memref<10240x128xf32, #tpu.memory_space<vmem_shared>>
      tpu.enqueue_indirect_dma source(%dma_start3A_457 : memref<64x128xf32, #tpu.memory_space<vmem>>) target(%dma_start3A_463 : memref<10240x128xf32, #tpu.memory_space<vmem_shared>>) offsets(%dma_start3A_460 : memref<64xi32, #tpu.memory_space<vmem>>) semaphore(%arg10 : memref<!tpu.dma_semaphore, #tpu.memory_space<semaphore_mem>>) {add = true}
      %dma_start3A_464 = arith.constant 2 : i32
      %dma_start3A_465 = arith.constant 5 : i32
      %dma_start3A_466 = arith.constant 0 : i32
      %dma_start3A_467 = arith.constant 0 : i32
      %dma_start3A_468 = tpu.memref_slice %arg8[%dma_start3A_464, %dma_start3A_466, %dma_start3A_467] : memref<4x64x128xf32, #tpu.memory_space<vmem>> -> memref<1x64x128xf32, #tpu.memory_space<vmem>>
      %dma_start3A_469 = tpu.memref_squeeze %dma_start3A_468 : memref<1x64x128xf32, #tpu.memory_space<vmem>> -> memref<64x128xf32, #tpu.memory_space<vmem>>
      %dma_start3A_470 = arith.constant 0 : i32
      %dma_start3A_471 = tpu.memref_slice %arg6[%dma_start3A_465, %dma_start3A_470] : memref<8x64xi32, #tpu.memory_space<vmem>> -> memref<1x64xi32, #tpu.memory_space<vmem>>
      %dma_start3A_472 = tpu.memref_squeeze %dma_start3A_471 : memref<1x64xi32, #tpu.memory_space<vmem>> -> memref<64xi32, #tpu.memory_space<vmem>>
      %dma_start3A_473 = arith.constant 0 : i32
      %dma_start3A_474 = arith.constant 0 : i32
      %dma_start3A_475 = tpu.memref_slice %arg11[%dma_start3A_473, %dma_start3A_474] : memref<10240x128xf32, #tpu.memory_space<vmem_shared>> -> memref<10240x128xf32, #tpu.memory_space<vmem_shared>>
      tpu.enqueue_indirect_dma source(%dma_start3A_469 : memref<64x128xf32, #tpu.memory_space<vmem>>) target(%dma_start3A_475 : memref<10240x128xf32, #tpu.memory_space<vmem_shared>>) offsets(%dma_start3A_472 : memref<64xi32, #tpu.memory_space<vmem>>) semaphore(%arg10 : memref<!tpu.dma_semaphore, #tpu.memory_space<semaphore_mem>>) {add = true}
      %dma_start3A_476 = arith.constant 3 : i32
      %dma_start3A_477 = arith.constant 7 : i32
      %dma_start3A_478 = arith.constant 0 : i32
      %dma_start3A_479 = arith.constant 0 : i32
      %dma_start3A_480 = tpu.memref_slice %arg8[%dma_start3A_476, %dma_start3A_478, %dma_start3A_479] : memref<4x64x128xf32, #tpu.memory_space<vmem>> -> memref<1x64x128xf32, #tpu.memory_space<vmem>>
      %dma_start3A_481 = tpu.memref_squeeze %dma_start3A_480 : memref<1x64x128xf32, #tpu.memory_space<vmem>> -> memref<64x128xf32, #tpu.memory_space<vmem>>
      %dma_start3A_482 = arith.constant 0 : i32
      %dma_start3A_483 = tpu.memref_slice %arg6[%dma_start3A_477, %dma_start3A_482] : memref<8x64xi32, #tpu.memory_space<vmem>> -> memref<1x64xi32, #tpu.memory_space<vmem>>
      %dma_start3A_484 = tpu.memref_squeeze %dma_start3A_483 : memref<1x64xi32, #tpu.memory_space<vmem>> -> memref<64xi32, #tpu.memory_space<vmem>>
      %dma_start3A_485 = arith.constant 0 : i32
      %dma_start3A_486 = arith.constant 0 : i32
      %dma_start3A_487 = tpu.memref_slice %arg11[%dma_start3A_485, %dma_start3A_486] : memref<10240x128xf32, #tpu.memory_space<vmem_shared>> -> memref<10240x128xf32, #tpu.memory_space<vmem_shared>>
      tpu.enqueue_indirect_dma source(%dma_start3A_481 : memref<64x128xf32, #tpu.memory_space<vmem>>) target(%dma_start3A_487 : memref<10240x128xf32, #tpu.memory_space<vmem_shared>>) offsets(%dma_start3A_484 : memref<64xi32, #tpu.memory_space<vmem>>) semaphore(%arg10 : memref<!tpu.dma_semaphore, #tpu.memory_space<semaphore_mem>>) {add = true}
      %dma_wait3A_488 = arith.constant 0 : i32
      %dma_wait3A_489 = arith.constant 1 : i32
      %dma_wait3A_490 = arith.constant 0 : i32
      %dma_wait3A_491 = arith.constant 0 : i32
      %dma_wait3A_492 = tpu.memref_slice %arg8[%dma_wait3A_488, %dma_wait3A_490, %dma_wait3A_491] : memref<4x64x128xf32, #tpu.memory_space<vmem>> -> memref<1x64x128xf32, #tpu.memory_space<vmem>>
      %dma_wait3A_493 = tpu.memref_squeeze %dma_wait3A_492 : memref<1x64x128xf32, #tpu.memory_space<vmem>> -> memref<64x128xf32, #tpu.memory_space<vmem>>
      %dma_wait3A_494 = arith.constant 0 : i32
      %dma_wait3A_495 = tpu.memref_slice %arg6[%dma_wait3A_489, %dma_wait3A_494] : memref<8x64xi32, #tpu.memory_space<vmem>> -> memref<1x64xi32, #tpu.memory_space<vmem>>
      %dma_wait3A_496 = tpu.memref_squeeze %dma_wait3A_495 : memref<1x64xi32, #tpu.memory_space<vmem>> -> memref<64xi32, #tpu.memory_space<vmem>>
      %dma_wait3A_497 = arith.constant 0 : i32
      %dma_wait3A_498 = arith.constant 0 : i32
      %dma_wait3A_499 = tpu.memref_slice %arg11[%dma_wait3A_497, %dma_wait3A_498] : memref<10240x128xf32, #tpu.memory_space<vmem_shared>> -> memref<10240x128xf32, #tpu.memory_space<vmem_shared>>
      tpu.wait_indirect_dma semaphore(%arg10 : memref<!tpu.dma_semaphore, #tpu.memory_space<semaphore_mem>>) src(%dma_wait3A_493 : memref<64x128xf32, #tpu.memory_space<vmem>>) dst(%dma_wait3A_499 : memref<10240x128xf32, #tpu.memory_space<vmem_shared>>)
      %dma_wait3A_500 = arith.constant 1 : i32
      %dma_wait3A_501 = arith.constant 3 : i32
      %dma_wait3A_502 = arith.constant 0 : i32
      %dma_wait3A_503 = arith.constant 0 : i32
      %dma_wait3A_504 = tpu.memref_slice %arg8[%dma_wait3A_500, %dma_wait3A_502, %dma_wait3A_503] : memref<4x64x128xf32, #tpu.memory_space<vmem>> -> memref<1x64x128xf32, #tpu.memory_space<vmem>>
      %dma_wait3A_505 = tpu.memref_squeeze %dma_wait3A_504 : memref<1x64x128xf32, #tpu.memory_space<vmem>> -> memref<64x128xf32, #tpu.memory_space<vmem>>
      %dma_wait3A_506 = arith.constant 0 : i32
      %dma_wait3A_507 = tpu.memref_slice %arg6[%dma_wait3A_501, %dma_wait3A_506] : memref<8x64xi32, #tpu.memory_space<vmem>> -> memref<1x64xi32, #tpu.memory_space<vmem>>
      %dma_wait3A_508 = tpu.memref_squeeze %dma_wait3A_507 : memref<1x64xi32, #tpu.memory_space<vmem>> -> memref<64xi32, #tpu.memory_space<vmem>>
      %dma_wait3A_509 = arith.constant 0 : i32
      %dma_wait3A_510 = arith.constant 0 : i32
      %dma_wait3A_511 = tpu.memref_slice %arg11[%dma_wait3A_509, %dma_wait3A_510] : memref<10240x128xf32, #tpu.memory_space<vmem_shared>> -> memref<10240x128xf32, #tpu.memory_space<vmem_shared>>
      tpu.wait_indirect_dma semaphore(%arg10 : memref<!tpu.dma_semaphore, #tpu.memory_space<semaphore_mem>>) src(%dma_wait3A_505 : memref<64x128xf32, #tpu.memory_space<vmem>>) dst(%dma_wait3A_511 : memref<10240x128xf32, #tpu.memory_space<vmem_shared>>)
      %dma_wait3A_512 = arith.constant 2 : i32
      %dma_wait3A_513 = arith.constant 5 : i32
      %dma_wait3A_514 = arith.constant 0 : i32
      %dma_wait3A_515 = arith.constant 0 : i32
      %dma_wait3A_516 = tpu.memref_slice %arg8[%dma_wait3A_512, %dma_wait3A_514, %dma_wait3A_515] : memref<4x64x128xf32, #tpu.memory_space<vmem>> -> memref<1x64x128xf32, #tpu.memory_space<vmem>>
      %dma_wait3A_517 = tpu.memref_squeeze %dma_wait3A_516 : memref<1x64x128xf32, #tpu.memory_space<vmem>> -> memref<64x128xf32, #tpu.memory_space<vmem>>
      %dma_wait3A_518 = arith.constant 0 : i32
      %dma_wait3A_519 = tpu.memref_slice %arg6[%dma_wait3A_513, %dma_wait3A_518] : memref<8x64xi32, #tpu.memory_space<vmem>> -> memref<1x64xi32, #tpu.memory_space<vmem>>
      %dma_wait3A_520 = tpu.memref_squeeze %dma_wait3A_519 : memref<1x64xi32, #tpu.memory_space<vmem>> -> memref<64xi32, #tpu.memory_space<vmem>>
      %dma_wait3A_521 = arith.constant 0 : i32
      %dma_wait3A_522 = arith.constant 0 : i32
      %dma_wait3A_523 = tpu.memref_slice %arg11[%dma_wait3A_521, %dma_wait3A_522] : memref<10240x128xf32, #tpu.memory_space<vmem_shared>> -> memref<10240x128xf32, #tpu.memory_space<vmem_shared>>
      tpu.wait_indirect_dma semaphore(%arg10 : memref<!tpu.dma_semaphore, #tpu.memory_space<semaphore_mem>>) src(%dma_wait3A_517 : memref<64x128xf32, #tpu.memory_space<vmem>>) dst(%dma_wait3A_523 : memref<10240x128xf32, #tpu.memory_space<vmem_shared>>)
      %dma_wait3A_524 = arith.constant 3 : i32
      %dma_wait3A_525 = arith.constant 7 : i32
      %dma_wait3A_526 = arith.constant 0 : i32
      %dma_wait3A_527 = arith.constant 0 : i32
      %dma_wait3A_528 = tpu.memref_slice %arg8[%dma_wait3A_524, %dma_wait3A_526, %dma_wait3A_527] : memref<4x64x128xf32, #tpu.memory_space<vmem>> -> memref<1x64x128xf32, #tpu.memory_space<vmem>>
      %dma_wait3A_529 = tpu.memref_squeeze %dma_wait3A_528 : memref<1x64x128xf32, #tpu.memory_space<vmem>> -> memref<64x128xf32, #tpu.memory_space<vmem>>
      %dma_wait3A_530 = arith.constant 0 : i32
      %dma_wait3A_531 = tpu.memref_slice %arg6[%dma_wait3A_525, %dma_wait3A_530] : memref<8x64xi32, #tpu.memory_space<vmem>> -> memref<1x64xi32, #tpu.memory_space<vmem>>
      %dma_wait3A_532 = tpu.memref_squeeze %dma_wait3A_531 : memref<1x64xi32, #tpu.memory_space<vmem>> -> memref<64xi32, #tpu.memory_space<vmem>>
      %dma_wait3A_533 = arith.constant 0 : i32
      %dma_wait3A_534 = arith.constant 0 : i32
      %dma_wait3A_535 = tpu.memref_slice %arg11[%dma_wait3A_533, %dma_wait3A_534] : memref<10240x128xf32, #tpu.memory_space<vmem_shared>> -> memref<10240x128xf32, #tpu.memory_space<vmem_shared>>
      tpu.wait_indirect_dma semaphore(%arg10 : memref<!tpu.dma_semaphore, #tpu.memory_space<semaphore_mem>>) src(%dma_wait3A_529 : memref<64x128xf32, #tpu.memory_space<vmem>>) dst(%dma_wait3A_535 : memref<10240x128xf32, #tpu.memory_space<vmem_shared>>)
    }
    %scan3A_34 = arith.constant 40 : i32
    %barrier3A_35 = arith.constant 0 : index
    tpu.barrier barrier_id(%barrier3A_35)
    %dma_start3A = arith.constant 0 : i32
    %dma_start3A_36 = arith.constant 0 : i32
    %dma_start3A_37 = arith.constant 0 : i32
    %dma_start3A_38 = arith.constant 0 : i32
    %dma_start3A_39 = tpu.memref_slice %arg8[%dma_start3A_36, %dma_start3A_37, %dma_start3A_38] : memref<4x64x128xf32, #tpu.memory_space<vmem>> -> memref<1x64x128xf32, #tpu.memory_space<vmem>>
    %dma_start3A_40 = tpu.memref_squeeze %dma_start3A_39 : memref<1x64x128xf32, #tpu.memory_space<vmem>> -> memref<64x128xf32, #tpu.memory_space<vmem>>
    %dma_start3A_41 = arith.constant 0 : i32
    %dma_start3A_42 = tpu.memref_slice %arg7[%dma_start3A, %dma_start3A_41] : memref<10x64xi32, #tpu.memory_space<vmem>> -> memref<1x64xi32, #tpu.memory_space<vmem>>
    %dma_start3A_43 = tpu.memref_squeeze %dma_start3A_42 : memref<1x64xi32, #tpu.memory_space<vmem>> -> memref<64xi32, #tpu.memory_space<vmem>>
    %dma_start3A_44 = arith.constant 0 : i32
    %dma_start3A_45 = arith.constant 0 : i32
    %dma_start3A_46 = tpu.memref_slice %arg11[%dma_start3A_44, %dma_start3A_45] : memref<10240x128xf32, #tpu.memory_space<vmem_shared>> -> memref<10240x128xf32, #tpu.memory_space<vmem_shared>>
    tpu.enqueue_indirect_dma source(%dma_start3A_46 : memref<10240x128xf32, #tpu.memory_space<vmem_shared>>) target(%dma_start3A_40 : memref<64x128xf32, #tpu.memory_space<vmem>>) offsets(%dma_start3A_43 : memref<64xi32, #tpu.memory_space<vmem>>) semaphore(%arg9 : memref<!tpu.dma_semaphore, #tpu.memory_space<semaphore_mem>>)
    %dma_wait3A = arith.constant 0 : i32
    %dma_wait3A_47 = arith.constant 0 : i32
    %dma_wait3A_48 = arith.constant 0 : i32
    %dma_wait3A_49 = arith.constant 0 : i32
    %dma_wait3A_50 = tpu.memref_slice %arg8[%dma_wait3A_47, %dma_wait3A_48, %dma_wait3A_49] : memref<4x64x128xf32, #tpu.memory_space<vmem>> -> memref<1x64x128xf32, #tpu.memory_space<vmem>>
    %dma_wait3A_51 = tpu.memref_squeeze %dma_wait3A_50 : memref<1x64x128xf32, #tpu.memory_space<vmem>> -> memref<64x128xf32, #tpu.memory_space<vmem>>
    %dma_wait3A_52 = arith.constant 0 : i32
    %dma_wait3A_53 = tpu.memref_slice %arg7[%dma_wait3A, %dma_wait3A_52] : memref<10x64xi32, #tpu.memory_space<vmem>> -> memref<1x64xi32, #tpu.memory_space<vmem>>
    %dma_wait3A_54 = tpu.memref_squeeze %dma_wait3A_53 : memref<1x64xi32, #tpu.memory_space<vmem>> -> memref<64xi32, #tpu.memory_space<vmem>>
    %dma_wait3A_55 = arith.constant 0 : i32
    %dma_wait3A_56 = arith.constant 0 : i32
    %dma_wait3A_57 = tpu.memref_slice %arg11[%dma_wait3A_55, %dma_wait3A_56] : memref<10240x128xf32, #tpu.memory_space<vmem_shared>> -> memref<10240x128xf32, #tpu.memory_space<vmem_shared>>
    tpu.wait_indirect_dma semaphore(%arg9 : memref<!tpu.dma_semaphore, #tpu.memory_space<semaphore_mem>>) src(%dma_wait3A_57 : memref<10240x128xf32, #tpu.memory_space<vmem_shared>>) dst(%dma_wait3A_51 : memref<64x128xf32, #tpu.memory_space<vmem>>)
    %mul3A_58 = arith.constant 10240 : i32
    %mul3A_59 = arith.muli %arg0, %mul3A_58 : i32
    %add3A_60 = arith.addi %mul3A_59, %mul3A_2 : i32
    %add3A_61 = arith.constant 0 : i32
    %add3A_62 = arith.addi %add3A_60, %add3A_61 : i32
    %run_scoped3A_63 = arith.constant 0 : i32
    "tpu.region"() ({
      %run_scoped3A_334 = tpu.sem_alloc : memref<!tpu.dma_semaphore, #tpu.memory_space<semaphore_mem>>
      %dma_start3A_335 = arith.constant 0 : i32
      %dma_start3A_336 = arith.constant 0 : i32
      %dma_start3A_337 = tpu.memref_slice %arg8[%run_scoped3A_63, %dma_start3A_335, %dma_start3A_336] : memref<4x64x128xf32, #tpu.memory_space<vmem>> -> memref<1x64x128xf32, #tpu.memory_space<vmem>>
      %dma_start3A_338 = tpu.memref_squeeze %dma_start3A_337 : memref<1x64x128xf32, #tpu.memory_space<vmem>> -> memref<64x128xf32, #tpu.memory_space<vmem>>
      %dma_start3A_339 = arith.constant 0 : i32
      %dma_start3A_340 = tpu.memref_slice %arg5[%add3A_62, %dma_start3A_339] : memref<20480x128xf32, #tpu.memory_space<hbm>> -> memref<64x128xf32, #tpu.memory_space<hbm>>
      %dma_start3A_341 = arith.constant 0 : i32
      %dma_start3A_342 = tpu.memref_slice %arg5[%add3A_62, %dma_start3A_341] : memref<20480x128xf32, #tpu.memory_space<hbm>> -> memref<64x128xf32, #tpu.memory_space<hbm>>
      %dma_start3A_343 = arith.constant 0 : i32
      %dma_start3A_344 = arith.constant 0 : i32
      %dma_start3A_345 = tpu.memref_slice %arg8[%run_scoped3A_63, %dma_start3A_343, %dma_start3A_344] : memref<4x64x128xf32, #tpu.memory_space<vmem>> -> memref<1x64x128xf32, #tpu.memory_space<vmem>>
      %dma_start3A_346 = tpu.memref_squeeze %dma_start3A_345 : memref<1x64x128xf32, #tpu.memory_space<vmem>> -> memref<64x128xf32, #tpu.memory_space<vmem>>
      tpu.enqueue_dma source(%dma_start3A_346 : memref<64x128xf32, #tpu.memory_space<vmem>>) target(%dma_start3A_342 : memref<64x128xf32, #tpu.memory_space<hbm>>) target_semaphore(%run_scoped3A_334 : memref<!tpu.dma_semaphore, #tpu.memory_space<semaphore_mem>>)
      %dma_wait3A_347 = arith.constant 0 : i32
      %dma_wait3A_348 = arith.constant 0 : i32
      %dma_wait3A_349 = tpu.memref_slice %arg8[%run_scoped3A_63, %dma_wait3A_347, %dma_wait3A_348] : memref<4x64x128xf32, #tpu.memory_space<vmem>> -> memref<1x64x128xf32, #tpu.memory_space<vmem>>
      %dma_wait3A_350 = tpu.memref_squeeze %dma_wait3A_349 : memref<1x64x128xf32, #tpu.memory_space<vmem>> -> memref<64x128xf32, #tpu.memory_space<vmem>>
      %dma_wait3A_351 = arith.constant 0 : i32
      %dma_wait3A_352 = tpu.memref_slice %arg5[%add3A_62, %dma_wait3A_351] : memref<20480x128xf32, #tpu.memory_space<hbm>> -> memref<64x128xf32, #tpu.memory_space<hbm>>
      %dma_wait3A_353 = arith.constant 0 : i32
      %dma_wait3A_354 = tpu.memref_slice %arg5[%add3A_62, %dma_wait3A_353] : memref<20480x128xf32, #tpu.memory_space<hbm>> -> memref<64x128xf32, #tpu.memory_space<hbm>>
      %dma_wait3A_355 = arith.constant 0 : i32
      %dma_wait3A_356 = arith.constant 0 : i32
      %dma_wait3A_357 = tpu.memref_slice %arg8[%run_scoped3A_63, %dma_wait3A_355, %dma_wait3A_356] : memref<4x64x128xf32, #tpu.memory_space<vmem>> -> memref<1x64x128xf32, #tpu.memory_space<vmem>>
      %dma_wait3A_358 = tpu.memref_squeeze %dma_wait3A_357 : memref<1x64x128xf32, #tpu.memory_space<vmem>> -> memref<64x128xf32, #tpu.memory_space<vmem>>
      tpu.wait_dma2 semaphore(%run_scoped3A_334 : memref<!tpu.dma_semaphore, #tpu.memory_space<semaphore_mem>>) src(%dma_wait3A_358 : memref<64x128xf32, #tpu.memory_space<vmem>>) dst(%dma_wait3A_354 : memref<64x128xf32, #tpu.memory_space<hbm>>)
      tpu.yield
    }) : () -> ()
    %dma_start3A_64 = arith.constant 1 : i32
    %dma_start3A_65 = arith.constant 0 : i32
    %dma_start3A_66 = arith.constant 0 : i32
    %dma_start3A_67 = arith.constant 0 : i32
    %dma_start3A_68 = tpu.memref_slice %arg8[%dma_start3A_65, %dma_start3A_66, %dma_start3A_67] : memref<4x64x128xf32, #tpu.memory_space<vmem>> -> memref<1x64x128xf32, #tpu.memory_space<vmem>>
    %dma_start3A_69 = tpu.memref_squeeze %dma_start3A_68 : memref<1x64x128xf32, #tpu.memory_space<vmem>> -> memref<64x128xf32, #tpu.memory_space<vmem>>
    %dma_start3A_70 = arith.constant 0 : i32
    %dma_start3A_71 = tpu.memref_slice %arg7[%dma_start3A_64, %dma_start3A_70] : memref<10x64xi32, #tpu.memory_space<vmem>> -> memref<1x64xi32, #tpu.memory_space<vmem>>
    %dma_start3A_72 = tpu.memref_squeeze %dma_start3A_71 : memref<1x64xi32, #tpu.memory_space<vmem>> -> memref<64xi32, #tpu.memory_space<vmem>>
    %dma_start3A_73 = arith.constant 0 : i32
    %dma_start3A_74 = arith.constant 0 : i32
    %dma_start3A_75 = tpu.memref_slice %arg11[%dma_start3A_73, %dma_start3A_74] : memref<10240x128xf32, #tpu.memory_space<vmem_shared>> -> memref<10240x128xf32, #tpu.memory_space<vmem_shared>>
    tpu.enqueue_indirect_dma source(%dma_start3A_75 : memref<10240x128xf32, #tpu.memory_space<vmem_shared>>) target(%dma_start3A_69 : memref<64x128xf32, #tpu.memory_space<vmem>>) offsets(%dma_start3A_72 : memref<64xi32, #tpu.memory_space<vmem>>) semaphore(%arg9 : memref<!tpu.dma_semaphore, #tpu.memory_space<semaphore_mem>>)
    %dma_wait3A_76 = arith.constant 1 : i32
    %dma_wait3A_77 = arith.constant 0 : i32
    %dma_wait3A_78 = arith.constant 0 : i32
    %dma_wait3A_79 = arith.constant 0 : i32
    %dma_wait3A_80 = tpu.memref_slice %arg8[%dma_wait3A_77, %dma_wait3A_78, %dma_wait3A_79] : memref<4x64x128xf32, #tpu.memory_space<vmem>> -> memref<1x64x128xf32, #tpu.memory_space<vmem>>
    %dma_wait3A_81 = tpu.memref_squeeze %dma_wait3A_80 : memref<1x64x128xf32, #tpu.memory_space<vmem>> -> memref<64x128xf32, #tpu.memory_space<vmem>>
    %dma_wait3A_82 = arith.constant 0 : i32
    %dma_wait3A_83 = tpu.memref_slice %arg7[%dma_wait3A_76, %dma_wait3A_82] : memref<10x64xi32, #tpu.memory_space<vmem>> -> memref<1x64xi32, #tpu.memory_space<vmem>>
    %dma_wait3A_84 = tpu.memref_squeeze %dma_wait3A_83 : memref<1x64xi32, #tpu.memory_space<vmem>> -> memref<64xi32, #tpu.memory_space<vmem>>
    %dma_wait3A_85 = arith.constant 0 : i32
    %dma_wait3A_86 = arith.constant 0 : i32
    %dma_wait3A_87 = tpu.memref_slice %arg11[%dma_wait3A_85, %dma_wait3A_86] : memref<10240x128xf32, #tpu.memory_space<vmem_shared>> -> memref<10240x128xf32, #tpu.memory_space<vmem_shared>>
    tpu.wait_indirect_dma semaphore(%arg9 : memref<!tpu.dma_semaphore, #tpu.memory_space<semaphore_mem>>) src(%dma_wait3A_87 : memref<10240x128xf32, #tpu.memory_space<vmem_shared>>) dst(%dma_wait3A_81 : memref<64x128xf32, #tpu.memory_space<vmem>>)
    %mul3A_88 = arith.constant 10240 : i32
    %mul3A_89 = arith.muli %arg0, %mul3A_88 : i32
    %add3A_90 = arith.addi %mul3A_89, %mul3A_2 : i32
    %add3A_91 = arith.constant 64 : i32
    %add3A_92 = arith.addi %add3A_90, %add3A_91 : i32
    %run_scoped3A_93 = arith.constant 0 : i32
    "tpu.region"() ({
      %run_scoped3A_334 = tpu.sem_alloc : memref<!tpu.dma_semaphore, #tpu.memory_space<semaphore_mem>>
      %dma_start3A_335 = arith.constant 0 : i32
      %dma_start3A_336 = arith.constant 0 : i32
      %dma_start3A_337 = tpu.memref_slice %arg8[%run_scoped3A_93, %dma_start3A_335, %dma_start3A_336] : memref<4x64x128xf32, #tpu.memory_space<vmem>> -> memref<1x64x128xf32, #tpu.memory_space<vmem>>
      %dma_start3A_338 = tpu.memref_squeeze %dma_start3A_337 : memref<1x64x128xf32, #tpu.memory_space<vmem>> -> memref<64x128xf32, #tpu.memory_space<vmem>>
      %dma_start3A_339 = arith.constant 0 : i32
      %dma_start3A_340 = tpu.memref_slice %arg5[%add3A_92, %dma_start3A_339] : memref<20480x128xf32, #tpu.memory_space<hbm>> -> memref<64x128xf32, #tpu.memory_space<hbm>>
      %dma_start3A_341 = arith.constant 0 : i32
      %dma_start3A_342 = tpu.memref_slice %arg5[%add3A_92, %dma_start3A_341] : memref<20480x128xf32, #tpu.memory_space<hbm>> -> memref<64x128xf32, #tpu.memory_space<hbm>>
      %dma_start3A_343 = arith.constant 0 : i32
      %dma_start3A_344 = arith.constant 0 : i32
      %dma_start3A_345 = tpu.memref_slice %arg8[%run_scoped3A_93, %dma_start3A_343, %dma_start3A_344] : memref<4x64x128xf32, #tpu.memory_space<vmem>> -> memref<1x64x128xf32, #tpu.memory_space<vmem>>
      %dma_start3A_346 = tpu.memref_squeeze %dma_start3A_345 : memref<1x64x128xf32, #tpu.memory_space<vmem>> -> memref<64x128xf32, #tpu.memory_space<vmem>>
      tpu.enqueue_dma source(%dma_start3A_346 : memref<64x128xf32, #tpu.memory_space<vmem>>) target(%dma_start3A_342 : memref<64x128xf32, #tpu.memory_space<hbm>>) target_semaphore(%run_scoped3A_334 : memref<!tpu.dma_semaphore, #tpu.memory_space<semaphore_mem>>)
      %dma_wait3A_347 = arith.constant 0 : i32
      %dma_wait3A_348 = arith.constant 0 : i32
      %dma_wait3A_349 = tpu.memref_slice %arg8[%run_scoped3A_93, %dma_wait3A_347, %dma_wait3A_348] : memref<4x64x128xf32, #tpu.memory_space<vmem>> -> memref<1x64x128xf32, #tpu.memory_space<vmem>>
      %dma_wait3A_350 = tpu.memref_squeeze %dma_wait3A_349 : memref<1x64x128xf32, #tpu.memory_space<vmem>> -> memref<64x128xf32, #tpu.memory_space<vmem>>
      %dma_wait3A_351 = arith.constant 0 : i32
      %dma_wait3A_352 = tpu.memref_slice %arg5[%add3A_92, %dma_wait3A_351] : memref<20480x128xf32, #tpu.memory_space<hbm>> -> memref<64x128xf32, #tpu.memory_space<hbm>>
      %dma_wait3A_353 = arith.constant 0 : i32
      %dma_wait3A_354 = tpu.memref_slice %arg5[%add3A_92, %dma_wait3A_353] : memref<20480x128xf32, #tpu.memory_space<hbm>> -> memref<64x128xf32, #tpu.memory_space<hbm>>
      %dma_wait3A_355 = arith.constant 0 : i32
      %dma_wait3A_356 = arith.constant 0 : i32
      %dma_wait3A_357 = tpu.memref_slice %arg8[%run_scoped3A_93, %dma_wait3A_355, %dma_wait3A_356] : memref<4x64x128xf32, #tpu.memory_space<vmem>> -> memref<1x64x128xf32, #tpu.memory_space<vmem>>
      %dma_wait3A_358 = tpu.memref_squeeze %dma_wait3A_357 : memref<1x64x128xf32, #tpu.memory_space<vmem>> -> memref<64x128xf32, #tpu.memory_space<vmem>>
      tpu.wait_dma2 semaphore(%run_scoped3A_334 : memref<!tpu.dma_semaphore, #tpu.memory_space<semaphore_mem>>) src(%dma_wait3A_358 : memref<64x128xf32, #tpu.memory_space<vmem>>) dst(%dma_wait3A_354 : memref<64x128xf32, #tpu.memory_space<hbm>>)
      tpu.yield
    }) : () -> ()
    %dma_start3A_94 = arith.constant 2 : i32
    %dma_start3A_95 = arith.constant 0 : i32
    %dma_start3A_96 = arith.constant 0 : i32
    %dma_start3A_97 = arith.constant 0 : i32
    %dma_start3A_98 = tpu.memref_slice %arg8[%dma_start3A_95, %dma_start3A_96, %dma_start3A_97] : memref<4x64x128xf32, #tpu.memory_space<vmem>> -> memref<1x64x128xf32, #tpu.memory_space<vmem>>
    %dma_start3A_99 = tpu.memref_squeeze %dma_start3A_98 : memref<1x64x128xf32, #tpu.memory_space<vmem>> -> memref<64x128xf32, #tpu.memory_space<vmem>>
    %dma_start3A_100 = arith.constant 0 : i32
    %dma_start3A_101 = tpu.memref_slice %arg7[%dma_start3A_94, %dma_start3A_100] : memref<10x64xi32, #tpu.memory_space<vmem>> -> memref<1x64xi32, #tpu.memory_space<vmem>>
    %dma_start3A_102 = tpu.memref_squeeze %dma_start3A_101 : memref<1x64xi32, #tpu.memory_space<vmem>> -> memref<64xi32, #tpu.memory_space<vmem>>
    %dma_start3A_103 = arith.constant 0 : i32
    %dma_start3A_104 = arith.constant 0 : i32
    %dma_start3A_105 = tpu.memref_slice %arg11[%dma_start3A_103, %dma_start3A_104] : memref<10240x128xf32, #tpu.memory_space<vmem_shared>> -> memref<10240x128xf32, #tpu.memory_space<vmem_shared>>
    tpu.enqueue_indirect_dma source(%dma_start3A_105 : memref<10240x128xf32, #tpu.memory_space<vmem_shared>>) target(%dma_start3A_99 : memref<64x128xf32, #tpu.memory_space<vmem>>) offsets(%dma_start3A_102 : memref<64xi32, #tpu.memory_space<vmem>>) semaphore(%arg9 : memref<!tpu.dma_semaphore, #tpu.memory_space<semaphore_mem>>)
    %dma_wait3A_106 = arith.constant 2 : i32
    %dma_wait3A_107 = arith.constant 0 : i32
    %dma_wait3A_108 = arith.constant 0 : i32
    %dma_wait3A_109 = arith.constant 0 : i32
    %dma_wait3A_110 = tpu.memref_slice %arg8[%dma_wait3A_107, %dma_wait3A_108, %dma_wait3A_109] : memref<4x64x128xf32, #tpu.memory_space<vmem>> -> memref<1x64x128xf32, #tpu.memory_space<vmem>>
    %dma_wait3A_111 = tpu.memref_squeeze %dma_wait3A_110 : memref<1x64x128xf32, #tpu.memory_space<vmem>> -> memref<64x128xf32, #tpu.memory_space<vmem>>
    %dma_wait3A_112 = arith.constant 0 : i32
    %dma_wait3A_113 = tpu.memref_slice %arg7[%dma_wait3A_106, %dma_wait3A_112] : memref<10x64xi32, #tpu.memory_space<vmem>> -> memref<1x64xi32, #tpu.memory_space<vmem>>
    %dma_wait3A_114 = tpu.memref_squeeze %dma_wait3A_113 : memref<1x64xi32, #tpu.memory_space<vmem>> -> memref<64xi32, #tpu.memory_space<vmem>>
    %dma_wait3A_115 = arith.constant 0 : i32
    %dma_wait3A_116 = arith.constant 0 : i32
    %dma_wait3A_117 = tpu.memref_slice %arg11[%dma_wait3A_115, %dma_wait3A_116] : memref<10240x128xf32, #tpu.memory_space<vmem_shared>> -> memref<10240x128xf32, #tpu.memory_space<vmem_shared>>
    tpu.wait_indirect_dma semaphore(%arg9 : memref<!tpu.dma_semaphore, #tpu.memory_space<semaphore_mem>>) src(%dma_wait3A_117 : memref<10240x128xf32, #tpu.memory_space<vmem_shared>>) dst(%dma_wait3A_111 : memref<64x128xf32, #tpu.memory_space<vmem>>)
    %mul3A_118 = arith.constant 10240 : i32
    %mul3A_119 = arith.muli %arg0, %mul3A_118 : i32
    %add3A_120 = arith.addi %mul3A_119, %mul3A_2 : i32
    %add3A_121 = arith.constant 128 : i32
    %add3A_122 = arith.addi %add3A_120, %add3A_121 : i32
    %run_scoped3A_123 = arith.constant 0 : i32
    "tpu.region"() ({
      %run_scoped3A_334 = tpu.sem_alloc : memref<!tpu.dma_semaphore, #tpu.memory_space<semaphore_mem>>
      %dma_start3A_335 = arith.constant 0 : i32
      %dma_start3A_336 = arith.constant 0 : i32
      %dma_start3A_337 = tpu.memref_slice %arg8[%run_scoped3A_123, %dma_start3A_335, %dma_start3A_336] : memref<4x64x128xf32, #tpu.memory_space<vmem>> -> memref<1x64x128xf32, #tpu.memory_space<vmem>>
      %dma_start3A_338 = tpu.memref_squeeze %dma_start3A_337 : memref<1x64x128xf32, #tpu.memory_space<vmem>> -> memref<64x128xf32, #tpu.memory_space<vmem>>
      %dma_start3A_339 = arith.constant 0 : i32
      %dma_start3A_340 = tpu.memref_slice %arg5[%add3A_122, %dma_start3A_339] : memref<20480x128xf32, #tpu.memory_space<hbm>> -> memref<64x128xf32, #tpu.memory_space<hbm>>
      %dma_start3A_341 = arith.constant 0 : i32
      %dma_start3A_342 = tpu.memref_slice %arg5[%add3A_122, %dma_start3A_341] : memref<20480x128xf32, #tpu.memory_space<hbm>> -> memref<64x128xf32, #tpu.memory_space<hbm>>
      %dma_start3A_343 = arith.constant 0 : i32
      %dma_start3A_344 = arith.constant 0 : i32
      %dma_start3A_345 = tpu.memref_slice %arg8[%run_scoped3A_123, %dma_start3A_343, %dma_start3A_344] : memref<4x64x128xf32, #tpu.memory_space<vmem>> -> memref<1x64x128xf32, #tpu.memory_space<vmem>>
      %dma_start3A_346 = tpu.memref_squeeze %dma_start3A_345 : memref<1x64x128xf32, #tpu.memory_space<vmem>> -> memref<64x128xf32, #tpu.memory_space<vmem>>
      tpu.enqueue_dma source(%dma_start3A_346 : memref<64x128xf32, #tpu.memory_space<vmem>>) target(%dma_start3A_342 : memref<64x128xf32, #tpu.memory_space<hbm>>) target_semaphore(%run_scoped3A_334 : memref<!tpu.dma_semaphore, #tpu.memory_space<semaphore_mem>>)
      %dma_wait3A_347 = arith.constant 0 : i32
      %dma_wait3A_348 = arith.constant 0 : i32
      %dma_wait3A_349 = tpu.memref_slice %arg8[%run_scoped3A_123, %dma_wait3A_347, %dma_wait3A_348] : memref<4x64x128xf32, #tpu.memory_space<vmem>> -> memref<1x64x128xf32, #tpu.memory_space<vmem>>
      %dma_wait3A_350 = tpu.memref_squeeze %dma_wait3A_349 : memref<1x64x128xf32, #tpu.memory_space<vmem>> -> memref<64x128xf32, #tpu.memory_space<vmem>>
      %dma_wait3A_351 = arith.constant 0 : i32
      %dma_wait3A_352 = tpu.memref_slice %arg5[%add3A_122, %dma_wait3A_351] : memref<20480x128xf32, #tpu.memory_space<hbm>> -> memref<64x128xf32, #tpu.memory_space<hbm>>
      %dma_wait3A_353 = arith.constant 0 : i32
      %dma_wait3A_354 = tpu.memref_slice %arg5[%add3A_122, %dma_wait3A_353] : memref<20480x128xf32, #tpu.memory_space<hbm>> -> memref<64x128xf32, #tpu.memory_space<hbm>>
      %dma_wait3A_355 = arith.constant 0 : i32
      %dma_wait3A_356 = arith.constant 0 : i32
      %dma_wait3A_357 = tpu.memref_slice %arg8[%run_scoped3A_123, %dma_wait3A_355, %dma_wait3A_356] : memref<4x64x128xf32, #tpu.memory_space<vmem>> -> memref<1x64x128xf32, #tpu.memory_space<vmem>>
      %dma_wait3A_358 = tpu.memref_squeeze %dma_wait3A_357 : memref<1x64x128xf32, #tpu.memory_space<vmem>> -> memref<64x128xf32, #tpu.memory_space<vmem>>
      tpu.wait_dma2 semaphore(%run_scoped3A_334 : memref<!tpu.dma_semaphore, #tpu.memory_space<semaphore_mem>>) src(%dma_wait3A_358 : memref<64x128xf32, #tpu.memory_space<vmem>>) dst(%dma_wait3A_354 : memref<64x128xf32, #tpu.memory_space<hbm>>)
      tpu.yield
    }) : () -> ()
    %dma_start3A_124 = arith.constant 3 : i32
    %dma_start3A_125 = arith.constant 0 : i32
    %dma_start3A_126 = arith.constant 0 : i32
    %dma_start3A_127 = arith.constant 0 : i32
    %dma_start3A_128 = tpu.memref_slice %arg8[%dma_start3A_125, %dma_start3A_126, %dma_start3A_127] : memref<4x64x128xf32, #tpu.memory_space<vmem>> -> memref<1x64x128xf32, #tpu.memory_space<vmem>>
    %dma_start3A_129 = tpu.memref_squeeze %dma_start3A_128 : memref<1x64x128xf32, #tpu.memory_space<vmem>> -> memref<64x128xf32, #tpu.memory_space<vmem>>
    %dma_start3A_130 = arith.constant 0 : i32
    %dma_start3A_131 = tpu.memref_slice %arg7[%dma_start3A_124, %dma_start3A_130] : memref<10x64xi32, #tpu.memory_space<vmem>> -> memref<1x64xi32, #tpu.memory_space<vmem>>
    %dma_start3A_132 = tpu.memref_squeeze %dma_start3A_131 : memref<1x64xi32, #tpu.memory_space<vmem>> -> memref<64xi32, #tpu.memory_space<vmem>>
    %dma_start3A_133 = arith.constant 0 : i32
    %dma_start3A_134 = arith.constant 0 : i32
    %dma_start3A_135 = tpu.memref_slice %arg11[%dma_start3A_133, %dma_start3A_134] : memref<10240x128xf32, #tpu.memory_space<vmem_shared>> -> memref<10240x128xf32, #tpu.memory_space<vmem_shared>>
    tpu.enqueue_indirect_dma source(%dma_start3A_135 : memref<10240x128xf32, #tpu.memory_space<vmem_shared>>) target(%dma_start3A_129 : memref<64x128xf32, #tpu.memory_space<vmem>>) offsets(%dma_start3A_132 : memref<64xi32, #tpu.memory_space<vmem>>) semaphore(%arg9 : memref<!tpu.dma_semaphore, #tpu.memory_space<semaphore_mem>>)
    %dma_wait3A_136 = arith.constant 3 : i32
    %dma_wait3A_137 = arith.constant 0 : i32
    %dma_wait3A_138 = arith.constant 0 : i32
    %dma_wait3A_139 = arith.constant 0 : i32
    %dma_wait3A_140 = tpu.memref_slice %arg8[%dma_wait3A_137, %dma_wait3A_138, %dma_wait3A_139] : memref<4x64x128xf32, #tpu.memory_space<vmem>> -> memref<1x64x128xf32, #tpu.memory_space<vmem>>
    %dma_wait3A_141 = tpu.memref_squeeze %dma_wait3A_140 : memref<1x64x128xf32, #tpu.memory_space<vmem>> -> memref<64x128xf32, #tpu.memory_space<vmem>>
    %dma_wait3A_142 = arith.constant 0 : i32
    %dma_wait3A_143 = tpu.memref_slice %arg7[%dma_wait3A_136, %dma_wait3A_142] : memref<10x64xi32, #tpu.memory_space<vmem>> -> memref<1x64xi32, #tpu.memory_space<vmem>>
    %dma_wait3A_144 = tpu.memref_squeeze %dma_wait3A_143 : memref<1x64xi32, #tpu.memory_space<vmem>> -> memref<64xi32, #tpu.memory_space<vmem>>
    %dma_wait3A_145 = arith.constant 0 : i32
    %dma_wait3A_146 = arith.constant 0 : i32
    %dma_wait3A_147 = tpu.memref_slice %arg11[%dma_wait3A_145, %dma_wait3A_146] : memref<10240x128xf32, #tpu.memory_space<vmem_shared>> -> memref<10240x128xf32, #tpu.memory_space<vmem_shared>>
    tpu.wait_indirect_dma semaphore(%arg9 : memref<!tpu.dma_semaphore, #tpu.memory_space<semaphore_mem>>) src(%dma_wait3A_147 : memref<10240x128xf32, #tpu.memory_space<vmem_shared>>) dst(%dma_wait3A_141 : memref<64x128xf32, #tpu.memory_space<vmem>>)
    %mul3A_148 = arith.constant 10240 : i32
    %mul3A_149 = arith.muli %arg0, %mul3A_148 : i32
    %add3A_150 = arith.addi %mul3A_149, %mul3A_2 : i32
    %add3A_151 = arith.constant 192 : i32
    %add3A_152 = arith.addi %add3A_150, %add3A_151 : i32
    %run_scoped3A_153 = arith.constant 0 : i32
    "tpu.region"() ({
      %run_scoped3A_334 = tpu.sem_alloc : memref<!tpu.dma_semaphore, #tpu.memory_space<semaphore_mem>>
      %dma_start3A_335 = arith.constant 0 : i32
      %dma_start3A_336 = arith.constant 0 : i32
      %dma_start3A_337 = tpu.memref_slice %arg8[%run_scoped3A_153, %dma_start3A_335, %dma_start3A_336] : memref<4x64x128xf32, #tpu.memory_space<vmem>> -> memref<1x64x128xf32, #tpu.memory_space<vmem>>
      %dma_start3A_338 = tpu.memref_squeeze %dma_start3A_337 : memref<1x64x128xf32, #tpu.memory_space<vmem>> -> memref<64x128xf32, #tpu.memory_space<vmem>>
      %dma_start3A_339 = arith.constant 0 : i32
      %dma_start3A_340 = tpu.memref_slice %arg5[%add3A_152, %dma_start3A_339] : memref<20480x128xf32, #tpu.memory_space<hbm>> -> memref<64x128xf32, #tpu.memory_space<hbm>>
      %dma_start3A_341 = arith.constant 0 : i32
      %dma_start3A_342 = tpu.memref_slice %arg5[%add3A_152, %dma_start3A_341] : memref<20480x128xf32, #tpu.memory_space<hbm>> -> memref<64x128xf32, #tpu.memory_space<hbm>>
      %dma_start3A_343 = arith.constant 0 : i32
      %dma_start3A_344 = arith.constant 0 : i32
      %dma_start3A_345 = tpu.memref_slice %arg8[%run_scoped3A_153, %dma_start3A_343, %dma_start3A_344] : memref<4x64x128xf32, #tpu.memory_space<vmem>> -> memref<1x64x128xf32, #tpu.memory_space<vmem>>
      %dma_start3A_346 = tpu.memref_squeeze %dma_start3A_345 : memref<1x64x128xf32, #tpu.memory_space<vmem>> -> memref<64x128xf32, #tpu.memory_space<vmem>>
      tpu.enqueue_dma source(%dma_start3A_346 : memref<64x128xf32, #tpu.memory_space<vmem>>) target(%dma_start3A_342 : memref<64x128xf32, #tpu.memory_space<hbm>>) target_semaphore(%run_scoped3A_334 : memref<!tpu.dma_semaphore, #tpu.memory_space<semaphore_mem>>)
      %dma_wait3A_347 = arith.constant 0 : i32
      %dma_wait3A_348 = arith.constant 0 : i32
      %dma_wait3A_349 = tpu.memref_slice %arg8[%run_scoped3A_153, %dma_wait3A_347, %dma_wait3A_348] : memref<4x64x128xf32, #tpu.memory_space<vmem>> -> memref<1x64x128xf32, #tpu.memory_space<vmem>>
      %dma_wait3A_350 = tpu.memref_squeeze %dma_wait3A_349 : memref<1x64x128xf32, #tpu.memory_space<vmem>> -> memref<64x128xf32, #tpu.memory_space<vmem>>
      %dma_wait3A_351 = arith.constant 0 : i32
      %dma_wait3A_352 = tpu.memref_slice %arg5[%add3A_152, %dma_wait3A_351] : memref<20480x128xf32, #tpu.memory_space<hbm>> -> memref<64x128xf32, #tpu.memory_space<hbm>>
      %dma_wait3A_353 = arith.constant 0 : i32
      %dma_wait3A_354 = tpu.memref_slice %arg5[%add3A_152, %dma_wait3A_353] : memref<20480x128xf32, #tpu.memory_space<hbm>> -> memref<64x128xf32, #tpu.memory_space<hbm>>
      %dma_wait3A_355 = arith.constant 0 : i32
      %dma_wait3A_356 = arith.constant 0 : i32
      %dma_wait3A_357 = tpu.memref_slice %arg8[%run_scoped3A_153, %dma_wait3A_355, %dma_wait3A_356] : memref<4x64x128xf32, #tpu.memory_space<vmem>> -> memref<1x64x128xf32, #tpu.memory_space<vmem>>
      %dma_wait3A_358 = tpu.memref_squeeze %dma_wait3A_357 : memref<1x64x128xf32, #tpu.memory_space<vmem>> -> memref<64x128xf32, #tpu.memory_space<vmem>>
      tpu.wait_dma2 semaphore(%run_scoped3A_334 : memref<!tpu.dma_semaphore, #tpu.memory_space<semaphore_mem>>) src(%dma_wait3A_358 : memref<64x128xf32, #tpu.memory_space<vmem>>) dst(%dma_wait3A_354 : memref<64x128xf32, #tpu.memory_space<hbm>>)
      tpu.yield
    }) : () -> ()
    %dma_start3A_154 = arith.constant 4 : i32
    %dma_start3A_155 = arith.constant 0 : i32
    %dma_start3A_156 = arith.constant 0 : i32
    %dma_start3A_157 = arith.constant 0 : i32
    %dma_start3A_158 = tpu.memref_slice %arg8[%dma_start3A_155, %dma_start3A_156, %dma_start3A_157] : memref<4x64x128xf32, #tpu.memory_space<vmem>> -> memref<1x64x128xf32, #tpu.memory_space<vmem>>
    %dma_start3A_159 = tpu.memref_squeeze %dma_start3A_158 : memref<1x64x128xf32, #tpu.memory_space<vmem>> -> memref<64x128xf32, #tpu.memory_space<vmem>>
    %dma_start3A_160 = arith.constant 0 : i32
    %dma_start3A_161 = tpu.memref_slice %arg7[%dma_start3A_154, %dma_start3A_160] : memref<10x64xi32, #tpu.memory_space<vmem>> -> memref<1x64xi32, #tpu.memory_space<vmem>>
    %dma_start3A_162 = tpu.memref_squeeze %dma_start3A_161 : memref<1x64xi32, #tpu.memory_space<vmem>> -> memref<64xi32, #tpu.memory_space<vmem>>
    %dma_start3A_163 = arith.constant 0 : i32
    %dma_start3A_164 = arith.constant 0 : i32
    %dma_start3A_165 = tpu.memref_slice %arg11[%dma_start3A_163, %dma_start3A_164] : memref<10240x128xf32, #tpu.memory_space<vmem_shared>> -> memref<10240x128xf32, #tpu.memory_space<vmem_shared>>
    tpu.enqueue_indirect_dma source(%dma_start3A_165 : memref<10240x128xf32, #tpu.memory_space<vmem_shared>>) target(%dma_start3A_159 : memref<64x128xf32, #tpu.memory_space<vmem>>) offsets(%dma_start3A_162 : memref<64xi32, #tpu.memory_space<vmem>>) semaphore(%arg9 : memref<!tpu.dma_semaphore, #tpu.memory_space<semaphore_mem>>)
    %dma_wait3A_166 = arith.constant 4 : i32
    %dma_wait3A_167 = arith.constant 0 : i32
    %dma_wait3A_168 = arith.constant 0 : i32
    %dma_wait3A_169 = arith.constant 0 : i32
    %dma_wait3A_170 = tpu.memref_slice %arg8[%dma_wait3A_167, %dma_wait3A_168, %dma_wait3A_169] : memref<4x64x128xf32, #tpu.memory_space<vmem>> -> memref<1x64x128xf32, #tpu.memory_space<vmem>>
    %dma_wait3A_171 = tpu.memref_squeeze %dma_wait3A_170 : memref<1x64x128xf32, #tpu.memory_space<vmem>> -> memref<64x128xf32, #tpu.memory_space<vmem>>
    %dma_wait3A_172 = arith.constant 0 : i32
    %dma_wait3A_173 = tpu.memref_slice %arg7[%dma_wait3A_166, %dma_wait3A_172] : memref<10x64xi32, #tpu.memory_space<vmem>> -> memref<1x64xi32, #tpu.memory_space<vmem>>
    %dma_wait3A_174 = tpu.memref_squeeze %dma_wait3A_173 : memref<1x64xi32, #tpu.memory_space<vmem>> -> memref<64xi32, #tpu.memory_space<vmem>>
    %dma_wait3A_175 = arith.constant 0 : i32
    %dma_wait3A_176 = arith.constant 0 : i32
    %dma_wait3A_177 = tpu.memref_slice %arg11[%dma_wait3A_175, %dma_wait3A_176] : memref<10240x128xf32, #tpu.memory_space<vmem_shared>> -> memref<10240x128xf32, #tpu.memory_space<vmem_shared>>
    tpu.wait_indirect_dma semaphore(%arg9 : memref<!tpu.dma_semaphore, #tpu.memory_space<semaphore_mem>>) src(%dma_wait3A_177 : memref<10240x128xf32, #tpu.memory_space<vmem_shared>>) dst(%dma_wait3A_171 : memref<64x128xf32, #tpu.memory_space<vmem>>)
    %mul3A_178 = arith.constant 10240 : i32
    %mul3A_179 = arith.muli %arg0, %mul3A_178 : i32
    %add3A_180 = arith.addi %mul3A_179, %mul3A_2 : i32
    %add3A_181 = arith.constant 256 : i32
    %add3A_182 = arith.addi %add3A_180, %add3A_181 : i32
    %run_scoped3A_183 = arith.constant 0 : i32
    "tpu.region"() ({
      %run_scoped3A_334 = tpu.sem_alloc : memref<!tpu.dma_semaphore, #tpu.memory_space<semaphore_mem>>
      %dma_start3A_335 = arith.constant 0 : i32
      %dma_start3A_336 = arith.constant 0 : i32
      %dma_start3A_337 = tpu.memref_slice %arg8[%run_scoped3A_183, %dma_start3A_335, %dma_start3A_336] : memref<4x64x128xf32, #tpu.memory_space<vmem>> -> memref<1x64x128xf32, #tpu.memory_space<vmem>>
      %dma_start3A_338 = tpu.memref_squeeze %dma_start3A_337 : memref<1x64x128xf32, #tpu.memory_space<vmem>> -> memref<64x128xf32, #tpu.memory_space<vmem>>
      %dma_start3A_339 = arith.constant 0 : i32
      %dma_start3A_340 = tpu.memref_slice %arg5[%add3A_182, %dma_start3A_339] : memref<20480x128xf32, #tpu.memory_space<hbm>> -> memref<64x128xf32, #tpu.memory_space<hbm>>
      %dma_start3A_341 = arith.constant 0 : i32
      %dma_start3A_342 = tpu.memref_slice %arg5[%add3A_182, %dma_start3A_341] : memref<20480x128xf32, #tpu.memory_space<hbm>> -> memref<64x128xf32, #tpu.memory_space<hbm>>
      %dma_start3A_343 = arith.constant 0 : i32
      %dma_start3A_344 = arith.constant 0 : i32
      %dma_start3A_345 = tpu.memref_slice %arg8[%run_scoped3A_183, %dma_start3A_343, %dma_start3A_344] : memref<4x64x128xf32, #tpu.memory_space<vmem>> -> memref<1x64x128xf32, #tpu.memory_space<vmem>>
      %dma_start3A_346 = tpu.memref_squeeze %dma_start3A_345 : memref<1x64x128xf32, #tpu.memory_space<vmem>> -> memref<64x128xf32, #tpu.memory_space<vmem>>
      tpu.enqueue_dma source(%dma_start3A_346 : memref<64x128xf32, #tpu.memory_space<vmem>>) target(%dma_start3A_342 : memref<64x128xf32, #tpu.memory_space<hbm>>) target_semaphore(%run_scoped3A_334 : memref<!tpu.dma_semaphore, #tpu.memory_space<semaphore_mem>>)
      %dma_wait3A_347 = arith.constant 0 : i32
      %dma_wait3A_348 = arith.constant 0 : i32
      %dma_wait3A_349 = tpu.memref_slice %arg8[%run_scoped3A_183, %dma_wait3A_347, %dma_wait3A_348] : memref<4x64x128xf32, #tpu.memory_space<vmem>> -> memref<1x64x128xf32, #tpu.memory_space<vmem>>
      %dma_wait3A_350 = tpu.memref_squeeze %dma_wait3A_349 : memref<1x64x128xf32, #tpu.memory_space<vmem>> -> memref<64x128xf32, #tpu.memory_space<vmem>>
      %dma_wait3A_351 = arith.constant 0 : i32
      %dma_wait3A_352 = tpu.memref_slice %arg5[%add3A_182, %dma_wait3A_351] : memref<20480x128xf32, #tpu.memory_space<hbm>> -> memref<64x128xf32, #tpu.memory_space<hbm>>
      %dma_wait3A_353 = arith.constant 0 : i32
      %dma_wait3A_354 = tpu.memref_slice %arg5[%add3A_182, %dma_wait3A_353] : memref<20480x128xf32, #tpu.memory_space<hbm>> -> memref<64x128xf32, #tpu.memory_space<hbm>>
      %dma_wait3A_355 = arith.constant 0 : i32
      %dma_wait3A_356 = arith.constant 0 : i32
      %dma_wait3A_357 = tpu.memref_slice %arg8[%run_scoped3A_183, %dma_wait3A_355, %dma_wait3A_356] : memref<4x64x128xf32, #tpu.memory_space<vmem>> -> memref<1x64x128xf32, #tpu.memory_space<vmem>>
      %dma_wait3A_358 = tpu.memref_squeeze %dma_wait3A_357 : memref<1x64x128xf32, #tpu.memory_space<vmem>> -> memref<64x128xf32, #tpu.memory_space<vmem>>
      tpu.wait_dma2 semaphore(%run_scoped3A_334 : memref<!tpu.dma_semaphore, #tpu.memory_space<semaphore_mem>>) src(%dma_wait3A_358 : memref<64x128xf32, #tpu.memory_space<vmem>>) dst(%dma_wait3A_354 : memref<64x128xf32, #tpu.memory_space<hbm>>)
      tpu.yield
    }) : () -> ()
    %dma_start3A_184 = arith.constant 5 : i32
    %dma_start3A_185 = arith.constant 0 : i32
    %dma_start3A_186 = arith.constant 0 : i32
    %dma_start3A_187 = arith.constant 0 : i32
    %dma_start3A_188 = tpu.memref_slice %arg8[%dma_start3A_185, %dma_start3A_186, %dma_start3A_187] : memref<4x64x128xf32, #tpu.memory_space<vmem>> -> memref<1x64x128xf32, #tpu.memory_space<vmem>>
    %dma_start3A_189 = tpu.memref_squeeze %dma_start3A_188 : memref<1x64x128xf32, #tpu.memory_space<vmem>> -> memref<64x128xf32, #tpu.memory_space<vmem>>
    %dma_start3A_190 = arith.constant 0 : i32
    %dma_start3A_191 = tpu.memref_slice %arg7[%dma_start3A_184, %dma_start3A_190] : memref<10x64xi32, #tpu.memory_space<vmem>> -> memref<1x64xi32, #tpu.memory_space<vmem>>
    %dma_start3A_192 = tpu.memref_squeeze %dma_start3A_191 : memref<1x64xi32, #tpu.memory_space<vmem>> -> memref<64xi32, #tpu.memory_space<vmem>>
    %dma_start3A_193 = arith.constant 0 : i32
    %dma_start3A_194 = arith.constant 0 : i32
    %dma_start3A_195 = tpu.memref_slice %arg11[%dma_start3A_193, %dma_start3A_194] : memref<10240x128xf32, #tpu.memory_space<vmem_shared>> -> memref<10240x128xf32, #tpu.memory_space<vmem_shared>>
    tpu.enqueue_indirect_dma source(%dma_start3A_195 : memref<10240x128xf32, #tpu.memory_space<vmem_shared>>) target(%dma_start3A_189 : memref<64x128xf32, #tpu.memory_space<vmem>>) offsets(%dma_start3A_192 : memref<64xi32, #tpu.memory_space<vmem>>) semaphore(%arg9 : memref<!tpu.dma_semaphore, #tpu.memory_space<semaphore_mem>>)
    %dma_wait3A_196 = arith.constant 5 : i32
    %dma_wait3A_197 = arith.constant 0 : i32
    %dma_wait3A_198 = arith.constant 0 : i32
    %dma_wait3A_199 = arith.constant 0 : i32
    %dma_wait3A_200 = tpu.memref_slice %arg8[%dma_wait3A_197, %dma_wait3A_198, %dma_wait3A_199] : memref<4x64x128xf32, #tpu.memory_space<vmem>> -> memref<1x64x128xf32, #tpu.memory_space<vmem>>
    %dma_wait3A_201 = tpu.memref_squeeze %dma_wait3A_200 : memref<1x64x128xf32, #tpu.memory_space<vmem>> -> memref<64x128xf32, #tpu.memory_space<vmem>>
    %dma_wait3A_202 = arith.constant 0 : i32
    %dma_wait3A_203 = tpu.memref_slice %arg7[%dma_wait3A_196, %dma_wait3A_202] : memref<10x64xi32, #tpu.memory_space<vmem>> -> memref<1x64xi32, #tpu.memory_space<vmem>>
    %dma_wait3A_204 = tpu.memref_squeeze %dma_wait3A_203 : memref<1x64xi32, #tpu.memory_space<vmem>> -> memref<64xi32, #tpu.memory_space<vmem>>
    %dma_wait3A_205 = arith.constant 0 : i32
    %dma_wait3A_206 = arith.constant 0 : i32
    %dma_wait3A_207 = tpu.memref_slice %arg11[%dma_wait3A_205, %dma_wait3A_206] : memref<10240x128xf32, #tpu.memory_space<vmem_shared>> -> memref<10240x128xf32, #tpu.memory_space<vmem_shared>>
    tpu.wait_indirect_dma semaphore(%arg9 : memref<!tpu.dma_semaphore, #tpu.memory_space<semaphore_mem>>) src(%dma_wait3A_207 : memref<10240x128xf32, #tpu.memory_space<vmem_shared>>) dst(%dma_wait3A_201 : memref<64x128xf32, #tpu.memory_space<vmem>>)
    %mul3A_208 = arith.constant 10240 : i32
    %mul3A_209 = arith.muli %arg0, %mul3A_208 : i32
    %add3A_210 = arith.addi %mul3A_209, %mul3A_2 : i32
    %add3A_211 = arith.constant 320 : i32
    %add3A_212 = arith.addi %add3A_210, %add3A_211 : i32
    %run_scoped3A_213 = arith.constant 0 : i32
    "tpu.region"() ({
      %run_scoped3A_334 = tpu.sem_alloc : memref<!tpu.dma_semaphore, #tpu.memory_space<semaphore_mem>>
      %dma_start3A_335 = arith.constant 0 : i32
      %dma_start3A_336 = arith.constant 0 : i32
      %dma_start3A_337 = tpu.memref_slice %arg8[%run_scoped3A_213, %dma_start3A_335, %dma_start3A_336] : memref<4x64x128xf32, #tpu.memory_space<vmem>> -> memref<1x64x128xf32, #tpu.memory_space<vmem>>
      %dma_start3A_338 = tpu.memref_squeeze %dma_start3A_337 : memref<1x64x128xf32, #tpu.memory_space<vmem>> -> memref<64x128xf32, #tpu.memory_space<vmem>>
      %dma_start3A_339 = arith.constant 0 : i32
      %dma_start3A_340 = tpu.memref_slice %arg5[%add3A_212, %dma_start3A_339] : memref<20480x128xf32, #tpu.memory_space<hbm>> -> memref<64x128xf32, #tpu.memory_space<hbm>>
      %dma_start3A_341 = arith.constant 0 : i32
      %dma_start3A_342 = tpu.memref_slice %arg5[%add3A_212, %dma_start3A_341] : memref<20480x128xf32, #tpu.memory_space<hbm>> -> memref<64x128xf32, #tpu.memory_space<hbm>>
      %dma_start3A_343 = arith.constant 0 : i32
      %dma_start3A_344 = arith.constant 0 : i32
      %dma_start3A_345 = tpu.memref_slice %arg8[%run_scoped3A_213, %dma_start3A_343, %dma_start3A_344] : memref<4x64x128xf32, #tpu.memory_space<vmem>> -> memref<1x64x128xf32, #tpu.memory_space<vmem>>
      %dma_start3A_346 = tpu.memref_squeeze %dma_start3A_345 : memref<1x64x128xf32, #tpu.memory_space<vmem>> -> memref<64x128xf32, #tpu.memory_space<vmem>>
      tpu.enqueue_dma source(%dma_start3A_346 : memref<64x128xf32, #tpu.memory_space<vmem>>) target(%dma_start3A_342 : memref<64x128xf32, #tpu.memory_space<hbm>>) target_semaphore(%run_scoped3A_334 : memref<!tpu.dma_semaphore, #tpu.memory_space<semaphore_mem>>)
      %dma_wait3A_347 = arith.constant 0 : i32
      %dma_wait3A_348 = arith.constant 0 : i32
      %dma_wait3A_349 = tpu.memref_slice %arg8[%run_scoped3A_213, %dma_wait3A_347, %dma_wait3A_348] : memref<4x64x128xf32, #tpu.memory_space<vmem>> -> memref<1x64x128xf32, #tpu.memory_space<vmem>>
      %dma_wait3A_350 = tpu.memref_squeeze %dma_wait3A_349 : memref<1x64x128xf32, #tpu.memory_space<vmem>> -> memref<64x128xf32, #tpu.memory_space<vmem>>
      %dma_wait3A_351 = arith.constant 0 : i32
      %dma_wait3A_352 = tpu.memref_slice %arg5[%add3A_212, %dma_wait3A_351] : memref<20480x128xf32, #tpu.memory_space<hbm>> -> memref<64x128xf32, #tpu.memory_space<hbm>>
      %dma_wait3A_353 = arith.constant 0 : i32
      %dma_wait3A_354 = tpu.memref_slice %arg5[%add3A_212, %dma_wait3A_353] : memref<20480x128xf32, #tpu.memory_space<hbm>> -> memref<64x128xf32, #tpu.memory_space<hbm>>
      %dma_wait3A_355 = arith.constant 0 : i32
      %dma_wait3A_356 = arith.constant 0 : i32
      %dma_wait3A_357 = tpu.memref_slice %arg8[%run_scoped3A_213, %dma_wait3A_355, %dma_wait3A_356] : memref<4x64x128xf32, #tpu.memory_space<vmem>> -> memref<1x64x128xf32, #tpu.memory_space<vmem>>
      %dma_wait3A_358 = tpu.memref_squeeze %dma_wait3A_357 : memref<1x64x128xf32, #tpu.memory_space<vmem>> -> memref<64x128xf32, #tpu.memory_space<vmem>>
      tpu.wait_dma2 semaphore(%run_scoped3A_334 : memref<!tpu.dma_semaphore, #tpu.memory_space<semaphore_mem>>) src(%dma_wait3A_358 : memref<64x128xf32, #tpu.memory_space<vmem>>) dst(%dma_wait3A_354 : memref<64x128xf32, #tpu.memory_space<hbm>>)
      tpu.yield
    }) : () -> ()
    %dma_start3A_214 = arith.constant 6 : i32
    %dma_start3A_215 = arith.constant 0 : i32
    %dma_start3A_216 = arith.constant 0 : i32
    %dma_start3A_217 = arith.constant 0 : i32
    %dma_start3A_218 = tpu.memref_slice %arg8[%dma_start3A_215, %dma_start3A_216, %dma_start3A_217] : memref<4x64x128xf32, #tpu.memory_space<vmem>> -> memref<1x64x128xf32, #tpu.memory_space<vmem>>
    %dma_start3A_219 = tpu.memref_squeeze %dma_start3A_218 : memref<1x64x128xf32, #tpu.memory_space<vmem>> -> memref<64x128xf32, #tpu.memory_space<vmem>>
    %dma_start3A_220 = arith.constant 0 : i32
    %dma_start3A_221 = tpu.memref_slice %arg7[%dma_start3A_214, %dma_start3A_220] : memref<10x64xi32, #tpu.memory_space<vmem>> -> memref<1x64xi32, #tpu.memory_space<vmem>>
    %dma_start3A_222 = tpu.memref_squeeze %dma_start3A_221 : memref<1x64xi32, #tpu.memory_space<vmem>> -> memref<64xi32, #tpu.memory_space<vmem>>
    %dma_start3A_223 = arith.constant 0 : i32
    %dma_start3A_224 = arith.constant 0 : i32
    %dma_start3A_225 = tpu.memref_slice %arg11[%dma_start3A_223, %dma_start3A_224] : memref<10240x128xf32, #tpu.memory_space<vmem_shared>> -> memref<10240x128xf32, #tpu.memory_space<vmem_shared>>
    tpu.enqueue_indirect_dma source(%dma_start3A_225 : memref<10240x128xf32, #tpu.memory_space<vmem_shared>>) target(%dma_start3A_219 : memref<64x128xf32, #tpu.memory_space<vmem>>) offsets(%dma_start3A_222 : memref<64xi32, #tpu.memory_space<vmem>>) semaphore(%arg9 : memref<!tpu.dma_semaphore, #tpu.memory_space<semaphore_mem>>)
    %dma_wait3A_226 = arith.constant 6 : i32
    %dma_wait3A_227 = arith.constant 0 : i32
    %dma_wait3A_228 = arith.constant 0 : i32
    %dma_wait3A_229 = arith.constant 0 : i32
    %dma_wait3A_230 = tpu.memref_slice %arg8[%dma_wait3A_227, %dma_wait3A_228, %dma_wait3A_229] : memref<4x64x128xf32, #tpu.memory_space<vmem>> -> memref<1x64x128xf32, #tpu.memory_space<vmem>>
    %dma_wait3A_231 = tpu.memref_squeeze %dma_wait3A_230 : memref<1x64x128xf32, #tpu.memory_space<vmem>> -> memref<64x128xf32, #tpu.memory_space<vmem>>
    %dma_wait3A_232 = arith.constant 0 : i32
    %dma_wait3A_233 = tpu.memref_slice %arg7[%dma_wait3A_226, %dma_wait3A_232] : memref<10x64xi32, #tpu.memory_space<vmem>> -> memref<1x64xi32, #tpu.memory_space<vmem>>
    %dma_wait3A_234 = tpu.memref_squeeze %dma_wait3A_233 : memref<1x64xi32, #tpu.memory_space<vmem>> -> memref<64xi32, #tpu.memory_space<vmem>>
    %dma_wait3A_235 = arith.constant 0 : i32
    %dma_wait3A_236 = arith.constant 0 : i32
    %dma_wait3A_237 = tpu.memref_slice %arg11[%dma_wait3A_235, %dma_wait3A_236] : memref<10240x128xf32, #tpu.memory_space<vmem_shared>> -> memref<10240x128xf32, #tpu.memory_space<vmem_shared>>
    tpu.wait_indirect_dma semaphore(%arg9 : memref<!tpu.dma_semaphore, #tpu.memory_space<semaphore_mem>>) src(%dma_wait3A_237 : memref<10240x128xf32, #tpu.memory_space<vmem_shared>>) dst(%dma_wait3A_231 : memref<64x128xf32, #tpu.memory_space<vmem>>)
    %mul3A_238 = arith.constant 10240 : i32
    %mul3A_239 = arith.muli %arg0, %mul3A_238 : i32
    %add3A_240 = arith.addi %mul3A_239, %mul3A_2 : i32
    %add3A_241 = arith.constant 384 : i32
    %add3A_242 = arith.addi %add3A_240, %add3A_241 : i32
    %run_scoped3A_243 = arith.constant 0 : i32
    "tpu.region"() ({
      %run_scoped3A_334 = tpu.sem_alloc : memref<!tpu.dma_semaphore, #tpu.memory_space<semaphore_mem>>
      %dma_start3A_335 = arith.constant 0 : i32
      %dma_start3A_336 = arith.constant 0 : i32
      %dma_start3A_337 = tpu.memref_slice %arg8[%run_scoped3A_243, %dma_start3A_335, %dma_start3A_336] : memref<4x64x128xf32, #tpu.memory_space<vmem>> -> memref<1x64x128xf32, #tpu.memory_space<vmem>>
      %dma_start3A_338 = tpu.memref_squeeze %dma_start3A_337 : memref<1x64x128xf32, #tpu.memory_space<vmem>> -> memref<64x128xf32, #tpu.memory_space<vmem>>
      %dma_start3A_339 = arith.constant 0 : i32
      %dma_start3A_340 = tpu.memref_slice %arg5[%add3A_242, %dma_start3A_339] : memref<20480x128xf32, #tpu.memory_space<hbm>> -> memref<64x128xf32, #tpu.memory_space<hbm>>
      %dma_start3A_341 = arith.constant 0 : i32
      %dma_start3A_342 = tpu.memref_slice %arg5[%add3A_242, %dma_start3A_341] : memref<20480x128xf32, #tpu.memory_space<hbm>> -> memref<64x128xf32, #tpu.memory_space<hbm>>
      %dma_start3A_343 = arith.constant 0 : i32
      %dma_start3A_344 = arith.constant 0 : i32
      %dma_start3A_345 = tpu.memref_slice %arg8[%run_scoped3A_243, %dma_start3A_343, %dma_start3A_344] : memref<4x64x128xf32, #tpu.memory_space<vmem>> -> memref<1x64x128xf32, #tpu.memory_space<vmem>>
      %dma_start3A_346 = tpu.memref_squeeze %dma_start3A_345 : memref<1x64x128xf32, #tpu.memory_space<vmem>> -> memref<64x128xf32, #tpu.memory_space<vmem>>
      tpu.enqueue_dma source(%dma_start3A_346 : memref<64x128xf32, #tpu.memory_space<vmem>>) target(%dma_start3A_342 : memref<64x128xf32, #tpu.memory_space<hbm>>) target_semaphore(%run_scoped3A_334 : memref<!tpu.dma_semaphore, #tpu.memory_space<semaphore_mem>>)
      %dma_wait3A_347 = arith.constant 0 : i32
      %dma_wait3A_348 = arith.constant 0 : i32
      %dma_wait3A_349 = tpu.memref_slice %arg8[%run_scoped3A_243, %dma_wait3A_347, %dma_wait3A_348] : memref<4x64x128xf32, #tpu.memory_space<vmem>> -> memref<1x64x128xf32, #tpu.memory_space<vmem>>
      %dma_wait3A_350 = tpu.memref_squeeze %dma_wait3A_349 : memref<1x64x128xf32, #tpu.memory_space<vmem>> -> memref<64x128xf32, #tpu.memory_space<vmem>>
      %dma_wait3A_351 = arith.constant 0 : i32
      %dma_wait3A_352 = tpu.memref_slice %arg5[%add3A_242, %dma_wait3A_351] : memref<20480x128xf32, #tpu.memory_space<hbm>> -> memref<64x128xf32, #tpu.memory_space<hbm>>
      %dma_wait3A_353 = arith.constant 0 : i32
      %dma_wait3A_354 = tpu.memref_slice %arg5[%add3A_242, %dma_wait3A_353] : memref<20480x128xf32, #tpu.memory_space<hbm>> -> memref<64x128xf32, #tpu.memory_space<hbm>>
      %dma_wait3A_355 = arith.constant 0 : i32
      %dma_wait3A_356 = arith.constant 0 : i32
      %dma_wait3A_357 = tpu.memref_slice %arg8[%run_scoped3A_243, %dma_wait3A_355, %dma_wait3A_356] : memref<4x64x128xf32, #tpu.memory_space<vmem>> -> memref<1x64x128xf32, #tpu.memory_space<vmem>>
      %dma_wait3A_358 = tpu.memref_squeeze %dma_wait3A_357 : memref<1x64x128xf32, #tpu.memory_space<vmem>> -> memref<64x128xf32, #tpu.memory_space<vmem>>
      tpu.wait_dma2 semaphore(%run_scoped3A_334 : memref<!tpu.dma_semaphore, #tpu.memory_space<semaphore_mem>>) src(%dma_wait3A_358 : memref<64x128xf32, #tpu.memory_space<vmem>>) dst(%dma_wait3A_354 : memref<64x128xf32, #tpu.memory_space<hbm>>)
      tpu.yield
    }) : () -> ()
    %dma_start3A_244 = arith.constant 7 : i32
    %dma_start3A_245 = arith.constant 0 : i32
    %dma_start3A_246 = arith.constant 0 : i32
    %dma_start3A_247 = arith.constant 0 : i32
    %dma_start3A_248 = tpu.memref_slice %arg8[%dma_start3A_245, %dma_start3A_246, %dma_start3A_247] : memref<4x64x128xf32, #tpu.memory_space<vmem>> -> memref<1x64x128xf32, #tpu.memory_space<vmem>>
    %dma_start3A_249 = tpu.memref_squeeze %dma_start3A_248 : memref<1x64x128xf32, #tpu.memory_space<vmem>> -> memref<64x128xf32, #tpu.memory_space<vmem>>
    %dma_start3A_250 = arith.constant 0 : i32
    %dma_start3A_251 = tpu.memref_slice %arg7[%dma_start3A_244, %dma_start3A_250] : memref<10x64xi32, #tpu.memory_space<vmem>> -> memref<1x64xi32, #tpu.memory_space<vmem>>
    %dma_start3A_252 = tpu.memref_squeeze %dma_start3A_251 : memref<1x64xi32, #tpu.memory_space<vmem>> -> memref<64xi32, #tpu.memory_space<vmem>>
    %dma_start3A_253 = arith.constant 0 : i32
    %dma_start3A_254 = arith.constant 0 : i32
    %dma_start3A_255 = tpu.memref_slice %arg11[%dma_start3A_253, %dma_start3A_254] : memref<10240x128xf32, #tpu.memory_space<vmem_shared>> -> memref<10240x128xf32, #tpu.memory_space<vmem_shared>>
    tpu.enqueue_indirect_dma source(%dma_start3A_255 : memref<10240x128xf32, #tpu.memory_space<vmem_shared>>) target(%dma_start3A_249 : memref<64x128xf32, #tpu.memory_space<vmem>>) offsets(%dma_start3A_252 : memref<64xi32, #tpu.memory_space<vmem>>) semaphore(%arg9 : memref<!tpu.dma_semaphore, #tpu.memory_space<semaphore_mem>>)
    %dma_wait3A_256 = arith.constant 7 : i32
    %dma_wait3A_257 = arith.constant 0 : i32
    %dma_wait3A_258 = arith.constant 0 : i32
    %dma_wait3A_259 = arith.constant 0 : i32
    %dma_wait3A_260 = tpu.memref_slice %arg8[%dma_wait3A_257, %dma_wait3A_258, %dma_wait3A_259] : memref<4x64x128xf32, #tpu.memory_space<vmem>> -> memref<1x64x128xf32, #tpu.memory_space<vmem>>
    %dma_wait3A_261 = tpu.memref_squeeze %dma_wait3A_260 : memref<1x64x128xf32, #tpu.memory_space<vmem>> -> memref<64x128xf32, #tpu.memory_space<vmem>>
    %dma_wait3A_262 = arith.constant 0 : i32
    %dma_wait3A_263 = tpu.memref_slice %arg7[%dma_wait3A_256, %dma_wait3A_262] : memref<10x64xi32, #tpu.memory_space<vmem>> -> memref<1x64xi32, #tpu.memory_space<vmem>>
    %dma_wait3A_264 = tpu.memref_squeeze %dma_wait3A_263 : memref<1x64xi32, #tpu.memory_space<vmem>> -> memref<64xi32, #tpu.memory_space<vmem>>
    %dma_wait3A_265 = arith.constant 0 : i32
    %dma_wait3A_266 = arith.constant 0 : i32
    %dma_wait3A_267 = tpu.memref_slice %arg11[%dma_wait3A_265, %dma_wait3A_266] : memref<10240x128xf32, #tpu.memory_space<vmem_shared>> -> memref<10240x128xf32, #tpu.memory_space<vmem_shared>>
    tpu.wait_indirect_dma semaphore(%arg9 : memref<!tpu.dma_semaphore, #tpu.memory_space<semaphore_mem>>) src(%dma_wait3A_267 : memref<10240x128xf32, #tpu.memory_space<vmem_shared>>) dst(%dma_wait3A_261 : memref<64x128xf32, #tpu.memory_space<vmem>>)
    %mul3A_268 = arith.constant 10240 : i32
    %mul3A_269 = arith.muli %arg0, %mul3A_268 : i32
    %add3A_270 = arith.addi %mul3A_269, %mul3A_2 : i32
    %add3A_271 = arith.constant 448 : i32
    %add3A_272 = arith.addi %add3A_270, %add3A_271 : i32
    %run_scoped3A_273 = arith.constant 0 : i32
    "tpu.region"() ({
      %run_scoped3A_334 = tpu.sem_alloc : memref<!tpu.dma_semaphore, #tpu.memory_space<semaphore_mem>>
      %dma_start3A_335 = arith.constant 0 : i32
      %dma_start3A_336 = arith.constant 0 : i32
      %dma_start3A_337 = tpu.memref_slice %arg8[%run_scoped3A_273, %dma_start3A_335, %dma_start3A_336] : memref<4x64x128xf32, #tpu.memory_space<vmem>> -> memref<1x64x128xf32, #tpu.memory_space<vmem>>
      %dma_start3A_338 = tpu.memref_squeeze %dma_start3A_337 : memref<1x64x128xf32, #tpu.memory_space<vmem>> -> memref<64x128xf32, #tpu.memory_space<vmem>>
      %dma_start3A_339 = arith.constant 0 : i32
      %dma_start3A_340 = tpu.memref_slice %arg5[%add3A_272, %dma_start3A_339] : memref<20480x128xf32, #tpu.memory_space<hbm>> -> memref<64x128xf32, #tpu.memory_space<hbm>>
      %dma_start3A_341 = arith.constant 0 : i32
      %dma_start3A_342 = tpu.memref_slice %arg5[%add3A_272, %dma_start3A_341] : memref<20480x128xf32, #tpu.memory_space<hbm>> -> memref<64x128xf32, #tpu.memory_space<hbm>>
      %dma_start3A_343 = arith.constant 0 : i32
      %dma_start3A_344 = arith.constant 0 : i32
      %dma_start3A_345 = tpu.memref_slice %arg8[%run_scoped3A_273, %dma_start3A_343, %dma_start3A_344] : memref<4x64x128xf32, #tpu.memory_space<vmem>> -> memref<1x64x128xf32, #tpu.memory_space<vmem>>
      %dma_start3A_346 = tpu.memref_squeeze %dma_start3A_345 : memref<1x64x128xf32, #tpu.memory_space<vmem>> -> memref<64x128xf32, #tpu.memory_space<vmem>>
      tpu.enqueue_dma source(%dma_start3A_346 : memref<64x128xf32, #tpu.memory_space<vmem>>) target(%dma_start3A_342 : memref<64x128xf32, #tpu.memory_space<hbm>>) target_semaphore(%run_scoped3A_334 : memref<!tpu.dma_semaphore, #tpu.memory_space<semaphore_mem>>)
      %dma_wait3A_347 = arith.constant 0 : i32
      %dma_wait3A_348 = arith.constant 0 : i32
      %dma_wait3A_349 = tpu.memref_slice %arg8[%run_scoped3A_273, %dma_wait3A_347, %dma_wait3A_348] : memref<4x64x128xf32, #tpu.memory_space<vmem>> -> memref<1x64x128xf32, #tpu.memory_space<vmem>>
      %dma_wait3A_350 = tpu.memref_squeeze %dma_wait3A_349 : memref<1x64x128xf32, #tpu.memory_space<vmem>> -> memref<64x128xf32, #tpu.memory_space<vmem>>
      %dma_wait3A_351 = arith.constant 0 : i32
      %dma_wait3A_352 = tpu.memref_slice %arg5[%add3A_272, %dma_wait3A_351] : memref<20480x128xf32, #tpu.memory_space<hbm>> -> memref<64x128xf32, #tpu.memory_space<hbm>>
      %dma_wait3A_353 = arith.constant 0 : i32
      %dma_wait3A_354 = tpu.memref_slice %arg5[%add3A_272, %dma_wait3A_353] : memref<20480x128xf32, #tpu.memory_space<hbm>> -> memref<64x128xf32, #tpu.memory_space<hbm>>
      %dma_wait3A_355 = arith.constant 0 : i32
      %dma_wait3A_356 = arith.constant 0 : i32
      %dma_wait3A_357 = tpu.memref_slice %arg8[%run_scoped3A_273, %dma_wait3A_355, %dma_wait3A_356] : memref<4x64x128xf32, #tpu.memory_space<vmem>> -> memref<1x64x128xf32, #tpu.memory_space<vmem>>
      %dma_wait3A_358 = tpu.memref_squeeze %dma_wait3A_357 : memref<1x64x128xf32, #tpu.memory_space<vmem>> -> memref<64x128xf32, #tpu.memory_space<vmem>>
      tpu.wait_dma2 semaphore(%run_scoped3A_334 : memref<!tpu.dma_semaphore, #tpu.memory_space<semaphore_mem>>) src(%dma_wait3A_358 : memref<64x128xf32, #tpu.memory_space<vmem>>) dst(%dma_wait3A_354 : memref<64x128xf32, #tpu.memory_space<hbm>>)
      tpu.yield
    }) : () -> ()
    %dma_start3A_274 = arith.constant 8 : i32
    %dma_start3A_275 = arith.constant 0 : i32
    %dma_start3A_276 = arith.constant 0 : i32
    %dma_start3A_277 = arith.constant 0 : i32
    %dma_start3A_278 = tpu.memref_slice %arg8[%dma_start3A_275, %dma_start3A_276, %dma_start3A_277] : memref<4x64x128xf32, #tpu.memory_space<vmem>> -> memref<1x64x128xf32, #tpu.memory_space<vmem>>
    %dma_start3A_279 = tpu.memref_squeeze %dma_start3A_278 : memref<1x64x128xf32, #tpu.memory_space<vmem>> -> memref<64x128xf32, #tpu.memory_space<vmem>>
    %dma_start3A_280 = arith.constant 0 : i32
    %dma_start3A_281 = tpu.memref_slice %arg7[%dma_start3A_274, %dma_start3A_280] : memref<10x64xi32, #tpu.memory_space<vmem>> -> memref<1x64xi32, #tpu.memory_space<vmem>>
    %dma_start3A_282 = tpu.memref_squeeze %dma_start3A_281 : memref<1x64xi32, #tpu.memory_space<vmem>> -> memref<64xi32, #tpu.memory_space<vmem>>
    %dma_start3A_283 = arith.constant 0 : i32
    %dma_start3A_284 = arith.constant 0 : i32
    %dma_start3A_285 = tpu.memref_slice %arg11[%dma_start3A_283, %dma_start3A_284] : memref<10240x128xf32, #tpu.memory_space<vmem_shared>> -> memref<10240x128xf32, #tpu.memory_space<vmem_shared>>
    tpu.enqueue_indirect_dma source(%dma_start3A_285 : memref<10240x128xf32, #tpu.memory_space<vmem_shared>>) target(%dma_start3A_279 : memref<64x128xf32, #tpu.memory_space<vmem>>) offsets(%dma_start3A_282 : memref<64xi32, #tpu.memory_space<vmem>>) semaphore(%arg9 : memref<!tpu.dma_semaphore, #tpu.memory_space<semaphore_mem>>)
    %dma_wait3A_286 = arith.constant 8 : i32
    %dma_wait3A_287 = arith.constant 0 : i32
    %dma_wait3A_288 = arith.constant 0 : i32
    %dma_wait3A_289 = arith.constant 0 : i32
    %dma_wait3A_290 = tpu.memref_slice %arg8[%dma_wait3A_287, %dma_wait3A_288, %dma_wait3A_289] : memref<4x64x128xf32, #tpu.memory_space<vmem>> -> memref<1x64x128xf32, #tpu.memory_space<vmem>>
    %dma_wait3A_291 = tpu.memref_squeeze %dma_wait3A_290 : memref<1x64x128xf32, #tpu.memory_space<vmem>> -> memref<64x128xf32, #tpu.memory_space<vmem>>
    %dma_wait3A_292 = arith.constant 0 : i32
    %dma_wait3A_293 = tpu.memref_slice %arg7[%dma_wait3A_286, %dma_wait3A_292] : memref<10x64xi32, #tpu.memory_space<vmem>> -> memref<1x64xi32, #tpu.memory_space<vmem>>
    %dma_wait3A_294 = tpu.memref_squeeze %dma_wait3A_293 : memref<1x64xi32, #tpu.memory_space<vmem>> -> memref<64xi32, #tpu.memory_space<vmem>>
    %dma_wait3A_295 = arith.constant 0 : i32
    %dma_wait3A_296 = arith.constant 0 : i32
    %dma_wait3A_297 = tpu.memref_slice %arg11[%dma_wait3A_295, %dma_wait3A_296] : memref<10240x128xf32, #tpu.memory_space<vmem_shared>> -> memref<10240x128xf32, #tpu.memory_space<vmem_shared>>
    tpu.wait_indirect_dma semaphore(%arg9 : memref<!tpu.dma_semaphore, #tpu.memory_space<semaphore_mem>>) src(%dma_wait3A_297 : memref<10240x128xf32, #tpu.memory_space<vmem_shared>>) dst(%dma_wait3A_291 : memref<64x128xf32, #tpu.memory_space<vmem>>)
    %mul3A_298 = arith.constant 10240 : i32
    %mul3A_299 = arith.muli %arg0, %mul3A_298 : i32
    %add3A_300 = arith.addi %mul3A_299, %mul3A_2 : i32
    %add3A_301 = arith.constant 512 : i32
    %add3A_302 = arith.addi %add3A_300, %add3A_301 : i32
    %run_scoped3A_303 = arith.constant 0 : i32
    "tpu.region"() ({
      %run_scoped3A_334 = tpu.sem_alloc : memref<!tpu.dma_semaphore, #tpu.memory_space<semaphore_mem>>
      %dma_start3A_335 = arith.constant 0 : i32
      %dma_start3A_336 = arith.constant 0 : i32
      %dma_start3A_337 = tpu.memref_slice %arg8[%run_scoped3A_303, %dma_start3A_335, %dma_start3A_336] : memref<4x64x128xf32, #tpu.memory_space<vmem>> -> memref<1x64x128xf32, #tpu.memory_space<vmem>>
      %dma_start3A_338 = tpu.memref_squeeze %dma_start3A_337 : memref<1x64x128xf32, #tpu.memory_space<vmem>> -> memref<64x128xf32, #tpu.memory_space<vmem>>
      %dma_start3A_339 = arith.constant 0 : i32
      %dma_start3A_340 = tpu.memref_slice %arg5[%add3A_302, %dma_start3A_339] : memref<20480x128xf32, #tpu.memory_space<hbm>> -> memref<64x128xf32, #tpu.memory_space<hbm>>
      %dma_start3A_341 = arith.constant 0 : i32
      %dma_start3A_342 = tpu.memref_slice %arg5[%add3A_302, %dma_start3A_341] : memref<20480x128xf32, #tpu.memory_space<hbm>> -> memref<64x128xf32, #tpu.memory_space<hbm>>
      %dma_start3A_343 = arith.constant 0 : i32
      %dma_start3A_344 = arith.constant 0 : i32
      %dma_start3A_345 = tpu.memref_slice %arg8[%run_scoped3A_303, %dma_start3A_343, %dma_start3A_344] : memref<4x64x128xf32, #tpu.memory_space<vmem>> -> memref<1x64x128xf32, #tpu.memory_space<vmem>>
      %dma_start3A_346 = tpu.memref_squeeze %dma_start3A_345 : memref<1x64x128xf32, #tpu.memory_space<vmem>> -> memref<64x128xf32, #tpu.memory_space<vmem>>
      tpu.enqueue_dma source(%dma_start3A_346 : memref<64x128xf32, #tpu.memory_space<vmem>>) target(%dma_start3A_342 : memref<64x128xf32, #tpu.memory_space<hbm>>) target_semaphore(%run_scoped3A_334 : memref<!tpu.dma_semaphore, #tpu.memory_space<semaphore_mem>>)
      %dma_wait3A_347 = arith.constant 0 : i32
      %dma_wait3A_348 = arith.constant 0 : i32
      %dma_wait3A_349 = tpu.memref_slice %arg8[%run_scoped3A_303, %dma_wait3A_347, %dma_wait3A_348] : memref<4x64x128xf32, #tpu.memory_space<vmem>> -> memref<1x64x128xf32, #tpu.memory_space<vmem>>
      %dma_wait3A_350 = tpu.memref_squeeze %dma_wait3A_349 : memref<1x64x128xf32, #tpu.memory_space<vmem>> -> memref<64x128xf32, #tpu.memory_space<vmem>>
      %dma_wait3A_351 = arith.constant 0 : i32
      %dma_wait3A_352 = tpu.memref_slice %arg5[%add3A_302, %dma_wait3A_351] : memref<20480x128xf32, #tpu.memory_space<hbm>> -> memref<64x128xf32, #tpu.memory_space<hbm>>
      %dma_wait3A_353 = arith.constant 0 : i32
      %dma_wait3A_354 = tpu.memref_slice %arg5[%add3A_302, %dma_wait3A_353] : memref<20480x128xf32, #tpu.memory_space<hbm>> -> memref<64x128xf32, #tpu.memory_space<hbm>>
      %dma_wait3A_355 = arith.constant 0 : i32
      %dma_wait3A_356 = arith.constant 0 : i32
      %dma_wait3A_357 = tpu.memref_slice %arg8[%run_scoped3A_303, %dma_wait3A_355, %dma_wait3A_356] : memref<4x64x128xf32, #tpu.memory_space<vmem>> -> memref<1x64x128xf32, #tpu.memory_space<vmem>>
      %dma_wait3A_358 = tpu.memref_squeeze %dma_wait3A_357 : memref<1x64x128xf32, #tpu.memory_space<vmem>> -> memref<64x128xf32, #tpu.memory_space<vmem>>
      tpu.wait_dma2 semaphore(%run_scoped3A_334 : memref<!tpu.dma_semaphore, #tpu.memory_space<semaphore_mem>>) src(%dma_wait3A_358 : memref<64x128xf32, #tpu.memory_space<vmem>>) dst(%dma_wait3A_354 : memref<64x128xf32, #tpu.memory_space<hbm>>)
      tpu.yield
    }) : () -> ()
    %dma_start3A_304 = arith.constant 9 : i32
    %dma_start3A_305 = arith.constant 0 : i32
    %dma_start3A_306 = arith.constant 0 : i32
    %dma_start3A_307 = arith.constant 0 : i32
    %dma_start3A_308 = tpu.memref_slice %arg8[%dma_start3A_305, %dma_start3A_306, %dma_start3A_307] : memref<4x64x128xf32, #tpu.memory_space<vmem>> -> memref<1x64x128xf32, #tpu.memory_space<vmem>>
    %dma_start3A_309 = tpu.memref_squeeze %dma_start3A_308 : memref<1x64x128xf32, #tpu.memory_space<vmem>> -> memref<64x128xf32, #tpu.memory_space<vmem>>
    %dma_start3A_310 = arith.constant 0 : i32
    %dma_start3A_311 = tpu.memref_slice %arg7[%dma_start3A_304, %dma_start3A_310] : memref<10x64xi32, #tpu.memory_space<vmem>> -> memref<1x64xi32, #tpu.memory_space<vmem>>
    %dma_start3A_312 = tpu.memref_squeeze %dma_start3A_311 : memref<1x64xi32, #tpu.memory_space<vmem>> -> memref<64xi32, #tpu.memory_space<vmem>>
    %dma_start3A_313 = arith.constant 0 : i32
    %dma_start3A_314 = arith.constant 0 : i32
    %dma_start3A_315 = tpu.memref_slice %arg11[%dma_start3A_313, %dma_start3A_314] : memref<10240x128xf32, #tpu.memory_space<vmem_shared>> -> memref<10240x128xf32, #tpu.memory_space<vmem_shared>>
    tpu.enqueue_indirect_dma source(%dma_start3A_315 : memref<10240x128xf32, #tpu.memory_space<vmem_shared>>) target(%dma_start3A_309 : memref<64x128xf32, #tpu.memory_space<vmem>>) offsets(%dma_start3A_312 : memref<64xi32, #tpu.memory_space<vmem>>) semaphore(%arg9 : memref<!tpu.dma_semaphore, #tpu.memory_space<semaphore_mem>>)
    %dma_wait3A_316 = arith.constant 9 : i32
    %dma_wait3A_317 = arith.constant 0 : i32
    %dma_wait3A_318 = arith.constant 0 : i32
    %dma_wait3A_319 = arith.constant 0 : i32
    %dma_wait3A_320 = tpu.memref_slice %arg8[%dma_wait3A_317, %dma_wait3A_318, %dma_wait3A_319] : memref<4x64x128xf32, #tpu.memory_space<vmem>> -> memref<1x64x128xf32, #tpu.memory_space<vmem>>
    %dma_wait3A_321 = tpu.memref_squeeze %dma_wait3A_320 : memref<1x64x128xf32, #tpu.memory_space<vmem>> -> memref<64x128xf32, #tpu.memory_space<vmem>>
    %dma_wait3A_322 = arith.constant 0 : i32
    %dma_wait3A_323 = tpu.memref_slice %arg7[%dma_wait3A_316, %dma_wait3A_322] : memref<10x64xi32, #tpu.memory_space<vmem>> -> memref<1x64xi32, #tpu.memory_space<vmem>>
    %dma_wait3A_324 = tpu.memref_squeeze %dma_wait3A_323 : memref<1x64xi32, #tpu.memory_space<vmem>> -> memref<64xi32, #tpu.memory_space<vmem>>
    %dma_wait3A_325 = arith.constant 0 : i32
    %dma_wait3A_326 = arith.constant 0 : i32
    %dma_wait3A_327 = tpu.memref_slice %arg11[%dma_wait3A_325, %dma_wait3A_326] : memref<10240x128xf32, #tpu.memory_space<vmem_shared>> -> memref<10240x128xf32, #tpu.memory_space<vmem_shared>>
    tpu.wait_indirect_dma semaphore(%arg9 : memref<!tpu.dma_semaphore, #tpu.memory_space<semaphore_mem>>) src(%dma_wait3A_327 : memref<10240x128xf32, #tpu.memory_space<vmem_shared>>) dst(%dma_wait3A_321 : memref<64x128xf32, #tpu.memory_space<vmem>>)
    %mul3A_328 = arith.constant 10240 : i32
    %mul3A_329 = arith.muli %arg0, %mul3A_328 : i32
    %add3A_330 = arith.addi %mul3A_329, %mul3A_2 : i32
    %add3A_331 = arith.constant 576 : i32
    %add3A_332 = arith.addi %add3A_330, %add3A_331 : i32
    %run_scoped3A_333 = arith.constant 0 : i32
    "tpu.region"() ({
      %run_scoped3A_334 = tpu.sem_alloc : memref<!tpu.dma_semaphore, #tpu.memory_space<semaphore_mem>>
      %dma_start3A_335 = arith.constant 0 : i32
      %dma_start3A_336 = arith.constant 0 : i32
      %dma_start3A_337 = tpu.memref_slice %arg8[%run_scoped3A_333, %dma_start3A_335, %dma_start3A_336] : memref<4x64x128xf32, #tpu.memory_space<vmem>> -> memref<1x64x128xf32, #tpu.memory_space<vmem>>
      %dma_start3A_338 = tpu.memref_squeeze %dma_start3A_337 : memref<1x64x128xf32, #tpu.memory_space<vmem>> -> memref<64x128xf32, #tpu.memory_space<vmem>>
      %dma_start3A_339 = arith.constant 0 : i32
      %dma_start3A_340 = tpu.memref_slice %arg5[%add3A_332, %dma_start3A_339] : memref<20480x128xf32, #tpu.memory_space<hbm>> -> memref<64x128xf32, #tpu.memory_space<hbm>>
      %dma_start3A_341 = arith.constant 0 : i32
      %dma_start3A_342 = tpu.memref_slice %arg5[%add3A_332, %dma_start3A_341] : memref<20480x128xf32, #tpu.memory_space<hbm>> -> memref<64x128xf32, #tpu.memory_space<hbm>>
      %dma_start3A_343 = arith.constant 0 : i32
      %dma_start3A_344 = arith.constant 0 : i32
      %dma_start3A_345 = tpu.memref_slice %arg8[%run_scoped3A_333, %dma_start3A_343, %dma_start3A_344] : memref<4x64x128xf32, #tpu.memory_space<vmem>> -> memref<1x64x128xf32, #tpu.memory_space<vmem>>
      %dma_start3A_346 = tpu.memref_squeeze %dma_start3A_345 : memref<1x64x128xf32, #tpu.memory_space<vmem>> -> memref<64x128xf32, #tpu.memory_space<vmem>>
      tpu.enqueue_dma source(%dma_start3A_346 : memref<64x128xf32, #tpu.memory_space<vmem>>) target(%dma_start3A_342 : memref<64x128xf32, #tpu.memory_space<hbm>>) target_semaphore(%run_scoped3A_334 : memref<!tpu.dma_semaphore, #tpu.memory_space<semaphore_mem>>)
      %dma_wait3A_347 = arith.constant 0 : i32
      %dma_wait3A_348 = arith.constant 0 : i32
      %dma_wait3A_349 = tpu.memref_slice %arg8[%run_scoped3A_333, %dma_wait3A_347, %dma_wait3A_348] : memref<4x64x128xf32, #tpu.memory_space<vmem>> -> memref<1x64x128xf32, #tpu.memory_space<vmem>>
      %dma_wait3A_350 = tpu.memref_squeeze %dma_wait3A_349 : memref<1x64x128xf32, #tpu.memory_space<vmem>> -> memref<64x128xf32, #tpu.memory_space<vmem>>
      %dma_wait3A_351 = arith.constant 0 : i32
      %dma_wait3A_352 = tpu.memref_slice %arg5[%add3A_332, %dma_wait3A_351] : memref<20480x128xf32, #tpu.memory_space<hbm>> -> memref<64x128xf32, #tpu.memory_space<hbm>>
      %dma_wait3A_353 = arith.constant 0 : i32
      %dma_wait3A_354 = tpu.memref_slice %arg5[%add3A_332, %dma_wait3A_353] : memref<20480x128xf32, #tpu.memory_space<hbm>> -> memref<64x128xf32, #tpu.memory_space<hbm>>
      %dma_wait3A_355 = arith.constant 0 : i32
      %dma_wait3A_356 = arith.constant 0 : i32
      %dma_wait3A_357 = tpu.memref_slice %arg8[%run_scoped3A_333, %dma_wait3A_355, %dma_wait3A_356] : memref<4x64x128xf32, #tpu.memory_space<vmem>> -> memref<1x64x128xf32, #tpu.memory_space<vmem>>
      %dma_wait3A_358 = tpu.memref_squeeze %dma_wait3A_357 : memref<1x64x128xf32, #tpu.memory_space<vmem>> -> memref<64x128xf32, #tpu.memory_space<vmem>>
      tpu.wait_dma2 semaphore(%run_scoped3A_334 : memref<!tpu.dma_semaphore, #tpu.memory_space<semaphore_mem>>) src(%dma_wait3A_358 : memref<64x128xf32, #tpu.memory_space<vmem>>) dst(%dma_wait3A_354 : memref<64x128xf32, #tpu.memory_space<hbm>>)
      tpu.yield
    }) : () -> ()
    return
  }
}

#map = affine_map<(d0, d1) -> (0, 0)>
#map1 = affine_map<(d0, d1) -> (0, 0, 0)>
module attributes {stable_mosaic.version = 14 : i64} {
  func.func @k(%arg0: i32, %arg1: i32, %arg2: memref<10000x128xf32, #tpu.memory_space<hbm>>, %arg3: memref<10240x64xi32, #tpu.memory_space<hbm>>, %arg4: memref<16x10x64xi32, #tpu.memory_space<hbm>>, %arg5: memref<20480x128xf32, #tpu.memory_space<hbm>>, %arg6: memref<32x10240xf32, #tpu.memory_space<hbm>>, %arg7: memref<8x64xi32, #tpu.memory_space<vmem>>, %arg8: memref<10x64xi32, #tpu.memory_space<vmem>>, %arg9: memref<4x64x128xf32, #tpu.memory_space<vmem>>, %arg10: memref<!tpu.dma_semaphore, #tpu.memory_space<semaphore_mem>>, %arg11: memref<!tpu.dma_semaphore, #tpu.memory_space<semaphore_mem>>, %arg12: memref<10240x128xf32, #tpu.memory_space<vmem_shared>>, %arg13: memref<10240xf32, #tpu.memory_space<vmem>>) attributes {dimension_semantics = [#tpu.dimension_semantics<core_parallel>, #tpu.dimension_semantics<subcore_parallel>], iteration_bounds = array<i64: 2, 16>, scalar_prefetch = 0 : i64, scratch_operands = 7 : i64, tpu.core_type = #tpu.core_type<sc_vector_subcore>, window_params = [{transform_indices = #map}, {transform_indices = #map}, {transform_indices = #map1}, {transform_indices = #map}, {transform_indices = #map}]} {
    %mul3A = arith.constant 16 : i32
    %mul3A_0 = arith.muli %arg0, %mul3A : i32
    %add3A = arith.addi %mul3A_0, %arg1 : i32
    %mul3A_1 = arith.constant 640 : i32
    %mul3A_2 = arith.muli %arg1, %mul3A_1 : i32
    %mul3A_3 = arith.constant 2 : i32
    %mul3A_4 = arith.muli %add3A, %mul3A_3 : i32
    %mul3A_5 = arith.constant 160 : i32
    %mul3A_6 = arith.muli %mul3A_4, %mul3A_5 : i32
    "tpu.region"() ({
      %run_scoped3A_339 = tpu.sem_alloc : memref<!tpu.dma_semaphore, #tpu.memory_space<semaphore_mem>>
      %dma_start3A_340 = arith.constant 0 : i32
      %dma_start3A_341 = arith.constant 0 : i32
      %dma_start3A_342 = tpu.memref_slice %arg4[%arg1, %dma_start3A_340, %dma_start3A_341] : memref<16x10x64xi32, #tpu.memory_space<hbm>> -> memref<1x10x64xi32, #tpu.memory_space<hbm>>
      %dma_start3A_343 = tpu.memref_squeeze %dma_start3A_342 : memref<1x10x64xi32, #tpu.memory_space<hbm>> -> memref<10x64xi32, #tpu.memory_space<hbm>>
      %dma_start3A_344 = arith.constant 0 : i32
      %dma_start3A_345 = arith.constant 0 : i32
      %dma_start3A_346 = tpu.memref_slice %arg4[%arg1, %dma_start3A_344, %dma_start3A_345] : memref<16x10x64xi32, #tpu.memory_space<hbm>> -> memref<1x10x64xi32, #tpu.memory_space<hbm>>
      %dma_start3A_347 = tpu.memref_squeeze %dma_start3A_346 : memref<1x10x64xi32, #tpu.memory_space<hbm>> -> memref<10x64xi32, #tpu.memory_space<hbm>>
      tpu.enqueue_dma source(%dma_start3A_347 : memref<10x64xi32, #tpu.memory_space<hbm>>) target(%arg8 : memref<10x64xi32, #tpu.memory_space<vmem>>) target_semaphore(%run_scoped3A_339 : memref<!tpu.dma_semaphore, #tpu.memory_space<semaphore_mem>>)
      %dma_wait3A_348 = arith.constant 0 : i32
      %dma_wait3A_349 = arith.constant 0 : i32
      %dma_wait3A_350 = tpu.memref_slice %arg4[%arg1, %dma_wait3A_348, %dma_wait3A_349] : memref<16x10x64xi32, #tpu.memory_space<hbm>> -> memref<1x10x64xi32, #tpu.memory_space<hbm>>
      %dma_wait3A_351 = tpu.memref_squeeze %dma_wait3A_350 : memref<1x10x64xi32, #tpu.memory_space<hbm>> -> memref<10x64xi32, #tpu.memory_space<hbm>>
      %dma_wait3A_352 = arith.constant 0 : i32
      %dma_wait3A_353 = arith.constant 0 : i32
      %dma_wait3A_354 = tpu.memref_slice %arg4[%arg1, %dma_wait3A_352, %dma_wait3A_353] : memref<16x10x64xi32, #tpu.memory_space<hbm>> -> memref<1x10x64xi32, #tpu.memory_space<hbm>>
      %dma_wait3A_355 = tpu.memref_squeeze %dma_wait3A_354 : memref<1x10x64xi32, #tpu.memory_space<hbm>> -> memref<10x64xi32, #tpu.memory_space<hbm>>
      tpu.wait_dma2 semaphore(%run_scoped3A_339 : memref<!tpu.dma_semaphore, #tpu.memory_space<semaphore_mem>>) src(%dma_wait3A_355 : memref<10x64xi32, #tpu.memory_space<hbm>>) dst(%arg8 : memref<10x64xi32, #tpu.memory_space<vmem>>)
      tpu.yield
    }) : () -> ()
    %scan3A = arith.constant 0 : i32
    %scan3A_7 = arith.constant 64 : i32
    %scan3A_8 = arith.addi %scan3A, %scan3A_7 : i32
    %scan3A_9 = arith.constant 1 : i32
    scf.for %scan3A_339 = %scan3A to %scan3A_8 step %scan3A_9  : i32 {
      %mul3A_340 = arith.constant 1 : i32
      %mul3A_341 = arith.muli %scan3A_339, %mul3A_340 : i32
      %add3A_342 = arith.constant 0 : i32
      %add3A_343 = arith.addi %add3A_342, %mul3A_341 : i32
      %scan3A_344 = arith.constant 0 : i32
      %scan3A_345 = arith.constant 8 : i32
      %scan3A_346 = arith.addi %scan3A_344, %scan3A_345 : i32
      %scan3A_347 = arith.constant 1 : i32
      scf.for %scan3A_349 = %scan3A_344 to %scan3A_346 step %scan3A_347  : i32 {
        %mul3A_350 = arith.constant 16 : i32
        %mul3A_351 = arith.muli %scan3A_349, %mul3A_350 : i32
        %add3A_352 = arith.constant 0 : i32
        %add3A_353 = arith.addi %add3A_352, %mul3A_351 : i32
        %broadcast_in_dim3A = arith.constant 0.000000e+00 : f32
        %broadcast_in_dim3A_354 = vector.broadcast %broadcast_in_dim3A : f32 to vector<16xf32>
        %swap3A = arith.constant 0 : i32
        %swap3A_355 = arith.index_cast %swap3A : i32 to index
        %swap3A_356 = arith.index_cast %add3A_343 : i32 to index
        %swap3A_357 = arith.index_cast %add3A_353 : i32 to index
        %swap3A_358 = tpu.vector_load %arg9[%swap3A_355, %swap3A_356, %swap3A_357] {strides = array<i32>} : memref<4x64x128xf32, #tpu.memory_space<vmem>>, vector<16xf32>,
        tpu.vector_store %arg9[%swap3A_355, %swap3A_356, %swap3A_357], %broadcast_in_dim3A_354 {strides = array<i32>} : memref<4x64x128xf32, #tpu.memory_space<vmem>>, vector<16xf32>,
      }
      %scan3A_348 = arith.constant 8 : i32
    }
    %scan3A_10 = arith.constant 64 : i32
    %scan3A_11 = arith.constant 0 : i32
    %scan3A_12 = arith.constant 640 : i32
    %scan3A_13 = arith.addi %scan3A_11, %scan3A_12 : i32
    %scan3A_14 = arith.constant 1 : i32
    scf.for %scan3A_339 = %scan3A_11 to %scan3A_13 step %scan3A_14  : i32 {
      %mul3A_340 = arith.constant 16 : i32
      %mul3A_341 = arith.muli %scan3A_339, %mul3A_340 : i32
      %add3A_342 = arith.constant 0 : i32
      %add3A_343 = arith.addi %add3A_342, %mul3A_341 : i32
      %broadcast_in_dim3A = arith.constant 0.000000e+00 : f32
      %broadcast_in_dim3A_344 = vector.broadcast %broadcast_in_dim3A : f32 to vector<16xf32>
      %swap3A = arith.index_cast %add3A_343 : i32 to index
      %swap3A_345 = tpu.vector_load %arg13[%swap3A] {strides = array<i32>} : memref<10240xf32, #tpu.memory_space<vmem>>, vector<16xf32>,
      tpu.vector_store %arg13[%swap3A], %broadcast_in_dim3A_344 {strides = array<i32>} : memref<10240xf32, #tpu.memory_space<vmem>>, vector<16xf32>,
    }
    %scan3A_15 = arith.constant 640 : i32
    %run_scoped3A = arith.constant 0 : i32
    %run_scoped3A_16 = arith.constant 0 : i32
    "tpu.region"() ({
      %run_scoped3A_339 = tpu.sem_alloc : memref<!tpu.dma_semaphore, #tpu.memory_space<semaphore_mem>>
      %dma_start3A_340 = arith.constant 0 : i32
      %dma_start3A_341 = arith.constant 0 : i32
      %dma_start3A_342 = tpu.memref_slice %arg9[%run_scoped3A, %dma_start3A_340, %dma_start3A_341] : memref<4x64x128xf32, #tpu.memory_space<vmem>> -> memref<1x64x128xf32, #tpu.memory_space<vmem>>
      %dma_start3A_343 = tpu.memref_squeeze %dma_start3A_342 : memref<1x64x128xf32, #tpu.memory_space<vmem>> -> memref<64x128xf32, #tpu.memory_space<vmem>>
      %dma_start3A_344 = arith.constant 0 : i32
      %dma_start3A_345 = tpu.memref_slice %arg8[%run_scoped3A_16, %dma_start3A_344] : memref<10x64xi32, #tpu.memory_space<vmem>> -> memref<1x64xi32, #tpu.memory_space<vmem>>
      %dma_start3A_346 = tpu.memref_squeeze %dma_start3A_345 : memref<1x64xi32, #tpu.memory_space<vmem>> -> memref<64xi32, #tpu.memory_space<vmem>>
      %dma_start3A_347 = arith.constant 0 : i32
      %dma_start3A_348 = arith.constant 0 : i32
      %dma_start3A_349 = tpu.memref_slice %arg12[%dma_start3A_347, %dma_start3A_348] : memref<10240x128xf32, #tpu.memory_space<vmem_shared>> -> memref<10240x128xf32, #tpu.memory_space<vmem_shared>>
      tpu.enqueue_indirect_dma source(%dma_start3A_343 : memref<64x128xf32, #tpu.memory_space<vmem>>) target(%dma_start3A_349 : memref<10240x128xf32, #tpu.memory_space<vmem_shared>>) offsets(%dma_start3A_346 : memref<64xi32, #tpu.memory_space<vmem>>) semaphore(%run_scoped3A_339 : memref<!tpu.dma_semaphore, #tpu.memory_space<semaphore_mem>>)
      %dma_wait3A_350 = arith.constant 0 : i32
      %dma_wait3A_351 = arith.constant 0 : i32
      %dma_wait3A_352 = tpu.memref_slice %arg9[%run_scoped3A, %dma_wait3A_350, %dma_wait3A_351] : memref<4x64x128xf32, #tpu.memory_space<vmem>> -> memref<1x64x128xf32, #tpu.memory_space<vmem>>
      %dma_wait3A_353 = tpu.memref_squeeze %dma_wait3A_352 : memref<1x64x128xf32, #tpu.memory_space<vmem>> -> memref<64x128xf32, #tpu.memory_space<vmem>>
      %dma_wait3A_354 = arith.constant 0 : i32
      %dma_wait3A_355 = tpu.memref_slice %arg8[%run_scoped3A_16, %dma_wait3A_354] : memref<10x64xi32, #tpu.memory_space<vmem>> -> memref<1x64xi32, #tpu.memory_space<vmem>>
      %dma_wait3A_356 = tpu.memref_squeeze %dma_wait3A_355 : memref<1x64xi32, #tpu.memory_space<vmem>> -> memref<64xi32, #tpu.memory_space<vmem>>
      %dma_wait3A_357 = arith.constant 0 : i32
      %dma_wait3A_358 = arith.constant 0 : i32
      %dma_wait3A_359 = tpu.memref_slice %arg12[%dma_wait3A_357, %dma_wait3A_358] : memref<10240x128xf32, #tpu.memory_space<vmem_shared>> -> memref<10240x128xf32, #tpu.memory_space<vmem_shared>>
      tpu.wait_indirect_dma semaphore(%run_scoped3A_339 : memref<!tpu.dma_semaphore, #tpu.memory_space<semaphore_mem>>) src(%dma_wait3A_353 : memref<64x128xf32, #tpu.memory_space<vmem>>) dst(%dma_wait3A_359 : memref<10240x128xf32, #tpu.memory_space<vmem_shared>>)
      tpu.yield
    }) : () -> ()
    %run_scoped3A_17 = arith.constant 0 : i32
    %run_scoped3A_18 = arith.constant 1 : i32
    "tpu.region"() ({
      %run_scoped3A_339 = tpu.sem_alloc : memref<!tpu.dma_semaphore, #tpu.memory_space<semaphore_mem>>
      %dma_start3A_340 = arith.constant 0 : i32
      %dma_start3A_341 = arith.constant 0 : i32
      %dma_start3A_342 = tpu.memref_slice %arg9[%run_scoped3A_17, %dma_start3A_340, %dma_start3A_341] : memref<4x64x128xf32, #tpu.memory_space<vmem>> -> memref<1x64x128xf32, #tpu.memory_space<vmem>>
      %dma_start3A_343 = tpu.memref_squeeze %dma_start3A_342 : memref<1x64x128xf32, #tpu.memory_space<vmem>> -> memref<64x128xf32, #tpu.memory_space<vmem>>
      %dma_start3A_344 = arith.constant 0 : i32
      %dma_start3A_345 = tpu.memref_slice %arg8[%run_scoped3A_18, %dma_start3A_344] : memref<10x64xi32, #tpu.memory_space<vmem>> -> memref<1x64xi32, #tpu.memory_space<vmem>>
      %dma_start3A_346 = tpu.memref_squeeze %dma_start3A_345 : memref<1x64xi32, #tpu.memory_space<vmem>> -> memref<64xi32, #tpu.memory_space<vmem>>
      %dma_start3A_347 = arith.constant 0 : i32
      %dma_start3A_348 = arith.constant 0 : i32
      %dma_start3A_349 = tpu.memref_slice %arg12[%dma_start3A_347, %dma_start3A_348] : memref<10240x128xf32, #tpu.memory_space<vmem_shared>> -> memref<10240x128xf32, #tpu.memory_space<vmem_shared>>
      tpu.enqueue_indirect_dma source(%dma_start3A_343 : memref<64x128xf32, #tpu.memory_space<vmem>>) target(%dma_start3A_349 : memref<10240x128xf32, #tpu.memory_space<vmem_shared>>) offsets(%dma_start3A_346 : memref<64xi32, #tpu.memory_space<vmem>>) semaphore(%run_scoped3A_339 : memref<!tpu.dma_semaphore, #tpu.memory_space<semaphore_mem>>)
      %dma_wait3A_350 = arith.constant 0 : i32
      %dma_wait3A_351 = arith.constant 0 : i32
      %dma_wait3A_352 = tpu.memref_slice %arg9[%run_scoped3A_17, %dma_wait3A_350, %dma_wait3A_351] : memref<4x64x128xf32, #tpu.memory_space<vmem>> -> memref<1x64x128xf32, #tpu.memory_space<vmem>>
      %dma_wait3A_353 = tpu.memref_squeeze %dma_wait3A_352 : memref<1x64x128xf32, #tpu.memory_space<vmem>> -> memref<64x128xf32, #tpu.memory_space<vmem>>
      %dma_wait3A_354 = arith.constant 0 : i32
      %dma_wait3A_355 = tpu.memref_slice %arg8[%run_scoped3A_18, %dma_wait3A_354] : memref<10x64xi32, #tpu.memory_space<vmem>> -> memref<1x64xi32, #tpu.memory_space<vmem>>
      %dma_wait3A_356 = tpu.memref_squeeze %dma_wait3A_355 : memref<1x64xi32, #tpu.memory_space<vmem>> -> memref<64xi32, #tpu.memory_space<vmem>>
      %dma_wait3A_357 = arith.constant 0 : i32
      %dma_wait3A_358 = arith.constant 0 : i32
      %dma_wait3A_359 = tpu.memref_slice %arg12[%dma_wait3A_357, %dma_wait3A_358] : memref<10240x128xf32, #tpu.memory_space<vmem_shared>> -> memref<10240x128xf32, #tpu.memory_space<vmem_shared>>
      tpu.wait_indirect_dma semaphore(%run_scoped3A_339 : memref<!tpu.dma_semaphore, #tpu.memory_space<semaphore_mem>>) src(%dma_wait3A_353 : memref<64x128xf32, #tpu.memory_space<vmem>>) dst(%dma_wait3A_359 : memref<10240x128xf32, #tpu.memory_space<vmem_shared>>)
      tpu.yield
    }) : () -> ()
    %run_scoped3A_19 = arith.constant 0 : i32
    %run_scoped3A_20 = arith.constant 2 : i32
    "tpu.region"() ({
      %run_scoped3A_339 = tpu.sem_alloc : memref<!tpu.dma_semaphore, #tpu.memory_space<semaphore_mem>>
      %dma_start3A_340 = arith.constant 0 : i32
      %dma_start3A_341 = arith.constant 0 : i32
      %dma_start3A_342 = tpu.memref_slice %arg9[%run_scoped3A_19, %dma_start3A_340, %dma_start3A_341] : memref<4x64x128xf32, #tpu.memory_space<vmem>> -> memref<1x64x128xf32, #tpu.memory_space<vmem>>
      %dma_start3A_343 = tpu.memref_squeeze %dma_start3A_342 : memref<1x64x128xf32, #tpu.memory_space<vmem>> -> memref<64x128xf32, #tpu.memory_space<vmem>>
      %dma_start3A_344 = arith.constant 0 : i32
      %dma_start3A_345 = tpu.memref_slice %arg8[%run_scoped3A_20, %dma_start3A_344] : memref<10x64xi32, #tpu.memory_space<vmem>> -> memref<1x64xi32, #tpu.memory_space<vmem>>
      %dma_start3A_346 = tpu.memref_squeeze %dma_start3A_345 : memref<1x64xi32, #tpu.memory_space<vmem>> -> memref<64xi32, #tpu.memory_space<vmem>>
      %dma_start3A_347 = arith.constant 0 : i32
      %dma_start3A_348 = arith.constant 0 : i32
      %dma_start3A_349 = tpu.memref_slice %arg12[%dma_start3A_347, %dma_start3A_348] : memref<10240x128xf32, #tpu.memory_space<vmem_shared>> -> memref<10240x128xf32, #tpu.memory_space<vmem_shared>>
      tpu.enqueue_indirect_dma source(%dma_start3A_343 : memref<64x128xf32, #tpu.memory_space<vmem>>) target(%dma_start3A_349 : memref<10240x128xf32, #tpu.memory_space<vmem_shared>>) offsets(%dma_start3A_346 : memref<64xi32, #tpu.memory_space<vmem>>) semaphore(%run_scoped3A_339 : memref<!tpu.dma_semaphore, #tpu.memory_space<semaphore_mem>>)
      %dma_wait3A_350 = arith.constant 0 : i32
      %dma_wait3A_351 = arith.constant 0 : i32
      %dma_wait3A_352 = tpu.memref_slice %arg9[%run_scoped3A_19, %dma_wait3A_350, %dma_wait3A_351] : memref<4x64x128xf32, #tpu.memory_space<vmem>> -> memref<1x64x128xf32, #tpu.memory_space<vmem>>
      %dma_wait3A_353 = tpu.memref_squeeze %dma_wait3A_352 : memref<1x64x128xf32, #tpu.memory_space<vmem>> -> memref<64x128xf32, #tpu.memory_space<vmem>>
      %dma_wait3A_354 = arith.constant 0 : i32
      %dma_wait3A_355 = tpu.memref_slice %arg8[%run_scoped3A_20, %dma_wait3A_354] : memref<10x64xi32, #tpu.memory_space<vmem>> -> memref<1x64xi32, #tpu.memory_space<vmem>>
      %dma_wait3A_356 = tpu.memref_squeeze %dma_wait3A_355 : memref<1x64xi32, #tpu.memory_space<vmem>> -> memref<64xi32, #tpu.memory_space<vmem>>
      %dma_wait3A_357 = arith.constant 0 : i32
      %dma_wait3A_358 = arith.constant 0 : i32
      %dma_wait3A_359 = tpu.memref_slice %arg12[%dma_wait3A_357, %dma_wait3A_358] : memref<10240x128xf32, #tpu.memory_space<vmem_shared>> -> memref<10240x128xf32, #tpu.memory_space<vmem_shared>>
      tpu.wait_indirect_dma semaphore(%run_scoped3A_339 : memref<!tpu.dma_semaphore, #tpu.memory_space<semaphore_mem>>) src(%dma_wait3A_353 : memref<64x128xf32, #tpu.memory_space<vmem>>) dst(%dma_wait3A_359 : memref<10240x128xf32, #tpu.memory_space<vmem_shared>>)
      tpu.yield
    }) : () -> ()
    %run_scoped3A_21 = arith.constant 0 : i32
    %run_scoped3A_22 = arith.constant 3 : i32
    "tpu.region"() ({
      %run_scoped3A_339 = tpu.sem_alloc : memref<!tpu.dma_semaphore, #tpu.memory_space<semaphore_mem>>
      %dma_start3A_340 = arith.constant 0 : i32
      %dma_start3A_341 = arith.constant 0 : i32
      %dma_start3A_342 = tpu.memref_slice %arg9[%run_scoped3A_21, %dma_start3A_340, %dma_start3A_341] : memref<4x64x128xf32, #tpu.memory_space<vmem>> -> memref<1x64x128xf32, #tpu.memory_space<vmem>>
      %dma_start3A_343 = tpu.memref_squeeze %dma_start3A_342 : memref<1x64x128xf32, #tpu.memory_space<vmem>> -> memref<64x128xf32, #tpu.memory_space<vmem>>
      %dma_start3A_344 = arith.constant 0 : i32
      %dma_start3A_345 = tpu.memref_slice %arg8[%run_scoped3A_22, %dma_start3A_344] : memref<10x64xi32, #tpu.memory_space<vmem>> -> memref<1x64xi32, #tpu.memory_space<vmem>>
      %dma_start3A_346 = tpu.memref_squeeze %dma_start3A_345 : memref<1x64xi32, #tpu.memory_space<vmem>> -> memref<64xi32, #tpu.memory_space<vmem>>
      %dma_start3A_347 = arith.constant 0 : i32
      %dma_start3A_348 = arith.constant 0 : i32
      %dma_start3A_349 = tpu.memref_slice %arg12[%dma_start3A_347, %dma_start3A_348] : memref<10240x128xf32, #tpu.memory_space<vmem_shared>> -> memref<10240x128xf32, #tpu.memory_space<vmem_shared>>
      tpu.enqueue_indirect_dma source(%dma_start3A_343 : memref<64x128xf32, #tpu.memory_space<vmem>>) target(%dma_start3A_349 : memref<10240x128xf32, #tpu.memory_space<vmem_shared>>) offsets(%dma_start3A_346 : memref<64xi32, #tpu.memory_space<vmem>>) semaphore(%run_scoped3A_339 : memref<!tpu.dma_semaphore, #tpu.memory_space<semaphore_mem>>)
      %dma_wait3A_350 = arith.constant 0 : i32
      %dma_wait3A_351 = arith.constant 0 : i32
      %dma_wait3A_352 = tpu.memref_slice %arg9[%run_scoped3A_21, %dma_wait3A_350, %dma_wait3A_351] : memref<4x64x128xf32, #tpu.memory_space<vmem>> -> memref<1x64x128xf32, #tpu.memory_space<vmem>>
      %dma_wait3A_353 = tpu.memref_squeeze %dma_wait3A_352 : memref<1x64x128xf32, #tpu.memory_space<vmem>> -> memref<64x128xf32, #tpu.memory_space<vmem>>
      %dma_wait3A_354 = arith.constant 0 : i32
      %dma_wait3A_355 = tpu.memref_slice %arg8[%run_scoped3A_22, %dma_wait3A_354] : memref<10x64xi32, #tpu.memory_space<vmem>> -> memref<1x64xi32, #tpu.memory_space<vmem>>
      %dma_wait3A_356 = tpu.memref_squeeze %dma_wait3A_355 : memref<1x64xi32, #tpu.memory_space<vmem>> -> memref<64xi32, #tpu.memory_space<vmem>>
      %dma_wait3A_357 = arith.constant 0 : i32
      %dma_wait3A_358 = arith.constant 0 : i32
      %dma_wait3A_359 = tpu.memref_slice %arg12[%dma_wait3A_357, %dma_wait3A_358] : memref<10240x128xf32, #tpu.memory_space<vmem_shared>> -> memref<10240x128xf32, #tpu.memory_space<vmem_shared>>
      tpu.wait_indirect_dma semaphore(%run_scoped3A_339 : memref<!tpu.dma_semaphore, #tpu.memory_space<semaphore_mem>>) src(%dma_wait3A_353 : memref<64x128xf32, #tpu.memory_space<vmem>>) dst(%dma_wait3A_359 : memref<10240x128xf32, #tpu.memory_space<vmem_shared>>)
      tpu.yield
    }) : () -> ()
    %run_scoped3A_23 = arith.constant 0 : i32
    %run_scoped3A_24 = arith.constant 4 : i32
    "tpu.region"() ({
      %run_scoped3A_339 = tpu.sem_alloc : memref<!tpu.dma_semaphore, #tpu.memory_space<semaphore_mem>>
      %dma_start3A_340 = arith.constant 0 : i32
      %dma_start3A_341 = arith.constant 0 : i32
      %dma_start3A_342 = tpu.memref_slice %arg9[%run_scoped3A_23, %dma_start3A_340, %dma_start3A_341] : memref<4x64x128xf32, #tpu.memory_space<vmem>> -> memref<1x64x128xf32, #tpu.memory_space<vmem>>
      %dma_start3A_343 = tpu.memref_squeeze %dma_start3A_342 : memref<1x64x128xf32, #tpu.memory_space<vmem>> -> memref<64x128xf32, #tpu.memory_space<vmem>>
      %dma_start3A_344 = arith.constant 0 : i32
      %dma_start3A_345 = tpu.memref_slice %arg8[%run_scoped3A_24, %dma_start3A_344] : memref<10x64xi32, #tpu.memory_space<vmem>> -> memref<1x64xi32, #tpu.memory_space<vmem>>
      %dma_start3A_346 = tpu.memref_squeeze %dma_start3A_345 : memref<1x64xi32, #tpu.memory_space<vmem>> -> memref<64xi32, #tpu.memory_space<vmem>>
      %dma_start3A_347 = arith.constant 0 : i32
      %dma_start3A_348 = arith.constant 0 : i32
      %dma_start3A_349 = tpu.memref_slice %arg12[%dma_start3A_347, %dma_start3A_348] : memref<10240x128xf32, #tpu.memory_space<vmem_shared>> -> memref<10240x128xf32, #tpu.memory_space<vmem_shared>>
      tpu.enqueue_indirect_dma source(%dma_start3A_343 : memref<64x128xf32, #tpu.memory_space<vmem>>) target(%dma_start3A_349 : memref<10240x128xf32, #tpu.memory_space<vmem_shared>>) offsets(%dma_start3A_346 : memref<64xi32, #tpu.memory_space<vmem>>) semaphore(%run_scoped3A_339 : memref<!tpu.dma_semaphore, #tpu.memory_space<semaphore_mem>>)
      %dma_wait3A_350 = arith.constant 0 : i32
      %dma_wait3A_351 = arith.constant 0 : i32
      %dma_wait3A_352 = tpu.memref_slice %arg9[%run_scoped3A_23, %dma_wait3A_350, %dma_wait3A_351] : memref<4x64x128xf32, #tpu.memory_space<vmem>> -> memref<1x64x128xf32, #tpu.memory_space<vmem>>
      %dma_wait3A_353 = tpu.memref_squeeze %dma_wait3A_352 : memref<1x64x128xf32, #tpu.memory_space<vmem>> -> memref<64x128xf32, #tpu.memory_space<vmem>>
      %dma_wait3A_354 = arith.constant 0 : i32
      %dma_wait3A_355 = tpu.memref_slice %arg8[%run_scoped3A_24, %dma_wait3A_354] : memref<10x64xi32, #tpu.memory_space<vmem>> -> memref<1x64xi32, #tpu.memory_space<vmem>>
      %dma_wait3A_356 = tpu.memref_squeeze %dma_wait3A_355 : memref<1x64xi32, #tpu.memory_space<vmem>> -> memref<64xi32, #tpu.memory_space<vmem>>
      %dma_wait3A_357 = arith.constant 0 : i32
      %dma_wait3A_358 = arith.constant 0 : i32
      %dma_wait3A_359 = tpu.memref_slice %arg12[%dma_wait3A_357, %dma_wait3A_358] : memref<10240x128xf32, #tpu.memory_space<vmem_shared>> -> memref<10240x128xf32, #tpu.memory_space<vmem_shared>>
      tpu.wait_indirect_dma semaphore(%run_scoped3A_339 : memref<!tpu.dma_semaphore, #tpu.memory_space<semaphore_mem>>) src(%dma_wait3A_353 : memref<64x128xf32, #tpu.memory_space<vmem>>) dst(%dma_wait3A_359 : memref<10240x128xf32, #tpu.memory_space<vmem_shared>>)
      tpu.yield
    }) : () -> ()
    %run_scoped3A_25 = arith.constant 0 : i32
    %run_scoped3A_26 = arith.constant 5 : i32
    "tpu.region"() ({
      %run_scoped3A_339 = tpu.sem_alloc : memref<!tpu.dma_semaphore, #tpu.memory_space<semaphore_mem>>
      %dma_start3A_340 = arith.constant 0 : i32
      %dma_start3A_341 = arith.constant 0 : i32
      %dma_start3A_342 = tpu.memref_slice %arg9[%run_scoped3A_25, %dma_start3A_340, %dma_start3A_341] : memref<4x64x128xf32, #tpu.memory_space<vmem>> -> memref<1x64x128xf32, #tpu.memory_space<vmem>>
      %dma_start3A_343 = tpu.memref_squeeze %dma_start3A_342 : memref<1x64x128xf32, #tpu.memory_space<vmem>> -> memref<64x128xf32, #tpu.memory_space<vmem>>
      %dma_start3A_344 = arith.constant 0 : i32
      %dma_start3A_345 = tpu.memref_slice %arg8[%run_scoped3A_26, %dma_start3A_344] : memref<10x64xi32, #tpu.memory_space<vmem>> -> memref<1x64xi32, #tpu.memory_space<vmem>>
      %dma_start3A_346 = tpu.memref_squeeze %dma_start3A_345 : memref<1x64xi32, #tpu.memory_space<vmem>> -> memref<64xi32, #tpu.memory_space<vmem>>
      %dma_start3A_347 = arith.constant 0 : i32
      %dma_start3A_348 = arith.constant 0 : i32
      %dma_start3A_349 = tpu.memref_slice %arg12[%dma_start3A_347, %dma_start3A_348] : memref<10240x128xf32, #tpu.memory_space<vmem_shared>> -> memref<10240x128xf32, #tpu.memory_space<vmem_shared>>
      tpu.enqueue_indirect_dma source(%dma_start3A_343 : memref<64x128xf32, #tpu.memory_space<vmem>>) target(%dma_start3A_349 : memref<10240x128xf32, #tpu.memory_space<vmem_shared>>) offsets(%dma_start3A_346 : memref<64xi32, #tpu.memory_space<vmem>>) semaphore(%run_scoped3A_339 : memref<!tpu.dma_semaphore, #tpu.memory_space<semaphore_mem>>)
      %dma_wait3A_350 = arith.constant 0 : i32
      %dma_wait3A_351 = arith.constant 0 : i32
      %dma_wait3A_352 = tpu.memref_slice %arg9[%run_scoped3A_25, %dma_wait3A_350, %dma_wait3A_351] : memref<4x64x128xf32, #tpu.memory_space<vmem>> -> memref<1x64x128xf32, #tpu.memory_space<vmem>>
      %dma_wait3A_353 = tpu.memref_squeeze %dma_wait3A_352 : memref<1x64x128xf32, #tpu.memory_space<vmem>> -> memref<64x128xf32, #tpu.memory_space<vmem>>
      %dma_wait3A_354 = arith.constant 0 : i32
      %dma_wait3A_355 = tpu.memref_slice %arg8[%run_scoped3A_26, %dma_wait3A_354] : memref<10x64xi32, #tpu.memory_space<vmem>> -> memref<1x64xi32, #tpu.memory_space<vmem>>
      %dma_wait3A_356 = tpu.memref_squeeze %dma_wait3A_355 : memref<1x64xi32, #tpu.memory_space<vmem>> -> memref<64xi32, #tpu.memory_space<vmem>>
      %dma_wait3A_357 = arith.constant 0 : i32
      %dma_wait3A_358 = arith.constant 0 : i32
      %dma_wait3A_359 = tpu.memref_slice %arg12[%dma_wait3A_357, %dma_wait3A_358] : memref<10240x128xf32, #tpu.memory_space<vmem_shared>> -> memref<10240x128xf32, #tpu.memory_space<vmem_shared>>
      tpu.wait_indirect_dma semaphore(%run_scoped3A_339 : memref<!tpu.dma_semaphore, #tpu.memory_space<semaphore_mem>>) src(%dma_wait3A_353 : memref<64x128xf32, #tpu.memory_space<vmem>>) dst(%dma_wait3A_359 : memref<10240x128xf32, #tpu.memory_space<vmem_shared>>)
      tpu.yield
    }) : () -> ()
    %run_scoped3A_27 = arith.constant 0 : i32
    %run_scoped3A_28 = arith.constant 6 : i32
    "tpu.region"() ({
      %run_scoped3A_339 = tpu.sem_alloc : memref<!tpu.dma_semaphore, #tpu.memory_space<semaphore_mem>>
      %dma_start3A_340 = arith.constant 0 : i32
      %dma_start3A_341 = arith.constant 0 : i32
      %dma_start3A_342 = tpu.memref_slice %arg9[%run_scoped3A_27, %dma_start3A_340, %dma_start3A_341] : memref<4x64x128xf32, #tpu.memory_space<vmem>> -> memref<1x64x128xf32, #tpu.memory_space<vmem>>
      %dma_start3A_343 = tpu.memref_squeeze %dma_start3A_342 : memref<1x64x128xf32, #tpu.memory_space<vmem>> -> memref<64x128xf32, #tpu.memory_space<vmem>>
      %dma_start3A_344 = arith.constant 0 : i32
      %dma_start3A_345 = tpu.memref_slice %arg8[%run_scoped3A_28, %dma_start3A_344] : memref<10x64xi32, #tpu.memory_space<vmem>> -> memref<1x64xi32, #tpu.memory_space<vmem>>
      %dma_start3A_346 = tpu.memref_squeeze %dma_start3A_345 : memref<1x64xi32, #tpu.memory_space<vmem>> -> memref<64xi32, #tpu.memory_space<vmem>>
      %dma_start3A_347 = arith.constant 0 : i32
      %dma_start3A_348 = arith.constant 0 : i32
      %dma_start3A_349 = tpu.memref_slice %arg12[%dma_start3A_347, %dma_start3A_348] : memref<10240x128xf32, #tpu.memory_space<vmem_shared>> -> memref<10240x128xf32, #tpu.memory_space<vmem_shared>>
      tpu.enqueue_indirect_dma source(%dma_start3A_343 : memref<64x128xf32, #tpu.memory_space<vmem>>) target(%dma_start3A_349 : memref<10240x128xf32, #tpu.memory_space<vmem_shared>>) offsets(%dma_start3A_346 : memref<64xi32, #tpu.memory_space<vmem>>) semaphore(%run_scoped3A_339 : memref<!tpu.dma_semaphore, #tpu.memory_space<semaphore_mem>>)
      %dma_wait3A_350 = arith.constant 0 : i32
      %dma_wait3A_351 = arith.constant 0 : i32
      %dma_wait3A_352 = tpu.memref_slice %arg9[%run_scoped3A_27, %dma_wait3A_350, %dma_wait3A_351] : memref<4x64x128xf32, #tpu.memory_space<vmem>> -> memref<1x64x128xf32, #tpu.memory_space<vmem>>
      %dma_wait3A_353 = tpu.memref_squeeze %dma_wait3A_352 : memref<1x64x128xf32, #tpu.memory_space<vmem>> -> memref<64x128xf32, #tpu.memory_space<vmem>>
      %dma_wait3A_354 = arith.constant 0 : i32
      %dma_wait3A_355 = tpu.memref_slice %arg8[%run_scoped3A_28, %dma_wait3A_354] : memref<10x64xi32, #tpu.memory_space<vmem>> -> memref<1x64xi32, #tpu.memory_space<vmem>>
      %dma_wait3A_356 = tpu.memref_squeeze %dma_wait3A_355 : memref<1x64xi32, #tpu.memory_space<vmem>> -> memref<64xi32, #tpu.memory_space<vmem>>
      %dma_wait3A_357 = arith.constant 0 : i32
      %dma_wait3A_358 = arith.constant 0 : i32
      %dma_wait3A_359 = tpu.memref_slice %arg12[%dma_wait3A_357, %dma_wait3A_358] : memref<10240x128xf32, #tpu.memory_space<vmem_shared>> -> memref<10240x128xf32, #tpu.memory_space<vmem_shared>>
      tpu.wait_indirect_dma semaphore(%run_scoped3A_339 : memref<!tpu.dma_semaphore, #tpu.memory_space<semaphore_mem>>) src(%dma_wait3A_353 : memref<64x128xf32, #tpu.memory_space<vmem>>) dst(%dma_wait3A_359 : memref<10240x128xf32, #tpu.memory_space<vmem_shared>>)
      tpu.yield
    }) : () -> ()
    %run_scoped3A_29 = arith.constant 0 : i32
    %run_scoped3A_30 = arith.constant 7 : i32
    "tpu.region"() ({
      %run_scoped3A_339 = tpu.sem_alloc : memref<!tpu.dma_semaphore, #tpu.memory_space<semaphore_mem>>
      %dma_start3A_340 = arith.constant 0 : i32
      %dma_start3A_341 = arith.constant 0 : i32
      %dma_start3A_342 = tpu.memref_slice %arg9[%run_scoped3A_29, %dma_start3A_340, %dma_start3A_341] : memref<4x64x128xf32, #tpu.memory_space<vmem>> -> memref<1x64x128xf32, #tpu.memory_space<vmem>>
      %dma_start3A_343 = tpu.memref_squeeze %dma_start3A_342 : memref<1x64x128xf32, #tpu.memory_space<vmem>> -> memref<64x128xf32, #tpu.memory_space<vmem>>
      %dma_start3A_344 = arith.constant 0 : i32
      %dma_start3A_345 = tpu.memref_slice %arg8[%run_scoped3A_30, %dma_start3A_344] : memref<10x64xi32, #tpu.memory_space<vmem>> -> memref<1x64xi32, #tpu.memory_space<vmem>>
      %dma_start3A_346 = tpu.memref_squeeze %dma_start3A_345 : memref<1x64xi32, #tpu.memory_space<vmem>> -> memref<64xi32, #tpu.memory_space<vmem>>
      %dma_start3A_347 = arith.constant 0 : i32
      %dma_start3A_348 = arith.constant 0 : i32
      %dma_start3A_349 = tpu.memref_slice %arg12[%dma_start3A_347, %dma_start3A_348] : memref<10240x128xf32, #tpu.memory_space<vmem_shared>> -> memref<10240x128xf32, #tpu.memory_space<vmem_shared>>
      tpu.enqueue_indirect_dma source(%dma_start3A_343 : memref<64x128xf32, #tpu.memory_space<vmem>>) target(%dma_start3A_349 : memref<10240x128xf32, #tpu.memory_space<vmem_shared>>) offsets(%dma_start3A_346 : memref<64xi32, #tpu.memory_space<vmem>>) semaphore(%run_scoped3A_339 : memref<!tpu.dma_semaphore, #tpu.memory_space<semaphore_mem>>)
      %dma_wait3A_350 = arith.constant 0 : i32
      %dma_wait3A_351 = arith.constant 0 : i32
      %dma_wait3A_352 = tpu.memref_slice %arg9[%run_scoped3A_29, %dma_wait3A_350, %dma_wait3A_351] : memref<4x64x128xf32, #tpu.memory_space<vmem>> -> memref<1x64x128xf32, #tpu.memory_space<vmem>>
      %dma_wait3A_353 = tpu.memref_squeeze %dma_wait3A_352 : memref<1x64x128xf32, #tpu.memory_space<vmem>> -> memref<64x128xf32, #tpu.memory_space<vmem>>
      %dma_wait3A_354 = arith.constant 0 : i32
      %dma_wait3A_355 = tpu.memref_slice %arg8[%run_scoped3A_30, %dma_wait3A_354] : memref<10x64xi32, #tpu.memory_space<vmem>> -> memref<1x64xi32, #tpu.memory_space<vmem>>
      %dma_wait3A_356 = tpu.memref_squeeze %dma_wait3A_355 : memref<1x64xi32, #tpu.memory_space<vmem>> -> memref<64xi32, #tpu.memory_space<vmem>>
      %dma_wait3A_357 = arith.constant 0 : i32
      %dma_wait3A_358 = arith.constant 0 : i32
      %dma_wait3A_359 = tpu.memref_slice %arg12[%dma_wait3A_357, %dma_wait3A_358] : memref<10240x128xf32, #tpu.memory_space<vmem_shared>> -> memref<10240x128xf32, #tpu.memory_space<vmem_shared>>
      tpu.wait_indirect_dma semaphore(%run_scoped3A_339 : memref<!tpu.dma_semaphore, #tpu.memory_space<semaphore_mem>>) src(%dma_wait3A_353 : memref<64x128xf32, #tpu.memory_space<vmem>>) dst(%dma_wait3A_359 : memref<10240x128xf32, #tpu.memory_space<vmem_shared>>)
      tpu.yield
    }) : () -> ()
    %run_scoped3A_31 = arith.constant 0 : i32
    %run_scoped3A_32 = arith.constant 8 : i32
    "tpu.region"() ({
      %run_scoped3A_339 = tpu.sem_alloc : memref<!tpu.dma_semaphore, #tpu.memory_space<semaphore_mem>>
      %dma_start3A_340 = arith.constant 0 : i32
      %dma_start3A_341 = arith.constant 0 : i32
      %dma_start3A_342 = tpu.memref_slice %arg9[%run_scoped3A_31, %dma_start3A_340, %dma_start3A_341] : memref<4x64x128xf32, #tpu.memory_space<vmem>> -> memref<1x64x128xf32, #tpu.memory_space<vmem>>
      %dma_start3A_343 = tpu.memref_squeeze %dma_start3A_342 : memref<1x64x128xf32, #tpu.memory_space<vmem>> -> memref<64x128xf32, #tpu.memory_space<vmem>>
      %dma_start3A_344 = arith.constant 0 : i32
      %dma_start3A_345 = tpu.memref_slice %arg8[%run_scoped3A_32, %dma_start3A_344] : memref<10x64xi32, #tpu.memory_space<vmem>> -> memref<1x64xi32, #tpu.memory_space<vmem>>
      %dma_start3A_346 = tpu.memref_squeeze %dma_start3A_345 : memref<1x64xi32, #tpu.memory_space<vmem>> -> memref<64xi32, #tpu.memory_space<vmem>>
      %dma_start3A_347 = arith.constant 0 : i32
      %dma_start3A_348 = arith.constant 0 : i32
      %dma_start3A_349 = tpu.memref_slice %arg12[%dma_start3A_347, %dma_start3A_348] : memref<10240x128xf32, #tpu.memory_space<vmem_shared>> -> memref<10240x128xf32, #tpu.memory_space<vmem_shared>>
      tpu.enqueue_indirect_dma source(%dma_start3A_343 : memref<64x128xf32, #tpu.memory_space<vmem>>) target(%dma_start3A_349 : memref<10240x128xf32, #tpu.memory_space<vmem_shared>>) offsets(%dma_start3A_346 : memref<64xi32, #tpu.memory_space<vmem>>) semaphore(%run_scoped3A_339 : memref<!tpu.dma_semaphore, #tpu.memory_space<semaphore_mem>>)
      %dma_wait3A_350 = arith.constant 0 : i32
      %dma_wait3A_351 = arith.constant 0 : i32
      %dma_wait3A_352 = tpu.memref_slice %arg9[%run_scoped3A_31, %dma_wait3A_350, %dma_wait3A_351] : memref<4x64x128xf32, #tpu.memory_space<vmem>> -> memref<1x64x128xf32, #tpu.memory_space<vmem>>
      %dma_wait3A_353 = tpu.memref_squeeze %dma_wait3A_352 : memref<1x64x128xf32, #tpu.memory_space<vmem>> -> memref<64x128xf32, #tpu.memory_space<vmem>>
      %dma_wait3A_354 = arith.constant 0 : i32
      %dma_wait3A_355 = tpu.memref_slice %arg8[%run_scoped3A_32, %dma_wait3A_354] : memref<10x64xi32, #tpu.memory_space<vmem>> -> memref<1x64xi32, #tpu.memory_space<vmem>>
      %dma_wait3A_356 = tpu.memref_squeeze %dma_wait3A_355 : memref<1x64xi32, #tpu.memory_space<vmem>> -> memref<64xi32, #tpu.memory_space<vmem>>
      %dma_wait3A_357 = arith.constant 0 : i32
      %dma_wait3A_358 = arith.constant 0 : i32
      %dma_wait3A_359 = tpu.memref_slice %arg12[%dma_wait3A_357, %dma_wait3A_358] : memref<10240x128xf32, #tpu.memory_space<vmem_shared>> -> memref<10240x128xf32, #tpu.memory_space<vmem_shared>>
      tpu.wait_indirect_dma semaphore(%run_scoped3A_339 : memref<!tpu.dma_semaphore, #tpu.memory_space<semaphore_mem>>) src(%dma_wait3A_353 : memref<64x128xf32, #tpu.memory_space<vmem>>) dst(%dma_wait3A_359 : memref<10240x128xf32, #tpu.memory_space<vmem_shared>>)
      tpu.yield
    }) : () -> ()
    %run_scoped3A_33 = arith.constant 0 : i32
    %run_scoped3A_34 = arith.constant 9 : i32
    "tpu.region"() ({
      %run_scoped3A_339 = tpu.sem_alloc : memref<!tpu.dma_semaphore, #tpu.memory_space<semaphore_mem>>
      %dma_start3A_340 = arith.constant 0 : i32
      %dma_start3A_341 = arith.constant 0 : i32
      %dma_start3A_342 = tpu.memref_slice %arg9[%run_scoped3A_33, %dma_start3A_340, %dma_start3A_341] : memref<4x64x128xf32, #tpu.memory_space<vmem>> -> memref<1x64x128xf32, #tpu.memory_space<vmem>>
      %dma_start3A_343 = tpu.memref_squeeze %dma_start3A_342 : memref<1x64x128xf32, #tpu.memory_space<vmem>> -> memref<64x128xf32, #tpu.memory_space<vmem>>
      %dma_start3A_344 = arith.constant 0 : i32
      %dma_start3A_345 = tpu.memref_slice %arg8[%run_scoped3A_34, %dma_start3A_344] : memref<10x64xi32, #tpu.memory_space<vmem>> -> memref<1x64xi32, #tpu.memory_space<vmem>>
      %dma_start3A_346 = tpu.memref_squeeze %dma_start3A_345 : memref<1x64xi32, #tpu.memory_space<vmem>> -> memref<64xi32, #tpu.memory_space<vmem>>
      %dma_start3A_347 = arith.constant 0 : i32
      %dma_start3A_348 = arith.constant 0 : i32
      %dma_start3A_349 = tpu.memref_slice %arg12[%dma_start3A_347, %dma_start3A_348] : memref<10240x128xf32, #tpu.memory_space<vmem_shared>> -> memref<10240x128xf32, #tpu.memory_space<vmem_shared>>
      tpu.enqueue_indirect_dma source(%dma_start3A_343 : memref<64x128xf32, #tpu.memory_space<vmem>>) target(%dma_start3A_349 : memref<10240x128xf32, #tpu.memory_space<vmem_shared>>) offsets(%dma_start3A_346 : memref<64xi32, #tpu.memory_space<vmem>>) semaphore(%run_scoped3A_339 : memref<!tpu.dma_semaphore, #tpu.memory_space<semaphore_mem>>)
      %dma_wait3A_350 = arith.constant 0 : i32
      %dma_wait3A_351 = arith.constant 0 : i32
      %dma_wait3A_352 = tpu.memref_slice %arg9[%run_scoped3A_33, %dma_wait3A_350, %dma_wait3A_351] : memref<4x64x128xf32, #tpu.memory_space<vmem>> -> memref<1x64x128xf32, #tpu.memory_space<vmem>>
      %dma_wait3A_353 = tpu.memref_squeeze %dma_wait3A_352 : memref<1x64x128xf32, #tpu.memory_space<vmem>> -> memref<64x128xf32, #tpu.memory_space<vmem>>
      %dma_wait3A_354 = arith.constant 0 : i32
      %dma_wait3A_355 = tpu.memref_slice %arg8[%run_scoped3A_34, %dma_wait3A_354] : memref<10x64xi32, #tpu.memory_space<vmem>> -> memref<1x64xi32, #tpu.memory_space<vmem>>
      %dma_wait3A_356 = tpu.memref_squeeze %dma_wait3A_355 : memref<1x64xi32, #tpu.memory_space<vmem>> -> memref<64xi32, #tpu.memory_space<vmem>>
      %dma_wait3A_357 = arith.constant 0 : i32
      %dma_wait3A_358 = arith.constant 0 : i32
      %dma_wait3A_359 = tpu.memref_slice %arg12[%dma_wait3A_357, %dma_wait3A_358] : memref<10240x128xf32, #tpu.memory_space<vmem_shared>> -> memref<10240x128xf32, #tpu.memory_space<vmem_shared>>
      tpu.wait_indirect_dma semaphore(%run_scoped3A_339 : memref<!tpu.dma_semaphore, #tpu.memory_space<semaphore_mem>>) src(%dma_wait3A_353 : memref<64x128xf32, #tpu.memory_space<vmem>>) dst(%dma_wait3A_359 : memref<10240x128xf32, #tpu.memory_space<vmem_shared>>)
      tpu.yield
    }) : () -> ()
    %barrier3A = arith.constant 0 : index
    tpu.barrier barrier_id(%barrier3A)
    %scan3A_35 = arith.constant 0 : i32
    %scan3A_36 = arith.constant 40 : i32
    %scan3A_37 = arith.addi %scan3A_35, %scan3A_36 : i32
    %scan3A_38 = arith.constant 1 : i32
    scf.for %scan3A_339 = %scan3A_35 to %scan3A_37 step %scan3A_38  : i32 {
      %mul3A_340 = arith.constant 1 : i32
      %mul3A_341 = arith.muli %scan3A_339, %mul3A_340 : i32
      %add3A_342 = arith.constant 0 : i32
      %add3A_343 = arith.addi %add3A_342, %mul3A_341 : i32
      %mul3A_344 = arith.constant 2 : i32
      %mul3A_345 = arith.muli %add3A_343, %mul3A_344 : i32
      %mul3A_346 = arith.constant 4 : i32
      %mul3A_347 = arith.muli %mul3A_345, %mul3A_346 : i32
      %add3A_348 = arith.addi %mul3A_6, %mul3A_347 : i32
      "tpu.region"() ({
        %run_scoped3A_635 = tpu.sem_alloc : memref<!tpu.dma_semaphore, #tpu.memory_space<semaphore_mem>>
        %dma_start3A_636 = arith.constant 0 : i32
        %dma_start3A_637 = tpu.memref_slice %arg3[%add3A_348, %dma_start3A_636] : memref<10240x64xi32, #tpu.memory_space<hbm>> -> memref<8x64xi32, #tpu.memory_space<hbm>>
        %dma_start3A_638 = arith.constant 0 : i32
        %dma_start3A_639 = tpu.memref_slice %arg3[%add3A_348, %dma_start3A_638] : memref<10240x64xi32, #tpu.memory_space<hbm>> -> memref<8x64xi32, #tpu.memory_space<hbm>>
        tpu.enqueue_dma source(%dma_start3A_639 : memref<8x64xi32, #tpu.memory_space<hbm>>) target(%arg7 : memref<8x64xi32, #tpu.memory_space<vmem>>) target_semaphore(%run_scoped3A_635 : memref<!tpu.dma_semaphore, #tpu.memory_space<semaphore_mem>>)
        %dma_wait3A_640 = arith.constant 0 : i32
        %dma_wait3A_641 = tpu.memref_slice %arg3[%add3A_348, %dma_wait3A_640] : memref<10240x64xi32, #tpu.memory_space<hbm>> -> memref<8x64xi32, #tpu.memory_space<hbm>>
        %dma_wait3A_642 = arith.constant 0 : i32
        %dma_wait3A_643 = tpu.memref_slice %arg3[%add3A_348, %dma_wait3A_642] : memref<10240x64xi32, #tpu.memory_space<hbm>> -> memref<8x64xi32, #tpu.memory_space<hbm>>
        tpu.wait_dma2 semaphore(%run_scoped3A_635 : memref<!tpu.dma_semaphore, #tpu.memory_space<semaphore_mem>>) src(%dma_wait3A_643 : memref<8x64xi32, #tpu.memory_space<hbm>>) dst(%arg7 : memref<8x64xi32, #tpu.memory_space<vmem>>)
        tpu.yield
      }) : () -> ()
      %dma_start3A_349 = arith.constant 0 : i32
      %dma_start3A_350 = arith.constant 0 : i32
      %dma_start3A_351 = arith.constant 0 : i32
      %dma_start3A_352 = arith.constant 0 : i32
      %dma_start3A_353 = tpu.memref_slice %arg9[%dma_start3A_350, %dma_start3A_351, %dma_start3A_352] : memref<4x64x128xf32, #tpu.memory_space<vmem>> -> memref<1x64x128xf32, #tpu.memory_space<vmem>>
      %dma_start3A_354 = tpu.memref_squeeze %dma_start3A_353 : memref<1x64x128xf32, #tpu.memory_space<vmem>> -> memref<64x128xf32, #tpu.memory_space<vmem>>
      %dma_start3A_355 = arith.constant 0 : i32
      %dma_start3A_356 = tpu.memref_slice %arg7[%dma_start3A_349, %dma_start3A_355] : memref<8x64xi32, #tpu.memory_space<vmem>> -> memref<1x64xi32, #tpu.memory_space<vmem>>
      %dma_start3A_357 = tpu.memref_squeeze %dma_start3A_356 : memref<1x64xi32, #tpu.memory_space<vmem>> -> memref<64xi32, #tpu.memory_space<vmem>>
      %dma_start3A_358 = arith.constant 0 : i32
      %dma_start3A_359 = arith.constant 0 : i32
      %dma_start3A_360 = tpu.memref_slice %arg2[%dma_start3A_358, %dma_start3A_359] : memref<10000x128xf32, #tpu.memory_space<hbm>> -> memref<10000x128xf32, #tpu.memory_space<hbm>>
      tpu.enqueue_indirect_dma source(%dma_start3A_360 : memref<10000x128xf32, #tpu.memory_space<hbm>>) target(%dma_start3A_354 : memref<64x128xf32, #tpu.memory_space<vmem>>) offsets(%dma_start3A_357 : memref<64xi32, #tpu.memory_space<vmem>>) semaphore(%arg10 : memref<!tpu.dma_semaphore, #tpu.memory_space<semaphore_mem>>)
      %dma_start3A_361 = arith.constant 2 : i32
      %dma_start3A_362 = arith.constant 1 : i32
      %dma_start3A_363 = arith.constant 0 : i32
      %dma_start3A_364 = arith.constant 0 : i32
      %dma_start3A_365 = tpu.memref_slice %arg9[%dma_start3A_362, %dma_start3A_363, %dma_start3A_364] : memref<4x64x128xf32, #tpu.memory_space<vmem>> -> memref<1x64x128xf32, #tpu.memory_space<vmem>>
      %dma_start3A_366 = tpu.memref_squeeze %dma_start3A_365 : memref<1x64x128xf32, #tpu.memory_space<vmem>> -> memref<64x128xf32, #tpu.memory_space<vmem>>
      %dma_start3A_367 = arith.constant 0 : i32
      %dma_start3A_368 = tpu.memref_slice %arg7[%dma_start3A_361, %dma_start3A_367] : memref<8x64xi32, #tpu.memory_space<vmem>> -> memref<1x64xi32, #tpu.memory_space<vmem>>
      %dma_start3A_369 = tpu.memref_squeeze %dma_start3A_368 : memref<1x64xi32, #tpu.memory_space<vmem>> -> memref<64xi32, #tpu.memory_space<vmem>>
      %dma_start3A_370 = arith.constant 0 : i32
      %dma_start3A_371 = arith.constant 0 : i32
      %dma_start3A_372 = tpu.memref_slice %arg2[%dma_start3A_370, %dma_start3A_371] : memref<10000x128xf32, #tpu.memory_space<hbm>> -> memref<10000x128xf32, #tpu.memory_space<hbm>>
      tpu.enqueue_indirect_dma source(%dma_start3A_372 : memref<10000x128xf32, #tpu.memory_space<hbm>>) target(%dma_start3A_366 : memref<64x128xf32, #tpu.memory_space<vmem>>) offsets(%dma_start3A_369 : memref<64xi32, #tpu.memory_space<vmem>>) semaphore(%arg10 : memref<!tpu.dma_semaphore, #tpu.memory_space<semaphore_mem>>)
      %dma_start3A_373 = arith.constant 4 : i32
      %dma_start3A_374 = arith.constant 2 : i32
      %dma_start3A_375 = arith.constant 0 : i32
      %dma_start3A_376 = arith.constant 0 : i32
      %dma_start3A_377 = tpu.memref_slice %arg9[%dma_start3A_374, %dma_start3A_375, %dma_start3A_376] : memref<4x64x128xf32, #tpu.memory_space<vmem>> -> memref<1x64x128xf32, #tpu.memory_space<vmem>>
      %dma_start3A_378 = tpu.memref_squeeze %dma_start3A_377 : memref<1x64x128xf32, #tpu.memory_space<vmem>> -> memref<64x128xf32, #tpu.memory_space<vmem>>
      %dma_start3A_379 = arith.constant 0 : i32
      %dma_start3A_380 = tpu.memref_slice %arg7[%dma_start3A_373, %dma_start3A_379] : memref<8x64xi32, #tpu.memory_space<vmem>> -> memref<1x64xi32, #tpu.memory_space<vmem>>
      %dma_start3A_381 = tpu.memref_squeeze %dma_start3A_380 : memref<1x64xi32, #tpu.memory_space<vmem>> -> memref<64xi32, #tpu.memory_space<vmem>>
      %dma_start3A_382 = arith.constant 0 : i32
      %dma_start3A_383 = arith.constant 0 : i32
      %dma_start3A_384 = tpu.memref_slice %arg2[%dma_start3A_382, %dma_start3A_383] : memref<10000x128xf32, #tpu.memory_space<hbm>> -> memref<10000x128xf32, #tpu.memory_space<hbm>>
      tpu.enqueue_indirect_dma source(%dma_start3A_384 : memref<10000x128xf32, #tpu.memory_space<hbm>>) target(%dma_start3A_378 : memref<64x128xf32, #tpu.memory_space<vmem>>) offsets(%dma_start3A_381 : memref<64xi32, #tpu.memory_space<vmem>>) semaphore(%arg10 : memref<!tpu.dma_semaphore, #tpu.memory_space<semaphore_mem>>)
      %dma_start3A_385 = arith.constant 6 : i32
      %dma_start3A_386 = arith.constant 3 : i32
      %dma_start3A_387 = arith.constant 0 : i32
      %dma_start3A_388 = arith.constant 0 : i32
      %dma_start3A_389 = tpu.memref_slice %arg9[%dma_start3A_386, %dma_start3A_387, %dma_start3A_388] : memref<4x64x128xf32, #tpu.memory_space<vmem>> -> memref<1x64x128xf32, #tpu.memory_space<vmem>>
      %dma_start3A_390 = tpu.memref_squeeze %dma_start3A_389 : memref<1x64x128xf32, #tpu.memory_space<vmem>> -> memref<64x128xf32, #tpu.memory_space<vmem>>
      %dma_start3A_391 = arith.constant 0 : i32
      %dma_start3A_392 = tpu.memref_slice %arg7[%dma_start3A_385, %dma_start3A_391] : memref<8x64xi32, #tpu.memory_space<vmem>> -> memref<1x64xi32, #tpu.memory_space<vmem>>
      %dma_start3A_393 = tpu.memref_squeeze %dma_start3A_392 : memref<1x64xi32, #tpu.memory_space<vmem>> -> memref<64xi32, #tpu.memory_space<vmem>>
      %dma_start3A_394 = arith.constant 0 : i32
      %dma_start3A_395 = arith.constant 0 : i32
      %dma_start3A_396 = tpu.memref_slice %arg2[%dma_start3A_394, %dma_start3A_395] : memref<10000x128xf32, #tpu.memory_space<hbm>> -> memref<10000x128xf32, #tpu.memory_space<hbm>>
      tpu.enqueue_indirect_dma source(%dma_start3A_396 : memref<10000x128xf32, #tpu.memory_space<hbm>>) target(%dma_start3A_390 : memref<64x128xf32, #tpu.memory_space<vmem>>) offsets(%dma_start3A_393 : memref<64xi32, #tpu.memory_space<vmem>>) semaphore(%arg10 : memref<!tpu.dma_semaphore, #tpu.memory_space<semaphore_mem>>)
      %dma_wait3A_397 = arith.constant 0 : i32
      %dma_wait3A_398 = arith.constant 0 : i32
      %dma_wait3A_399 = arith.constant 0 : i32
      %dma_wait3A_400 = arith.constant 0 : i32
      %dma_wait3A_401 = tpu.memref_slice %arg9[%dma_wait3A_398, %dma_wait3A_399, %dma_wait3A_400] : memref<4x64x128xf32, #tpu.memory_space<vmem>> -> memref<1x64x128xf32, #tpu.memory_space<vmem>>
      %dma_wait3A_402 = tpu.memref_squeeze %dma_wait3A_401 : memref<1x64x128xf32, #tpu.memory_space<vmem>> -> memref<64x128xf32, #tpu.memory_space<vmem>>
      %dma_wait3A_403 = arith.constant 0 : i32
      %dma_wait3A_404 = tpu.memref_slice %arg7[%dma_wait3A_397, %dma_wait3A_403] : memref<8x64xi32, #tpu.memory_space<vmem>> -> memref<1x64xi32, #tpu.memory_space<vmem>>
      %dma_wait3A_405 = tpu.memref_squeeze %dma_wait3A_404 : memref<1x64xi32, #tpu.memory_space<vmem>> -> memref<64xi32, #tpu.memory_space<vmem>>
      %dma_wait3A_406 = arith.constant 0 : i32
      %dma_wait3A_407 = arith.constant 0 : i32
      %dma_wait3A_408 = tpu.memref_slice %arg2[%dma_wait3A_406, %dma_wait3A_407] : memref<10000x128xf32, #tpu.memory_space<hbm>> -> memref<10000x128xf32, #tpu.memory_space<hbm>>
      tpu.wait_indirect_dma semaphore(%arg10 : memref<!tpu.dma_semaphore, #tpu.memory_space<semaphore_mem>>) src(%dma_wait3A_408 : memref<10000x128xf32, #tpu.memory_space<hbm>>) dst(%dma_wait3A_402 : memref<64x128xf32, #tpu.memory_space<vmem>>)
      %dma_wait3A_409 = arith.constant 2 : i32
      %dma_wait3A_410 = arith.constant 1 : i32
      %dma_wait3A_411 = arith.constant 0 : i32
      %dma_wait3A_412 = arith.constant 0 : i32
      %dma_wait3A_413 = tpu.memref_slice %arg9[%dma_wait3A_410, %dma_wait3A_411, %dma_wait3A_412] : memref<4x64x128xf32, #tpu.memory_space<vmem>> -> memref<1x64x128xf32, #tpu.memory_space<vmem>>
      %dma_wait3A_414 = tpu.memref_squeeze %dma_wait3A_413 : memref<1x64x128xf32, #tpu.memory_space<vmem>> -> memref<64x128xf32, #tpu.memory_space<vmem>>
      %dma_wait3A_415 = arith.constant 0 : i32
      %dma_wait3A_416 = tpu.memref_slice %arg7[%dma_wait3A_409, %dma_wait3A_415] : memref<8x64xi32, #tpu.memory_space<vmem>> -> memref<1x64xi32, #tpu.memory_space<vmem>>
      %dma_wait3A_417 = tpu.memref_squeeze %dma_wait3A_416 : memref<1x64xi32, #tpu.memory_space<vmem>> -> memref<64xi32, #tpu.memory_space<vmem>>
      %dma_wait3A_418 = arith.constant 0 : i32
      %dma_wait3A_419 = arith.constant 0 : i32
      %dma_wait3A_420 = tpu.memref_slice %arg2[%dma_wait3A_418, %dma_wait3A_419] : memref<10000x128xf32, #tpu.memory_space<hbm>> -> memref<10000x128xf32, #tpu.memory_space<hbm>>
      tpu.wait_indirect_dma semaphore(%arg10 : memref<!tpu.dma_semaphore, #tpu.memory_space<semaphore_mem>>) src(%dma_wait3A_420 : memref<10000x128xf32, #tpu.memory_space<hbm>>) dst(%dma_wait3A_414 : memref<64x128xf32, #tpu.memory_space<vmem>>)
      %dma_wait3A_421 = arith.constant 4 : i32
      %dma_wait3A_422 = arith.constant 2 : i32
      %dma_wait3A_423 = arith.constant 0 : i32
      %dma_wait3A_424 = arith.constant 0 : i32
      %dma_wait3A_425 = tpu.memref_slice %arg9[%dma_wait3A_422, %dma_wait3A_423, %dma_wait3A_424] : memref<4x64x128xf32, #tpu.memory_space<vmem>> -> memref<1x64x128xf32, #tpu.memory_space<vmem>>
      %dma_wait3A_426 = tpu.memref_squeeze %dma_wait3A_425 : memref<1x64x128xf32, #tpu.memory_space<vmem>> -> memref<64x128xf32, #tpu.memory_space<vmem>>
      %dma_wait3A_427 = arith.constant 0 : i32
      %dma_wait3A_428 = tpu.memref_slice %arg7[%dma_wait3A_421, %dma_wait3A_427] : memref<8x64xi32, #tpu.memory_space<vmem>> -> memref<1x64xi32, #tpu.memory_space<vmem>>
      %dma_wait3A_429 = tpu.memref_squeeze %dma_wait3A_428 : memref<1x64xi32, #tpu.memory_space<vmem>> -> memref<64xi32, #tpu.memory_space<vmem>>
      %dma_wait3A_430 = arith.constant 0 : i32
      %dma_wait3A_431 = arith.constant 0 : i32
      %dma_wait3A_432 = tpu.memref_slice %arg2[%dma_wait3A_430, %dma_wait3A_431] : memref<10000x128xf32, #tpu.memory_space<hbm>> -> memref<10000x128xf32, #tpu.memory_space<hbm>>
      tpu.wait_indirect_dma semaphore(%arg10 : memref<!tpu.dma_semaphore, #tpu.memory_space<semaphore_mem>>) src(%dma_wait3A_432 : memref<10000x128xf32, #tpu.memory_space<hbm>>) dst(%dma_wait3A_426 : memref<64x128xf32, #tpu.memory_space<vmem>>)
      %dma_wait3A_433 = arith.constant 6 : i32
      %dma_wait3A_434 = arith.constant 3 : i32
      %dma_wait3A_435 = arith.constant 0 : i32
      %dma_wait3A_436 = arith.constant 0 : i32
      %dma_wait3A_437 = tpu.memref_slice %arg9[%dma_wait3A_434, %dma_wait3A_435, %dma_wait3A_436] : memref<4x64x128xf32, #tpu.memory_space<vmem>> -> memref<1x64x128xf32, #tpu.memory_space<vmem>>
      %dma_wait3A_438 = tpu.memref_squeeze %dma_wait3A_437 : memref<1x64x128xf32, #tpu.memory_space<vmem>> -> memref<64x128xf32, #tpu.memory_space<vmem>>
      %dma_wait3A_439 = arith.constant 0 : i32
      %dma_wait3A_440 = tpu.memref_slice %arg7[%dma_wait3A_433, %dma_wait3A_439] : memref<8x64xi32, #tpu.memory_space<vmem>> -> memref<1x64xi32, #tpu.memory_space<vmem>>
      %dma_wait3A_441 = tpu.memref_squeeze %dma_wait3A_440 : memref<1x64xi32, #tpu.memory_space<vmem>> -> memref<64xi32, #tpu.memory_space<vmem>>
      %dma_wait3A_442 = arith.constant 0 : i32
      %dma_wait3A_443 = arith.constant 0 : i32
      %dma_wait3A_444 = tpu.memref_slice %arg2[%dma_wait3A_442, %dma_wait3A_443] : memref<10000x128xf32, #tpu.memory_space<hbm>> -> memref<10000x128xf32, #tpu.memory_space<hbm>>
      tpu.wait_indirect_dma semaphore(%arg10 : memref<!tpu.dma_semaphore, #tpu.memory_space<semaphore_mem>>) src(%dma_wait3A_444 : memref<10000x128xf32, #tpu.memory_space<hbm>>) dst(%dma_wait3A_438 : memref<64x128xf32, #tpu.memory_space<vmem>>)
      %dma_start3A_445 = arith.constant 0 : i32
      %dma_start3A_446 = arith.constant 1 : i32
      %dma_start3A_447 = arith.constant 0 : i32
      %dma_start3A_448 = arith.constant 0 : i32
      %dma_start3A_449 = tpu.memref_slice %arg9[%dma_start3A_445, %dma_start3A_447, %dma_start3A_448] : memref<4x64x128xf32, #tpu.memory_space<vmem>> -> memref<1x64x128xf32, #tpu.memory_space<vmem>>
      %dma_start3A_450 = tpu.memref_squeeze %dma_start3A_449 : memref<1x64x128xf32, #tpu.memory_space<vmem>> -> memref<64x128xf32, #tpu.memory_space<vmem>>
      %dma_start3A_451 = arith.constant 0 : i32
      %dma_start3A_452 = tpu.memref_slice %arg7[%dma_start3A_446, %dma_start3A_451] : memref<8x64xi32, #tpu.memory_space<vmem>> -> memref<1x64xi32, #tpu.memory_space<vmem>>
      %dma_start3A_453 = tpu.memref_squeeze %dma_start3A_452 : memref<1x64xi32, #tpu.memory_space<vmem>> -> memref<64xi32, #tpu.memory_space<vmem>>
      %dma_start3A_454 = arith.constant 0 : i32
      %dma_start3A_455 = arith.constant 0 : i32
      %dma_start3A_456 = tpu.memref_slice %arg12[%dma_start3A_454, %dma_start3A_455] : memref<10240x128xf32, #tpu.memory_space<vmem_shared>> -> memref<10240x128xf32, #tpu.memory_space<vmem_shared>>
      tpu.enqueue_indirect_dma source(%dma_start3A_450 : memref<64x128xf32, #tpu.memory_space<vmem>>) target(%dma_start3A_456 : memref<10240x128xf32, #tpu.memory_space<vmem_shared>>) offsets(%dma_start3A_453 : memref<64xi32, #tpu.memory_space<vmem>>) semaphore(%arg11 : memref<!tpu.dma_semaphore, #tpu.memory_space<semaphore_mem>>) {add = true}
      %dma_start3A_457 = arith.constant 1 : i32
      %dma_start3A_458 = arith.constant 3 : i32
      %dma_start3A_459 = arith.constant 0 : i32
      %dma_start3A_460 = arith.constant 0 : i32
      %dma_start3A_461 = tpu.memref_slice %arg9[%dma_start3A_457, %dma_start3A_459, %dma_start3A_460] : memref<4x64x128xf32, #tpu.memory_space<vmem>> -> memref<1x64x128xf32, #tpu.memory_space<vmem>>
      %dma_start3A_462 = tpu.memref_squeeze %dma_start3A_461 : memref<1x64x128xf32, #tpu.memory_space<vmem>> -> memref<64x128xf32, #tpu.memory_space<vmem>>
      %dma_start3A_463 = arith.constant 0 : i32
      %dma_start3A_464 = tpu.memref_slice %arg7[%dma_start3A_458, %dma_start3A_463] : memref<8x64xi32, #tpu.memory_space<vmem>> -> memref<1x64xi32, #tpu.memory_space<vmem>>
      %dma_start3A_465 = tpu.memref_squeeze %dma_start3A_464 : memref<1x64xi32, #tpu.memory_space<vmem>> -> memref<64xi32, #tpu.memory_space<vmem>>
      %dma_start3A_466 = arith.constant 0 : i32
      %dma_start3A_467 = arith.constant 0 : i32
      %dma_start3A_468 = tpu.memref_slice %arg12[%dma_start3A_466, %dma_start3A_467] : memref<10240x128xf32, #tpu.memory_space<vmem_shared>> -> memref<10240x128xf32, #tpu.memory_space<vmem_shared>>
      tpu.enqueue_indirect_dma source(%dma_start3A_462 : memref<64x128xf32, #tpu.memory_space<vmem>>) target(%dma_start3A_468 : memref<10240x128xf32, #tpu.memory_space<vmem_shared>>) offsets(%dma_start3A_465 : memref<64xi32, #tpu.memory_space<vmem>>) semaphore(%arg11 : memref<!tpu.dma_semaphore, #tpu.memory_space<semaphore_mem>>) {add = true}
      %dma_start3A_469 = arith.constant 2 : i32
      %dma_start3A_470 = arith.constant 5 : i32
      %dma_start3A_471 = arith.constant 0 : i32
      %dma_start3A_472 = arith.constant 0 : i32
      %dma_start3A_473 = tpu.memref_slice %arg9[%dma_start3A_469, %dma_start3A_471, %dma_start3A_472] : memref<4x64x128xf32, #tpu.memory_space<vmem>> -> memref<1x64x128xf32, #tpu.memory_space<vmem>>
      %dma_start3A_474 = tpu.memref_squeeze %dma_start3A_473 : memref<1x64x128xf32, #tpu.memory_space<vmem>> -> memref<64x128xf32, #tpu.memory_space<vmem>>
      %dma_start3A_475 = arith.constant 0 : i32
      %dma_start3A_476 = tpu.memref_slice %arg7[%dma_start3A_470, %dma_start3A_475] : memref<8x64xi32, #tpu.memory_space<vmem>> -> memref<1x64xi32, #tpu.memory_space<vmem>>
      %dma_start3A_477 = tpu.memref_squeeze %dma_start3A_476 : memref<1x64xi32, #tpu.memory_space<vmem>> -> memref<64xi32, #tpu.memory_space<vmem>>
      %dma_start3A_478 = arith.constant 0 : i32
      %dma_start3A_479 = arith.constant 0 : i32
      %dma_start3A_480 = tpu.memref_slice %arg12[%dma_start3A_478, %dma_start3A_479] : memref<10240x128xf32, #tpu.memory_space<vmem_shared>> -> memref<10240x128xf32, #tpu.memory_space<vmem_shared>>
      tpu.enqueue_indirect_dma source(%dma_start3A_474 : memref<64x128xf32, #tpu.memory_space<vmem>>) target(%dma_start3A_480 : memref<10240x128xf32, #tpu.memory_space<vmem_shared>>) offsets(%dma_start3A_477 : memref<64xi32, #tpu.memory_space<vmem>>) semaphore(%arg11 : memref<!tpu.dma_semaphore, #tpu.memory_space<semaphore_mem>>) {add = true}
      %dma_start3A_481 = arith.constant 3 : i32
      %dma_start3A_482 = arith.constant 7 : i32
      %dma_start3A_483 = arith.constant 0 : i32
      %dma_start3A_484 = arith.constant 0 : i32
      %dma_start3A_485 = tpu.memref_slice %arg9[%dma_start3A_481, %dma_start3A_483, %dma_start3A_484] : memref<4x64x128xf32, #tpu.memory_space<vmem>> -> memref<1x64x128xf32, #tpu.memory_space<vmem>>
      %dma_start3A_486 = tpu.memref_squeeze %dma_start3A_485 : memref<1x64x128xf32, #tpu.memory_space<vmem>> -> memref<64x128xf32, #tpu.memory_space<vmem>>
      %dma_start3A_487 = arith.constant 0 : i32
      %dma_start3A_488 = tpu.memref_slice %arg7[%dma_start3A_482, %dma_start3A_487] : memref<8x64xi32, #tpu.memory_space<vmem>> -> memref<1x64xi32, #tpu.memory_space<vmem>>
      %dma_start3A_489 = tpu.memref_squeeze %dma_start3A_488 : memref<1x64xi32, #tpu.memory_space<vmem>> -> memref<64xi32, #tpu.memory_space<vmem>>
      %dma_start3A_490 = arith.constant 0 : i32
      %dma_start3A_491 = arith.constant 0 : i32
      %dma_start3A_492 = tpu.memref_slice %arg12[%dma_start3A_490, %dma_start3A_491] : memref<10240x128xf32, #tpu.memory_space<vmem_shared>> -> memref<10240x128xf32, #tpu.memory_space<vmem_shared>>
      tpu.enqueue_indirect_dma source(%dma_start3A_486 : memref<64x128xf32, #tpu.memory_space<vmem>>) target(%dma_start3A_492 : memref<10240x128xf32, #tpu.memory_space<vmem_shared>>) offsets(%dma_start3A_489 : memref<64xi32, #tpu.memory_space<vmem>>) semaphore(%arg11 : memref<!tpu.dma_semaphore, #tpu.memory_space<semaphore_mem>>) {add = true}
      %get3A = arith.constant 1 : i32
      %get3A_493 = arith.index_cast %get3A : i32 to index
      %get3A_494 = arith.constant 0 : index
      %get3A_495 = tpu.vector_load %arg7[%get3A_493, %get3A_494] {strides = array<i32>} : memref<8x64xi32, #tpu.memory_space<vmem>>, vector<16xi32>,
      %broadcast_in_dim3A = arith.constant 1.000000e+00 : f32
      %broadcast_in_dim3A_496 = vector.broadcast %broadcast_in_dim3A : f32 to vector<16xf32>
      tpu.vector_store_idx %arg13[%get3A_495], %broadcast_in_dim3A_496 {add = true} : memref<10240xf32, #tpu.memory_space<vmem>>[vector<16xi32>], vector<16xf32>,
      %get3A_497 = arith.constant 1 : i32
      %get3A_498 = arith.index_cast %get3A_497 : i32 to index
      %get3A_499 = arith.constant 16 : index
      %get3A_500 = tpu.vector_load %arg7[%get3A_498, %get3A_499] {strides = array<i32>} : memref<8x64xi32, #tpu.memory_space<vmem>>, vector<16xi32>,
      %broadcast_in_dim3A_501 = arith.constant 1.000000e+00 : f32
      %broadcast_in_dim3A_502 = vector.broadcast %broadcast_in_dim3A_501 : f32 to vector<16xf32>
      tpu.vector_store_idx %arg13[%get3A_500], %broadcast_in_dim3A_502 {add = true} : memref<10240xf32, #tpu.memory_space<vmem>>[vector<16xi32>], vector<16xf32>,
      %get3A_503 = arith.constant 1 : i32
      %get3A_504 = arith.index_cast %get3A_503 : i32 to index
      %get3A_505 = arith.constant 32 : index
      %get3A_506 = tpu.vector_load %arg7[%get3A_504, %get3A_505] {strides = array<i32>} : memref<8x64xi32, #tpu.memory_space<vmem>>, vector<16xi32>,
      %broadcast_in_dim3A_507 = arith.constant 1.000000e+00 : f32
      %broadcast_in_dim3A_508 = vector.broadcast %broadcast_in_dim3A_507 : f32 to vector<16xf32>
      tpu.vector_store_idx %arg13[%get3A_506], %broadcast_in_dim3A_508 {add = true} : memref<10240xf32, #tpu.memory_space<vmem>>[vector<16xi32>], vector<16xf32>,
      %get3A_509 = arith.constant 1 : i32
      %get3A_510 = arith.index_cast %get3A_509 : i32 to index
      %get3A_511 = arith.constant 48 : index
      %get3A_512 = tpu.vector_load %arg7[%get3A_510, %get3A_511] {strides = array<i32>} : memref<8x64xi32, #tpu.memory_space<vmem>>, vector<16xi32>,
      %broadcast_in_dim3A_513 = arith.constant 1.000000e+00 : f32
      %broadcast_in_dim3A_514 = vector.broadcast %broadcast_in_dim3A_513 : f32 to vector<16xf32>
      tpu.vector_store_idx %arg13[%get3A_512], %broadcast_in_dim3A_514 {add = true} : memref<10240xf32, #tpu.memory_space<vmem>>[vector<16xi32>], vector<16xf32>,
      %get3A_515 = arith.constant 3 : i32
      %get3A_516 = arith.index_cast %get3A_515 : i32 to index
      %get3A_517 = arith.constant 0 : index
      %get3A_518 = tpu.vector_load %arg7[%get3A_516, %get3A_517] {strides = array<i32>} : memref<8x64xi32, #tpu.memory_space<vmem>>, vector<16xi32>,
      %broadcast_in_dim3A_519 = arith.constant 1.000000e+00 : f32
      %broadcast_in_dim3A_520 = vector.broadcast %broadcast_in_dim3A_519 : f32 to vector<16xf32>
      tpu.vector_store_idx %arg13[%get3A_518], %broadcast_in_dim3A_520 {add = true} : memref<10240xf32, #tpu.memory_space<vmem>>[vector<16xi32>], vector<16xf32>,
      %get3A_521 = arith.constant 3 : i32
      %get3A_522 = arith.index_cast %get3A_521 : i32 to index
      %get3A_523 = arith.constant 16 : index
      %get3A_524 = tpu.vector_load %arg7[%get3A_522, %get3A_523] {strides = array<i32>} : memref<8x64xi32, #tpu.memory_space<vmem>>, vector<16xi32>,
      %broadcast_in_dim3A_525 = arith.constant 1.000000e+00 : f32
      %broadcast_in_dim3A_526 = vector.broadcast %broadcast_in_dim3A_525 : f32 to vector<16xf32>
      tpu.vector_store_idx %arg13[%get3A_524], %broadcast_in_dim3A_526 {add = true} : memref<10240xf32, #tpu.memory_space<vmem>>[vector<16xi32>], vector<16xf32>,
      %get3A_527 = arith.constant 3 : i32
      %get3A_528 = arith.index_cast %get3A_527 : i32 to index
      %get3A_529 = arith.constant 32 : index
      %get3A_530 = tpu.vector_load %arg7[%get3A_528, %get3A_529] {strides = array<i32>} : memref<8x64xi32, #tpu.memory_space<vmem>>, vector<16xi32>,
      %broadcast_in_dim3A_531 = arith.constant 1.000000e+00 : f32
      %broadcast_in_dim3A_532 = vector.broadcast %broadcast_in_dim3A_531 : f32 to vector<16xf32>
      tpu.vector_store_idx %arg13[%get3A_530], %broadcast_in_dim3A_532 {add = true} : memref<10240xf32, #tpu.memory_space<vmem>>[vector<16xi32>], vector<16xf32>,
      %get3A_533 = arith.constant 3 : i32
      %get3A_534 = arith.index_cast %get3A_533 : i32 to index
      %get3A_535 = arith.constant 48 : index
      %get3A_536 = tpu.vector_load %arg7[%get3A_534, %get3A_535] {strides = array<i32>} : memref<8x64xi32, #tpu.memory_space<vmem>>, vector<16xi32>,
      %broadcast_in_dim3A_537 = arith.constant 1.000000e+00 : f32
      %broadcast_in_dim3A_538 = vector.broadcast %broadcast_in_dim3A_537 : f32 to vector<16xf32>
      tpu.vector_store_idx %arg13[%get3A_536], %broadcast_in_dim3A_538 {add = true} : memref<10240xf32, #tpu.memory_space<vmem>>[vector<16xi32>], vector<16xf32>,
      %get3A_539 = arith.constant 5 : i32
      %get3A_540 = arith.index_cast %get3A_539 : i32 to index
      %get3A_541 = arith.constant 0 : index
      %get3A_542 = tpu.vector_load %arg7[%get3A_540, %get3A_541] {strides = array<i32>} : memref<8x64xi32, #tpu.memory_space<vmem>>, vector<16xi32>,
      %broadcast_in_dim3A_543 = arith.constant 1.000000e+00 : f32
      %broadcast_in_dim3A_544 = vector.broadcast %broadcast_in_dim3A_543 : f32 to vector<16xf32>
      tpu.vector_store_idx %arg13[%get3A_542], %broadcast_in_dim3A_544 {add = true} : memref<10240xf32, #tpu.memory_space<vmem>>[vector<16xi32>], vector<16xf32>,
      %get3A_545 = arith.constant 5 : i32
      %get3A_546 = arith.index_cast %get3A_545 : i32 to index
      %get3A_547 = arith.constant 16 : index
      %get3A_548 = tpu.vector_load %arg7[%get3A_546, %get3A_547] {strides = array<i32>} : memref<8x64xi32, #tpu.memory_space<vmem>>, vector<16xi32>,
      %broadcast_in_dim3A_549 = arith.constant 1.000000e+00 : f32
      %broadcast_in_dim3A_550 = vector.broadcast %broadcast_in_dim3A_549 : f32 to vector<16xf32>
      tpu.vector_store_idx %arg13[%get3A_548], %broadcast_in_dim3A_550 {add = true} : memref<10240xf32, #tpu.memory_space<vmem>>[vector<16xi32>], vector<16xf32>,
      %get3A_551 = arith.constant 5 : i32
      %get3A_552 = arith.index_cast %get3A_551 : i32 to index
      %get3A_553 = arith.constant 32 : index
      %get3A_554 = tpu.vector_load %arg7[%get3A_552, %get3A_553] {strides = array<i32>} : memref<8x64xi32, #tpu.memory_space<vmem>>, vector<16xi32>,
      %broadcast_in_dim3A_555 = arith.constant 1.000000e+00 : f32
      %broadcast_in_dim3A_556 = vector.broadcast %broadcast_in_dim3A_555 : f32 to vector<16xf32>
      tpu.vector_store_idx %arg13[%get3A_554], %broadcast_in_dim3A_556 {add = true} : memref<10240xf32, #tpu.memory_space<vmem>>[vector<16xi32>], vector<16xf32>,
      %get3A_557 = arith.constant 5 : i32
      %get3A_558 = arith.index_cast %get3A_557 : i32 to index
      %get3A_559 = arith.constant 48 : index
      %get3A_560 = tpu.vector_load %arg7[%get3A_558, %get3A_559] {strides = array<i32>} : memref<8x64xi32, #tpu.memory_space<vmem>>, vector<16xi32>,
      %broadcast_in_dim3A_561 = arith.constant 1.000000e+00 : f32
      %broadcast_in_dim3A_562 = vector.broadcast %broadcast_in_dim3A_561 : f32 to vector<16xf32>
      tpu.vector_store_idx %arg13[%get3A_560], %broadcast_in_dim3A_562 {add = true} : memref<10240xf32, #tpu.memory_space<vmem>>[vector<16xi32>], vector<16xf32>,
      %get3A_563 = arith.constant 7 : i32
      %get3A_564 = arith.index_cast %get3A_563 : i32 to index
      %get3A_565 = arith.constant 0 : index
      %get3A_566 = tpu.vector_load %arg7[%get3A_564, %get3A_565] {strides = array<i32>} : memref<8x64xi32, #tpu.memory_space<vmem>>, vector<16xi32>,
      %broadcast_in_dim3A_567 = arith.constant 1.000000e+00 : f32
      %broadcast_in_dim3A_568 = vector.broadcast %broadcast_in_dim3A_567 : f32 to vector<16xf32>
      tpu.vector_store_idx %arg13[%get3A_566], %broadcast_in_dim3A_568 {add = true} : memref<10240xf32, #tpu.memory_space<vmem>>[vector<16xi32>], vector<16xf32>,
      %get3A_569 = arith.constant 7 : i32
      %get3A_570 = arith.index_cast %get3A_569 : i32 to index
      %get3A_571 = arith.constant 16 : index
      %get3A_572 = tpu.vector_load %arg7[%get3A_570, %get3A_571] {strides = array<i32>} : memref<8x64xi32, #tpu.memory_space<vmem>>, vector<16xi32>,
      %broadcast_in_dim3A_573 = arith.constant 1.000000e+00 : f32
      %broadcast_in_dim3A_574 = vector.broadcast %broadcast_in_dim3A_573 : f32 to vector<16xf32>
      tpu.vector_store_idx %arg13[%get3A_572], %broadcast_in_dim3A_574 {add = true} : memref<10240xf32, #tpu.memory_space<vmem>>[vector<16xi32>], vector<16xf32>,
      %get3A_575 = arith.constant 7 : i32
      %get3A_576 = arith.index_cast %get3A_575 : i32 to index
      %get3A_577 = arith.constant 32 : index
      %get3A_578 = tpu.vector_load %arg7[%get3A_576, %get3A_577] {strides = array<i32>} : memref<8x64xi32, #tpu.memory_space<vmem>>, vector<16xi32>,
      %broadcast_in_dim3A_579 = arith.constant 1.000000e+00 : f32
      %broadcast_in_dim3A_580 = vector.broadcast %broadcast_in_dim3A_579 : f32 to vector<16xf32>
      tpu.vector_store_idx %arg13[%get3A_578], %broadcast_in_dim3A_580 {add = true} : memref<10240xf32, #tpu.memory_space<vmem>>[vector<16xi32>], vector<16xf32>,
      %get3A_581 = arith.constant 7 : i32
      %get3A_582 = arith.index_cast %get3A_581 : i32 to index
      %get3A_583 = arith.constant 48 : index
      %get3A_584 = tpu.vector_load %arg7[%get3A_582, %get3A_583] {strides = array<i32>} : memref<8x64xi32, #tpu.memory_space<vmem>>, vector<16xi32>,
      %broadcast_in_dim3A_585 = arith.constant 1.000000e+00 : f32
      %broadcast_in_dim3A_586 = vector.broadcast %broadcast_in_dim3A_585 : f32 to vector<16xf32>
      tpu.vector_store_idx %arg13[%get3A_584], %broadcast_in_dim3A_586 {add = true} : memref<10240xf32, #tpu.memory_space<vmem>>[vector<16xi32>], vector<16xf32>,
      %dma_wait3A_587 = arith.constant 0 : i32
      %dma_wait3A_588 = arith.constant 1 : i32
      %dma_wait3A_589 = arith.constant 0 : i32
      %dma_wait3A_590 = arith.constant 0 : i32
      %dma_wait3A_591 = tpu.memref_slice %arg9[%dma_wait3A_587, %dma_wait3A_589, %dma_wait3A_590] : memref<4x64x128xf32, #tpu.memory_space<vmem>> -> memref<1x64x128xf32, #tpu.memory_space<vmem>>
      %dma_wait3A_592 = tpu.memref_squeeze %dma_wait3A_591 : memref<1x64x128xf32, #tpu.memory_space<vmem>> -> memref<64x128xf32, #tpu.memory_space<vmem>>
      %dma_wait3A_593 = arith.constant 0 : i32
      %dma_wait3A_594 = tpu.memref_slice %arg7[%dma_wait3A_588, %dma_wait3A_593] : memref<8x64xi32, #tpu.memory_space<vmem>> -> memref<1x64xi32, #tpu.memory_space<vmem>>
      %dma_wait3A_595 = tpu.memref_squeeze %dma_wait3A_594 : memref<1x64xi32, #tpu.memory_space<vmem>> -> memref<64xi32, #tpu.memory_space<vmem>>
      %dma_wait3A_596 = arith.constant 0 : i32
      %dma_wait3A_597 = arith.constant 0 : i32
      %dma_wait3A_598 = tpu.memref_slice %arg12[%dma_wait3A_596, %dma_wait3A_597] : memref<10240x128xf32, #tpu.memory_space<vmem_shared>> -> memref<10240x128xf32, #tpu.memory_space<vmem_shared>>
      tpu.wait_indirect_dma semaphore(%arg11 : memref<!tpu.dma_semaphore, #tpu.memory_space<semaphore_mem>>) src(%dma_wait3A_592 : memref<64x128xf32, #tpu.memory_space<vmem>>) dst(%dma_wait3A_598 : memref<10240x128xf32, #tpu.memory_space<vmem_shared>>)
      %dma_wait3A_599 = arith.constant 1 : i32
      %dma_wait3A_600 = arith.constant 3 : i32
      %dma_wait3A_601 = arith.constant 0 : i32
      %dma_wait3A_602 = arith.constant 0 : i32
      %dma_wait3A_603 = tpu.memref_slice %arg9[%dma_wait3A_599, %dma_wait3A_601, %dma_wait3A_602] : memref<4x64x128xf32, #tpu.memory_space<vmem>> -> memref<1x64x128xf32, #tpu.memory_space<vmem>>
      %dma_wait3A_604 = tpu.memref_squeeze %dma_wait3A_603 : memref<1x64x128xf32, #tpu.memory_space<vmem>> -> memref<64x128xf32, #tpu.memory_space<vmem>>
      %dma_wait3A_605 = arith.constant 0 : i32
      %dma_wait3A_606 = tpu.memref_slice %arg7[%dma_wait3A_600, %dma_wait3A_605] : memref<8x64xi32, #tpu.memory_space<vmem>> -> memref<1x64xi32, #tpu.memory_space<vmem>>
      %dma_wait3A_607 = tpu.memref_squeeze %dma_wait3A_606 : memref<1x64xi32, #tpu.memory_space<vmem>> -> memref<64xi32, #tpu.memory_space<vmem>>
      %dma_wait3A_608 = arith.constant 0 : i32
      %dma_wait3A_609 = arith.constant 0 : i32
      %dma_wait3A_610 = tpu.memref_slice %arg12[%dma_wait3A_608, %dma_wait3A_609] : memref<10240x128xf32, #tpu.memory_space<vmem_shared>> -> memref<10240x128xf32, #tpu.memory_space<vmem_shared>>
      tpu.wait_indirect_dma semaphore(%arg11 : memref<!tpu.dma_semaphore, #tpu.memory_space<semaphore_mem>>) src(%dma_wait3A_604 : memref<64x128xf32, #tpu.memory_space<vmem>>) dst(%dma_wait3A_610 : memref<10240x128xf32, #tpu.memory_space<vmem_shared>>)
      %dma_wait3A_611 = arith.constant 2 : i32
      %dma_wait3A_612 = arith.constant 5 : i32
      %dma_wait3A_613 = arith.constant 0 : i32
      %dma_wait3A_614 = arith.constant 0 : i32
      %dma_wait3A_615 = tpu.memref_slice %arg9[%dma_wait3A_611, %dma_wait3A_613, %dma_wait3A_614] : memref<4x64x128xf32, #tpu.memory_space<vmem>> -> memref<1x64x128xf32, #tpu.memory_space<vmem>>
      %dma_wait3A_616 = tpu.memref_squeeze %dma_wait3A_615 : memref<1x64x128xf32, #tpu.memory_space<vmem>> -> memref<64x128xf32, #tpu.memory_space<vmem>>
      %dma_wait3A_617 = arith.constant 0 : i32
      %dma_wait3A_618 = tpu.memref_slice %arg7[%dma_wait3A_612, %dma_wait3A_617] : memref<8x64xi32, #tpu.memory_space<vmem>> -> memref<1x64xi32, #tpu.memory_space<vmem>>
      %dma_wait3A_619 = tpu.memref_squeeze %dma_wait3A_618 : memref<1x64xi32, #tpu.memory_space<vmem>> -> memref<64xi32, #tpu.memory_space<vmem>>
      %dma_wait3A_620 = arith.constant 0 : i32
      %dma_wait3A_621 = arith.constant 0 : i32
      %dma_wait3A_622 = tpu.memref_slice %arg12[%dma_wait3A_620, %dma_wait3A_621] : memref<10240x128xf32, #tpu.memory_space<vmem_shared>> -> memref<10240x128xf32, #tpu.memory_space<vmem_shared>>
      tpu.wait_indirect_dma semaphore(%arg11 : memref<!tpu.dma_semaphore, #tpu.memory_space<semaphore_mem>>) src(%dma_wait3A_616 : memref<64x128xf32, #tpu.memory_space<vmem>>) dst(%dma_wait3A_622 : memref<10240x128xf32, #tpu.memory_space<vmem_shared>>)
      %dma_wait3A_623 = arith.constant 3 : i32
      %dma_wait3A_624 = arith.constant 7 : i32
      %dma_wait3A_625 = arith.constant 0 : i32
      %dma_wait3A_626 = arith.constant 0 : i32
      %dma_wait3A_627 = tpu.memref_slice %arg9[%dma_wait3A_623, %dma_wait3A_625, %dma_wait3A_626] : memref<4x64x128xf32, #tpu.memory_space<vmem>> -> memref<1x64x128xf32, #tpu.memory_space<vmem>>
      %dma_wait3A_628 = tpu.memref_squeeze %dma_wait3A_627 : memref<1x64x128xf32, #tpu.memory_space<vmem>> -> memref<64x128xf32, #tpu.memory_space<vmem>>
      %dma_wait3A_629 = arith.constant 0 : i32
      %dma_wait3A_630 = tpu.memref_slice %arg7[%dma_wait3A_624, %dma_wait3A_629] : memref<8x64xi32, #tpu.memory_space<vmem>> -> memref<1x64xi32, #tpu.memory_space<vmem>>
      %dma_wait3A_631 = tpu.memref_squeeze %dma_wait3A_630 : memref<1x64xi32, #tpu.memory_space<vmem>> -> memref<64xi32, #tpu.memory_space<vmem>>
      %dma_wait3A_632 = arith.constant 0 : i32
      %dma_wait3A_633 = arith.constant 0 : i32
      %dma_wait3A_634 = tpu.memref_slice %arg12[%dma_wait3A_632, %dma_wait3A_633] : memref<10240x128xf32, #tpu.memory_space<vmem_shared>> -> memref<10240x128xf32, #tpu.memory_space<vmem_shared>>
      tpu.wait_indirect_dma semaphore(%arg11 : memref<!tpu.dma_semaphore, #tpu.memory_space<semaphore_mem>>) src(%dma_wait3A_628 : memref<64x128xf32, #tpu.memory_space<vmem>>) dst(%dma_wait3A_634 : memref<10240x128xf32, #tpu.memory_space<vmem_shared>>)
    }
    %scan3A_39 = arith.constant 40 : i32
    %barrier3A_40 = arith.constant 0 : index
    tpu.barrier barrier_id(%barrier3A_40)
    %dma_start3A = arith.constant 0 : i32
    %dma_start3A_41 = arith.constant 0 : i32
    %dma_start3A_42 = arith.constant 0 : i32
    %dma_start3A_43 = arith.constant 0 : i32
    %dma_start3A_44 = tpu.memref_slice %arg9[%dma_start3A_41, %dma_start3A_42, %dma_start3A_43] : memref<4x64x128xf32, #tpu.memory_space<vmem>> -> memref<1x64x128xf32, #tpu.memory_space<vmem>>
    %dma_start3A_45 = tpu.memref_squeeze %dma_start3A_44 : memref<1x64x128xf32, #tpu.memory_space<vmem>> -> memref<64x128xf32, #tpu.memory_space<vmem>>
    %dma_start3A_46 = arith.constant 0 : i32
    %dma_start3A_47 = tpu.memref_slice %arg8[%dma_start3A, %dma_start3A_46] : memref<10x64xi32, #tpu.memory_space<vmem>> -> memref<1x64xi32, #tpu.memory_space<vmem>>
    %dma_start3A_48 = tpu.memref_squeeze %dma_start3A_47 : memref<1x64xi32, #tpu.memory_space<vmem>> -> memref<64xi32, #tpu.memory_space<vmem>>
    %dma_start3A_49 = arith.constant 0 : i32
    %dma_start3A_50 = arith.constant 0 : i32
    %dma_start3A_51 = tpu.memref_slice %arg12[%dma_start3A_49, %dma_start3A_50] : memref<10240x128xf32, #tpu.memory_space<vmem_shared>> -> memref<10240x128xf32, #tpu.memory_space<vmem_shared>>
    tpu.enqueue_indirect_dma source(%dma_start3A_51 : memref<10240x128xf32, #tpu.memory_space<vmem_shared>>) target(%dma_start3A_45 : memref<64x128xf32, #tpu.memory_space<vmem>>) offsets(%dma_start3A_48 : memref<64xi32, #tpu.memory_space<vmem>>) semaphore(%arg10 : memref<!tpu.dma_semaphore, #tpu.memory_space<semaphore_mem>>)
    %dma_wait3A = arith.constant 0 : i32
    %dma_wait3A_52 = arith.constant 0 : i32
    %dma_wait3A_53 = arith.constant 0 : i32
    %dma_wait3A_54 = arith.constant 0 : i32
    %dma_wait3A_55 = tpu.memref_slice %arg9[%dma_wait3A_52, %dma_wait3A_53, %dma_wait3A_54] : memref<4x64x128xf32, #tpu.memory_space<vmem>> -> memref<1x64x128xf32, #tpu.memory_space<vmem>>
    %dma_wait3A_56 = tpu.memref_squeeze %dma_wait3A_55 : memref<1x64x128xf32, #tpu.memory_space<vmem>> -> memref<64x128xf32, #tpu.memory_space<vmem>>
    %dma_wait3A_57 = arith.constant 0 : i32
    %dma_wait3A_58 = tpu.memref_slice %arg8[%dma_wait3A, %dma_wait3A_57] : memref<10x64xi32, #tpu.memory_space<vmem>> -> memref<1x64xi32, #tpu.memory_space<vmem>>
    %dma_wait3A_59 = tpu.memref_squeeze %dma_wait3A_58 : memref<1x64xi32, #tpu.memory_space<vmem>> -> memref<64xi32, #tpu.memory_space<vmem>>
    %dma_wait3A_60 = arith.constant 0 : i32
    %dma_wait3A_61 = arith.constant 0 : i32
    %dma_wait3A_62 = tpu.memref_slice %arg12[%dma_wait3A_60, %dma_wait3A_61] : memref<10240x128xf32, #tpu.memory_space<vmem_shared>> -> memref<10240x128xf32, #tpu.memory_space<vmem_shared>>
    tpu.wait_indirect_dma semaphore(%arg10 : memref<!tpu.dma_semaphore, #tpu.memory_space<semaphore_mem>>) src(%dma_wait3A_62 : memref<10240x128xf32, #tpu.memory_space<vmem_shared>>) dst(%dma_wait3A_56 : memref<64x128xf32, #tpu.memory_space<vmem>>)
    %mul3A_63 = arith.constant 10240 : i32
    %mul3A_64 = arith.muli %arg0, %mul3A_63 : i32
    %add3A_65 = arith.addi %mul3A_64, %mul3A_2 : i32
    %add3A_66 = arith.constant 0 : i32
    %add3A_67 = arith.addi %add3A_65, %add3A_66 : i32
    %run_scoped3A_68 = arith.constant 0 : i32
    "tpu.region"() ({
      %run_scoped3A_339 = tpu.sem_alloc : memref<!tpu.dma_semaphore, #tpu.memory_space<semaphore_mem>>
      %dma_start3A_340 = arith.constant 0 : i32
      %dma_start3A_341 = arith.constant 0 : i32
      %dma_start3A_342 = tpu.memref_slice %arg9[%run_scoped3A_68, %dma_start3A_340, %dma_start3A_341] : memref<4x64x128xf32, #tpu.memory_space<vmem>> -> memref<1x64x128xf32, #tpu.memory_space<vmem>>
      %dma_start3A_343 = tpu.memref_squeeze %dma_start3A_342 : memref<1x64x128xf32, #tpu.memory_space<vmem>> -> memref<64x128xf32, #tpu.memory_space<vmem>>
      %dma_start3A_344 = arith.constant 0 : i32
      %dma_start3A_345 = tpu.memref_slice %arg5[%add3A_67, %dma_start3A_344] : memref<20480x128xf32, #tpu.memory_space<hbm>> -> memref<64x128xf32, #tpu.memory_space<hbm>>
      %dma_start3A_346 = arith.constant 0 : i32
      %dma_start3A_347 = tpu.memref_slice %arg5[%add3A_67, %dma_start3A_346] : memref<20480x128xf32, #tpu.memory_space<hbm>> -> memref<64x128xf32, #tpu.memory_space<hbm>>
      %dma_start3A_348 = arith.constant 0 : i32
      %dma_start3A_349 = arith.constant 0 : i32
      %dma_start3A_350 = tpu.memref_slice %arg9[%run_scoped3A_68, %dma_start3A_348, %dma_start3A_349] : memref<4x64x128xf32, #tpu.memory_space<vmem>> -> memref<1x64x128xf32, #tpu.memory_space<vmem>>
      %dma_start3A_351 = tpu.memref_squeeze %dma_start3A_350 : memref<1x64x128xf32, #tpu.memory_space<vmem>> -> memref<64x128xf32, #tpu.memory_space<vmem>>
      tpu.enqueue_dma source(%dma_start3A_351 : memref<64x128xf32, #tpu.memory_space<vmem>>) target(%dma_start3A_347 : memref<64x128xf32, #tpu.memory_space<hbm>>) target_semaphore(%run_scoped3A_339 : memref<!tpu.dma_semaphore, #tpu.memory_space<semaphore_mem>>)
      %dma_wait3A_352 = arith.constant 0 : i32
      %dma_wait3A_353 = arith.constant 0 : i32
      %dma_wait3A_354 = tpu.memref_slice %arg9[%run_scoped3A_68, %dma_wait3A_352, %dma_wait3A_353] : memref<4x64x128xf32, #tpu.memory_space<vmem>> -> memref<1x64x128xf32, #tpu.memory_space<vmem>>
      %dma_wait3A_355 = tpu.memref_squeeze %dma_wait3A_354 : memref<1x64x128xf32, #tpu.memory_space<vmem>> -> memref<64x128xf32, #tpu.memory_space<vmem>>
      %dma_wait3A_356 = arith.constant 0 : i32
      %dma_wait3A_357 = tpu.memref_slice %arg5[%add3A_67, %dma_wait3A_356] : memref<20480x128xf32, #tpu.memory_space<hbm>> -> memref<64x128xf32, #tpu.memory_space<hbm>>
      %dma_wait3A_358 = arith.constant 0 : i32
      %dma_wait3A_359 = tpu.memref_slice %arg5[%add3A_67, %dma_wait3A_358] : memref<20480x128xf32, #tpu.memory_space<hbm>> -> memref<64x128xf32, #tpu.memory_space<hbm>>
      %dma_wait3A_360 = arith.constant 0 : i32
      %dma_wait3A_361 = arith.constant 0 : i32
      %dma_wait3A_362 = tpu.memref_slice %arg9[%run_scoped3A_68, %dma_wait3A_360, %dma_wait3A_361] : memref<4x64x128xf32, #tpu.memory_space<vmem>> -> memref<1x64x128xf32, #tpu.memory_space<vmem>>
      %dma_wait3A_363 = tpu.memref_squeeze %dma_wait3A_362 : memref<1x64x128xf32, #tpu.memory_space<vmem>> -> memref<64x128xf32, #tpu.memory_space<vmem>>
      tpu.wait_dma2 semaphore(%run_scoped3A_339 : memref<!tpu.dma_semaphore, #tpu.memory_space<semaphore_mem>>) src(%dma_wait3A_363 : memref<64x128xf32, #tpu.memory_space<vmem>>) dst(%dma_wait3A_359 : memref<64x128xf32, #tpu.memory_space<hbm>>)
      tpu.yield
    }) : () -> ()
    %dma_start3A_69 = arith.constant 1 : i32
    %dma_start3A_70 = arith.constant 0 : i32
    %dma_start3A_71 = arith.constant 0 : i32
    %dma_start3A_72 = arith.constant 0 : i32
    %dma_start3A_73 = tpu.memref_slice %arg9[%dma_start3A_70, %dma_start3A_71, %dma_start3A_72] : memref<4x64x128xf32, #tpu.memory_space<vmem>> -> memref<1x64x128xf32, #tpu.memory_space<vmem>>
    %dma_start3A_74 = tpu.memref_squeeze %dma_start3A_73 : memref<1x64x128xf32, #tpu.memory_space<vmem>> -> memref<64x128xf32, #tpu.memory_space<vmem>>
    %dma_start3A_75 = arith.constant 0 : i32
    %dma_start3A_76 = tpu.memref_slice %arg8[%dma_start3A_69, %dma_start3A_75] : memref<10x64xi32, #tpu.memory_space<vmem>> -> memref<1x64xi32, #tpu.memory_space<vmem>>
    %dma_start3A_77 = tpu.memref_squeeze %dma_start3A_76 : memref<1x64xi32, #tpu.memory_space<vmem>> -> memref<64xi32, #tpu.memory_space<vmem>>
    %dma_start3A_78 = arith.constant 0 : i32
    %dma_start3A_79 = arith.constant 0 : i32
    %dma_start3A_80 = tpu.memref_slice %arg12[%dma_start3A_78, %dma_start3A_79] : memref<10240x128xf32, #tpu.memory_space<vmem_shared>> -> memref<10240x128xf32, #tpu.memory_space<vmem_shared>>
    tpu.enqueue_indirect_dma source(%dma_start3A_80 : memref<10240x128xf32, #tpu.memory_space<vmem_shared>>) target(%dma_start3A_74 : memref<64x128xf32, #tpu.memory_space<vmem>>) offsets(%dma_start3A_77 : memref<64xi32, #tpu.memory_space<vmem>>) semaphore(%arg10 : memref<!tpu.dma_semaphore, #tpu.memory_space<semaphore_mem>>)
    %dma_wait3A_81 = arith.constant 1 : i32
    %dma_wait3A_82 = arith.constant 0 : i32
    %dma_wait3A_83 = arith.constant 0 : i32
    %dma_wait3A_84 = arith.constant 0 : i32
    %dma_wait3A_85 = tpu.memref_slice %arg9[%dma_wait3A_82, %dma_wait3A_83, %dma_wait3A_84] : memref<4x64x128xf32, #tpu.memory_space<vmem>> -> memref<1x64x128xf32, #tpu.memory_space<vmem>>
    %dma_wait3A_86 = tpu.memref_squeeze %dma_wait3A_85 : memref<1x64x128xf32, #tpu.memory_space<vmem>> -> memref<64x128xf32, #tpu.memory_space<vmem>>
    %dma_wait3A_87 = arith.constant 0 : i32
    %dma_wait3A_88 = tpu.memref_slice %arg8[%dma_wait3A_81, %dma_wait3A_87] : memref<10x64xi32, #tpu.memory_space<vmem>> -> memref<1x64xi32, #tpu.memory_space<vmem>>
    %dma_wait3A_89 = tpu.memref_squeeze %dma_wait3A_88 : memref<1x64xi32, #tpu.memory_space<vmem>> -> memref<64xi32, #tpu.memory_space<vmem>>
    %dma_wait3A_90 = arith.constant 0 : i32
    %dma_wait3A_91 = arith.constant 0 : i32
    %dma_wait3A_92 = tpu.memref_slice %arg12[%dma_wait3A_90, %dma_wait3A_91] : memref<10240x128xf32, #tpu.memory_space<vmem_shared>> -> memref<10240x128xf32, #tpu.memory_space<vmem_shared>>
    tpu.wait_indirect_dma semaphore(%arg10 : memref<!tpu.dma_semaphore, #tpu.memory_space<semaphore_mem>>) src(%dma_wait3A_92 : memref<10240x128xf32, #tpu.memory_space<vmem_shared>>) dst(%dma_wait3A_86 : memref<64x128xf32, #tpu.memory_space<vmem>>)
    %mul3A_93 = arith.constant 10240 : i32
    %mul3A_94 = arith.muli %arg0, %mul3A_93 : i32
    %add3A_95 = arith.addi %mul3A_94, %mul3A_2 : i32
    %add3A_96 = arith.constant 64 : i32
    %add3A_97 = arith.addi %add3A_95, %add3A_96 : i32
    %run_scoped3A_98 = arith.constant 0 : i32
    "tpu.region"() ({
      %run_scoped3A_339 = tpu.sem_alloc : memref<!tpu.dma_semaphore, #tpu.memory_space<semaphore_mem>>
      %dma_start3A_340 = arith.constant 0 : i32
      %dma_start3A_341 = arith.constant 0 : i32
      %dma_start3A_342 = tpu.memref_slice %arg9[%run_scoped3A_98, %dma_start3A_340, %dma_start3A_341] : memref<4x64x128xf32, #tpu.memory_space<vmem>> -> memref<1x64x128xf32, #tpu.memory_space<vmem>>
      %dma_start3A_343 = tpu.memref_squeeze %dma_start3A_342 : memref<1x64x128xf32, #tpu.memory_space<vmem>> -> memref<64x128xf32, #tpu.memory_space<vmem>>
      %dma_start3A_344 = arith.constant 0 : i32
      %dma_start3A_345 = tpu.memref_slice %arg5[%add3A_97, %dma_start3A_344] : memref<20480x128xf32, #tpu.memory_space<hbm>> -> memref<64x128xf32, #tpu.memory_space<hbm>>
      %dma_start3A_346 = arith.constant 0 : i32
      %dma_start3A_347 = tpu.memref_slice %arg5[%add3A_97, %dma_start3A_346] : memref<20480x128xf32, #tpu.memory_space<hbm>> -> memref<64x128xf32, #tpu.memory_space<hbm>>
      %dma_start3A_348 = arith.constant 0 : i32
      %dma_start3A_349 = arith.constant 0 : i32
      %dma_start3A_350 = tpu.memref_slice %arg9[%run_scoped3A_98, %dma_start3A_348, %dma_start3A_349] : memref<4x64x128xf32, #tpu.memory_space<vmem>> -> memref<1x64x128xf32, #tpu.memory_space<vmem>>
      %dma_start3A_351 = tpu.memref_squeeze %dma_start3A_350 : memref<1x64x128xf32, #tpu.memory_space<vmem>> -> memref<64x128xf32, #tpu.memory_space<vmem>>
      tpu.enqueue_dma source(%dma_start3A_351 : memref<64x128xf32, #tpu.memory_space<vmem>>) target(%dma_start3A_347 : memref<64x128xf32, #tpu.memory_space<hbm>>) target_semaphore(%run_scoped3A_339 : memref<!tpu.dma_semaphore, #tpu.memory_space<semaphore_mem>>)
      %dma_wait3A_352 = arith.constant 0 : i32
      %dma_wait3A_353 = arith.constant 0 : i32
      %dma_wait3A_354 = tpu.memref_slice %arg9[%run_scoped3A_98, %dma_wait3A_352, %dma_wait3A_353] : memref<4x64x128xf32, #tpu.memory_space<vmem>> -> memref<1x64x128xf32, #tpu.memory_space<vmem>>
      %dma_wait3A_355 = tpu.memref_squeeze %dma_wait3A_354 : memref<1x64x128xf32, #tpu.memory_space<vmem>> -> memref<64x128xf32, #tpu.memory_space<vmem>>
      %dma_wait3A_356 = arith.constant 0 : i32
      %dma_wait3A_357 = tpu.memref_slice %arg5[%add3A_97, %dma_wait3A_356] : memref<20480x128xf32, #tpu.memory_space<hbm>> -> memref<64x128xf32, #tpu.memory_space<hbm>>
      %dma_wait3A_358 = arith.constant 0 : i32
      %dma_wait3A_359 = tpu.memref_slice %arg5[%add3A_97, %dma_wait3A_358] : memref<20480x128xf32, #tpu.memory_space<hbm>> -> memref<64x128xf32, #tpu.memory_space<hbm>>
      %dma_wait3A_360 = arith.constant 0 : i32
      %dma_wait3A_361 = arith.constant 0 : i32
      %dma_wait3A_362 = tpu.memref_slice %arg9[%run_scoped3A_98, %dma_wait3A_360, %dma_wait3A_361] : memref<4x64x128xf32, #tpu.memory_space<vmem>> -> memref<1x64x128xf32, #tpu.memory_space<vmem>>
      %dma_wait3A_363 = tpu.memref_squeeze %dma_wait3A_362 : memref<1x64x128xf32, #tpu.memory_space<vmem>> -> memref<64x128xf32, #tpu.memory_space<vmem>>
      tpu.wait_dma2 semaphore(%run_scoped3A_339 : memref<!tpu.dma_semaphore, #tpu.memory_space<semaphore_mem>>) src(%dma_wait3A_363 : memref<64x128xf32, #tpu.memory_space<vmem>>) dst(%dma_wait3A_359 : memref<64x128xf32, #tpu.memory_space<hbm>>)
      tpu.yield
    }) : () -> ()
    %dma_start3A_99 = arith.constant 2 : i32
    %dma_start3A_100 = arith.constant 0 : i32
    %dma_start3A_101 = arith.constant 0 : i32
    %dma_start3A_102 = arith.constant 0 : i32
    %dma_start3A_103 = tpu.memref_slice %arg9[%dma_start3A_100, %dma_start3A_101, %dma_start3A_102] : memref<4x64x128xf32, #tpu.memory_space<vmem>> -> memref<1x64x128xf32, #tpu.memory_space<vmem>>
    %dma_start3A_104 = tpu.memref_squeeze %dma_start3A_103 : memref<1x64x128xf32, #tpu.memory_space<vmem>> -> memref<64x128xf32, #tpu.memory_space<vmem>>
    %dma_start3A_105 = arith.constant 0 : i32
    %dma_start3A_106 = tpu.memref_slice %arg8[%dma_start3A_99, %dma_start3A_105] : memref<10x64xi32, #tpu.memory_space<vmem>> -> memref<1x64xi32, #tpu.memory_space<vmem>>
    %dma_start3A_107 = tpu.memref_squeeze %dma_start3A_106 : memref<1x64xi32, #tpu.memory_space<vmem>> -> memref<64xi32, #tpu.memory_space<vmem>>
    %dma_start3A_108 = arith.constant 0 : i32
    %dma_start3A_109 = arith.constant 0 : i32
    %dma_start3A_110 = tpu.memref_slice %arg12[%dma_start3A_108, %dma_start3A_109] : memref<10240x128xf32, #tpu.memory_space<vmem_shared>> -> memref<10240x128xf32, #tpu.memory_space<vmem_shared>>
    tpu.enqueue_indirect_dma source(%dma_start3A_110 : memref<10240x128xf32, #tpu.memory_space<vmem_shared>>) target(%dma_start3A_104 : memref<64x128xf32, #tpu.memory_space<vmem>>) offsets(%dma_start3A_107 : memref<64xi32, #tpu.memory_space<vmem>>) semaphore(%arg10 : memref<!tpu.dma_semaphore, #tpu.memory_space<semaphore_mem>>)
    %dma_wait3A_111 = arith.constant 2 : i32
    %dma_wait3A_112 = arith.constant 0 : i32
    %dma_wait3A_113 = arith.constant 0 : i32
    %dma_wait3A_114 = arith.constant 0 : i32
    %dma_wait3A_115 = tpu.memref_slice %arg9[%dma_wait3A_112, %dma_wait3A_113, %dma_wait3A_114] : memref<4x64x128xf32, #tpu.memory_space<vmem>> -> memref<1x64x128xf32, #tpu.memory_space<vmem>>
    %dma_wait3A_116 = tpu.memref_squeeze %dma_wait3A_115 : memref<1x64x128xf32, #tpu.memory_space<vmem>> -> memref<64x128xf32, #tpu.memory_space<vmem>>
    %dma_wait3A_117 = arith.constant 0 : i32
    %dma_wait3A_118 = tpu.memref_slice %arg8[%dma_wait3A_111, %dma_wait3A_117] : memref<10x64xi32, #tpu.memory_space<vmem>> -> memref<1x64xi32, #tpu.memory_space<vmem>>
    %dma_wait3A_119 = tpu.memref_squeeze %dma_wait3A_118 : memref<1x64xi32, #tpu.memory_space<vmem>> -> memref<64xi32, #tpu.memory_space<vmem>>
    %dma_wait3A_120 = arith.constant 0 : i32
    %dma_wait3A_121 = arith.constant 0 : i32
    %dma_wait3A_122 = tpu.memref_slice %arg12[%dma_wait3A_120, %dma_wait3A_121] : memref<10240x128xf32, #tpu.memory_space<vmem_shared>> -> memref<10240x128xf32, #tpu.memory_space<vmem_shared>>
    tpu.wait_indirect_dma semaphore(%arg10 : memref<!tpu.dma_semaphore, #tpu.memory_space<semaphore_mem>>) src(%dma_wait3A_122 : memref<10240x128xf32, #tpu.memory_space<vmem_shared>>) dst(%dma_wait3A_116 : memref<64x128xf32, #tpu.memory_space<vmem>>)
    %mul3A_123 = arith.constant 10240 : i32
    %mul3A_124 = arith.muli %arg0, %mul3A_123 : i32
    %add3A_125 = arith.addi %mul3A_124, %mul3A_2 : i32
    %add3A_126 = arith.constant 128 : i32
    %add3A_127 = arith.addi %add3A_125, %add3A_126 : i32
    %run_scoped3A_128 = arith.constant 0 : i32
    "tpu.region"() ({
      %run_scoped3A_339 = tpu.sem_alloc : memref<!tpu.dma_semaphore, #tpu.memory_space<semaphore_mem>>
      %dma_start3A_340 = arith.constant 0 : i32
      %dma_start3A_341 = arith.constant 0 : i32
      %dma_start3A_342 = tpu.memref_slice %arg9[%run_scoped3A_128, %dma_start3A_340, %dma_start3A_341] : memref<4x64x128xf32, #tpu.memory_space<vmem>> -> memref<1x64x128xf32, #tpu.memory_space<vmem>>
      %dma_start3A_343 = tpu.memref_squeeze %dma_start3A_342 : memref<1x64x128xf32, #tpu.memory_space<vmem>> -> memref<64x128xf32, #tpu.memory_space<vmem>>
      %dma_start3A_344 = arith.constant 0 : i32
      %dma_start3A_345 = tpu.memref_slice %arg5[%add3A_127, %dma_start3A_344] : memref<20480x128xf32, #tpu.memory_space<hbm>> -> memref<64x128xf32, #tpu.memory_space<hbm>>
      %dma_start3A_346 = arith.constant 0 : i32
      %dma_start3A_347 = tpu.memref_slice %arg5[%add3A_127, %dma_start3A_346] : memref<20480x128xf32, #tpu.memory_space<hbm>> -> memref<64x128xf32, #tpu.memory_space<hbm>>
      %dma_start3A_348 = arith.constant 0 : i32
      %dma_start3A_349 = arith.constant 0 : i32
      %dma_start3A_350 = tpu.memref_slice %arg9[%run_scoped3A_128, %dma_start3A_348, %dma_start3A_349] : memref<4x64x128xf32, #tpu.memory_space<vmem>> -> memref<1x64x128xf32, #tpu.memory_space<vmem>>
      %dma_start3A_351 = tpu.memref_squeeze %dma_start3A_350 : memref<1x64x128xf32, #tpu.memory_space<vmem>> -> memref<64x128xf32, #tpu.memory_space<vmem>>
      tpu.enqueue_dma source(%dma_start3A_351 : memref<64x128xf32, #tpu.memory_space<vmem>>) target(%dma_start3A_347 : memref<64x128xf32, #tpu.memory_space<hbm>>) target_semaphore(%run_scoped3A_339 : memref<!tpu.dma_semaphore, #tpu.memory_space<semaphore_mem>>)
      %dma_wait3A_352 = arith.constant 0 : i32
      %dma_wait3A_353 = arith.constant 0 : i32
      %dma_wait3A_354 = tpu.memref_slice %arg9[%run_scoped3A_128, %dma_wait3A_352, %dma_wait3A_353] : memref<4x64x128xf32, #tpu.memory_space<vmem>> -> memref<1x64x128xf32, #tpu.memory_space<vmem>>
      %dma_wait3A_355 = tpu.memref_squeeze %dma_wait3A_354 : memref<1x64x128xf32, #tpu.memory_space<vmem>> -> memref<64x128xf32, #tpu.memory_space<vmem>>
      %dma_wait3A_356 = arith.constant 0 : i32
      %dma_wait3A_357 = tpu.memref_slice %arg5[%add3A_127, %dma_wait3A_356] : memref<20480x128xf32, #tpu.memory_space<hbm>> -> memref<64x128xf32, #tpu.memory_space<hbm>>
      %dma_wait3A_358 = arith.constant 0 : i32
      %dma_wait3A_359 = tpu.memref_slice %arg5[%add3A_127, %dma_wait3A_358] : memref<20480x128xf32, #tpu.memory_space<hbm>> -> memref<64x128xf32, #tpu.memory_space<hbm>>
      %dma_wait3A_360 = arith.constant 0 : i32
      %dma_wait3A_361 = arith.constant 0 : i32
      %dma_wait3A_362 = tpu.memref_slice %arg9[%run_scoped3A_128, %dma_wait3A_360, %dma_wait3A_361] : memref<4x64x128xf32, #tpu.memory_space<vmem>> -> memref<1x64x128xf32, #tpu.memory_space<vmem>>
      %dma_wait3A_363 = tpu.memref_squeeze %dma_wait3A_362 : memref<1x64x128xf32, #tpu.memory_space<vmem>> -> memref<64x128xf32, #tpu.memory_space<vmem>>
      tpu.wait_dma2 semaphore(%run_scoped3A_339 : memref<!tpu.dma_semaphore, #tpu.memory_space<semaphore_mem>>) src(%dma_wait3A_363 : memref<64x128xf32, #tpu.memory_space<vmem>>) dst(%dma_wait3A_359 : memref<64x128xf32, #tpu.memory_space<hbm>>)
      tpu.yield
    }) : () -> ()
    %dma_start3A_129 = arith.constant 3 : i32
    %dma_start3A_130 = arith.constant 0 : i32
    %dma_start3A_131 = arith.constant 0 : i32
    %dma_start3A_132 = arith.constant 0 : i32
    %dma_start3A_133 = tpu.memref_slice %arg9[%dma_start3A_130, %dma_start3A_131, %dma_start3A_132] : memref<4x64x128xf32, #tpu.memory_space<vmem>> -> memref<1x64x128xf32, #tpu.memory_space<vmem>>
    %dma_start3A_134 = tpu.memref_squeeze %dma_start3A_133 : memref<1x64x128xf32, #tpu.memory_space<vmem>> -> memref<64x128xf32, #tpu.memory_space<vmem>>
    %dma_start3A_135 = arith.constant 0 : i32
    %dma_start3A_136 = tpu.memref_slice %arg8[%dma_start3A_129, %dma_start3A_135] : memref<10x64xi32, #tpu.memory_space<vmem>> -> memref<1x64xi32, #tpu.memory_space<vmem>>
    %dma_start3A_137 = tpu.memref_squeeze %dma_start3A_136 : memref<1x64xi32, #tpu.memory_space<vmem>> -> memref<64xi32, #tpu.memory_space<vmem>>
    %dma_start3A_138 = arith.constant 0 : i32
    %dma_start3A_139 = arith.constant 0 : i32
    %dma_start3A_140 = tpu.memref_slice %arg12[%dma_start3A_138, %dma_start3A_139] : memref<10240x128xf32, #tpu.memory_space<vmem_shared>> -> memref<10240x128xf32, #tpu.memory_space<vmem_shared>>
    tpu.enqueue_indirect_dma source(%dma_start3A_140 : memref<10240x128xf32, #tpu.memory_space<vmem_shared>>) target(%dma_start3A_134 : memref<64x128xf32, #tpu.memory_space<vmem>>) offsets(%dma_start3A_137 : memref<64xi32, #tpu.memory_space<vmem>>) semaphore(%arg10 : memref<!tpu.dma_semaphore, #tpu.memory_space<semaphore_mem>>)
    %dma_wait3A_141 = arith.constant 3 : i32
    %dma_wait3A_142 = arith.constant 0 : i32
    %dma_wait3A_143 = arith.constant 0 : i32
    %dma_wait3A_144 = arith.constant 0 : i32
    %dma_wait3A_145 = tpu.memref_slice %arg9[%dma_wait3A_142, %dma_wait3A_143, %dma_wait3A_144] : memref<4x64x128xf32, #tpu.memory_space<vmem>> -> memref<1x64x128xf32, #tpu.memory_space<vmem>>
    %dma_wait3A_146 = tpu.memref_squeeze %dma_wait3A_145 : memref<1x64x128xf32, #tpu.memory_space<vmem>> -> memref<64x128xf32, #tpu.memory_space<vmem>>
    %dma_wait3A_147 = arith.constant 0 : i32
    %dma_wait3A_148 = tpu.memref_slice %arg8[%dma_wait3A_141, %dma_wait3A_147] : memref<10x64xi32, #tpu.memory_space<vmem>> -> memref<1x64xi32, #tpu.memory_space<vmem>>
    %dma_wait3A_149 = tpu.memref_squeeze %dma_wait3A_148 : memref<1x64xi32, #tpu.memory_space<vmem>> -> memref<64xi32, #tpu.memory_space<vmem>>
    %dma_wait3A_150 = arith.constant 0 : i32
    %dma_wait3A_151 = arith.constant 0 : i32
    %dma_wait3A_152 = tpu.memref_slice %arg12[%dma_wait3A_150, %dma_wait3A_151] : memref<10240x128xf32, #tpu.memory_space<vmem_shared>> -> memref<10240x128xf32, #tpu.memory_space<vmem_shared>>
    tpu.wait_indirect_dma semaphore(%arg10 : memref<!tpu.dma_semaphore, #tpu.memory_space<semaphore_mem>>) src(%dma_wait3A_152 : memref<10240x128xf32, #tpu.memory_space<vmem_shared>>) dst(%dma_wait3A_146 : memref<64x128xf32, #tpu.memory_space<vmem>>)
    %mul3A_153 = arith.constant 10240 : i32
    %mul3A_154 = arith.muli %arg0, %mul3A_153 : i32
    %add3A_155 = arith.addi %mul3A_154, %mul3A_2 : i32
    %add3A_156 = arith.constant 192 : i32
    %add3A_157 = arith.addi %add3A_155, %add3A_156 : i32
    %run_scoped3A_158 = arith.constant 0 : i32
    "tpu.region"() ({
      %run_scoped3A_339 = tpu.sem_alloc : memref<!tpu.dma_semaphore, #tpu.memory_space<semaphore_mem>>
      %dma_start3A_340 = arith.constant 0 : i32
      %dma_start3A_341 = arith.constant 0 : i32
      %dma_start3A_342 = tpu.memref_slice %arg9[%run_scoped3A_158, %dma_start3A_340, %dma_start3A_341] : memref<4x64x128xf32, #tpu.memory_space<vmem>> -> memref<1x64x128xf32, #tpu.memory_space<vmem>>
      %dma_start3A_343 = tpu.memref_squeeze %dma_start3A_342 : memref<1x64x128xf32, #tpu.memory_space<vmem>> -> memref<64x128xf32, #tpu.memory_space<vmem>>
      %dma_start3A_344 = arith.constant 0 : i32
      %dma_start3A_345 = tpu.memref_slice %arg5[%add3A_157, %dma_start3A_344] : memref<20480x128xf32, #tpu.memory_space<hbm>> -> memref<64x128xf32, #tpu.memory_space<hbm>>
      %dma_start3A_346 = arith.constant 0 : i32
      %dma_start3A_347 = tpu.memref_slice %arg5[%add3A_157, %dma_start3A_346] : memref<20480x128xf32, #tpu.memory_space<hbm>> -> memref<64x128xf32, #tpu.memory_space<hbm>>
      %dma_start3A_348 = arith.constant 0 : i32
      %dma_start3A_349 = arith.constant 0 : i32
      %dma_start3A_350 = tpu.memref_slice %arg9[%run_scoped3A_158, %dma_start3A_348, %dma_start3A_349] : memref<4x64x128xf32, #tpu.memory_space<vmem>> -> memref<1x64x128xf32, #tpu.memory_space<vmem>>
      %dma_start3A_351 = tpu.memref_squeeze %dma_start3A_350 : memref<1x64x128xf32, #tpu.memory_space<vmem>> -> memref<64x128xf32, #tpu.memory_space<vmem>>
      tpu.enqueue_dma source(%dma_start3A_351 : memref<64x128xf32, #tpu.memory_space<vmem>>) target(%dma_start3A_347 : memref<64x128xf32, #tpu.memory_space<hbm>>) target_semaphore(%run_scoped3A_339 : memref<!tpu.dma_semaphore, #tpu.memory_space<semaphore_mem>>)
      %dma_wait3A_352 = arith.constant 0 : i32
      %dma_wait3A_353 = arith.constant 0 : i32
      %dma_wait3A_354 = tpu.memref_slice %arg9[%run_scoped3A_158, %dma_wait3A_352, %dma_wait3A_353] : memref<4x64x128xf32, #tpu.memory_space<vmem>> -> memref<1x64x128xf32, #tpu.memory_space<vmem>>
      %dma_wait3A_355 = tpu.memref_squeeze %dma_wait3A_354 : memref<1x64x128xf32, #tpu.memory_space<vmem>> -> memref<64x128xf32, #tpu.memory_space<vmem>>
      %dma_wait3A_356 = arith.constant 0 : i32
      %dma_wait3A_357 = tpu.memref_slice %arg5[%add3A_157, %dma_wait3A_356] : memref<20480x128xf32, #tpu.memory_space<hbm>> -> memref<64x128xf32, #tpu.memory_space<hbm>>
      %dma_wait3A_358 = arith.constant 0 : i32
      %dma_wait3A_359 = tpu.memref_slice %arg5[%add3A_157, %dma_wait3A_358] : memref<20480x128xf32, #tpu.memory_space<hbm>> -> memref<64x128xf32, #tpu.memory_space<hbm>>
      %dma_wait3A_360 = arith.constant 0 : i32
      %dma_wait3A_361 = arith.constant 0 : i32
      %dma_wait3A_362 = tpu.memref_slice %arg9[%run_scoped3A_158, %dma_wait3A_360, %dma_wait3A_361] : memref<4x64x128xf32, #tpu.memory_space<vmem>> -> memref<1x64x128xf32, #tpu.memory_space<vmem>>
      %dma_wait3A_363 = tpu.memref_squeeze %dma_wait3A_362 : memref<1x64x128xf32, #tpu.memory_space<vmem>> -> memref<64x128xf32, #tpu.memory_space<vmem>>
      tpu.wait_dma2 semaphore(%run_scoped3A_339 : memref<!tpu.dma_semaphore, #tpu.memory_space<semaphore_mem>>) src(%dma_wait3A_363 : memref<64x128xf32, #tpu.memory_space<vmem>>) dst(%dma_wait3A_359 : memref<64x128xf32, #tpu.memory_space<hbm>>)
      tpu.yield
    }) : () -> ()
    %dma_start3A_159 = arith.constant 4 : i32
    %dma_start3A_160 = arith.constant 0 : i32
    %dma_start3A_161 = arith.constant 0 : i32
    %dma_start3A_162 = arith.constant 0 : i32
    %dma_start3A_163 = tpu.memref_slice %arg9[%dma_start3A_160, %dma_start3A_161, %dma_start3A_162] : memref<4x64x128xf32, #tpu.memory_space<vmem>> -> memref<1x64x128xf32, #tpu.memory_space<vmem>>
    %dma_start3A_164 = tpu.memref_squeeze %dma_start3A_163 : memref<1x64x128xf32, #tpu.memory_space<vmem>> -> memref<64x128xf32, #tpu.memory_space<vmem>>
    %dma_start3A_165 = arith.constant 0 : i32
    %dma_start3A_166 = tpu.memref_slice %arg8[%dma_start3A_159, %dma_start3A_165] : memref<10x64xi32, #tpu.memory_space<vmem>> -> memref<1x64xi32, #tpu.memory_space<vmem>>
    %dma_start3A_167 = tpu.memref_squeeze %dma_start3A_166 : memref<1x64xi32, #tpu.memory_space<vmem>> -> memref<64xi32, #tpu.memory_space<vmem>>
    %dma_start3A_168 = arith.constant 0 : i32
    %dma_start3A_169 = arith.constant 0 : i32
    %dma_start3A_170 = tpu.memref_slice %arg12[%dma_start3A_168, %dma_start3A_169] : memref<10240x128xf32, #tpu.memory_space<vmem_shared>> -> memref<10240x128xf32, #tpu.memory_space<vmem_shared>>
    tpu.enqueue_indirect_dma source(%dma_start3A_170 : memref<10240x128xf32, #tpu.memory_space<vmem_shared>>) target(%dma_start3A_164 : memref<64x128xf32, #tpu.memory_space<vmem>>) offsets(%dma_start3A_167 : memref<64xi32, #tpu.memory_space<vmem>>) semaphore(%arg10 : memref<!tpu.dma_semaphore, #tpu.memory_space<semaphore_mem>>)
    %dma_wait3A_171 = arith.constant 4 : i32
    %dma_wait3A_172 = arith.constant 0 : i32
    %dma_wait3A_173 = arith.constant 0 : i32
    %dma_wait3A_174 = arith.constant 0 : i32
    %dma_wait3A_175 = tpu.memref_slice %arg9[%dma_wait3A_172, %dma_wait3A_173, %dma_wait3A_174] : memref<4x64x128xf32, #tpu.memory_space<vmem>> -> memref<1x64x128xf32, #tpu.memory_space<vmem>>
    %dma_wait3A_176 = tpu.memref_squeeze %dma_wait3A_175 : memref<1x64x128xf32, #tpu.memory_space<vmem>> -> memref<64x128xf32, #tpu.memory_space<vmem>>
    %dma_wait3A_177 = arith.constant 0 : i32
    %dma_wait3A_178 = tpu.memref_slice %arg8[%dma_wait3A_171, %dma_wait3A_177] : memref<10x64xi32, #tpu.memory_space<vmem>> -> memref<1x64xi32, #tpu.memory_space<vmem>>
    %dma_wait3A_179 = tpu.memref_squeeze %dma_wait3A_178 : memref<1x64xi32, #tpu.memory_space<vmem>> -> memref<64xi32, #tpu.memory_space<vmem>>
    %dma_wait3A_180 = arith.constant 0 : i32
    %dma_wait3A_181 = arith.constant 0 : i32
    %dma_wait3A_182 = tpu.memref_slice %arg12[%dma_wait3A_180, %dma_wait3A_181] : memref<10240x128xf32, #tpu.memory_space<vmem_shared>> -> memref<10240x128xf32, #tpu.memory_space<vmem_shared>>
    tpu.wait_indirect_dma semaphore(%arg10 : memref<!tpu.dma_semaphore, #tpu.memory_space<semaphore_mem>>) src(%dma_wait3A_182 : memref<10240x128xf32, #tpu.memory_space<vmem_shared>>) dst(%dma_wait3A_176 : memref<64x128xf32, #tpu.memory_space<vmem>>)
    %mul3A_183 = arith.constant 10240 : i32
    %mul3A_184 = arith.muli %arg0, %mul3A_183 : i32
    %add3A_185 = arith.addi %mul3A_184, %mul3A_2 : i32
    %add3A_186 = arith.constant 256 : i32
    %add3A_187 = arith.addi %add3A_185, %add3A_186 : i32
    %run_scoped3A_188 = arith.constant 0 : i32
    "tpu.region"() ({
      %run_scoped3A_339 = tpu.sem_alloc : memref<!tpu.dma_semaphore, #tpu.memory_space<semaphore_mem>>
      %dma_start3A_340 = arith.constant 0 : i32
      %dma_start3A_341 = arith.constant 0 : i32
      %dma_start3A_342 = tpu.memref_slice %arg9[%run_scoped3A_188, %dma_start3A_340, %dma_start3A_341] : memref<4x64x128xf32, #tpu.memory_space<vmem>> -> memref<1x64x128xf32, #tpu.memory_space<vmem>>
      %dma_start3A_343 = tpu.memref_squeeze %dma_start3A_342 : memref<1x64x128xf32, #tpu.memory_space<vmem>> -> memref<64x128xf32, #tpu.memory_space<vmem>>
      %dma_start3A_344 = arith.constant 0 : i32
      %dma_start3A_345 = tpu.memref_slice %arg5[%add3A_187, %dma_start3A_344] : memref<20480x128xf32, #tpu.memory_space<hbm>> -> memref<64x128xf32, #tpu.memory_space<hbm>>
      %dma_start3A_346 = arith.constant 0 : i32
      %dma_start3A_347 = tpu.memref_slice %arg5[%add3A_187, %dma_start3A_346] : memref<20480x128xf32, #tpu.memory_space<hbm>> -> memref<64x128xf32, #tpu.memory_space<hbm>>
      %dma_start3A_348 = arith.constant 0 : i32
      %dma_start3A_349 = arith.constant 0 : i32
      %dma_start3A_350 = tpu.memref_slice %arg9[%run_scoped3A_188, %dma_start3A_348, %dma_start3A_349] : memref<4x64x128xf32, #tpu.memory_space<vmem>> -> memref<1x64x128xf32, #tpu.memory_space<vmem>>
      %dma_start3A_351 = tpu.memref_squeeze %dma_start3A_350 : memref<1x64x128xf32, #tpu.memory_space<vmem>> -> memref<64x128xf32, #tpu.memory_space<vmem>>
      tpu.enqueue_dma source(%dma_start3A_351 : memref<64x128xf32, #tpu.memory_space<vmem>>) target(%dma_start3A_347 : memref<64x128xf32, #tpu.memory_space<hbm>>) target_semaphore(%run_scoped3A_339 : memref<!tpu.dma_semaphore, #tpu.memory_space<semaphore_mem>>)
      %dma_wait3A_352 = arith.constant 0 : i32
      %dma_wait3A_353 = arith.constant 0 : i32
      %dma_wait3A_354 = tpu.memref_slice %arg9[%run_scoped3A_188, %dma_wait3A_352, %dma_wait3A_353] : memref<4x64x128xf32, #tpu.memory_space<vmem>> -> memref<1x64x128xf32, #tpu.memory_space<vmem>>
      %dma_wait3A_355 = tpu.memref_squeeze %dma_wait3A_354 : memref<1x64x128xf32, #tpu.memory_space<vmem>> -> memref<64x128xf32, #tpu.memory_space<vmem>>
      %dma_wait3A_356 = arith.constant 0 : i32
      %dma_wait3A_357 = tpu.memref_slice %arg5[%add3A_187, %dma_wait3A_356] : memref<20480x128xf32, #tpu.memory_space<hbm>> -> memref<64x128xf32, #tpu.memory_space<hbm>>
      %dma_wait3A_358 = arith.constant 0 : i32
      %dma_wait3A_359 = tpu.memref_slice %arg5[%add3A_187, %dma_wait3A_358] : memref<20480x128xf32, #tpu.memory_space<hbm>> -> memref<64x128xf32, #tpu.memory_space<hbm>>
      %dma_wait3A_360 = arith.constant 0 : i32
      %dma_wait3A_361 = arith.constant 0 : i32
      %dma_wait3A_362 = tpu.memref_slice %arg9[%run_scoped3A_188, %dma_wait3A_360, %dma_wait3A_361] : memref<4x64x128xf32, #tpu.memory_space<vmem>> -> memref<1x64x128xf32, #tpu.memory_space<vmem>>
      %dma_wait3A_363 = tpu.memref_squeeze %dma_wait3A_362 : memref<1x64x128xf32, #tpu.memory_space<vmem>> -> memref<64x128xf32, #tpu.memory_space<vmem>>
      tpu.wait_dma2 semaphore(%run_scoped3A_339 : memref<!tpu.dma_semaphore, #tpu.memory_space<semaphore_mem>>) src(%dma_wait3A_363 : memref<64x128xf32, #tpu.memory_space<vmem>>) dst(%dma_wait3A_359 : memref<64x128xf32, #tpu.memory_space<hbm>>)
      tpu.yield
    }) : () -> ()
    %dma_start3A_189 = arith.constant 5 : i32
    %dma_start3A_190 = arith.constant 0 : i32
    %dma_start3A_191 = arith.constant 0 : i32
    %dma_start3A_192 = arith.constant 0 : i32
    %dma_start3A_193 = tpu.memref_slice %arg9[%dma_start3A_190, %dma_start3A_191, %dma_start3A_192] : memref<4x64x128xf32, #tpu.memory_space<vmem>> -> memref<1x64x128xf32, #tpu.memory_space<vmem>>
    %dma_start3A_194 = tpu.memref_squeeze %dma_start3A_193 : memref<1x64x128xf32, #tpu.memory_space<vmem>> -> memref<64x128xf32, #tpu.memory_space<vmem>>
    %dma_start3A_195 = arith.constant 0 : i32
    %dma_start3A_196 = tpu.memref_slice %arg8[%dma_start3A_189, %dma_start3A_195] : memref<10x64xi32, #tpu.memory_space<vmem>> -> memref<1x64xi32, #tpu.memory_space<vmem>>
    %dma_start3A_197 = tpu.memref_squeeze %dma_start3A_196 : memref<1x64xi32, #tpu.memory_space<vmem>> -> memref<64xi32, #tpu.memory_space<vmem>>
    %dma_start3A_198 = arith.constant 0 : i32
    %dma_start3A_199 = arith.constant 0 : i32
    %dma_start3A_200 = tpu.memref_slice %arg12[%dma_start3A_198, %dma_start3A_199] : memref<10240x128xf32, #tpu.memory_space<vmem_shared>> -> memref<10240x128xf32, #tpu.memory_space<vmem_shared>>
    tpu.enqueue_indirect_dma source(%dma_start3A_200 : memref<10240x128xf32, #tpu.memory_space<vmem_shared>>) target(%dma_start3A_194 : memref<64x128xf32, #tpu.memory_space<vmem>>) offsets(%dma_start3A_197 : memref<64xi32, #tpu.memory_space<vmem>>) semaphore(%arg10 : memref<!tpu.dma_semaphore, #tpu.memory_space<semaphore_mem>>)
    %dma_wait3A_201 = arith.constant 5 : i32
    %dma_wait3A_202 = arith.constant 0 : i32
    %dma_wait3A_203 = arith.constant 0 : i32
    %dma_wait3A_204 = arith.constant 0 : i32
    %dma_wait3A_205 = tpu.memref_slice %arg9[%dma_wait3A_202, %dma_wait3A_203, %dma_wait3A_204] : memref<4x64x128xf32, #tpu.memory_space<vmem>> -> memref<1x64x128xf32, #tpu.memory_space<vmem>>
    %dma_wait3A_206 = tpu.memref_squeeze %dma_wait3A_205 : memref<1x64x128xf32, #tpu.memory_space<vmem>> -> memref<64x128xf32, #tpu.memory_space<vmem>>
    %dma_wait3A_207 = arith.constant 0 : i32
    %dma_wait3A_208 = tpu.memref_slice %arg8[%dma_wait3A_201, %dma_wait3A_207] : memref<10x64xi32, #tpu.memory_space<vmem>> -> memref<1x64xi32, #tpu.memory_space<vmem>>
    %dma_wait3A_209 = tpu.memref_squeeze %dma_wait3A_208 : memref<1x64xi32, #tpu.memory_space<vmem>> -> memref<64xi32, #tpu.memory_space<vmem>>
    %dma_wait3A_210 = arith.constant 0 : i32
    %dma_wait3A_211 = arith.constant 0 : i32
    %dma_wait3A_212 = tpu.memref_slice %arg12[%dma_wait3A_210, %dma_wait3A_211] : memref<10240x128xf32, #tpu.memory_space<vmem_shared>> -> memref<10240x128xf32, #tpu.memory_space<vmem_shared>>
    tpu.wait_indirect_dma semaphore(%arg10 : memref<!tpu.dma_semaphore, #tpu.memory_space<semaphore_mem>>) src(%dma_wait3A_212 : memref<10240x128xf32, #tpu.memory_space<vmem_shared>>) dst(%dma_wait3A_206 : memref<64x128xf32, #tpu.memory_space<vmem>>)
    %mul3A_213 = arith.constant 10240 : i32
    %mul3A_214 = arith.muli %arg0, %mul3A_213 : i32
    %add3A_215 = arith.addi %mul3A_214, %mul3A_2 : i32
    %add3A_216 = arith.constant 320 : i32
    %add3A_217 = arith.addi %add3A_215, %add3A_216 : i32
    %run_scoped3A_218 = arith.constant 0 : i32
    "tpu.region"() ({
      %run_scoped3A_339 = tpu.sem_alloc : memref<!tpu.dma_semaphore, #tpu.memory_space<semaphore_mem>>
      %dma_start3A_340 = arith.constant 0 : i32
      %dma_start3A_341 = arith.constant 0 : i32
      %dma_start3A_342 = tpu.memref_slice %arg9[%run_scoped3A_218, %dma_start3A_340, %dma_start3A_341] : memref<4x64x128xf32, #tpu.memory_space<vmem>> -> memref<1x64x128xf32, #tpu.memory_space<vmem>>
      %dma_start3A_343 = tpu.memref_squeeze %dma_start3A_342 : memref<1x64x128xf32, #tpu.memory_space<vmem>> -> memref<64x128xf32, #tpu.memory_space<vmem>>
      %dma_start3A_344 = arith.constant 0 : i32
      %dma_start3A_345 = tpu.memref_slice %arg5[%add3A_217, %dma_start3A_344] : memref<20480x128xf32, #tpu.memory_space<hbm>> -> memref<64x128xf32, #tpu.memory_space<hbm>>
      %dma_start3A_346 = arith.constant 0 : i32
      %dma_start3A_347 = tpu.memref_slice %arg5[%add3A_217, %dma_start3A_346] : memref<20480x128xf32, #tpu.memory_space<hbm>> -> memref<64x128xf32, #tpu.memory_space<hbm>>
      %dma_start3A_348 = arith.constant 0 : i32
      %dma_start3A_349 = arith.constant 0 : i32
      %dma_start3A_350 = tpu.memref_slice %arg9[%run_scoped3A_218, %dma_start3A_348, %dma_start3A_349] : memref<4x64x128xf32, #tpu.memory_space<vmem>> -> memref<1x64x128xf32, #tpu.memory_space<vmem>>
      %dma_start3A_351 = tpu.memref_squeeze %dma_start3A_350 : memref<1x64x128xf32, #tpu.memory_space<vmem>> -> memref<64x128xf32, #tpu.memory_space<vmem>>
      tpu.enqueue_dma source(%dma_start3A_351 : memref<64x128xf32, #tpu.memory_space<vmem>>) target(%dma_start3A_347 : memref<64x128xf32, #tpu.memory_space<hbm>>) target_semaphore(%run_scoped3A_339 : memref<!tpu.dma_semaphore, #tpu.memory_space<semaphore_mem>>)
      %dma_wait3A_352 = arith.constant 0 : i32
      %dma_wait3A_353 = arith.constant 0 : i32
      %dma_wait3A_354 = tpu.memref_slice %arg9[%run_scoped3A_218, %dma_wait3A_352, %dma_wait3A_353] : memref<4x64x128xf32, #tpu.memory_space<vmem>> -> memref<1x64x128xf32, #tpu.memory_space<vmem>>
      %dma_wait3A_355 = tpu.memref_squeeze %dma_wait3A_354 : memref<1x64x128xf32, #tpu.memory_space<vmem>> -> memref<64x128xf32, #tpu.memory_space<vmem>>
      %dma_wait3A_356 = arith.constant 0 : i32
      %dma_wait3A_357 = tpu.memref_slice %arg5[%add3A_217, %dma_wait3A_356] : memref<20480x128xf32, #tpu.memory_space<hbm>> -> memref<64x128xf32, #tpu.memory_space<hbm>>
      %dma_wait3A_358 = arith.constant 0 : i32
      %dma_wait3A_359 = tpu.memref_slice %arg5[%add3A_217, %dma_wait3A_358] : memref<20480x128xf32, #tpu.memory_space<hbm>> -> memref<64x128xf32, #tpu.memory_space<hbm>>
      %dma_wait3A_360 = arith.constant 0 : i32
      %dma_wait3A_361 = arith.constant 0 : i32
      %dma_wait3A_362 = tpu.memref_slice %arg9[%run_scoped3A_218, %dma_wait3A_360, %dma_wait3A_361] : memref<4x64x128xf32, #tpu.memory_space<vmem>> -> memref<1x64x128xf32, #tpu.memory_space<vmem>>
      %dma_wait3A_363 = tpu.memref_squeeze %dma_wait3A_362 : memref<1x64x128xf32, #tpu.memory_space<vmem>> -> memref<64x128xf32, #tpu.memory_space<vmem>>
      tpu.wait_dma2 semaphore(%run_scoped3A_339 : memref<!tpu.dma_semaphore, #tpu.memory_space<semaphore_mem>>) src(%dma_wait3A_363 : memref<64x128xf32, #tpu.memory_space<vmem>>) dst(%dma_wait3A_359 : memref<64x128xf32, #tpu.memory_space<hbm>>)
      tpu.yield
    }) : () -> ()
    %dma_start3A_219 = arith.constant 6 : i32
    %dma_start3A_220 = arith.constant 0 : i32
    %dma_start3A_221 = arith.constant 0 : i32
    %dma_start3A_222 = arith.constant 0 : i32
    %dma_start3A_223 = tpu.memref_slice %arg9[%dma_start3A_220, %dma_start3A_221, %dma_start3A_222] : memref<4x64x128xf32, #tpu.memory_space<vmem>> -> memref<1x64x128xf32, #tpu.memory_space<vmem>>
    %dma_start3A_224 = tpu.memref_squeeze %dma_start3A_223 : memref<1x64x128xf32, #tpu.memory_space<vmem>> -> memref<64x128xf32, #tpu.memory_space<vmem>>
    %dma_start3A_225 = arith.constant 0 : i32
    %dma_start3A_226 = tpu.memref_slice %arg8[%dma_start3A_219, %dma_start3A_225] : memref<10x64xi32, #tpu.memory_space<vmem>> -> memref<1x64xi32, #tpu.memory_space<vmem>>
    %dma_start3A_227 = tpu.memref_squeeze %dma_start3A_226 : memref<1x64xi32, #tpu.memory_space<vmem>> -> memref<64xi32, #tpu.memory_space<vmem>>
    %dma_start3A_228 = arith.constant 0 : i32
    %dma_start3A_229 = arith.constant 0 : i32
    %dma_start3A_230 = tpu.memref_slice %arg12[%dma_start3A_228, %dma_start3A_229] : memref<10240x128xf32, #tpu.memory_space<vmem_shared>> -> memref<10240x128xf32, #tpu.memory_space<vmem_shared>>
    tpu.enqueue_indirect_dma source(%dma_start3A_230 : memref<10240x128xf32, #tpu.memory_space<vmem_shared>>) target(%dma_start3A_224 : memref<64x128xf32, #tpu.memory_space<vmem>>) offsets(%dma_start3A_227 : memref<64xi32, #tpu.memory_space<vmem>>) semaphore(%arg10 : memref<!tpu.dma_semaphore, #tpu.memory_space<semaphore_mem>>)
    %dma_wait3A_231 = arith.constant 6 : i32
    %dma_wait3A_232 = arith.constant 0 : i32
    %dma_wait3A_233 = arith.constant 0 : i32
    %dma_wait3A_234 = arith.constant 0 : i32
    %dma_wait3A_235 = tpu.memref_slice %arg9[%dma_wait3A_232, %dma_wait3A_233, %dma_wait3A_234] : memref<4x64x128xf32, #tpu.memory_space<vmem>> -> memref<1x64x128xf32, #tpu.memory_space<vmem>>
    %dma_wait3A_236 = tpu.memref_squeeze %dma_wait3A_235 : memref<1x64x128xf32, #tpu.memory_space<vmem>> -> memref<64x128xf32, #tpu.memory_space<vmem>>
    %dma_wait3A_237 = arith.constant 0 : i32
    %dma_wait3A_238 = tpu.memref_slice %arg8[%dma_wait3A_231, %dma_wait3A_237] : memref<10x64xi32, #tpu.memory_space<vmem>> -> memref<1x64xi32, #tpu.memory_space<vmem>>
    %dma_wait3A_239 = tpu.memref_squeeze %dma_wait3A_238 : memref<1x64xi32, #tpu.memory_space<vmem>> -> memref<64xi32, #tpu.memory_space<vmem>>
    %dma_wait3A_240 = arith.constant 0 : i32
    %dma_wait3A_241 = arith.constant 0 : i32
    %dma_wait3A_242 = tpu.memref_slice %arg12[%dma_wait3A_240, %dma_wait3A_241] : memref<10240x128xf32, #tpu.memory_space<vmem_shared>> -> memref<10240x128xf32, #tpu.memory_space<vmem_shared>>
    tpu.wait_indirect_dma semaphore(%arg10 : memref<!tpu.dma_semaphore, #tpu.memory_space<semaphore_mem>>) src(%dma_wait3A_242 : memref<10240x128xf32, #tpu.memory_space<vmem_shared>>) dst(%dma_wait3A_236 : memref<64x128xf32, #tpu.memory_space<vmem>>)
    %mul3A_243 = arith.constant 10240 : i32
    %mul3A_244 = arith.muli %arg0, %mul3A_243 : i32
    %add3A_245 = arith.addi %mul3A_244, %mul3A_2 : i32
    %add3A_246 = arith.constant 384 : i32
    %add3A_247 = arith.addi %add3A_245, %add3A_246 : i32
    %run_scoped3A_248 = arith.constant 0 : i32
    "tpu.region"() ({
      %run_scoped3A_339 = tpu.sem_alloc : memref<!tpu.dma_semaphore, #tpu.memory_space<semaphore_mem>>
      %dma_start3A_340 = arith.constant 0 : i32
      %dma_start3A_341 = arith.constant 0 : i32
      %dma_start3A_342 = tpu.memref_slice %arg9[%run_scoped3A_248, %dma_start3A_340, %dma_start3A_341] : memref<4x64x128xf32, #tpu.memory_space<vmem>> -> memref<1x64x128xf32, #tpu.memory_space<vmem>>
      %dma_start3A_343 = tpu.memref_squeeze %dma_start3A_342 : memref<1x64x128xf32, #tpu.memory_space<vmem>> -> memref<64x128xf32, #tpu.memory_space<vmem>>
      %dma_start3A_344 = arith.constant 0 : i32
      %dma_start3A_345 = tpu.memref_slice %arg5[%add3A_247, %dma_start3A_344] : memref<20480x128xf32, #tpu.memory_space<hbm>> -> memref<64x128xf32, #tpu.memory_space<hbm>>
      %dma_start3A_346 = arith.constant 0 : i32
      %dma_start3A_347 = tpu.memref_slice %arg5[%add3A_247, %dma_start3A_346] : memref<20480x128xf32, #tpu.memory_space<hbm>> -> memref<64x128xf32, #tpu.memory_space<hbm>>
      %dma_start3A_348 = arith.constant 0 : i32
      %dma_start3A_349 = arith.constant 0 : i32
      %dma_start3A_350 = tpu.memref_slice %arg9[%run_scoped3A_248, %dma_start3A_348, %dma_start3A_349] : memref<4x64x128xf32, #tpu.memory_space<vmem>> -> memref<1x64x128xf32, #tpu.memory_space<vmem>>
      %dma_start3A_351 = tpu.memref_squeeze %dma_start3A_350 : memref<1x64x128xf32, #tpu.memory_space<vmem>> -> memref<64x128xf32, #tpu.memory_space<vmem>>
      tpu.enqueue_dma source(%dma_start3A_351 : memref<64x128xf32, #tpu.memory_space<vmem>>) target(%dma_start3A_347 : memref<64x128xf32, #tpu.memory_space<hbm>>) target_semaphore(%run_scoped3A_339 : memref<!tpu.dma_semaphore, #tpu.memory_space<semaphore_mem>>)
      %dma_wait3A_352 = arith.constant 0 : i32
      %dma_wait3A_353 = arith.constant 0 : i32
      %dma_wait3A_354 = tpu.memref_slice %arg9[%run_scoped3A_248, %dma_wait3A_352, %dma_wait3A_353] : memref<4x64x128xf32, #tpu.memory_space<vmem>> -> memref<1x64x128xf32, #tpu.memory_space<vmem>>
      %dma_wait3A_355 = tpu.memref_squeeze %dma_wait3A_354 : memref<1x64x128xf32, #tpu.memory_space<vmem>> -> memref<64x128xf32, #tpu.memory_space<vmem>>
      %dma_wait3A_356 = arith.constant 0 : i32
      %dma_wait3A_357 = tpu.memref_slice %arg5[%add3A_247, %dma_wait3A_356] : memref<20480x128xf32, #tpu.memory_space<hbm>> -> memref<64x128xf32, #tpu.memory_space<hbm>>
      %dma_wait3A_358 = arith.constant 0 : i32
      %dma_wait3A_359 = tpu.memref_slice %arg5[%add3A_247, %dma_wait3A_358] : memref<20480x128xf32, #tpu.memory_space<hbm>> -> memref<64x128xf32, #tpu.memory_space<hbm>>
      %dma_wait3A_360 = arith.constant 0 : i32
      %dma_wait3A_361 = arith.constant 0 : i32
      %dma_wait3A_362 = tpu.memref_slice %arg9[%run_scoped3A_248, %dma_wait3A_360, %dma_wait3A_361] : memref<4x64x128xf32, #tpu.memory_space<vmem>> -> memref<1x64x128xf32, #tpu.memory_space<vmem>>
      %dma_wait3A_363 = tpu.memref_squeeze %dma_wait3A_362 : memref<1x64x128xf32, #tpu.memory_space<vmem>> -> memref<64x128xf32, #tpu.memory_space<vmem>>
      tpu.wait_dma2 semaphore(%run_scoped3A_339 : memref<!tpu.dma_semaphore, #tpu.memory_space<semaphore_mem>>) src(%dma_wait3A_363 : memref<64x128xf32, #tpu.memory_space<vmem>>) dst(%dma_wait3A_359 : memref<64x128xf32, #tpu.memory_space<hbm>>)
      tpu.yield
    }) : () -> ()
    %dma_start3A_249 = arith.constant 7 : i32
    %dma_start3A_250 = arith.constant 0 : i32
    %dma_start3A_251 = arith.constant 0 : i32
    %dma_start3A_252 = arith.constant 0 : i32
    %dma_start3A_253 = tpu.memref_slice %arg9[%dma_start3A_250, %dma_start3A_251, %dma_start3A_252] : memref<4x64x128xf32, #tpu.memory_space<vmem>> -> memref<1x64x128xf32, #tpu.memory_space<vmem>>
    %dma_start3A_254 = tpu.memref_squeeze %dma_start3A_253 : memref<1x64x128xf32, #tpu.memory_space<vmem>> -> memref<64x128xf32, #tpu.memory_space<vmem>>
    %dma_start3A_255 = arith.constant 0 : i32
    %dma_start3A_256 = tpu.memref_slice %arg8[%dma_start3A_249, %dma_start3A_255] : memref<10x64xi32, #tpu.memory_space<vmem>> -> memref<1x64xi32, #tpu.memory_space<vmem>>
    %dma_start3A_257 = tpu.memref_squeeze %dma_start3A_256 : memref<1x64xi32, #tpu.memory_space<vmem>> -> memref<64xi32, #tpu.memory_space<vmem>>
    %dma_start3A_258 = arith.constant 0 : i32
    %dma_start3A_259 = arith.constant 0 : i32
    %dma_start3A_260 = tpu.memref_slice %arg12[%dma_start3A_258, %dma_start3A_259] : memref<10240x128xf32, #tpu.memory_space<vmem_shared>> -> memref<10240x128xf32, #tpu.memory_space<vmem_shared>>
    tpu.enqueue_indirect_dma source(%dma_start3A_260 : memref<10240x128xf32, #tpu.memory_space<vmem_shared>>) target(%dma_start3A_254 : memref<64x128xf32, #tpu.memory_space<vmem>>) offsets(%dma_start3A_257 : memref<64xi32, #tpu.memory_space<vmem>>) semaphore(%arg10 : memref<!tpu.dma_semaphore, #tpu.memory_space<semaphore_mem>>)
    %dma_wait3A_261 = arith.constant 7 : i32
    %dma_wait3A_262 = arith.constant 0 : i32
    %dma_wait3A_263 = arith.constant 0 : i32
    %dma_wait3A_264 = arith.constant 0 : i32
    %dma_wait3A_265 = tpu.memref_slice %arg9[%dma_wait3A_262, %dma_wait3A_263, %dma_wait3A_264] : memref<4x64x128xf32, #tpu.memory_space<vmem>> -> memref<1x64x128xf32, #tpu.memory_space<vmem>>
    %dma_wait3A_266 = tpu.memref_squeeze %dma_wait3A_265 : memref<1x64x128xf32, #tpu.memory_space<vmem>> -> memref<64x128xf32, #tpu.memory_space<vmem>>
    %dma_wait3A_267 = arith.constant 0 : i32
    %dma_wait3A_268 = tpu.memref_slice %arg8[%dma_wait3A_261, %dma_wait3A_267] : memref<10x64xi32, #tpu.memory_space<vmem>> -> memref<1x64xi32, #tpu.memory_space<vmem>>
    %dma_wait3A_269 = tpu.memref_squeeze %dma_wait3A_268 : memref<1x64xi32, #tpu.memory_space<vmem>> -> memref<64xi32, #tpu.memory_space<vmem>>
    %dma_wait3A_270 = arith.constant 0 : i32
    %dma_wait3A_271 = arith.constant 0 : i32
    %dma_wait3A_272 = tpu.memref_slice %arg12[%dma_wait3A_270, %dma_wait3A_271] : memref<10240x128xf32, #tpu.memory_space<vmem_shared>> -> memref<10240x128xf32, #tpu.memory_space<vmem_shared>>
    tpu.wait_indirect_dma semaphore(%arg10 : memref<!tpu.dma_semaphore, #tpu.memory_space<semaphore_mem>>) src(%dma_wait3A_272 : memref<10240x128xf32, #tpu.memory_space<vmem_shared>>) dst(%dma_wait3A_266 : memref<64x128xf32, #tpu.memory_space<vmem>>)
    %mul3A_273 = arith.constant 10240 : i32
    %mul3A_274 = arith.muli %arg0, %mul3A_273 : i32
    %add3A_275 = arith.addi %mul3A_274, %mul3A_2 : i32
    %add3A_276 = arith.constant 448 : i32
    %add3A_277 = arith.addi %add3A_275, %add3A_276 : i32
    %run_scoped3A_278 = arith.constant 0 : i32
    "tpu.region"() ({
      %run_scoped3A_339 = tpu.sem_alloc : memref<!tpu.dma_semaphore, #tpu.memory_space<semaphore_mem>>
      %dma_start3A_340 = arith.constant 0 : i32
      %dma_start3A_341 = arith.constant 0 : i32
      %dma_start3A_342 = tpu.memref_slice %arg9[%run_scoped3A_278, %dma_start3A_340, %dma_start3A_341] : memref<4x64x128xf32, #tpu.memory_space<vmem>> -> memref<1x64x128xf32, #tpu.memory_space<vmem>>
      %dma_start3A_343 = tpu.memref_squeeze %dma_start3A_342 : memref<1x64x128xf32, #tpu.memory_space<vmem>> -> memref<64x128xf32, #tpu.memory_space<vmem>>
      %dma_start3A_344 = arith.constant 0 : i32
      %dma_start3A_345 = tpu.memref_slice %arg5[%add3A_277, %dma_start3A_344] : memref<20480x128xf32, #tpu.memory_space<hbm>> -> memref<64x128xf32, #tpu.memory_space<hbm>>
      %dma_start3A_346 = arith.constant 0 : i32
      %dma_start3A_347 = tpu.memref_slice %arg5[%add3A_277, %dma_start3A_346] : memref<20480x128xf32, #tpu.memory_space<hbm>> -> memref<64x128xf32, #tpu.memory_space<hbm>>
      %dma_start3A_348 = arith.constant 0 : i32
      %dma_start3A_349 = arith.constant 0 : i32
      %dma_start3A_350 = tpu.memref_slice %arg9[%run_scoped3A_278, %dma_start3A_348, %dma_start3A_349] : memref<4x64x128xf32, #tpu.memory_space<vmem>> -> memref<1x64x128xf32, #tpu.memory_space<vmem>>
      %dma_start3A_351 = tpu.memref_squeeze %dma_start3A_350 : memref<1x64x128xf32, #tpu.memory_space<vmem>> -> memref<64x128xf32, #tpu.memory_space<vmem>>
      tpu.enqueue_dma source(%dma_start3A_351 : memref<64x128xf32, #tpu.memory_space<vmem>>) target(%dma_start3A_347 : memref<64x128xf32, #tpu.memory_space<hbm>>) target_semaphore(%run_scoped3A_339 : memref<!tpu.dma_semaphore, #tpu.memory_space<semaphore_mem>>)
      %dma_wait3A_352 = arith.constant 0 : i32
      %dma_wait3A_353 = arith.constant 0 : i32
      %dma_wait3A_354 = tpu.memref_slice %arg9[%run_scoped3A_278, %dma_wait3A_352, %dma_wait3A_353] : memref<4x64x128xf32, #tpu.memory_space<vmem>> -> memref<1x64x128xf32, #tpu.memory_space<vmem>>
      %dma_wait3A_355 = tpu.memref_squeeze %dma_wait3A_354 : memref<1x64x128xf32, #tpu.memory_space<vmem>> -> memref<64x128xf32, #tpu.memory_space<vmem>>
      %dma_wait3A_356 = arith.constant 0 : i32
      %dma_wait3A_357 = tpu.memref_slice %arg5[%add3A_277, %dma_wait3A_356] : memref<20480x128xf32, #tpu.memory_space<hbm>> -> memref<64x128xf32, #tpu.memory_space<hbm>>
      %dma_wait3A_358 = arith.constant 0 : i32
      %dma_wait3A_359 = tpu.memref_slice %arg5[%add3A_277, %dma_wait3A_358] : memref<20480x128xf32, #tpu.memory_space<hbm>> -> memref<64x128xf32, #tpu.memory_space<hbm>>
      %dma_wait3A_360 = arith.constant 0 : i32
      %dma_wait3A_361 = arith.constant 0 : i32
      %dma_wait3A_362 = tpu.memref_slice %arg9[%run_scoped3A_278, %dma_wait3A_360, %dma_wait3A_361] : memref<4x64x128xf32, #tpu.memory_space<vmem>> -> memref<1x64x128xf32, #tpu.memory_space<vmem>>
      %dma_wait3A_363 = tpu.memref_squeeze %dma_wait3A_362 : memref<1x64x128xf32, #tpu.memory_space<vmem>> -> memref<64x128xf32, #tpu.memory_space<vmem>>
      tpu.wait_dma2 semaphore(%run_scoped3A_339 : memref<!tpu.dma_semaphore, #tpu.memory_space<semaphore_mem>>) src(%dma_wait3A_363 : memref<64x128xf32, #tpu.memory_space<vmem>>) dst(%dma_wait3A_359 : memref<64x128xf32, #tpu.memory_space<hbm>>)
      tpu.yield
    }) : () -> ()
    %dma_start3A_279 = arith.constant 8 : i32
    %dma_start3A_280 = arith.constant 0 : i32
    %dma_start3A_281 = arith.constant 0 : i32
    %dma_start3A_282 = arith.constant 0 : i32
    %dma_start3A_283 = tpu.memref_slice %arg9[%dma_start3A_280, %dma_start3A_281, %dma_start3A_282] : memref<4x64x128xf32, #tpu.memory_space<vmem>> -> memref<1x64x128xf32, #tpu.memory_space<vmem>>
    %dma_start3A_284 = tpu.memref_squeeze %dma_start3A_283 : memref<1x64x128xf32, #tpu.memory_space<vmem>> -> memref<64x128xf32, #tpu.memory_space<vmem>>
    %dma_start3A_285 = arith.constant 0 : i32
    %dma_start3A_286 = tpu.memref_slice %arg8[%dma_start3A_279, %dma_start3A_285] : memref<10x64xi32, #tpu.memory_space<vmem>> -> memref<1x64xi32, #tpu.memory_space<vmem>>
    %dma_start3A_287 = tpu.memref_squeeze %dma_start3A_286 : memref<1x64xi32, #tpu.memory_space<vmem>> -> memref<64xi32, #tpu.memory_space<vmem>>
    %dma_start3A_288 = arith.constant 0 : i32
    %dma_start3A_289 = arith.constant 0 : i32
    %dma_start3A_290 = tpu.memref_slice %arg12[%dma_start3A_288, %dma_start3A_289] : memref<10240x128xf32, #tpu.memory_space<vmem_shared>> -> memref<10240x128xf32, #tpu.memory_space<vmem_shared>>
    tpu.enqueue_indirect_dma source(%dma_start3A_290 : memref<10240x128xf32, #tpu.memory_space<vmem_shared>>) target(%dma_start3A_284 : memref<64x128xf32, #tpu.memory_space<vmem>>) offsets(%dma_start3A_287 : memref<64xi32, #tpu.memory_space<vmem>>) semaphore(%arg10 : memref<!tpu.dma_semaphore, #tpu.memory_space<semaphore_mem>>)
    %dma_wait3A_291 = arith.constant 8 : i32
    %dma_wait3A_292 = arith.constant 0 : i32
    %dma_wait3A_293 = arith.constant 0 : i32
    %dma_wait3A_294 = arith.constant 0 : i32
    %dma_wait3A_295 = tpu.memref_slice %arg9[%dma_wait3A_292, %dma_wait3A_293, %dma_wait3A_294] : memref<4x64x128xf32, #tpu.memory_space<vmem>> -> memref<1x64x128xf32, #tpu.memory_space<vmem>>
    %dma_wait3A_296 = tpu.memref_squeeze %dma_wait3A_295 : memref<1x64x128xf32, #tpu.memory_space<vmem>> -> memref<64x128xf32, #tpu.memory_space<vmem>>
    %dma_wait3A_297 = arith.constant 0 : i32
    %dma_wait3A_298 = tpu.memref_slice %arg8[%dma_wait3A_291, %dma_wait3A_297] : memref<10x64xi32, #tpu.memory_space<vmem>> -> memref<1x64xi32, #tpu.memory_space<vmem>>
    %dma_wait3A_299 = tpu.memref_squeeze %dma_wait3A_298 : memref<1x64xi32, #tpu.memory_space<vmem>> -> memref<64xi32, #tpu.memory_space<vmem>>
    %dma_wait3A_300 = arith.constant 0 : i32
    %dma_wait3A_301 = arith.constant 0 : i32
    %dma_wait3A_302 = tpu.memref_slice %arg12[%dma_wait3A_300, %dma_wait3A_301] : memref<10240x128xf32, #tpu.memory_space<vmem_shared>> -> memref<10240x128xf32, #tpu.memory_space<vmem_shared>>
    tpu.wait_indirect_dma semaphore(%arg10 : memref<!tpu.dma_semaphore, #tpu.memory_space<semaphore_mem>>) src(%dma_wait3A_302 : memref<10240x128xf32, #tpu.memory_space<vmem_shared>>) dst(%dma_wait3A_296 : memref<64x128xf32, #tpu.memory_space<vmem>>)
    %mul3A_303 = arith.constant 10240 : i32
    %mul3A_304 = arith.muli %arg0, %mul3A_303 : i32
    %add3A_305 = arith.addi %mul3A_304, %mul3A_2 : i32
    %add3A_306 = arith.constant 512 : i32
    %add3A_307 = arith.addi %add3A_305, %add3A_306 : i32
    %run_scoped3A_308 = arith.constant 0 : i32
    "tpu.region"() ({
      %run_scoped3A_339 = tpu.sem_alloc : memref<!tpu.dma_semaphore, #tpu.memory_space<semaphore_mem>>
      %dma_start3A_340 = arith.constant 0 : i32
      %dma_start3A_341 = arith.constant 0 : i32
      %dma_start3A_342 = tpu.memref_slice %arg9[%run_scoped3A_308, %dma_start3A_340, %dma_start3A_341] : memref<4x64x128xf32, #tpu.memory_space<vmem>> -> memref<1x64x128xf32, #tpu.memory_space<vmem>>
      %dma_start3A_343 = tpu.memref_squeeze %dma_start3A_342 : memref<1x64x128xf32, #tpu.memory_space<vmem>> -> memref<64x128xf32, #tpu.memory_space<vmem>>
      %dma_start3A_344 = arith.constant 0 : i32
      %dma_start3A_345 = tpu.memref_slice %arg5[%add3A_307, %dma_start3A_344] : memref<20480x128xf32, #tpu.memory_space<hbm>> -> memref<64x128xf32, #tpu.memory_space<hbm>>
      %dma_start3A_346 = arith.constant 0 : i32
      %dma_start3A_347 = tpu.memref_slice %arg5[%add3A_307, %dma_start3A_346] : memref<20480x128xf32, #tpu.memory_space<hbm>> -> memref<64x128xf32, #tpu.memory_space<hbm>>
      %dma_start3A_348 = arith.constant 0 : i32
      %dma_start3A_349 = arith.constant 0 : i32
      %dma_start3A_350 = tpu.memref_slice %arg9[%run_scoped3A_308, %dma_start3A_348, %dma_start3A_349] : memref<4x64x128xf32, #tpu.memory_space<vmem>> -> memref<1x64x128xf32, #tpu.memory_space<vmem>>
      %dma_start3A_351 = tpu.memref_squeeze %dma_start3A_350 : memref<1x64x128xf32, #tpu.memory_space<vmem>> -> memref<64x128xf32, #tpu.memory_space<vmem>>
      tpu.enqueue_dma source(%dma_start3A_351 : memref<64x128xf32, #tpu.memory_space<vmem>>) target(%dma_start3A_347 : memref<64x128xf32, #tpu.memory_space<hbm>>) target_semaphore(%run_scoped3A_339 : memref<!tpu.dma_semaphore, #tpu.memory_space<semaphore_mem>>)
      %dma_wait3A_352 = arith.constant 0 : i32
      %dma_wait3A_353 = arith.constant 0 : i32
      %dma_wait3A_354 = tpu.memref_slice %arg9[%run_scoped3A_308, %dma_wait3A_352, %dma_wait3A_353] : memref<4x64x128xf32, #tpu.memory_space<vmem>> -> memref<1x64x128xf32, #tpu.memory_space<vmem>>
      %dma_wait3A_355 = tpu.memref_squeeze %dma_wait3A_354 : memref<1x64x128xf32, #tpu.memory_space<vmem>> -> memref<64x128xf32, #tpu.memory_space<vmem>>
      %dma_wait3A_356 = arith.constant 0 : i32
      %dma_wait3A_357 = tpu.memref_slice %arg5[%add3A_307, %dma_wait3A_356] : memref<20480x128xf32, #tpu.memory_space<hbm>> -> memref<64x128xf32, #tpu.memory_space<hbm>>
      %dma_wait3A_358 = arith.constant 0 : i32
      %dma_wait3A_359 = tpu.memref_slice %arg5[%add3A_307, %dma_wait3A_358] : memref<20480x128xf32, #tpu.memory_space<hbm>> -> memref<64x128xf32, #tpu.memory_space<hbm>>
      %dma_wait3A_360 = arith.constant 0 : i32
      %dma_wait3A_361 = arith.constant 0 : i32
      %dma_wait3A_362 = tpu.memref_slice %arg9[%run_scoped3A_308, %dma_wait3A_360, %dma_wait3A_361] : memref<4x64x128xf32, #tpu.memory_space<vmem>> -> memref<1x64x128xf32, #tpu.memory_space<vmem>>
      %dma_wait3A_363 = tpu.memref_squeeze %dma_wait3A_362 : memref<1x64x128xf32, #tpu.memory_space<vmem>> -> memref<64x128xf32, #tpu.memory_space<vmem>>
      tpu.wait_dma2 semaphore(%run_scoped3A_339 : memref<!tpu.dma_semaphore, #tpu.memory_space<semaphore_mem>>) src(%dma_wait3A_363 : memref<64x128xf32, #tpu.memory_space<vmem>>) dst(%dma_wait3A_359 : memref<64x128xf32, #tpu.memory_space<hbm>>)
      tpu.yield
    }) : () -> ()
    %dma_start3A_309 = arith.constant 9 : i32
    %dma_start3A_310 = arith.constant 0 : i32
    %dma_start3A_311 = arith.constant 0 : i32
    %dma_start3A_312 = arith.constant 0 : i32
    %dma_start3A_313 = tpu.memref_slice %arg9[%dma_start3A_310, %dma_start3A_311, %dma_start3A_312] : memref<4x64x128xf32, #tpu.memory_space<vmem>> -> memref<1x64x128xf32, #tpu.memory_space<vmem>>
    %dma_start3A_314 = tpu.memref_squeeze %dma_start3A_313 : memref<1x64x128xf32, #tpu.memory_space<vmem>> -> memref<64x128xf32, #tpu.memory_space<vmem>>
    %dma_start3A_315 = arith.constant 0 : i32
    %dma_start3A_316 = tpu.memref_slice %arg8[%dma_start3A_309, %dma_start3A_315] : memref<10x64xi32, #tpu.memory_space<vmem>> -> memref<1x64xi32, #tpu.memory_space<vmem>>
    %dma_start3A_317 = tpu.memref_squeeze %dma_start3A_316 : memref<1x64xi32, #tpu.memory_space<vmem>> -> memref<64xi32, #tpu.memory_space<vmem>>
    %dma_start3A_318 = arith.constant 0 : i32
    %dma_start3A_319 = arith.constant 0 : i32
    %dma_start3A_320 = tpu.memref_slice %arg12[%dma_start3A_318, %dma_start3A_319] : memref<10240x128xf32, #tpu.memory_space<vmem_shared>> -> memref<10240x128xf32, #tpu.memory_space<vmem_shared>>
    tpu.enqueue_indirect_dma source(%dma_start3A_320 : memref<10240x128xf32, #tpu.memory_space<vmem_shared>>) target(%dma_start3A_314 : memref<64x128xf32, #tpu.memory_space<vmem>>) offsets(%dma_start3A_317 : memref<64xi32, #tpu.memory_space<vmem>>) semaphore(%arg10 : memref<!tpu.dma_semaphore, #tpu.memory_space<semaphore_mem>>)
    %dma_wait3A_321 = arith.constant 9 : i32
    %dma_wait3A_322 = arith.constant 0 : i32
    %dma_wait3A_323 = arith.constant 0 : i32
    %dma_wait3A_324 = arith.constant 0 : i32
    %dma_wait3A_325 = tpu.memref_slice %arg9[%dma_wait3A_322, %dma_wait3A_323, %dma_wait3A_324] : memref<4x64x128xf32, #tpu.memory_space<vmem>> -> memref<1x64x128xf32, #tpu.memory_space<vmem>>
    %dma_wait3A_326 = tpu.memref_squeeze %dma_wait3A_325 : memref<1x64x128xf32, #tpu.memory_space<vmem>> -> memref<64x128xf32, #tpu.memory_space<vmem>>
    %dma_wait3A_327 = arith.constant 0 : i32
    %dma_wait3A_328 = tpu.memref_slice %arg8[%dma_wait3A_321, %dma_wait3A_327] : memref<10x64xi32, #tpu.memory_space<vmem>> -> memref<1x64xi32, #tpu.memory_space<vmem>>
    %dma_wait3A_329 = tpu.memref_squeeze %dma_wait3A_328 : memref<1x64xi32, #tpu.memory_space<vmem>> -> memref<64xi32, #tpu.memory_space<vmem>>
    %dma_wait3A_330 = arith.constant 0 : i32
    %dma_wait3A_331 = arith.constant 0 : i32
    %dma_wait3A_332 = tpu.memref_slice %arg12[%dma_wait3A_330, %dma_wait3A_331] : memref<10240x128xf32, #tpu.memory_space<vmem_shared>> -> memref<10240x128xf32, #tpu.memory_space<vmem_shared>>
    tpu.wait_indirect_dma semaphore(%arg10 : memref<!tpu.dma_semaphore, #tpu.memory_space<semaphore_mem>>) src(%dma_wait3A_332 : memref<10240x128xf32, #tpu.memory_space<vmem_shared>>) dst(%dma_wait3A_326 : memref<64x128xf32, #tpu.memory_space<vmem>>)
    %mul3A_333 = arith.constant 10240 : i32
    %mul3A_334 = arith.muli %arg0, %mul3A_333 : i32
    %add3A_335 = arith.addi %mul3A_334, %mul3A_2 : i32
    %add3A_336 = arith.constant 576 : i32
    %add3A_337 = arith.addi %add3A_335, %add3A_336 : i32
    %run_scoped3A_338 = arith.constant 0 : i32
    "tpu.region"() ({
      %run_scoped3A_339 = tpu.sem_alloc : memref<!tpu.dma_semaphore, #tpu.memory_space<semaphore_mem>>
      %dma_start3A_340 = arith.constant 0 : i32
      %dma_start3A_341 = arith.constant 0 : i32
      %dma_start3A_342 = tpu.memref_slice %arg9[%run_scoped3A_338, %dma_start3A_340, %dma_start3A_341] : memref<4x64x128xf32, #tpu.memory_space<vmem>> -> memref<1x64x128xf32, #tpu.memory_space<vmem>>
      %dma_start3A_343 = tpu.memref_squeeze %dma_start3A_342 : memref<1x64x128xf32, #tpu.memory_space<vmem>> -> memref<64x128xf32, #tpu.memory_space<vmem>>
      %dma_start3A_344 = arith.constant 0 : i32
      %dma_start3A_345 = tpu.memref_slice %arg5[%add3A_337, %dma_start3A_344] : memref<20480x128xf32, #tpu.memory_space<hbm>> -> memref<64x128xf32, #tpu.memory_space<hbm>>
      %dma_start3A_346 = arith.constant 0 : i32
      %dma_start3A_347 = tpu.memref_slice %arg5[%add3A_337, %dma_start3A_346] : memref<20480x128xf32, #tpu.memory_space<hbm>> -> memref<64x128xf32, #tpu.memory_space<hbm>>
      %dma_start3A_348 = arith.constant 0 : i32
      %dma_start3A_349 = arith.constant 0 : i32
      %dma_start3A_350 = tpu.memref_slice %arg9[%run_scoped3A_338, %dma_start3A_348, %dma_start3A_349] : memref<4x64x128xf32, #tpu.memory_space<vmem>> -> memref<1x64x128xf32, #tpu.memory_space<vmem>>
      %dma_start3A_351 = tpu.memref_squeeze %dma_start3A_350 : memref<1x64x128xf32, #tpu.memory_space<vmem>> -> memref<64x128xf32, #tpu.memory_space<vmem>>
      tpu.enqueue_dma source(%dma_start3A_351 : memref<64x128xf32, #tpu.memory_space<vmem>>) target(%dma_start3A_347 : memref<64x128xf32, #tpu.memory_space<hbm>>) target_semaphore(%run_scoped3A_339 : memref<!tpu.dma_semaphore, #tpu.memory_space<semaphore_mem>>)
      %dma_wait3A_352 = arith.constant 0 : i32
      %dma_wait3A_353 = arith.constant 0 : i32
      %dma_wait3A_354 = tpu.memref_slice %arg9[%run_scoped3A_338, %dma_wait3A_352, %dma_wait3A_353] : memref<4x64x128xf32, #tpu.memory_space<vmem>> -> memref<1x64x128xf32, #tpu.memory_space<vmem>>
      %dma_wait3A_355 = tpu.memref_squeeze %dma_wait3A_354 : memref<1x64x128xf32, #tpu.memory_space<vmem>> -> memref<64x128xf32, #tpu.memory_space<vmem>>
      %dma_wait3A_356 = arith.constant 0 : i32
      %dma_wait3A_357 = tpu.memref_slice %arg5[%add3A_337, %dma_wait3A_356] : memref<20480x128xf32, #tpu.memory_space<hbm>> -> memref<64x128xf32, #tpu.memory_space<hbm>>
      %dma_wait3A_358 = arith.constant 0 : i32
      %dma_wait3A_359 = tpu.memref_slice %arg5[%add3A_337, %dma_wait3A_358] : memref<20480x128xf32, #tpu.memory_space<hbm>> -> memref<64x128xf32, #tpu.memory_space<hbm>>
      %dma_wait3A_360 = arith.constant 0 : i32
      %dma_wait3A_361 = arith.constant 0 : i32
      %dma_wait3A_362 = tpu.memref_slice %arg9[%run_scoped3A_338, %dma_wait3A_360, %dma_wait3A_361] : memref<4x64x128xf32, #tpu.memory_space<vmem>> -> memref<1x64x128xf32, #tpu.memory_space<vmem>>
      %dma_wait3A_363 = tpu.memref_squeeze %dma_wait3A_362 : memref<1x64x128xf32, #tpu.memory_space<vmem>> -> memref<64x128xf32, #tpu.memory_space<vmem>>
      tpu.wait_dma2 semaphore(%run_scoped3A_339 : memref<!tpu.dma_semaphore, #tpu.memory_space<semaphore_mem>>) src(%dma_wait3A_363 : memref<64x128xf32, #tpu.memory_space<vmem>>) dst(%dma_wait3A_359 : memref<64x128xf32, #tpu.memory_space<hbm>>)
      tpu.yield
    }) : () -> ()
    "tpu.region"() ({
      %run_scoped3A_339 = tpu.sem_alloc : memref<!tpu.dma_semaphore, #tpu.memory_space<semaphore_mem>>
      %dma_start3A_340 = arith.constant 0 : i32
      %dma_start3A_341 = tpu.memref_slice %arg6[%add3A, %dma_start3A_340] : memref<32x10240xf32, #tpu.memory_space<hbm>> -> memref<1x10240xf32, #tpu.memory_space<hbm>>
      %dma_start3A_342 = tpu.memref_squeeze %dma_start3A_341 : memref<1x10240xf32, #tpu.memory_space<hbm>> -> memref<10240xf32, #tpu.memory_space<hbm>>
      %dma_start3A_343 = arith.constant 0 : i32
      %dma_start3A_344 = tpu.memref_slice %arg6[%add3A, %dma_start3A_343] : memref<32x10240xf32, #tpu.memory_space<hbm>> -> memref<1x10240xf32, #tpu.memory_space<hbm>>
      %dma_start3A_345 = tpu.memref_squeeze %dma_start3A_344 : memref<1x10240xf32, #tpu.memory_space<hbm>> -> memref<10240xf32, #tpu.memory_space<hbm>>
      tpu.enqueue_dma source(%arg13 : memref<10240xf32, #tpu.memory_space<vmem>>) target(%dma_start3A_345 : memref<10240xf32, #tpu.memory_space<hbm>>) target_semaphore(%run_scoped3A_339 : memref<!tpu.dma_semaphore, #tpu.memory_space<semaphore_mem>>)
      %dma_wait3A_346 = arith.constant 0 : i32
      %dma_wait3A_347 = tpu.memref_slice %arg6[%add3A, %dma_wait3A_346] : memref<32x10240xf32, #tpu.memory_space<hbm>> -> memref<1x10240xf32, #tpu.memory_space<hbm>>
      %dma_wait3A_348 = tpu.memref_squeeze %dma_wait3A_347 : memref<1x10240xf32, #tpu.memory_space<hbm>> -> memref<10240xf32, #tpu.memory_space<hbm>>
      %dma_wait3A_349 = arith.constant 0 : i32
      %dma_wait3A_350 = tpu.memref_slice %arg6[%add3A, %dma_wait3A_349] : memref<32x10240xf32, #tpu.memory_space<hbm>> -> memref<1x10240xf32, #tpu.memory_space<hbm>>
      %dma_wait3A_351 = tpu.memref_squeeze %dma_wait3A_350 : memref<1x10240xf32, #tpu.memory_space<hbm>> -> memref<10240xf32, #tpu.memory_space<hbm>>
      tpu.wait_dma2 semaphore(%run_scoped3A_339 : memref<!tpu.dma_semaphore, #tpu.memory_space<semaphore_mem>>) src(%arg13 : memref<10240xf32, #tpu.memory_space<vmem>>) dst(%dma_wait3A_351 : memref<10240xf32, #tpu.memory_space<hbm>>)
      tpu.yield
    }) : () -> ()
    return
  }
}

module attributes {stable_mosaic.version = 14 : i64} {
  func.func @body(%arg0: i32, %arg1: memref<2000x128xf32, #tpu.memory_space<vmem>>, %arg2: memref<128x128xf32, #tpu.memory_space<vmem>>, %arg3: memref<128x128xf32, #tpu.memory_space<vmem>>, %arg4: memref<2000x128xf32, #tpu.memory_space<vmem>>, %arg5: memref<2000x128xf32, #tpu.memory_space<vmem>>) attributes {dimension_semantics = [#tpu.dimension_semantics<arbitrary>], iteration_bounds = array<i64: 5>, scalar_prefetch = 0 : i64, scratch_operands = 0 : i64, tpu.core_type = #tpu.core_type<tc>, window_params = [{transform_indices = @transform_0, window_bounds = array<i64: 2000, 128>}, {pipeline_mode = #tpu.pipeline_mode<synchronous>, transform_indices = @transform_1, window_bounds = array<i64: 128, 128>}, {pipeline_mode = #tpu.pipeline_mode<synchronous>, transform_indices = @transform_2, window_bounds = array<i64: 128, 128>}, {transform_indices = @transform_3, window_bounds = array<i64: 2000, 128>}, {transform_indices = @transform_4, window_bounds = array<i64: 2000, 128>}]} {
    %get3A = arith.constant 0 : index
    %get3A_0 = arith.constant 0 : index
    %get3A_1 = vector.load %arg1[%get3A, %get3A_0] : memref<2000x128xf32, #tpu.memory_space<vmem>>, vector<2000x128xf32>
    %get3A_2 = arith.constant 0 : index
    %get3A_3 = arith.constant 0 : index
    %get3A_4 = vector.load %arg2[%get3A_2, %get3A_3] : memref<128x128xf32, #tpu.memory_space<vmem>>, vector<128x128xf32>
    %dot_general3A = arith.constant dense<0.000000e+00> : vector<2000x128xf32>
    %dot_general3A_5 = tpu.matmul %get3A_1, %get3A_4, %dot_general3A {dimension_numbers = #tpu.dot_dimension_numbers<[1], [0], [0], [1], [0, 0, 1, 1], [], []>, transpose_lhs_hint = false} : vector<2000x128xf32>, vector<128x128xf32>, vector<2000x128xf32> -> vector<2000x128xf32>
    %swap3A = arith.constant 0 : index
    %swap3A_6 = arith.constant 0 : index
    %swap3A_7 = vector.load %arg4[%swap3A, %swap3A_6] : memref<2000x128xf32, #tpu.memory_space<vmem>>, vector<2000x128xf32>
    tpu.vector_store %arg4[%swap3A, %swap3A_6], %dot_general3A_5 {strides = array<i32>} : memref<2000x128xf32, #tpu.memory_space<vmem>>, vector<2000x128xf32>,
    %get3A_8 = arith.constant 0 : index
    %get3A_9 = arith.constant 0 : index
    %get3A_10 = vector.load %arg3[%get3A_8, %get3A_9] : memref<128x128xf32, #tpu.memory_space<vmem>>, vector<128x128xf32>
    %dot_general3A_11 = arith.constant dense<0.000000e+00> : vector<2000x128xf32>
    %dot_general3A_12 = tpu.matmul %get3A_1, %get3A_10, %dot_general3A_11 {dimension_numbers = #tpu.dot_dimension_numbers<[1], [0], [0], [1], [0, 0, 1, 1], [], []>, transpose_lhs_hint = false} : vector<2000x128xf32>, vector<128x128xf32>, vector<2000x128xf32> -> vector<2000x128xf32>
    %swap3A_13 = arith.constant 0 : index
    %swap3A_14 = arith.constant 0 : index
    %swap3A_15 = vector.load %arg5[%swap3A_13, %swap3A_14] : memref<2000x128xf32, #tpu.memory_space<vmem>>, vector<2000x128xf32>
    tpu.vector_store %arg5[%swap3A_13, %swap3A_14], %dot_general3A_12 {strides = array<i32>} : memref<2000x128xf32, #tpu.memory_space<vmem>>, vector<2000x128xf32>,
    return
  }
  func.func @transform_0(%arg0: i32) -> (i32, i32) {
    %c0_i32 = arith.constant 0 : i32
    %c0_i32_0 = arith.constant 0 : i32
    return %arg0, %c0_i32 : i32, i32
  }
  func.func @transform_1(%arg0: i32) -> (i32, i32) {
    %c0_i32 = arith.constant 0 : i32
    %c0_i32_0 = arith.constant 0 : i32
    %c0_i32_1 = arith.constant 0 : i32
    return %c0_i32, %c0_i32_0 : i32, i32
  }
  func.func @transform_2(%arg0: i32) -> (i32, i32) {
    %c0_i32 = arith.constant 0 : i32
    %c0_i32_0 = arith.constant 0 : i32
    %c0_i32_1 = arith.constant 0 : i32
    return %c0_i32, %c0_i32_0 : i32, i32
  }
  func.func @transform_3(%arg0: i32) -> (i32, i32) {
    %c0_i32 = arith.constant 0 : i32
    %c0_i32_0 = arith.constant 0 : i32
    return %arg0, %c0_i32 : i32, i32
  }
  func.func @transform_4(%arg0: i32) -> (i32, i32) {
    %c0_i32 = arith.constant 0 : i32
    %c0_i32_0 = arith.constant 0 : i32
    return %arg0, %c0_i32 : i32, i32
  }
}

module attributes {stable_mosaic.version = 14 : i64} {
  func.func @body(%arg0: i32, %arg1: memref<2x2000x128xf32, #tpu.memory_space<vmem>>, %arg2: memref<2000x32xf32, #tpu.memory_space<vmem>>, %arg3: memref<2000x128xf32, #tpu.memory_space<vmem>>, %arg4: memref<1x128xf32, #tpu.memory_space<vmem>>, %arg5: memref<128x64xf32, #tpu.memory_space<vmem>>, %arg6: memref<2000x128xf32, #tpu.memory_space<vmem>>, %arg7: memref<2000x64xf32, #tpu.memory_space<vmem>>) attributes {dimension_semantics = [#tpu.dimension_semantics<arbitrary>], iteration_bounds = array<i64: 5>, scalar_prefetch = 0 : i64, scratch_operands = 0 : i64, tpu.core_type = #tpu.core_type<tc>, window_params = [{transform_indices = @transform_0, window_bounds = array<i64: 2, 2000, 128>}, {transform_indices = @transform_1, window_bounds = array<i64: 2000, 32>}, {transform_indices = @transform_2, window_bounds = array<i64: 2000, 128>}, {pipeline_mode = #tpu.pipeline_mode<synchronous>, transform_indices = @transform_3, window_bounds = array<i64: 1, 128>}, {pipeline_mode = #tpu.pipeline_mode<synchronous>, transform_indices = @transform_4, window_bounds = array<i64: 128, 64>}, {transform_indices = @transform_5, window_bounds = array<i64: 2000, 128>}, {transform_indices = @transform_6, window_bounds = array<i64: 2000, 64>}]} {
    %get3A = arith.constant 0 : index
    %get3A_0 = arith.constant 0 : index
    %get3A_1 = arith.constant 0 : index
    %get3A_2 = vector.load %arg1[%get3A, %get3A_0, %get3A_1] : memref<2x2000x128xf32, #tpu.memory_space<vmem>>, vector<2x2000x128xf32>
    %reduce_sum3A = arith.constant dense<0.000000e+00> : vector<2000x128xf32>
    %reduce_sum3A_3 = vector.multi_reduction <add>, %get3A_2, %reduce_sum3A [0] : vector<2x2000x128xf32> to vector<2000x128xf32>
    %get3A_4 = arith.constant 0 : index
    %get3A_5 = arith.constant 0 : index
    %get3A_6 = vector.load %arg2[%get3A_4, %get3A_5] : memref<2000x32xf32, #tpu.memory_space<vmem>>, vector<2000x32xf32>
    %reduce_sum3A_7 = arith.constant dense<0.000000e+00> : vector<2000xf32>
    %reduce_sum3A_8 = vector.multi_reduction <add>, %get3A_6, %reduce_sum3A_7 [1] : vector<2000x32xf32> to vector<2000xf32>
    %broadcast_in_dim3A = vector.shape_cast %reduce_sum3A_8 : vector<2000xf32> to vector<2000x1xf32>
    %max3A = arith.constant 1.000000e+00 : f32
    %max3A_9 = vector.broadcast %max3A : f32 to vector<2000x1xf32>
    %max3A_10 = arith.maximumf %broadcast_in_dim3A, %max3A_9 : vector<2000x1xf32>
    %div3A = vector.broadcast %max3A_10 : vector<2000x1xf32> to vector<2000x128xf32>
    %div3A_11 = arith.divf %reduce_sum3A_3, %div3A : vector<2000x128xf32>
    %get3A_12 = arith.constant 0 : index
    %get3A_13 = arith.constant 0 : index
    %get3A_14 = vector.load %arg4[%get3A_12, %get3A_13] : memref<1x128xf32, #tpu.memory_space<vmem>>, vector<1x128xf32>
    %add3A = vector.broadcast %get3A_14 : vector<1x128xf32> to vector<2000x128xf32>
    %add3A_15 = arith.addf %div3A_11, %add3A : vector<2000x128xf32>
    %get3A_16 = arith.constant 0 : index
    %get3A_17 = arith.constant 0 : index
    %get3A_18 = vector.load %arg3[%get3A_16, %get3A_17] : memref<2000x128xf32, #tpu.memory_space<vmem>>, vector<2000x128xf32>
    %add3A_19 = arith.addf %add3A_15, %get3A_18 : vector<2000x128xf32>
    %max3A_20 = arith.constant 0.000000e+00 : f32
    %max3A_21 = vector.broadcast %max3A_20 : f32 to vector<2000x128xf32>
    %max3A_22 = arith.maximumf %add3A_19, %max3A_21 : vector<2000x128xf32>
    %swap3A = arith.constant 0 : index
    %swap3A_23 = arith.constant 0 : index
    %swap3A_24 = vector.load %arg6[%swap3A, %swap3A_23] : memref<2000x128xf32, #tpu.memory_space<vmem>>, vector<2000x128xf32>
    tpu.vector_store %arg6[%swap3A, %swap3A_23], %max3A_22 {strides = array<i32>} : memref<2000x128xf32, #tpu.memory_space<vmem>>, vector<2000x128xf32>,
    %get3A_25 = arith.constant 0 : index
    %get3A_26 = arith.constant 0 : index
    %get3A_27 = vector.load %arg5[%get3A_25, %get3A_26] : memref<128x64xf32, #tpu.memory_space<vmem>>, vector<128x64xf32>
    %dot_general3A = arith.constant dense<0.000000e+00> : vector<2000x64xf32>
    %dot_general3A_28 = tpu.matmul %max3A_22, %get3A_27, %dot_general3A {dimension_numbers = #tpu.dot_dimension_numbers<[1], [0], [0], [1], [0, 0, 1, 1], [], []>, transpose_lhs_hint = false} : vector<2000x128xf32>, vector<128x64xf32>, vector<2000x64xf32> -> vector<2000x64xf32>
    %swap3A_29 = arith.constant 0 : index
    %swap3A_30 = arith.constant 0 : index
    %swap3A_31 = vector.load %arg7[%swap3A_29, %swap3A_30] : memref<2000x64xf32, #tpu.memory_space<vmem>>, vector<2000x64xf32>
    tpu.vector_store %arg7[%swap3A_29, %swap3A_30], %dot_general3A_28 {strides = array<i32>} : memref<2000x64xf32, #tpu.memory_space<vmem>>, vector<2000x64xf32>,
    return
  }
  func.func @transform_0(%arg0: i32) -> (i32, i32, i32) {
    %c0_i32 = arith.constant 0 : i32
    %c0_i32_0 = arith.constant 0 : i32
    %c0_i32_1 = arith.constant 0 : i32
    return %c0_i32, %arg0, %c0_i32_0 : i32, i32, i32
  }
  func.func @transform_1(%arg0: i32) -> (i32, i32) {
    %c0_i32 = arith.constant 0 : i32
    %c0_i32_0 = arith.constant 0 : i32
    return %arg0, %c0_i32 : i32, i32
  }
  func.func @transform_2(%arg0: i32) -> (i32, i32) {
    %c0_i32 = arith.constant 0 : i32
    %c0_i32_0 = arith.constant 0 : i32
    return %arg0, %c0_i32 : i32, i32
  }
  func.func @transform_3(%arg0: i32) -> (i32, i32) {
    %c0_i32 = arith.constant 0 : i32
    %c0_i32_0 = arith.constant 0 : i32
    %c0_i32_1 = arith.constant 0 : i32
    return %c0_i32, %c0_i32_0 : i32, i32
  }
  func.func @transform_4(%arg0: i32) -> (i32, i32) {
    %c0_i32 = arith.constant 0 : i32
    %c0_i32_0 = arith.constant 0 : i32
    %c0_i32_1 = arith.constant 0 : i32
    return %c0_i32, %c0_i32_0 : i32, i32
  }
  func.func @transform_5(%arg0: i32) -> (i32, i32) {
    %c0_i32 = arith.constant 0 : i32
    %c0_i32_0 = arith.constant 0 : i32
    return %arg0, %c0_i32 : i32, i32
  }
  func.func @transform_6(%arg0: i32) -> (i32, i32) {
    %c0_i32 = arith.constant 0 : i32
    %c0_i32_0 = arith.constant 0 : i32
    return %arg0, %c0_i32 : i32, i32
  }
}

module attributes {stable_mosaic.version = 14 : i64} {
  func.func @body(%arg0: i32, %arg1: memref<2x2000x128xf32, #tpu.memory_space<vmem>>, %arg2: memref<2000x32xf32, #tpu.memory_space<vmem>>, %arg3: memref<2000x64xf32, #tpu.memory_space<vmem>>, %arg4: memref<1x64xf32, #tpu.memory_space<vmem>>, %arg5: memref<128x64xf32, #tpu.memory_space<vmem>>, %arg6: memref<2000x64xf32, #tpu.memory_space<vmem>>) attributes {dimension_semantics = [#tpu.dimension_semantics<arbitrary>], iteration_bounds = array<i64: 5>, scalar_prefetch = 0 : i64, scratch_operands = 0 : i64, tpu.core_type = #tpu.core_type<tc>, window_params = [{transform_indices = @transform_0, window_bounds = array<i64: 2, 2000, 128>}, {transform_indices = @transform_1, window_bounds = array<i64: 2000, 32>}, {transform_indices = @transform_2, window_bounds = array<i64: 2000, 64>}, {pipeline_mode = #tpu.pipeline_mode<synchronous>, transform_indices = @transform_3, window_bounds = array<i64: 1, 64>}, {pipeline_mode = #tpu.pipeline_mode<synchronous>, transform_indices = @transform_4, window_bounds = array<i64: 128, 64>}, {transform_indices = @transform_5, window_bounds = array<i64: 2000, 64>}]} {
    %get3A = arith.constant 0 : index
    %get3A_0 = arith.constant 0 : index
    %get3A_1 = arith.constant 0 : index
    %get3A_2 = vector.load %arg1[%get3A, %get3A_0, %get3A_1] : memref<2x2000x128xf32, #tpu.memory_space<vmem>>, vector<2x2000x128xf32>
    %reduce_sum3A = arith.constant dense<0.000000e+00> : vector<2000x128xf32>
    %reduce_sum3A_3 = vector.multi_reduction <add>, %get3A_2, %reduce_sum3A [0] : vector<2x2000x128xf32> to vector<2000x128xf32>
    %get3A_4 = arith.constant 0 : index
    %get3A_5 = arith.constant 0 : index
    %get3A_6 = vector.load %arg2[%get3A_4, %get3A_5] : memref<2000x32xf32, #tpu.memory_space<vmem>>, vector<2000x32xf32>
    %reduce_sum3A_7 = arith.constant dense<0.000000e+00> : vector<2000xf32>
    %reduce_sum3A_8 = vector.multi_reduction <add>, %get3A_6, %reduce_sum3A_7 [1] : vector<2000x32xf32> to vector<2000xf32>
    %broadcast_in_dim3A = vector.shape_cast %reduce_sum3A_8 : vector<2000xf32> to vector<2000x1xf32>
    %max3A = arith.constant 1.000000e+00 : f32
    %max3A_9 = vector.broadcast %max3A : f32 to vector<2000x1xf32>
    %max3A_10 = arith.maximumf %broadcast_in_dim3A, %max3A_9 : vector<2000x1xf32>
    %div3A = vector.broadcast %max3A_10 : vector<2000x1xf32> to vector<2000x128xf32>
    %div3A_11 = arith.divf %reduce_sum3A_3, %div3A : vector<2000x128xf32>
    %get3A_12 = arith.constant 0 : index
    %get3A_13 = arith.constant 0 : index
    %get3A_14 = vector.load %arg5[%get3A_12, %get3A_13] : memref<128x64xf32, #tpu.memory_space<vmem>>, vector<128x64xf32>
    %dot_general3A = arith.constant dense<0.000000e+00> : vector<2000x64xf32>
    %dot_general3A_15 = tpu.matmul %div3A_11, %get3A_14, %dot_general3A {dimension_numbers = #tpu.dot_dimension_numbers<[1], [0], [0], [1], [0, 0, 1, 1], [], []>, transpose_lhs_hint = false} : vector<2000x128xf32>, vector<128x64xf32>, vector<2000x64xf32> -> vector<2000x64xf32>
    %get3A_16 = arith.constant 0 : index
    %get3A_17 = arith.constant 0 : index
    %get3A_18 = vector.load %arg4[%get3A_16, %get3A_17] : memref<1x64xf32, #tpu.memory_space<vmem>>, vector<1x64xf32>
    %add3A = vector.broadcast %get3A_18 : vector<1x64xf32> to vector<2000x64xf32>
    %add3A_19 = arith.addf %dot_general3A_15, %add3A : vector<2000x64xf32>
    %get3A_20 = arith.constant 0 : index
    %get3A_21 = arith.constant 0 : index
    %get3A_22 = vector.load %arg3[%get3A_20, %get3A_21] : memref<2000x64xf32, #tpu.memory_space<vmem>>, vector<2000x64xf32>
    %add3A_23 = arith.addf %add3A_19, %get3A_22 : vector<2000x64xf32>
    %max3A_24 = arith.constant 0.000000e+00 : f32
    %max3A_25 = vector.broadcast %max3A_24 : f32 to vector<2000x64xf32>
    %max3A_26 = arith.maximumf %add3A_23, %max3A_25 : vector<2000x64xf32>
    %swap3A = arith.constant 0 : index
    %swap3A_27 = arith.constant 0 : index
    %swap3A_28 = vector.load %arg6[%swap3A, %swap3A_27] : memref<2000x64xf32, #tpu.memory_space<vmem>>, vector<2000x64xf32>
    tpu.vector_store %arg6[%swap3A, %swap3A_27], %max3A_26 {strides = array<i32>} : memref<2000x64xf32, #tpu.memory_space<vmem>>, vector<2000x64xf32>,
    return
  }
  func.func @transform_0(%arg0: i32) -> (i32, i32, i32) {
    %c0_i32 = arith.constant 0 : i32
    %c0_i32_0 = arith.constant 0 : i32
    %c0_i32_1 = arith.constant 0 : i32
    return %c0_i32, %arg0, %c0_i32_0 : i32, i32, i32
  }
  func.func @transform_1(%arg0: i32) -> (i32, i32) {
    %c0_i32 = arith.constant 0 : i32
    %c0_i32_0 = arith.constant 0 : i32
    return %arg0, %c0_i32 : i32, i32
  }
  func.func @transform_2(%arg0: i32) -> (i32, i32) {
    %c0_i32 = arith.constant 0 : i32
    %c0_i32_0 = arith.constant 0 : i32
    return %arg0, %c0_i32 : i32, i32
  }
  func.func @transform_3(%arg0: i32) -> (i32, i32) {
    %c0_i32 = arith.constant 0 : i32
    %c0_i32_0 = arith.constant 0 : i32
    %c0_i32_1 = arith.constant 0 : i32
    return %c0_i32, %c0_i32_0 : i32, i32
  }
  func.func @transform_4(%arg0: i32) -> (i32, i32) {
    %c0_i32 = arith.constant 0 : i32
    %c0_i32_0 = arith.constant 0 : i32
    %c0_i32_1 = arith.constant 0 : i32
    return %c0_i32, %c0_i32_0 : i32, i32
  }
  func.func @transform_5(%arg0: i32) -> (i32, i32) {
    %c0_i32 = arith.constant 0 : i32
    %c0_i32_0 = arith.constant 0 : i32
    return %arg0, %c0_i32 : i32, i32
  }
}

</mosaic_0001>

<sc_bundles>
// kernel: kernel.10.cloned.1.call-start
scs
__scs_entry_jumppad:
0x0: {  	(pc) =	sbr.rel $0x88, $3  }
0x1: {  	(tag) =	ssettag $0x0;
	lr =	simm.s32 $0x1  }
0x2: {  	[smem:$0x3F99] =	sst lr;
	_ =	strace $0xD0000000  }
0x3: {  	_ = 	snop  }
0x4: {  	_ = 	snop  }
0x5: {  	_ = 	snop  }
0x6: {  	_ = 	snop  }
0x7: {  	_ = 	snop  }
__scs_overlays_trampoline_lowered:
0x8: {  	[smem:$0x3FA8] =	sst s0  }
0x9: {  	[smem:$0x3FA9] =	sst s1  }
0xa: {  	[smem:$0x3FAA] =	sst s2  }
0xb: {  	[smem:$0x3FAB] =	sst s3  }
0xc: {  	[smem:$0x3FAC] =	sst s4  }
0xd: {  	[smem:$0x3FAD] =	sst s5  }
0xe: {  	[smem:$0x3FAE] =	sst s6  }
0xf: {  	[smem:$0x3FAF] =	sst s7  }
0x10: {  	[smem:$0x3FB0] =	sst s8  }
0x11: {  	[smem:$0x3FB1] =	sst s9;
	s0 =	simm.s32 @!p0 $0x0  }
0x12: {  	s1 =	sld [smem:$0x3F97];
	s0 =	simm.s32 @p0 $0x1  }
0x13: {  	[smem:$0x3FB2] =	sst s0;
	s0 =	simm.s32 @!p1 $0x0  }
0x14: {  	s2 =	sld [smem:$0x3F96];
	s0 =	simm.s32 @p1 $0x1  }
0x15: {  	[smem:$0x3FB3] =	sst s0;
	s0 =	simm.s32 @!p2 $0x0  }
0x16: {  	s3 =	sld [smem:$0x3FDB];
	s0 =	simm.s32 @p2 $0x1  }
0x17: {  	s4 =	simm.s32 $0x1BF5;
	[smem:$0x3FB5] =	sst s0  }
0x18: {  	s0 =	sld [smem:$0x3F98];
	_ =	swait.ge [sflag:s4], $0x0  }
0x19: {  	s7 =	sld [smem:$0x3F99]  }
0x1a: {  	s8 =	sadd.s32 $0xFFFFE003, lr  }
0x1b: {  	s9 =	sadd.s32 $0xFFFFFEF7, lr;
	s5 =	simm.s32 $0xFFFFFFFF;
	p2 =	slt.u32 s8, $0xFFFFF086  }
0x1c: {  	p1 =	slt.u32 s9, $0xF7A;
	s5 =	simm.s32 @!p2 $0x0  }
0x1d: {  	s5 =	simm.s32 @p1 $0x1;
	p0 =	seq.s32 s7, s2  }
0x1e: {  	s7 =	smul.u32 @!p0 $0xF7A, s2;
	p2 =	seq.s32 @!p0 s5, $0x0  }
0x1f: {  	s9 =	smul.u32 $0xF7A, s1;
	s8 =	simm.s32 @!p0 $0x1BF5;
	p2 =	por !p2, p0  }
0x20: {  	[sflag:s8] =	ssyncset.s32 @!p0 $0xFFFFF086;
	s6 =	sadd.s32 @!p0 s3, s7;
	s7 =	simm.s32 @!p0 $0x108  }
0x21: {  	s3 =	sadd.s32 s3, s9;
	s6 =	sadd.s32 @!p0 $0x88, s6;
	s7 =	simm.s32 @p2 $0x1082  }
0x22: {  	[simem:s7], [sflag:s8] =	dma.local @!p0 [hbm:s6], $0xF7A  }
0x23: {  	s9 =	sor.u32 $0xD0000000, s2;
	s6 =	simm.s32 $0x108;
	_ =	swait.ge @!p0 [sflag:s8], $0x0  }
0x24: {  	s3 =	sadd.s32 $0x88, s3;
	s6 =	simm.s32 @!p1 $0x1082;
	[sflag:s4] =	ssyncset.s32 $0xFFFFF086  }
0x25: {  	[simem:s6], [sflag:s4] =	dma.local [hbm:s3], $0xF7A  }
0x26: {  	[smem:$0x3F99] =	sst s1;
	(tag) =	ssettag s2;
	_ =	strace s9  }
0x27: {  	s1 =	sld [smem:$0x3FA9]  }
0x28: {  	s2 =	sld [smem:$0x3FAA]  }
0x29: {  	s4 =	sld [smem:$0x3FAC]  }
0x2a: {  	p0 =	seq.s32 s5, $0x0;
	s5 =	sld [smem:$0x3FAD]  }
0x2b: {  	s6 =	sld [smem:$0x3FAE]  }
0x2c: {  	s7 =	sld [smem:$0x3FAF]  }
0x2d: {  	s3 =	simm.s32 $0x108;
	s8 =	sld [smem:$0x3FB0]  }
0x2e: {  	s3 =	simm.s32 @!p0 $0x1082;
	s9 =	sld [smem:$0x3FB1]  }
0x2f: {  	lr =	sadd.s32 s0, s3;
	s0 =	sld [smem:$0x3FA8]  }
0x30: {  	s3 =	sld [smem:$0x3FAB]  }
0x31: {  	[smem:$0x3FB4] =	sst s10  }
0x32: {  	s10 =	sld [smem:$0x3FB2];
	_ =	sdelay $0x3  }
0x33: {  	p0 =	seq.s32 s10, $0x1;
	s10 =	sld [smem:$0x3FB4];
	_ =	sdelay $0x3  }
0x34: {  	[smem:$0x3FB4] =	sst s10  }
0x35: {  	s10 =	sld [smem:$0x3FB3];
	_ =	sdelay $0x3  }
0x36: {  	p1 =	seq.s32 s10, $0x1;
	s10 =	sld [smem:$0x3FB4];
	_ =	sdelay $0x3  }
0x37: {  	[smem:$0x3FB4] =	sst s10  }
0x38: {  	s10 =	sld [smem:$0x3FB5]  }
0x39: {  	_ = 	snop;
	(pc) =	sbr.ind lr, $3  }
0x3a: {  	_ = 	snop  }
0x3b: {  	_ = 	snop  }
0x3c: {  	p2 =	seq.s32 s10, $0x1;
	s10 =	sld [smem:$0x3FB4]  }
0x3d: {  	_ =	shalt  }
0x3e: {  	_ =	shalt  }
0x3f: {  	_ =	shalt  }
0x40: {  	_ =	shalt  }
0x41: {  	_ =	shalt  }
0x42: {  	_ =	shalt  }
0x43: {  	_ =	shalt  }
0x44: {  	_ =	shalt  }
0x45: {  	_ =	shalt  }
0x46: {  	_ =	shalt  }
0x47: {  	_ =	shalt  }
0x48: {  	_ =	shalt  }
0x49: {  	_ =	shalt  }
0x4a: {  	_ =	shalt  }
0x4b: {  	_ =	shalt  }
0x4c: {  	_ =	shalt  }
0x4d: {  	_ =	shalt  }
0x4e: {  	_ =	shalt  }
0x4f: {  	_ =	shalt  }
0x50: {  	_ =	shalt  }
0x51: {  	_ =	shalt  }
0x52: {  	_ =	shalt  }
0x53: {  	_ =	shalt  }
0x54: {  	_ =	shalt  }
0x55: {  	_ =	shalt  }
0x56: {  	_ =	shalt  }
0x57: {  	_ =	shalt  }
0x58: {  	_ =	shalt  }
0x59: {  	_ =	shalt  }
0x5a: {  	_ =	shalt  }
0x5b: {  	_ =	shalt  }
0x5c: {  	_ =	shalt  }
0x5d: {  	_ =	shalt  }
0x5e: {  	_ =	shalt  }
0x5f: {  	_ =	shalt  }
0x60: {  	_ =	shalt  }
0x61: {  	_ =	shalt  }
0x62: {  	_ =	shalt  }
0x63: {  	_ =	shalt  }
0x64: {  	_ =	shalt  }
0x65: {  	_ =	shalt  }
0x66: {  	_ =	shalt  }
0x67: {  	_ =	shalt  }
0x68: {  	_ =	shalt  }
0x69: {  	_ =	shalt  }
0x6a: {  	_ =	shalt  }
0x6b: {  	_ =	shalt  }
0x6c: {  	_ =	shalt  }
0x6d: {  	_ =	shalt  }
0x6e: {  	_ =	shalt  }
0x6f: {  	_ =	shalt  }
0x70: {  	_ =	shalt  }
0x71: {  	_ =	shalt  }
0x72: {  	_ =	shalt  }
0x73: {  	_ =	shalt  }
0x74: {  	_ =	shalt  }
0x75: {  	_ =	shalt  }
0x76: {  	_ =	shalt  }
0x77: {  	_ =	shalt  }
0x78: {  	_ =	shalt  }
0x79: {  	_ =	shalt  }
0x7a: {  	_ =	shalt  }
0x7b: {  	_ =	shalt  }
0x7c: {  	_ =	shalt  }
0x7d: {  	_ =	shalt  }
0x7e: {  	_ =	shalt  }
0x7f: {  	_ =	shalt  }
0x80: {  	_ =	shalt  }
0x81: {  	_ =	shalt  }
0x82: {  	_ =	shalt  }
0x83: {  	_ =	shalt  }
0x84: {  	_ =	shalt  }
0x85: {  	_ =	shalt  }
0x86: {  	_ =	shalt  }
0x87: {  	_ =	shalt  }
.Lfunc_end0:
.L_simem_size_0:
called_computation.1_lowered:
.L_overlay_start_0:
0x88: {  	s2 =	sld [smem:$0x3FD9]  }
0x89: {  	s3 =	sld [smem:$0x3FFE];
	_ =	sdelay $0x1  }
0x8a: {  	s1 =	srdreg.scid  }
0x8b: {  	s0 =	sand.u32 $0x1, s1  }
0x8c: {  	s16 =	sshll.u32 s0, $0xA;
	s2 =	sadd.s32 s3, s2  }
0x8d: {  	s2 =	sadd.s32 s2, s16  }
0x8e: {  	[smem:$0x3FC0] =	sst s2  }
0x8f: {  	_ = 	snop  }
0x90: {  	(tm) =	ssettm $0x1  }
0x91: {  	s17 =	sld [smem:$0x3FFB];
	_ =	sdelay $0x3  }
0x92: {  	_ =	strace s17  }
0x93: {  	s2 =	sld [smem:$0x3FFC];
	_ =	sdelay $0x3  }
0x94: {  	_ =	strace s2  }
0x95: {  	s2 =	sld [smem:$0x3FFD];
	_ =	sdelay $0x3  }
0x96: {  	_ =	strace s2  }
0x97: {  	_ =	strace $0x8FFFFFFF  }
0x98: {  	s18 =	sld [smem:$0x3FDB];
	_ =	sdelay $0x1  }
0x99: {  	s19 =	simm.s32 $_scs_section_size  }
0x9a: {  	s4 =	simm.s32 $_size__tile_overlayer_lowered;
	s5 =	simm.s32 $_tile_overlayer_lowered  }
0x9b: {  	s22 =	simm.s32 $0x1BFF;
	s21 =	sshll.u32 s5, $0x1;
	s2 =	sadd.s32 s19, s18  }
0x9c: {  	s6 =	simm.s32 $0x0;
	s20 =	sshll.u32 s4, $0x1;
	s4 =	sadd.s32 s21, s2  }
0x9d: {  	[timem:s6], [sflag:s22] =	dma.local [hbm:s4], s20  }
0x9e: {  	_ =	swait.ge [sflag:s22], s20  }
0x9f: {  	s3 =	ssub.s32 $0x0, s20;
	[sflag:s22] =	ssyncset.done $0x0  }
0xa0: {  	[sflag:s22] =	ssyncadd.s32 s3;
	_ =	sdelay $0x1  }
0xa1: {  	s23 =	simm.s32 $0x1B8B  }
0xa2: {  	_ =	swait.ge [sflag:s23], $0x1  }
0xa3: {  	[sflag:s23] =	ssyncset.done $0x0  }
0xa4: {  	s25 =	simm.s32 $0x1B8E;
	s24 =	sld [smem:$0x3FFE];
	[sflag:s23] =	ssyncadd.s32 $0xFFFFFFFF  }
0xa5: {  	s26 =	simm.s32 $execute0_lowered;
	[smem:$0x3FD2] =	sst s25  }
0xa6: {  	s4 =	sshll.u32 s26, $0x1;
	_ =	strace $0x80000049;
	[dreg:$0x1] =	wrdreg $0xFFFFFFFF  }
0xa7: {  	s28 =	simm.s32 $_size_execute0_lowered;
	s2 =	sadd.s32 s2, s4;
	[dreg:$0x0] =	wrdreg $0x0  }
0xa8: {  	s4 =	sshll.u32 s28, $0x1;
	[dreg:$0x2] =	wrdreg s2  }
0xa9: {  	[dreg:$0x3] =	wrdreg s4  }
0xaa: {  	[dreg:$0x4] =	wrdreg $0xC0  }
0xab: {  	_ =	task [dreg:s6], $0x5FFFF  }
0xac: {  	[dreg:$0x1] =	wrdreg $0xFFFFFFFF  }
0xad: {  	[dreg:$0x0] =	wrdreg $0x60  }
0xae: {  	[dreg:$0x2] =	wrdreg s24  }
0xaf: {  	[dreg:$0x3] =	wrdreg $0x8C000  }
0xb0: {  	[dreg:$0x4] =	wrdreg $0x9  }
0xb1: {  	_ =	task.clear_ibuf [dreg:s6], $0x5FFFF;
	_ =	strace $0x90000049  }
0xb2: {  	s29 =	simm.s32 $0x9;
	_ =	strace $0x8000004B  }
0xb3: {  	_ =	swait.ge [sflag:s29], $0x1  }
0xb4: {  	[sflag:s29] =	ssyncadd.s32 $0xFFFFFFFF  }
0xb5: {  	_ =	strace $0x9000004B  }
0xb6: {  	_ =	sfence  }
0xb7: {  	s30 =	sld [smem:$0x0];
	_ =	sdelay $0x2  }
0xb8: {  	s31 =	sshll.u32 s1, $0xD;
	s1 =	sshrl.u32 s1, $0x2  }
0xb9: {  	s3 =	sand.u32 $0x4000, s31;
	s1 =	sadd.s32 s1, s30  }
0xba: {  	s0 =	sor.u32 s3, s0;
	s1 =	sshll.u32 s1, $0x11  }
0xbb: {  	s0 =	sor.u32 s1, s0  }
0xbc: {  	s0 =	sadd.s32 $0x8F2B, s0  }
0xbd: {  	[sflag:s0] =	ssyncadd.remote.s32 $0x1  }
0xbe: {  	_ =	sfence.sel $0xFFFF  }
0xbf: {  	[dreg:$0x0] =	wrdreg $0xFFFFFFFF;
	(pc) =	sbr.abs _section_cstart, $3  }
0xc0: {  	[dreg:$0x1] =	wrdreg $0xFFFFFFFF  }
0xc1: {  	_ =	task.clear_ibuf [dreg:s6], $0x2FFFF;
	_ =	strace $0x9FFFFFFF  }
0xc2: {  	(tm) =	ssettm $0x7FFFFFFF  }
0xc3: {  	_ =	shalt  }
tec
execute0_lowered:
.L_overlay_start_1:
0x0: {  	(tag) =	ssettag $0x1  }
0x1: {  	s0 =	rddreg [dreg:$0x0];
	s1 =	srdreg.scid  }
0x2: {  	s2 =	rddreg [dreg:$0x1];
	s8 =	stileid.u32  }
0x3: {  	s3 =	simm.s32 $0x0;
	s28 =	simm.s32 $0x700;
	s29 =	simm.s32 $0x780  }
0x4: {  	s30 =	simm.s32 $0x800;
	s31 =	simm.s32 $0x880;
	s9 =	simm.s32 $0x1  }
0x5: {  	s10 =	simm.s32 $0x80;
	s1 =	sand.u32 $0x1, s1;
	s6 =	smul.u32 $0x280, s8  }
0x6: {  	s11 =	simm.s32 $0x180;
	[smem:$0x7FF] =	sst s3;
	s5 =	smul.u32 $0x14000, s1  }
0x7: {  	s4 =	sadd.s32 $0x2B000, s0;
	s7 =	smul.u32 $0x2800, s1;
	s1 =	ssub.s32 $0x2, s1  }
0x8: {  	s12 =	sshll.u32 s8, $0x8;
	_ =	strace $0x8000004A;
	s13 =	sshrl.u32 s1, $0x1  }
0x9: {  	s5 =	sadd.s32 s5, s0;
	s6 =	sadd.s32 s6, s7;
	s7 =	sadd.s32 s12, s0  }
0xa: {  	s1 =	ssub.s32 s1, s13;
	s6 =	sshll.u32 s6, $0x4;
	s14 =	sadd.s32 $0x2000, s7  }
0xb: {  	s25 =	smax.u32 s1, $0x1;
	s0 =	sadd.s32 s6, s0;
	[dreg:$0x3] =	wrdreg s14  }
0xc: {  	s21 =	smul.u32 $0x1400, s8;
	[dreg:$0xe] =	wrdreg s25;
	s15 =	sadd.s32 $0x52200, s0  }
0xd: {  	s8 =	simm.s32 $0x6C00;
	s16 =	sadd.s32 $0x52600, s0;
	[dreg:$0x4] =	wrdreg s15  }
0xe: {  	s12 =	simm.s32 $0x280;
	s17 =	sadd.s32 $0x52A00, s0;
	[dreg:$0x5] =	wrdreg s16  }
0xf: {  	s13 =	simm.s32 $0x380;
	s18 =	sadd.s32 $0x52E00, s0;
	[dreg:$0x6] =	wrdreg s17  }
0x10: {  	s26 =	sadd.s32 s21, s5;
	s19 =	sadd.s32 $0x53200, s0;
	[dreg:$0x7] =	wrdreg s18  }
0x11: {  	s21 =	simm.s32 $0xC00;
	s20 =	sadd.s32 $0x53600, s0;
	[dreg:$0x8] =	wrdreg s19  }
0x12: {  	s1 =	simm.s32 $0x2C00;
	s22 =	sadd.s32 $0x53A00, s0;
	[dreg:$0x9] =	wrdreg s20  }
0x13: {  	s5 =	simm.s32 $0x200;
	s23 =	sadd.s32 $0x53E00, s0;
	[dreg:$0xa] =	wrdreg s22  }
0x14: {  	s7 =	simm.s32 $0x300;
	s24 =	sadd.s32 $0x54200, s0;
	[dreg:$0xb] =	wrdreg s23  }
0x15: {  	s25 =	simm.s32 $0x600;
	s0 =	sadd.s32 $0x54600, s0;
	[dreg:$0xc] =	wrdreg s24  }
0x16: {  	s6 =	simm.s32 $0x4C00;
	s14 =	simm.s32 $0x2;
	[dreg:$0xd] =	wrdreg s0  }
0x17: {  	s17 =	sadd.s32 $0x3000, s26;
	s18 =	simm.s32 $0x400;
	s19 =	simm.s32 $0x3  }
0x18: {  	s20 =	simm.s32 $0x40;
	s23 =	simm.s32 $0x480;
	s24 =	simm.s32 $0x500  }
0x19: {  	v0 =	vimm.f32 $0.0e+00;
	s26 =	simm.s32 $0x680;
	s0 =	simm.s32 $0x100;
	s15 =	simm.s32 $0x0  }
.LBB2_1:
0x1a: {  	s16 =	rddreg [dreg:$0x3]  }
0x1b: {  	[tilespmem:s18], [sflag:$0x3] =	stream.linear.gather [hbm4b:s16+s3], $0x500, $0x38;
	[tilespmem:$0x1CC00] =	vst v63  }
0x1c: {  	_ =	swait.ge [sflag:s19], $0x500  }
0x1d: {  	[sflag:s19] =	ssyncset.done $0x0  }
0x1e: {  	s22 =	simm.s32 $0x200;
	s16 =	simm.s32 $0x0;
	[sflag:s19] =	ssyncadd.s32 $0xFFFFFB00  }
.LBB2_2:
0x1f: {  	p0 =	sne.s32 s22, $0x7E00;
	[tilespmem:s16+$0xC70] =	vst v0  }
0x20: {  	[tilespmem:s16+$0xC00] =	vst v0  }
0x21: {  	[tilespmem:s16+$0xC10] =	vst v0  }
.Ltmp0:
0x22: {  	[tilespmem:s16+$0xC20] =	vst v0;
	(pc) =	sbr.rel @p0 .LBB2_2-.Ltmp0, $4  }
0x23: {  	[tilespmem:s16+$0xC30] =	vst v0  }
0x24: {  	[tilespmem:s16+$0xC40] =	vst v0  }
0x25: {  	[tilespmem:s16+$0xC50] =	vst v0  }
0x26: {  	[tilespmem:s16+$0xC60] =	vst v0;
	s16 =	sshra.s32 s22, $0x2;
	s22 =	sadd.s32 $0x200, s22  }
0x27: {  	[tilespmem:s16+$0xC70] =	vst v0  }
0x28: {  	[tilespmem:s16+$0xC00] =	vst v0  }
0x29: {  	[tilespmem:s16+$0xC10] =	vst v0  }
0x2a: {  	[tilespmem:s16+$0xC20] =	vst v0  }
0x2b: {  	[tilespmem:s16+$0xC30] =	vst v0  }
0x2c: {  	[tilespmem:s16+$0xC40] =	vst v0  }
0x2d: {  	[tilespmem:s16+$0xC50] =	vst v0  }
0x2e: {  	[tilespmem:s16+$0xC60] =	vst v0  }
0x2f: {  	[spmem:s2] =	stream.indirect.scatter [tilespmem:s21], [sflag:$0x3], $0x80, s18, s20, $0xb8;
	[tilespmem:$0x1CC00] =	vst v63  }
0x30: {  	_ =	swait.ge [sflag:s19], $0x2000  }
0x31: {  	[sflag:s19] =	ssyncset.done $0x0  }
0x32: {  	[sflag:s19] =	ssyncadd.s32 $0xFFFFE000  }
0x33: {  	[spmem:s2] =	stream.indirect.scatter [tilespmem:s21], [sflag:$0x3], $0x80, s23, s20, $0xb8;
	[tilespmem:$0x1CC00] =	vst v63  }
0x34: {  	_ =	swait.ge [sflag:s19], $0x2000  }
0x35: {  	[sflag:s19] =	ssyncset.done $0x0  }
0x36: {  	[sflag:s19] =	ssyncadd.s32 $0xFFFFE000  }
0x37: {  	[spmem:s2] =	stream.indirect.scatter [tilespmem:s21], [sflag:$0x3], $0x80, s24, s20, $0xb8;
	[tilespmem:$0x1CC00] =	vst v63  }
0x38: {  	_ =	swait.ge [sflag:s19], $0x2000  }
0x39: {  	[sflag:s19] =	ssyncset.done $0x0  }
0x3a: {  	s23 =	simm.s32 $0x580;
	[sflag:s19] =	ssyncadd.s32 $0xFFFFE000  }
0x3b: {  	[spmem:s2] =	stream.indirect.scatter [tilespmem:s21], [sflag:$0x3], $0x80, s23, s20, $0xb8;
	[tilespmem:$0x1CC00] =	vst v63  }
0x3c: {  	_ =	swait.ge [sflag:s19], $0x2000  }
0x3d: {  	[sflag:s19] =	ssyncset.done $0x0  }
0x3e: {  	[sflag:s19] =	ssyncadd.s32 $0xFFFFE000  }
0x3f: {  	[spmem:s2] =	stream.indirect.scatter [tilespmem:s21], [sflag:$0x3], $0x80, s25, s20, $0xb8;
	[tilespmem:$0x1CC00] =	vst v63  }
0x40: {  	_ =	swait.ge [sflag:s19], $0x2000  }
0x41: {  	[sflag:s19] =	ssyncset.done $0x0  }
0x42: {  	[sflag:s19] =	ssyncadd.s32 $0xFFFFE000  }
0x43: {  	[spmem:s2] =	stream.indirect.scatter [tilespmem:s21], [sflag:$0x3], $0x80, s26, s20, $0xb8;
	[tilespmem:$0x1CC00] =	vst v63  }
0x44: {  	_ =	swait.ge [sflag:s19], $0x2000  }
0x45: {  	[sflag:s19] =	ssyncset.done $0x0  }
0x46: {  	[sflag:s19] =	ssyncadd.s32 $0xFFFFE000  }
0x47: {  	[spmem:s2] =	stream.indirect.scatter [tilespmem:s21], [sflag:$0x3], $0x80, s28, s20, $0xb8;
	[tilespmem:$0x1CC00] =	vst v63  }
0x48: {  	_ =	swait.ge [sflag:s19], $0x2000  }
0x49: {  	[sflag:s19] =	ssyncset.done $0x0  }
0x4a: {  	[sflag:s19] =	ssyncadd.s32 $0xFFFFE000  }
0x4b: {  	[spmem:s2] =	stream.indirect.scatter [tilespmem:s21], [sflag:$0x3], $0x80, s29, s20, $0xb8;
	[tilespmem:$0x1CC00] =	vst v63  }
0x4c: {  	_ =	swait.ge [sflag:s19], $0x2000  }
0x4d: {  	[sflag:s19] =	ssyncset.done $0x0  }
0x4e: {  	[sflag:s19] =	ssyncadd.s32 $0xFFFFE000  }
0x4f: {  	[spmem:s2] =	stream.indirect.scatter [tilespmem:s21], [sflag:$0x3], $0x80, s30, s20, $0xb8;
	[tilespmem:$0x1CC00] =	vst v63  }
0x50: {  	_ =	swait.ge [sflag:s19], $0x2000  }
0x51: {  	[sflag:s19] =	ssyncset.done $0x0  }
0x52: {  	[sflag:s19] =	ssyncadd.s32 $0xFFFFE000  }
0x53: {  	[spmem:s2] =	stream.indirect.scatter [tilespmem:s21], [sflag:$0x3], $0x80, s31, s20, $0xb8;
	[tilespmem:$0x1CC00] =	vst v63  }
0x54: {  	_ =	swait.ge [sflag:s19], $0x2000  }
0x55: {  	[sflag:s19] =	ssyncset.done $0x0  }
0x56: {  	[sflag:s19] =	ssyncadd.s32 $0xFFFFE000  }
0x57: {  	s24 =	sadd.s32 $0x0, s17;
	[bflag:$0x0] =	sbarrier.arrive $0xFFFF  }
0x58: {  	[tilespmem:s3], [sflag:$0x3] =	stream.linear.gather [hbm4b:s24+s3], $0x400, $0x38;
	[tilespmem:$0x1CC00] =	vst v63  }
0x59: {  	_ =	swait.ge [sflag:s19], $0x400  }
0x5a: {  	[sflag:s19] =	ssyncset.done $0x0  }
0x5b: {  	[sflag:s19] =	ssyncadd.s32 $0xFFFFFC00  }
0x5c: {  	[tilespmem:s21], [sflag:$0x1] =	stream.indirect.gather [hbm4b:s4+s20], $0x80, s3, s20, $0xb8;
	[tilespmem:$0x1CC00] =	vst v63  }
0x5d: {  	_ = 	snop  }
0x5e: {  	[tilespmem:s1], [sflag:$0x1] =	stream.indirect.gather [hbm4b:s4+s20], $0x80, s0, s20, $0xb8;
	[tilespmem:$0x1CC00] =	vst v63  }
0x5f: {  	_ = 	snop  }
0x60: {  	[tilespmem:s6], [sflag:$0x1] =	stream.indirect.gather [hbm4b:s4+s20], $0x80, s5, s20, $0xb8;
	[tilespmem:$0x1CC00] =	vst v63  }
0x61: {  	_ = 	snop  }
0x62: {  	[tilespmem:s8], [sflag:$0x1] =	stream.indirect.gather [hbm4b:s4+s20], $0x80, s7, s20, $0xb8;
	[tilespmem:$0x1CC00] =	vst v63  }
0x63: {  	_ =	swait.ge [sflag:s9], $0x2000  }
0x64: {  	[sflag:s9] =	ssyncset.done $0x0  }
0x65: {  	[sflag:s9] =	ssyncadd.s32 $0xFFFFE000  }
0x66: {  	_ =	swait.ge [sflag:s9], $0x2000  }
0x67: {  	[sflag:s9] =	ssyncset.done $0x0  }
0x68: {  	[sflag:s9] =	ssyncadd.s32 $0xFFFFE000  }
0x69: {  	_ =	swait.ge [sflag:s9], $0x2000  }
0x6a: {  	[sflag:s9] =	ssyncset.done $0x0  }
0x6b: {  	[sflag:s9] =	ssyncadd.s32 $0xFFFFE000  }
0x6c: {  	_ =	swait.ge [sflag:s9], $0x2000  }
0x6d: {  	[sflag:s9] =	ssyncset.done $0x0  }
0x6e: {  	[sflag:s9] =	ssyncadd.s32 $0xFFFFE000  }
0x6f: {  	[spmem:s2] =	stream.indirect.scatter.add.f32 [tilespmem:s21], [sflag:$0x2], $0x80, s10, s20, $0xb8;
	[tilespmem:$0x1CC00] =	vst v63  }
0x70: {  	_ = 	snop  }
0x71: {  	[spmem:s2] =	stream.indirect.scatter.add.f32 [tilespmem:s1], [sflag:$0x2], $0x80, s11, s20, $0xb8;
	[tilespmem:$0x1CC00] =	vst v63  }
0x72: {  	_ = 	snop  }
0x73: {  	[spmem:s2] =	stream.indirect.scatter.add.f32 [tilespmem:s6], [sflag:$0x2], $0x80, s12, s20, $0xb8;
	[tilespmem:$0x1CC00] =	vst v63  }
0x74: {  	_ = 	snop  }
0x75: {  	[spmem:s2] =	stream.indirect.scatter.add.f32 [tilespmem:s8], [sflag:$0x2], $0x80, s13, s20, $0xb8;
	[tilespmem:$0x1CC00] =	vst v63  }
0x76: {  	_ =	swait.ge [sflag:s14], $0x2000  }
0x77: {  	[sflag:s14] =	ssyncset.done $0x0  }
0x78: {  	[sflag:s14] =	ssyncadd.s32 $0xFFFFE000  }
0x79: {  	_ =	swait.ge [sflag:s14], $0x2000  }
0x7a: {  	[sflag:s14] =	ssyncset.done $0x0  }
0x7b: {  	[sflag:s14] =	ssyncadd.s32 $0xFFFFE000  }
0x7c: {  	_ =	swait.ge [sflag:s14], $0x2000  }
0x7d: {  	[sflag:s14] =	ssyncset.done $0x0  }
0x7e: {  	[sflag:s14] =	ssyncadd.s32 $0xFFFFE000  }
0x7f: {  	_ =	swait.ge [sflag:s14], $0x2000  }
0x80: {  	s16 =	simm.s32 $0x80;
	s22 =	simm.s32 $0x100;
	[sflag:s14] =	ssyncset.done $0x0  }
.LBB2_4:
0x81: {  	s24 =	sadd.s32 s16, s17  }
0x82: {  	[sflag:s14] =	ssyncadd.s32 $0xFFFFE000;
	s16 =	smov.u32 s22;
	s23 =	sadd.s32 $0x80, s22  }
0x83: {  	[tilespmem:s3], [sflag:$0x3] =	stream.linear.gather [hbm4b:s24+s3], $0x400, $0x38;
	[tilespmem:$0x1CC00] =	vst v63  }
0x84: {  	p0 =	sne.s32 s22, $0x1380;
	_ =	swait.ge [sflag:s19], $0x400  }
0x85: {  	[sflag:s19] =	ssyncset.done $0x0  }
0x86: {  	[sflag:s19] =	ssyncadd.s32 $0xFFFFFC00  }
0x87: {  	[tilespmem:s21], [sflag:$0x1] =	stream.indirect.gather [hbm4b:s4+s20], $0x80, s3, s20, $0xb8;
	[tilespmem:$0x1CC00] =	vst v63  }
0x88: {  	_ = 	snop  }
0x89: {  	[tilespmem:s1], [sflag:$0x1] =	stream.indirect.gather [hbm4b:s4+s20], $0x80, s0, s20, $0xb8;
	[tilespmem:$0x1CC00] =	vst v63  }
0x8a: {  	_ = 	snop  }
0x8b: {  	[tilespmem:s6], [sflag:$0x1] =	stream.indirect.gather [hbm4b:s4+s20], $0x80, s5, s20, $0xb8;
	[tilespmem:$0x1CC00] =	vst v63  }
0x8c: {  	_ = 	snop  }
0x8d: {  	[tilespmem:s8], [sflag:$0x1] =	stream.indirect.gather [hbm4b:s4+s20], $0x80, s7, s20, $0xb8;
	[tilespmem:$0x1CC00] =	vst v63  }
0x8e: {  	_ =	swait.ge [sflag:s9], $0x2000  }
0x8f: {  	[sflag:s9] =	ssyncset.done $0x0  }
0x90: {  	[sflag:s9] =	ssyncadd.s32 $0xFFFFE000  }
0x91: {  	_ =	swait.ge [sflag:s9], $0x2000  }
0x92: {  	[sflag:s9] =	ssyncset.done $0x0  }
0x93: {  	[sflag:s9] =	ssyncadd.s32 $0xFFFFE000  }
0x94: {  	_ =	swait.ge [sflag:s9], $0x2000  }
0x95: {  	[sflag:s9] =	ssyncset.done $0x0  }
0x96: {  	[sflag:s9] =	ssyncadd.s32 $0xFFFFE000  }
0x97: {  	_ =	swait.ge [sflag:s9], $0x2000  }
0x98: {  	[sflag:s9] =	ssyncset.done $0x0  }
0x99: {  	[sflag:s9] =	ssyncadd.s32 $0xFFFFE000  }
0x9a: {  	[spmem:s2] =	stream.indirect.scatter.add.f32 [tilespmem:s21], [sflag:$0x2], $0x80, s10, s20, $0xb8;
	[tilespmem:$0x1CC00] =	vst v63  }
0x9b: {  	_ = 	snop  }
0x9c: {  	[spmem:s2] =	stream.indirect.scatter.add.f32 [tilespmem:s1], [sflag:$0x2], $0x80, s11, s20, $0xb8;
	[tilespmem:$0x1CC00] =	vst v63  }
0x9d: {  	_ = 	snop  }
0x9e: {  	[spmem:s2] =	stream.indirect.scatter.add.f32 [tilespmem:s6], [sflag:$0x2], $0x80, s12, s20, $0xb8;
	[tilespmem:$0x1CC00] =	vst v63  }
0x9f: {  	_ = 	snop  }
0xa0: {  	[spmem:s2] =	stream.indirect.scatter.add.f32 [tilespmem:s8], [sflag:$0x2], $0x80, s13, s20, $0xb8;
	[tilespmem:$0x1CC00] =	vst v63  }
0xa1: {  	_ =	swait.ge [sflag:s14], $0x2000  }
0xa2: {  	[sflag:s14] =	ssyncset.done $0x0  }
0xa3: {  	[sflag:s14] =	ssyncadd.s32 $0xFFFFE000  }
0xa4: {  	_ =	swait.ge [sflag:s14], $0x2000  }
0xa5: {  	[sflag:s14] =	ssyncset.done $0x0  }
0xa6: {  	[sflag:s14] =	ssyncadd.s32 $0xFFFFE000  }
.Ltmp1:
0xa7: {  	_ =	swait.ge [sflag:s14], $0x2000;
	(pc) =	sbr.rel @p0 .LBB2_4-.Ltmp1, $4  }
0xa8: {  	[sflag:s14] =	ssyncset.done $0x0  }
0xa9: {  	[sflag:s14] =	ssyncadd.s32 $0xFFFFE000  }
0xaa: {  	_ =	swait.ge [sflag:s14], $0x2000  }
0xab: {  	s22 =	smov.u32 s23;
	[sflag:s14] =	ssyncset.done $0x0  }
0xac: {  	s16 =	sadd.s32 s16, s17;
	[sflag:s14] =	ssyncadd.s32 $0xFFFFE000  }
0xad: {  	[tilespmem:s3], [sflag:$0x3] =	stream.linear.gather [hbm4b:s16+s3], $0x400, $0x38;
	[tilespmem:$0x1CC00] =	vst v63  }
0xae: {  	_ =	swait.ge [sflag:s19], $0x400  }
0xaf: {  	[sflag:s19] =	ssyncset.done $0x0  }
0xb0: {  	[sflag:s19] =	ssyncadd.s32 $0xFFFFFC00  }
0xb1: {  	[tilespmem:s21], [sflag:$0x1] =	stream.indirect.gather [hbm4b:s4+s20], $0x80, s3, s20, $0xb8;
	[tilespmem:$0x1CC00] =	vst v63  }
0xb2: {  	_ = 	snop  }
0xb3: {  	[tilespmem:s1], [sflag:$0x1] =	stream.indirect.gather [hbm4b:s4+s20], $0x80, s0, s20, $0xb8;
	[tilespmem:$0x1CC00] =	vst v63  }
0xb4: {  	_ = 	snop  }
0xb5: {  	[tilespmem:s6], [sflag:$0x1] =	stream.indirect.gather [hbm4b:s4+s20], $0x80, s5, s20, $0xb8;
	[tilespmem:$0x1CC00] =	vst v63  }
0xb6: {  	_ = 	snop  }
0xb7: {  	[tilespmem:s8], [sflag:$0x1] =	stream.indirect.gather [hbm4b:s4+s20], $0x80, s7, s20, $0xb8;
	[tilespmem:$0x1CC00] =	vst v63  }
0xb8: {  	_ =	swait.ge [sflag:s9], $0x2000  }
0xb9: {  	[sflag:s9] =	ssyncset.done $0x0  }
0xba: {  	[sflag:s9] =	ssyncadd.s32 $0xFFFFE000  }
0xbb: {  	_ =	swait.ge [sflag:s9], $0x2000  }
0xbc: {  	[sflag:s9] =	ssyncset.done $0x0  }
0xbd: {  	[sflag:s9] =	ssyncadd.s32 $0xFFFFE000  }
0xbe: {  	_ =	swait.ge [sflag:s9], $0x2000  }
0xbf: {  	[sflag:s9] =	ssyncset.done $0x0  }
0xc0: {  	[sflag:s9] =	ssyncadd.s32 $0xFFFFE000  }
0xc1: {  	_ =	swait.ge [sflag:s9], $0x2000  }
0xc2: {  	[sflag:s9] =	ssyncset.done $0x0  }
0xc3: {  	[sflag:s9] =	ssyncadd.s32 $0xFFFFE000  }
0xc4: {  	[spmem:s2] =	stream.indirect.scatter.add.f32 [tilespmem:s21], [sflag:$0x2], $0x80, s10, s20, $0xb8;
	[tilespmem:$0x1CC00] =	vst v63  }
0xc5: {  	_ = 	snop  }
0xc6: {  	[spmem:s2] =	stream.indirect.scatter.add.f32 [tilespmem:s1], [sflag:$0x2], $0x80, s11, s20, $0xb8;
	[tilespmem:$0x1CC00] =	vst v63  }
0xc7: {  	_ = 	snop  }
0xc8: {  	[spmem:s2] =	stream.indirect.scatter.add.f32 [tilespmem:s6], [sflag:$0x2], $0x80, s12, s20, $0xb8;
	[tilespmem:$0x1CC00] =	vst v63  }
0xc9: {  	_ = 	snop  }
0xca: {  	[spmem:s2] =	stream.indirect.scatter.add.f32 [tilespmem:s8], [sflag:$0x2], $0x80, s13, s20, $0xb8;
	[tilespmem:$0x1CC00] =	vst v63  }
0xcb: {  	_ =	swait.ge [sflag:s14], $0x2000  }
0xcc: {  	[sflag:s14] =	ssyncset.done $0x0  }
0xcd: {  	[sflag:s14] =	ssyncadd.s32 $0xFFFFE000  }
0xce: {  	_ =	swait.ge [sflag:s14], $0x2000  }
0xcf: {  	[sflag:s14] =	ssyncset.done $0x0  }
0xd0: {  	[sflag:s14] =	ssyncadd.s32 $0xFFFFE000  }
0xd1: {  	_ =	swait.ge [sflag:s14], $0x2000  }
0xd2: {  	[sflag:s14] =	ssyncset.done $0x0  }
0xd3: {  	[sflag:s14] =	ssyncadd.s32 $0xFFFFE000  }
0xd4: {  	_ =	swait.ge [sflag:s14], $0x2000  }
0xd5: {  	[sflag:s14] =	ssyncset.done $0x0  }
0xd6: {  	[sflag:s14] =	ssyncadd.s32 $0xFFFFE000  }
0xd7: {  	[bflag:$0x0] =	sbarrier.arrive $0xFFFF  }
0xd8: {  	[tilespmem:s21], [sflag:$0x1] =	stream.indirect.gather [spmem:s2], $0x80, s18, s20, $0xb8;
	[tilespmem:$0x1CC00] =	vst v63  }
0xd9: {  	_ =	swait.ge [sflag:s9], $0x2000  }
0xda: {  	[sflag:s9] =	ssyncset.done $0x0  }
0xdb: {  	s23 =	rddreg [dreg:$0x4];
	[sflag:s9] =	ssyncadd.s32 $0xFFFFE000  }
0xdc: {  	[hbm4b:s23+s3] =	stream.linear.scatter [tilespmem:s21], [sflag:$0x3], $0x2000, $0x38;
	[tilespmem:$0x1CC00] =	vst v63  }
0xdd: {  	_ =	swait.ge [sflag:s19], $0x2000  }
0xde: {  	[sflag:s19] =	ssyncset.done $0x0  }
0xdf: {  	s23 =	simm.s32 $0x480;
	[sflag:s19] =	ssyncadd.s32 $0xFFFFE000  }
0xe0: {  	[tilespmem:s21], [sflag:$0x1] =	stream.indirect.gather [spmem:s2], $0x80, s23, s20, $0xb8;
	[tilespmem:$0x1CC00] =	vst v63  }
0xe1: {  	_ =	swait.ge [sflag:s9], $0x2000  }
0xe2: {  	[sflag:s9] =	ssyncset.done $0x0  }
0xe3: {  	s24 =	rddreg [dreg:$0x5];
	[sflag:s9] =	ssyncadd.s32 $0xFFFFE000  }
0xe4: {  	[hbm4b:s24+s3] =	stream.linear.scatter [tilespmem:s21], [sflag:$0x3], $0x2000, $0x38;
	[tilespmem:$0x1CC00] =	vst v63  }
0xe5: {  	_ =	swait.ge [sflag:s19], $0x2000  }
0xe6: {  	[sflag:s19] =	ssyncset.done $0x0  }
0xe7: {  	s24 =	simm.s32 $0x500;
	[sflag:s19] =	ssyncadd.s32 $0xFFFFE000  }
0xe8: {  	[tilespmem:s21], [sflag:$0x1] =	stream.indirect.gather [spmem:s2], $0x80, s24, s20, $0xb8;
	[tilespmem:$0x1CC00] =	vst v63  }
0xe9: {  	_ =	swait.ge [sflag:s9], $0x2000  }
0xea: {  	[sflag:s9] =	ssyncset.done $0x0  }
0xeb: {  	s22 =	rddreg [dreg:$0x6];
	[sflag:s9] =	ssyncadd.s32 $0xFFFFE000  }
0xec: {  	[hbm4b:s22+s3] =	stream.linear.scatter [tilespmem:s21], [sflag:$0x3], $0x2000, $0x38;
	[tilespmem:$0x1CC00] =	vst v63  }
0xed: {  	_ =	swait.ge [sflag:s19], $0x2000  }
0xee: {  	[sflag:s19] =	ssyncset.done $0x0  }
0xef: {  	s22 =	simm.s32 $0x580;
	[sflag:s19] =	ssyncadd.s32 $0xFFFFE000  }
0xf0: {  	[tilespmem:s21], [sflag:$0x1] =	stream.indirect.gather [spmem:s2], $0x80, s22, s20, $0xb8;
	[tilespmem:$0x1CC00] =	vst v63  }
0xf1: {  	_ =	swait.ge [sflag:s9], $0x2000  }
0xf2: {  	[sflag:s9] =	ssyncset.done $0x0  }
0xf3: {  	s22 =	rddreg [dreg:$0x7];
	[sflag:s9] =	ssyncadd.s32 $0xFFFFE000  }
0xf4: {  	[hbm4b:s22+s3] =	stream.linear.scatter [tilespmem:s21], [sflag:$0x3], $0x2000, $0x38;
	[tilespmem:$0x1CC00] =	vst v63  }
0xf5: {  	_ =	swait.ge [sflag:s19], $0x2000  }
0xf6: {  	[sflag:s19] =	ssyncset.done $0x0  }
0xf7: {  	[sflag:s19] =	ssyncadd.s32 $0xFFFFE000  }
0xf8: {  	[tilespmem:s21], [sflag:$0x1] =	stream.indirect.gather [spmem:s2], $0x80, s25, s20, $0xb8;
	[tilespmem:$0x1CC00] =	vst v63  }
0xf9: {  	_ =	swait.ge [sflag:s9], $0x2000  }
0xfa: {  	[sflag:s9] =	ssyncset.done $0x0  }
0xfb: {  	s22 =	rddreg [dreg:$0x8];
	[sflag:s9] =	ssyncadd.s32 $0xFFFFE000  }
0xfc: {  	[hbm4b:s22+s3] =	stream.linear.scatter [tilespmem:s21], [sflag:$0x3], $0x2000, $0x38;
	[tilespmem:$0x1CC00] =	vst v63  }
0xfd: {  	_ =	swait.ge [sflag:s19], $0x2000  }
0xfe: {  	[sflag:s19] =	ssyncset.done $0x0  }
0xff: {  	[sflag:s19] =	ssyncadd.s32 $0xFFFFE000  }
0x100: {  	[tilespmem:s21], [sflag:$0x1] =	stream.indirect.gather [spmem:s2], $0x80, s26, s20, $0xb8;
	[tilespmem:$0x1CC00] =	vst v63  }
0x101: {  	_ =	swait.ge [sflag:s9], $0x2000  }
0x102: {  	[sflag:s9] =	ssyncset.done $0x0  }
0x103: {  	s22 =	rddreg [dreg:$0x9];
	[sflag:s9] =	ssyncadd.s32 $0xFFFFE000  }
0x104: {  	[hbm4b:s22+s3] =	stream.linear.scatter [tilespmem:s21], [sflag:$0x3], $0x2000, $0x38;
	[tilespmem:$0x1CC00] =	vst v63  }
0x105: {  	_ =	swait.ge [sflag:s19], $0x2000  }
0x106: {  	[sflag:s19] =	ssyncset.done $0x0  }
0x107: {  	[sflag:s19] =	ssyncadd.s32 $0xFFFFE000  }
0x108: {  	[tilespmem:s21], [sflag:$0x1] =	stream.indirect.gather [spmem:s2], $0x80, s28, s20, $0xb8;
	[tilespmem:$0x1CC00] =	vst v63  }
0x109: {  	_ =	swait.ge [sflag:s9], $0x2000  }
0x10a: {  	[sflag:s9] =	ssyncset.done $0x0  }
0x10b: {  	s22 =	rddreg [dreg:$0xa];
	[sflag:s9] =	ssyncadd.s32 $0xFFFFE000  }
0x10c: {  	[hbm4b:s22+s3] =	stream.linear.scatter [tilespmem:s21], [sflag:$0x3], $0x2000, $0x38;
	[tilespmem:$0x1CC00] =	vst v63  }
0x10d: {  	_ =	swait.ge [sflag:s19], $0x2000  }
0x10e: {  	[sflag:s19] =	ssyncset.done $0x0  }
0x10f: {  	[sflag:s19] =	ssyncadd.s32 $0xFFFFE000  }
0x110: {  	[tilespmem:s21], [sflag:$0x1] =	stream.indirect.gather [spmem:s2], $0x80, s29, s20, $0xb8;
	[tilespmem:$0x1CC00] =	vst v63  }
0x111: {  	_ =	swait.ge [sflag:s9], $0x2000  }
0x112: {  	[sflag:s9] =	ssyncset.done $0x0  }
0x113: {  	s22 =	rddreg [dreg:$0xb];
	[sflag:s9] =	ssyncadd.s32 $0xFFFFE000  }
0x114: {  	[hbm4b:s22+s3] =	stream.linear.scatter [tilespmem:s21], [sflag:$0x3], $0x2000, $0x38;
	[tilespmem:$0x1CC00] =	vst v63  }
0x115: {  	_ =	swait.ge [sflag:s19], $0x2000  }
0x116: {  	[sflag:s19] =	ssyncset.done $0x0  }
0x117: {  	[sflag:s19] =	ssyncadd.s32 $0xFFFFE000  }
0x118: {  	[tilespmem:s21], [sflag:$0x1] =	stream.indirect.gather [spmem:s2], $0x80, s30, s20, $0xb8;
	[tilespmem:$0x1CC00] =	vst v63  }
0x119: {  	_ =	swait.ge [sflag:s9], $0x2000  }
0x11a: {  	[sflag:s9] =	ssyncset.done $0x0  }
0x11b: {  	s22 =	rddreg [dreg:$0xc];
	[sflag:s9] =	ssyncadd.s32 $0xFFFFE000  }
0x11c: {  	[hbm4b:s22+s3] =	stream.linear.scatter [tilespmem:s21], [sflag:$0x3], $0x2000, $0x38;
	[tilespmem:$0x1CC00] =	vst v63  }
0x11d: {  	_ =	swait.ge [sflag:s19], $0x2000  }
0x11e: {  	[sflag:s19] =	ssyncset.done $0x0  }
0x11f: {  	[sflag:s19] =	ssyncadd.s32 $0xFFFFE000  }
0x120: {  	[tilespmem:s21], [sflag:$0x1] =	stream.indirect.gather [spmem:s2], $0x80, s31, s20, $0xb8;
	[tilespmem:$0x1CC00] =	vst v63  }
0x121: {  	_ =	swait.ge [sflag:s9], $0x2000  }
0x122: {  	[sflag:s9] =	ssyncset.done $0x0  }
0x123: {  	s22 =	rddreg [dreg:$0xd];
	[sflag:s9] =	ssyncadd.s32 $0xFFFFE000  }
0x124: {  	[hbm4b:s22+s3] =	stream.linear.scatter [tilespmem:s21], [sflag:$0x3], $0x2000, $0x38;
	[tilespmem:$0x1CC00] =	vst v63  }
0x125: {  	_ =	swait.ge [sflag:s19], $0x2000  }
0x126: {  	s15 =	sadd.s32 $0x1, s15;
	s22 =	rddreg [dreg:$0xe]  }
0x127: {  	p0 =	sne.s32 s15, s22  }
.Ltmp2:
0x128: {  	_ = 	snop;
	(pc) =	sbr.rel @p0 .LBB2_1-.Ltmp2, $3  }
0x129: {  	_ =	sdelay $0x1  }
0x12a: {  	[sflag:s19] =	ssyncset.done $0x0  }
0x12b: {  	[sflag:s19] =	ssyncadd.s32 $0xFFFFE000  }
0x12c: {  	_ =	sfence.sel $0x180000  }
0x12d: {  	[bflag:$0x0] =	sbarrier.arrive $0xFFFF  }
0x12e: {  	_ =	strace $0x9000004A  }
0x12f: {  	s0 =	stileid.u32;
	[bflag:$0x2] =	sbarrier.arrive $0xFFFF  }
0x130: {  	p0 =	sne.s32 s0, $0x0;
	s0 =	rddreg [dreg:$0x2]  }
0x131: {  	s0 =	sadd.s32 @!p0 $0x100000, s0  }
0x132: {  	[sflag:s0] =	ssyncadd.tile.s32 @!p0 $0x1;
	_ =	shalt  }
.Lfunc_end2:
_tile_overlayer_lowered:
.L_overlay_start_2:
0x133: {  	(tag) =	ssettag $0x2  }
0x134: {  	s0 =	rddreg [dreg:$0x0];
	s2 =	stileid.u32  }
0x135: {  	s1 =	rddreg [dreg:$0x1];
	p0 =	sne.s32 s2, $0x0  }
0x136: {  	s3 =	rddreg [dreg:$0x2];
	[bflag:$0x3] =	sbarrier.arrive $0xFFFF;
	s2 =	simm.s32 @!p0 $0x1C03  }
0x137: {  	[timem:s3], [sflag:s2] =	dma.local @!p0 [hbm:s0], s1  }
0x138: {  	s0 =	simm.s32 @!p0 $0x3  }
0x139: {  	_ =	swait.ge @!p0 [sflag:s0], s1  }
0x13a: {  	s1 =	ssub.s32 @!p0 $0x0, s1;
	[sflag:s0] =	ssyncset.done @!p0 $0x0  }
0x13b: {  	[sflag:s0] =	ssyncadd.s32 @!p0 s1  }
0x13c: {  	[bflag:$0x3] =	sbarrier.arrive $0xFFFF  }
0x13d: {  	_ =	shalt  }

// kernel: kernel.7.cloned.1.call-start
scs
__scs_entry_jumppad:
0x0: {  	(pc) =	sbr.rel $0x88, $3  }
0x1: {  	(tag) =	ssettag $0x0;
	lr =	simm.s32 $0x1  }
0x2: {  	[smem:$0x3F99] =	sst lr;
	_ =	strace $0xD0000000  }
0x3: {  	_ = 	snop  }
0x4: {  	_ = 	snop  }
0x5: {  	_ = 	snop  }
0x6: {  	_ = 	snop  }
0x7: {  	_ = 	snop  }
__scs_overlays_trampoline_lowered:
0x8: {  	[smem:$0x3FA8] =	sst s0  }
0x9: {  	[smem:$0x3FA9] =	sst s1  }
0xa: {  	[smem:$0x3FAA] =	sst s2  }
0xb: {  	[smem:$0x3FAB] =	sst s3  }
0xc: {  	[smem:$0x3FAC] =	sst s4  }
0xd: {  	[smem:$0x3FAD] =	sst s5  }
0xe: {  	[smem:$0x3FAE] =	sst s6  }
0xf: {  	[smem:$0x3FAF] =	sst s7  }
0x10: {  	[smem:$0x3FB0] =	sst s8  }
0x11: {  	[smem:$0x3FB1] =	sst s9;
	s0 =	simm.s32 @!p0 $0x0  }
0x12: {  	s1 =	sld [smem:$0x3F97];
	s0 =	simm.s32 @p0 $0x1  }
0x13: {  	[smem:$0x3FB2] =	sst s0;
	s0 =	simm.s32 @!p1 $0x0  }
0x14: {  	s2 =	sld [smem:$0x3F96];
	s0 =	simm.s32 @p1 $0x1  }
0x15: {  	[smem:$0x3FB3] =	sst s0;
	s0 =	simm.s32 @!p2 $0x0  }
0x16: {  	s3 =	sld [smem:$0x3FDB];
	s0 =	simm.s32 @p2 $0x1  }
0x17: {  	s4 =	simm.s32 $0x1BF5;
	[smem:$0x3FB5] =	sst s0  }
0x18: {  	s0 =	sld [smem:$0x3F98];
	_ =	swait.ge [sflag:s4], $0x0  }
0x19: {  	s7 =	sld [smem:$0x3F99]  }
0x1a: {  	s8 =	sadd.s32 $0xFFFFE003, lr  }
0x1b: {  	s9 =	sadd.s32 $0xFFFFFEF7, lr;
	s5 =	simm.s32 $0xFFFFFFFF;
	p2 =	slt.u32 s8, $0xFFFFF086  }
0x1c: {  	p1 =	slt.u32 s9, $0xF7A;
	s5 =	simm.s32 @!p2 $0x0  }
0x1d: {  	s5 =	simm.s32 @p1 $0x1;
	p0 =	seq.s32 s7, s2  }
0x1e: {  	s7 =	smul.u32 @!p0 $0xF7A, s2;
	p2 =	seq.s32 @!p0 s5, $0x0  }
0x1f: {  	s9 =	smul.u32 $0xF7A, s1;
	s8 =	simm.s32 @!p0 $0x1BF5;
	p2 =	por !p2, p0  }
0x20: {  	[sflag:s8] =	ssyncset.s32 @!p0 $0xFFFFF086;
	s6 =	sadd.s32 @!p0 s3, s7;
	s7 =	simm.s32 @!p0 $0x108  }
0x21: {  	s3 =	sadd.s32 s3, s9;
	s6 =	sadd.s32 @!p0 $0x88, s6;
	s7 =	simm.s32 @p2 $0x1082  }
0x22: {  	[simem:s7], [sflag:s8] =	dma.local @!p0 [hbm:s6], $0xF7A  }
0x23: {  	s9 =	sor.u32 $0xD0000000, s2;
	s6 =	simm.s32 $0x108;
	_ =	swait.ge @!p0 [sflag:s8], $0x0  }
0x24: {  	s3 =	sadd.s32 $0x88, s3;
	s6 =	simm.s32 @!p1 $0x1082;
	[sflag:s4] =	ssyncset.s32 $0xFFFFF086  }
0x25: {  	[simem:s6], [sflag:s4] =	dma.local [hbm:s3], $0xF7A  }
0x26: {  	[smem:$0x3F99] =	sst s1;
	(tag) =	ssettag s2;
	_ =	strace s9  }
0x27: {  	s1 =	sld [smem:$0x3FA9]  }
0x28: {  	s2 =	sld [smem:$0x3FAA]  }
0x29: {  	s4 =	sld [smem:$0x3FAC]  }
0x2a: {  	p0 =	seq.s32 s5, $0x0;
	s5 =	sld [smem:$0x3FAD]  }
0x2b: {  	s6 =	sld [smem:$0x3FAE]  }
0x2c: {  	s7 =	sld [smem:$0x3FAF]  }
0x2d: {  	s3 =	simm.s32 $0x108;
	s8 =	sld [smem:$0x3FB0]  }
0x2e: {  	s3 =	simm.s32 @!p0 $0x1082;
	s9 =	sld [smem:$0x3FB1]  }
0x2f: {  	lr =	sadd.s32 s0, s3;
	s0 =	sld [smem:$0x3FA8]  }
0x30: {  	s3 =	sld [smem:$0x3FAB]  }
0x31: {  	[smem:$0x3FB4] =	sst s10  }
0x32: {  	s10 =	sld [smem:$0x3FB2];
	_ =	sdelay $0x3  }
0x33: {  	p0 =	seq.s32 s10, $0x1;
	s10 =	sld [smem:$0x3FB4];
	_ =	sdelay $0x3  }
0x34: {  	[smem:$0x3FB4] =	sst s10  }
0x35: {  	s10 =	sld [smem:$0x3FB3];
	_ =	sdelay $0x3  }
0x36: {  	p1 =	seq.s32 s10, $0x1;
	s10 =	sld [smem:$0x3FB4];
	_ =	sdelay $0x3  }
0x37: {  	[smem:$0x3FB4] =	sst s10  }
0x38: {  	s10 =	sld [smem:$0x3FB5]  }
0x39: {  	_ = 	snop;
	(pc) =	sbr.ind lr, $3  }
0x3a: {  	_ = 	snop  }
0x3b: {  	_ = 	snop  }
0x3c: {  	p2 =	seq.s32 s10, $0x1;
	s10 =	sld [smem:$0x3FB4]  }
0x3d: {  	_ =	shalt  }
0x3e: {  	_ =	shalt  }
0x3f: {  	_ =	shalt  }
0x40: {  	_ =	shalt  }
0x41: {  	_ =	shalt  }
0x42: {  	_ =	shalt  }
0x43: {  	_ =	shalt  }
0x44: {  	_ =	shalt  }
0x45: {  	_ =	shalt  }
0x46: {  	_ =	shalt  }
0x47: {  	_ =	shalt  }
0x48: {  	_ =	shalt  }
0x49: {  	_ =	shalt  }
0x4a: {  	_ =	shalt  }
0x4b: {  	_ =	shalt  }
0x4c: {  	_ =	shalt  }
0x4d: {  	_ =	shalt  }
0x4e: {  	_ =	shalt  }
0x4f: {  	_ =	shalt  }
0x50: {  	_ =	shalt  }
0x51: {  	_ =	shalt  }
0x52: {  	_ =	shalt  }
0x53: {  	_ =	shalt  }
0x54: {  	_ =	shalt  }
0x55: {  	_ =	shalt  }
0x56: {  	_ =	shalt  }
0x57: {  	_ =	shalt  }
0x58: {  	_ =	shalt  }
0x59: {  	_ =	shalt  }
0x5a: {  	_ =	shalt  }
0x5b: {  	_ =	shalt  }
0x5c: {  	_ =	shalt  }
0x5d: {  	_ =	shalt  }
0x5e: {  	_ =	shalt  }
0x5f: {  	_ =	shalt  }
0x60: {  	_ =	shalt  }
0x61: {  	_ =	shalt  }
0x62: {  	_ =	shalt  }
0x63: {  	_ =	shalt  }
0x64: {  	_ =	shalt  }
0x65: {  	_ =	shalt  }
0x66: {  	_ =	shalt  }
0x67: {  	_ =	shalt  }
0x68: {  	_ =	shalt  }
0x69: {  	_ =	shalt  }
0x6a: {  	_ =	shalt  }
0x6b: {  	_ =	shalt  }
0x6c: {  	_ =	shalt  }
0x6d: {  	_ =	shalt  }
0x6e: {  	_ =	shalt  }
0x6f: {  	_ =	shalt  }
0x70: {  	_ =	shalt  }
0x71: {  	_ =	shalt  }
0x72: {  	_ =	shalt  }
0x73: {  	_ =	shalt  }
0x74: {  	_ =	shalt  }
0x75: {  	_ =	shalt  }
0x76: {  	_ =	shalt  }
0x77: {  	_ =	shalt  }
0x78: {  	_ =	shalt  }
0x79: {  	_ =	shalt  }
0x7a: {  	_ =	shalt  }
0x7b: {  	_ =	shalt  }
0x7c: {  	_ =	shalt  }
0x7d: {  	_ =	shalt  }
0x7e: {  	_ =	shalt  }
0x7f: {  	_ =	shalt  }
0x80: {  	_ =	shalt  }
0x81: {  	_ =	shalt  }
0x82: {  	_ =	shalt  }
0x83: {  	_ =	shalt  }
0x84: {  	_ =	shalt  }
0x85: {  	_ =	shalt  }
0x86: {  	_ =	shalt  }
0x87: {  	_ =	shalt  }
.Lfunc_end0:
.L_simem_size_0:
called_computation_lowered:
.L_overlay_start_0:
0x88: {  	s2 =	sld [smem:$0x3FD9]  }
0x89: {  	s3 =	sld [smem:$0x3FFE];
	_ =	sdelay $0x1  }
0x8a: {  	s1 =	srdreg.scid  }
0x8b: {  	s0 =	sand.u32 $0x1, s1  }
0x8c: {  	s17 =	sshll.u32 s0, $0xA;
	s2 =	sadd.s32 s3, s2  }
0x8d: {  	s2 =	sadd.s32 s2, s17  }
0x8e: {  	[smem:$0x3FC0] =	sst s2  }
0x8f: {  	_ = 	snop  }
0x90: {  	s2 =	sld [smem:$0x3FD0];
	(tm) =	ssettm $0x1  }
0x91: {  	s18 =	sld [smem:$0x3FFB];
	_ =	sdelay $0x3  }
0x92: {  	_ =	strace s18  }
0x93: {  	s3 =	sld [smem:$0x3FFC];
	_ =	sdelay $0x3  }
0x94: {  	_ =	strace s3  }
0x95: {  	s3 =	sld [smem:$0x3FFD];
	_ =	sdelay $0x3  }
0x96: {  	_ =	strace s3  }
0x97: {  	_ =	strace $0x8FFFFFFF  }
0x98: {  	s19 =	sld [smem:$0x3FDB];
	_ =	sdelay $0x1  }
0x99: {  	s4 =	simm.s32 $_scs_section_size  }
0x9a: {  	s5 =	simm.s32 $_size__tile_overlayer_lowered;
	s6 =	simm.s32 $_tile_overlayer_lowered  }
0x9b: {  	s22 =	simm.s32 $0x1BFF;
	s21 =	sshll.u32 s6, $0x1;
	s3 =	sadd.s32 s4, s19  }
0x9c: {  	s7 =	simm.s32 $0x0;
	s20 =	sshll.u32 s5, $0x1;
	s5 =	sadd.s32 s21, s3  }
0x9d: {  	[timem:s7], [sflag:s22] =	dma.local [hbm:s5], s20  }
0x9e: {  	_ =	swait.ge [sflag:s22], s20  }
0x9f: {  	s4 =	ssub.s32 $0x0, s20;
	[sflag:s22] =	ssyncset.done $0x0  }
0xa0: {  	[sflag:s22] =	ssyncadd.s32 s4;
	_ =	sdelay $0x1  }
0xa1: {  	s23 =	simm.s32 $0x1B8B  }
0xa2: {  	_ =	swait.ge [sflag:s23], $0x1  }
0xa3: {  	[sflag:s23] =	ssyncset.done $0x0  }
0xa4: {  	s25 =	simm.s32 $0x1B8E;
	s24 =	sld [smem:$0x3FFE];
	[sflag:s23] =	ssyncadd.s32 $0xFFFFFFFF  }
0xa5: {  	s26 =	simm.s32 $execute0_lowered;
	[smem:$0x3FD2] =	sst s25  }
0xa6: {  	s5 =	sshll.u32 s26, $0x1;
	_ =	strace $0x80000046;
	[dreg:$0x1] =	wrdreg $0xFFFFFFFF  }
0xa7: {  	s28 =	simm.s32 $_size_execute0_lowered;
	s3 =	sadd.s32 s3, s5;
	[dreg:$0x0] =	wrdreg $0x0  }
0xa8: {  	s5 =	sshll.u32 s28, $0x1;
	[dreg:$0x2] =	wrdreg s3  }
0xa9: {  	[dreg:$0x3] =	wrdreg s5  }
0xaa: {  	[dreg:$0x4] =	wrdreg $0xC0  }
0xab: {  	_ =	task [dreg:s7], $0x5FFFF  }
0xac: {  	[dreg:$0x1] =	wrdreg $0xFFFFFFFF  }
0xad: {  	[dreg:$0x0] =	wrdreg $0x60  }
0xae: {  	[dreg:$0x2] =	wrdreg s24  }
0xaf: {  	[dreg:$0x3] =	wrdreg s2  }
0xb0: {  	[dreg:$0x4] =	wrdreg $0x8C000  }
0xb1: {  	[dreg:$0x5] =	wrdreg $0x9  }
0xb2: {  	_ =	task.clear_ibuf [dreg:s7], $0x6FFFF;
	_ =	strace $0x90000046  }
0xb3: {  	s29 =	simm.s32 $0x9;
	_ =	strace $0x80000048  }
0xb4: {  	_ =	swait.ge [sflag:s29], $0x1  }
0xb5: {  	[sflag:s29] =	ssyncadd.s32 $0xFFFFFFFF  }
0xb6: {  	_ =	strace $0x90000048  }
0xb7: {  	_ =	sfence  }
0xb8: {  	s30 =	sld [smem:$0x0];
	_ =	sdelay $0x2  }
0xb9: {  	s31 =	sshll.u32 s1, $0xD;
	s1 =	sshrl.u32 s1, $0x2  }
0xba: {  	s3 =	sand.u32 $0x4000, s31;
	s1 =	sadd.s32 s1, s30  }
0xbb: {  	s0 =	sor.u32 s3, s0;
	s1 =	sshll.u32 s1, $0x11  }
0xbc: {  	s0 =	sor.u32 s1, s0  }
0xbd: {  	s0 =	sadd.s32 $0x8F2B, s0  }
0xbe: {  	[sflag:s0] =	ssyncadd.remote.s32 $0x1  }
0xbf: {  	_ =	sfence.sel $0xFFFF  }
0xc0: {  	[dreg:$0x0] =	wrdreg $0xFFFFFFFF;
	(pc) =	sbr.abs _section_cstart, $3  }
0xc1: {  	[dreg:$0x1] =	wrdreg $0xFFFFFFFF  }
0xc2: {  	_ =	task.clear_ibuf [dreg:s7], $0x2FFFF;
	_ =	strace $0x9FFFFFFF  }
0xc3: {  	(tm) =	ssettm $0x7FFFFFFF  }
tec
execute0_lowered:
.L_overlay_start_1:
0x0: {  	(tag) =	ssettag $0x1  }
0x1: {  	s0 =	rddreg [dreg:$0x0]  }
0x2: {  	s1 =	rddreg [dreg:$0x1];
	s3 =	srdreg.scid  }
0x3: {  	s2 =	rddreg [dreg:$0x2];
	s10 =	stileid.u32;
	s28 =	simm.s32 $0x680  }
0x4: {  	s29 =	simm.s32 $0x700;
	s30 =	simm.s32 $0x780;
	s31 =	simm.s32 $0x800  }
0x5: {  	s5 =	sand.u32 $0x1, s3;
	s3 =	simm.s32 $0x0;
	s7 =	smul.u32 $0x280, s10  }
0x6: {  	s4 =	sadd.s32 $0x2B000, s0;
	s9 =	sshll.u32 s10, $0x8;
	s21 =	smul.u32 $0x1400, s10  }
0x7: {  	s19 =	sshll.u32 s10, $0x7;
	s6 =	smul.u32 $0x14000, s5;
	[smem:$0x7FF] =	sst s3  }
0x8: {  	s8 =	smul.u32 $0x2800, s5;
	s26 =	sadd.s32 s9, s0;
	s11 =	ssub.s32 $0x2, s5  }
0x9: {  	s5 =	sshll.u32 s5, $0x4;
	s9 =	simm.s32 $0x6C00;
	_ =	strace $0x80000047  }
0xa: {  	s12 =	sshrl.u32 s11, $0x1;
	s5 =	sor.u32 s10, s5;
	s7 =	sadd.s32 s7, s8  }
0xb: {  	s10 =	simm.s32 $0x1;
	s6 =	sadd.s32 s6, s0;
	s7 =	sshll.u32 s7, $0x4  }
0xc: {  	s8 =	sadd.s32 $0x2000, s26;
	s5 =	sshrl.u32 s5, $0x3;
	s0 =	sadd.s32 s7, s0  }
0xd: {  	[dreg:$0x4] =	wrdreg s8;
	s5 =	smul.u32 $0x14000, s5;
	s13 =	sadd.s32 $0x52200, s0  }
0xe: {  	s8 =	sand.u32 $0x380, s19;
	s14 =	sadd.s32 $0x52600, s0;
	[dreg:$0x5] =	wrdreg s13  }
0xf: {  	s25 =	sadd.s32 s21, s6;
	s15 =	sadd.s32 $0x52A00, s0;
	[dreg:$0x6] =	wrdreg s14  }
0x10: {  	s19 =	simm.s32 $0x400;
	s16 =	sadd.s32 $0x52E00, s0;
	[dreg:$0x7] =	wrdreg s15  }
0x11: {  	s21 =	simm.s32 $0x40;
	s17 =	sadd.s32 $0x53200, s0;
	[dreg:$0x8] =	wrdreg s16  }
0x12: {  	s6 =	simm.s32 $0x200;
	s18 =	sadd.s32 $0x53600, s0;
	[dreg:$0x9] =	wrdreg s17  }
0x13: {  	s7 =	ssub.s32 s11, s12;
	s20 =	sadd.s32 $0x53A00, s0;
	[dreg:$0xa] =	wrdreg s18  }
0x14: {  	s11 =	simm.s32 $0x80;
	s22 =	sadd.s32 $0x53E00, s0;
	[dreg:$0xb] =	wrdreg s20  }
0x15: {  	s12 =	simm.s32 $0x180;
	s23 =	sadd.s32 $0x54200, s0;
	[dreg:$0xc] =	wrdreg s22  }
0x16: {  	s5 =	sor.u32 s8, s5;
	s0 =	sadd.s32 $0x54600, s0;
	[dreg:$0xd] =	wrdreg s23  }
0x17: {  	s26 =	smax.u32 s7, $0x1;
	s7 =	simm.s32 $0x4C00;
	[dreg:$0xe] =	wrdreg s0  }
0x18: {  	s8 =	simm.s32 $0x300;
	s24 =	sshrl.u32 s5, $0x3;
	[dreg:$0x10] =	wrdreg s26  }
0x19: {  	s18 =	sadd.s32 $0x3000, s25;
	s20 =	simm.s32 $0x3;
	s22 =	simm.s32 $0xC00  }
0x1a: {  	s25 =	simm.s32 $0x580;
	s26 =	simm.s32 $0x600;
	s5 =	simm.s32 $0x2C00  }
0x1b: {  	s13 =	simm.s32 $0x280;
	s14 =	simm.s32 $0x380;
	s15 =	simm.s32 $0x1CC00  }
0x1c: {  	s16 =	simm.s32 $0x2;
	s17 =	simm.s32 $0x0;
	s0 =	sadd.s32 s1, s24  }
0x1d: {  	v0 =	vimm.f32 $0.0e+00;
	v1 =	vimm.f32 $1.000000000e+00;
	s1 =	simm.s32 $0x100;
	[dreg:$0xf] =	wrdreg s0;
	s0 =	simm.s32 $0x880  }
.LBB2_1:
0x1e: {  	s23 =	rddreg [dreg:$0x4]  }
0x1f: {  	[tilespmem:s19], [sflag:$0x3] =	stream.linear.gather [hbm4b:s23+s3], $0x500, $0x38;
	[tilespmem:$0x1F400] =	vst v63  }
0x20: {  	_ =	swait.ge [sflag:s20], $0x500  }
0x21: {  	[sflag:s20] =	ssyncset.done $0x0  }
0x22: {  	s24 =	simm.s32 $0x200;
	s23 =	simm.s32 $0x0;
	[sflag:s20] =	ssyncadd.s32 $0xFFFFFB00  }
.LBB2_2:
0x23: {  	p0 =	sne.s32 s24, $0x7E00;
	[tilespmem:s23+$0xC70] =	vst v0  }
0x24: {  	[tilespmem:s23+$0xC00] =	vst v0  }
0x25: {  	[tilespmem:s23+$0xC10] =	vst v0  }
.Ltmp0:
0x26: {  	[tilespmem:s23+$0xC20] =	vst v0;
	(pc) =	sbr.rel @p0 .LBB2_2-.Ltmp0, $4  }
0x27: {  	[tilespmem:s23+$0xC30] =	vst v0  }
0x28: {  	[tilespmem:s23+$0xC40] =	vst v0  }
0x29: {  	[tilespmem:s23+$0xC50] =	vst v0  }
0x2a: {  	[tilespmem:s23+$0xC60] =	vst v0;
	s23 =	sshra.s32 s24, $0x2;
	s24 =	sadd.s32 $0x200, s24  }
0x2b: {  	[tilespmem:s23+$0xC70] =	vst v0  }
0x2c: {  	[tilespmem:s23+$0xC00] =	vst v0  }
0x2d: {  	[tilespmem:s23+$0xC10] =	vst v0  }
0x2e: {  	[tilespmem:s23+$0xC20] =	vst v0  }
0x2f: {  	[tilespmem:s23+$0xC30] =	vst v0  }
0x30: {  	[tilespmem:s23+$0xC40] =	vst v0  }
0x31: {  	[tilespmem:s23+$0xC50] =	vst v0  }
0x32: {  	[tilespmem:s23+$0xC60] =	vst v0;
	s23 =	simm.s32 $0x40;
	s24 =	simm.s32 $0x0  }
.LBB2_4:
0x33: {  	p0 =	sne.s32 s23, $0x9FC0;
	[tilespmem:s24+$0x1CC00] =	vst v0;
	s24 =	smov.u32 s23;
	s23 =	sadd.s32 $0x40, s23  }
.Ltmp1:
0x34: {  	(pc) =	sbr.rel @p0 .LBB2_4-.Ltmp1, $2  }
0x35: {  	_ =	sdelay $0x2  }
0x36: {  	s24 =	sshra.s32 s24, $0x2  }
0x37: {  	[tilespmem:s24+$0x1CC00] =	vst v0  }
0x38: {  	[spmem:s2] =	stream.indirect.scatter [tilespmem:s22], [sflag:$0x3], $0x80, s19, s21, $0xb8;
	[tilespmem:$0x1F400] =	vst v63  }
0x39: {  	_ =	swait.ge [sflag:s20], $0x2000  }
0x3a: {  	[sflag:s20] =	ssyncset.done $0x0  }
0x3b: {  	s23 =	simm.s32 $0x480;
	[sflag:s20] =	ssyncadd.s32 $0xFFFFE000  }
0x3c: {  	[spmem:s2] =	stream.indirect.scatter [tilespmem:s22], [sflag:$0x3], $0x80, s23, s21, $0xb8;
	[tilespmem:$0x1F400] =	vst v63  }
0x3d: {  	_ =	swait.ge [sflag:s20], $0x2000  }
0x3e: {  	[sflag:s20] =	ssyncset.done $0x0  }
0x3f: {  	s24 =	simm.s32 $0x500;
	[sflag:s20] =	ssyncadd.s32 $0xFFFFE000  }
0x40: {  	[spmem:s2] =	stream.indirect.scatter [tilespmem:s22], [sflag:$0x3], $0x80, s24, s21, $0xb8;
	[tilespmem:$0x1F400] =	vst v63  }
0x41: {  	_ =	swait.ge [sflag:s20], $0x2000  }
0x42: {  	[sflag:s20] =	ssyncset.done $0x0  }
0x43: {  	[sflag:s20] =	ssyncadd.s32 $0xFFFFE000  }
0x44: {  	[spmem:s2] =	stream.indirect.scatter [tilespmem:s22], [sflag:$0x3], $0x80, s25, s21, $0xb8;
	[tilespmem:$0x1F400] =	vst v63  }
0x45: {  	_ =	swait.ge [sflag:s20], $0x2000  }
0x46: {  	[sflag:s20] =	ssyncset.done $0x0  }
0x47: {  	[sflag:s20] =	ssyncadd.s32 $0xFFFFE000  }
0x48: {  	[spmem:s2] =	stream.indirect.scatter [tilespmem:s22], [sflag:$0x3], $0x80, s26, s21, $0xb8;
	[tilespmem:$0x1F400] =	vst v63  }
0x49: {  	_ =	swait.ge [sflag:s20], $0x2000  }
0x4a: {  	[sflag:s20] =	ssyncset.done $0x0  }
0x4b: {  	[sflag:s20] =	ssyncadd.s32 $0xFFFFE000  }
0x4c: {  	[spmem:s2] =	stream.indirect.scatter [tilespmem:s22], [sflag:$0x3], $0x80, s28, s21, $0xb8;
	[tilespmem:$0x1F400] =	vst v63  }
0x4d: {  	_ =	swait.ge [sflag:s20], $0x2000  }
0x4e: {  	[sflag:s20] =	ssyncset.done $0x0  }
0x4f: {  	[sflag:s20] =	ssyncadd.s32 $0xFFFFE000  }
0x50: {  	[spmem:s2] =	stream.indirect.scatter [tilespmem:s22], [sflag:$0x3], $0x80, s29, s21, $0xb8;
	[tilespmem:$0x1F400] =	vst v63  }
0x51: {  	_ =	swait.ge [sflag:s20], $0x2000  }
0x52: {  	[sflag:s20] =	ssyncset.done $0x0  }
0x53: {  	[sflag:s20] =	ssyncadd.s32 $0xFFFFE000  }
0x54: {  	[spmem:s2] =	stream.indirect.scatter [tilespmem:s22], [sflag:$0x3], $0x80, s30, s21, $0xb8;
	[tilespmem:$0x1F400] =	vst v63  }
0x55: {  	_ =	swait.ge [sflag:s20], $0x2000  }
0x56: {  	[sflag:s20] =	ssyncset.done $0x0  }
0x57: {  	[sflag:s20] =	ssyncadd.s32 $0xFFFFE000  }
0x58: {  	[spmem:s2] =	stream.indirect.scatter [tilespmem:s22], [sflag:$0x3], $0x80, s31, s21, $0xb8;
	[tilespmem:$0x1F400] =	vst v63  }
0x59: {  	_ =	swait.ge [sflag:s20], $0x2000  }
0x5a: {  	[sflag:s20] =	ssyncset.done $0x0  }
0x5b: {  	[sflag:s20] =	ssyncadd.s32 $0xFFFFE000  }
0x5c: {  	[spmem:s2] =	stream.indirect.scatter [tilespmem:s22], [sflag:$0x3], $0x80, s0, s21, $0xb8;
	[tilespmem:$0x1F400] =	vst v63  }
0x5d: {  	_ =	swait.ge [sflag:s20], $0x2000  }
0x5e: {  	[sflag:s20] =	ssyncset.done $0x0  }
0x5f: {  	[sflag:s20] =	ssyncadd.s32 $0xFFFFE000  }
0x60: {  	s23 =	simm.s32 $0x0;
	[bflag:$0x0] =	sbarrier.arrive $0xFFFF  }
.LBB2_6:
0x61: {  	s24 =	sadd.s32 s23, s18  }
0x62: {  	[tilespmem:s3], [sflag:$0x3] =	stream.linear.gather [hbm4b:s24+s3], $0x400, $0x38;
	[tilespmem:$0x1F400] =	vst v63  }
0x63: {  	_ =	swait.ge [sflag:s20], $0x400  }
0x64: {  	[sflag:s20] =	ssyncset.done $0x0  }
0x65: {  	[sflag:s20] =	ssyncadd.s32 $0xFFFFFC00  }
0x66: {  	[tilespmem:s22], [sflag:$0x1] =	stream.indirect.gather [hbm4b:s4+s21], $0x80, s3, s21, $0xb8;
	[tilespmem:$0x1F400] =	vst v63  }
0x67: {  	_ = 	snop  }
0x68: {  	[tilespmem:s5], [sflag:$0x1] =	stream.indirect.gather [hbm4b:s4+s21], $0x80, s1, s21, $0xb8;
	[tilespmem:$0x1F400] =	vst v63  }
0x69: {  	_ = 	snop  }
0x6a: {  	[tilespmem:s7], [sflag:$0x1] =	stream.indirect.gather [hbm4b:s4+s21], $0x80, s6, s21, $0xb8;
	[tilespmem:$0x1F400] =	vst v63  }
0x6b: {  	_ = 	snop  }
0x6c: {  	[tilespmem:s9], [sflag:$0x1] =	stream.indirect.gather [hbm4b:s4+s21], $0x80, s8, s21, $0xb8;
	[tilespmem:$0x1F400] =	vst v63  }
0x6d: {  	_ =	swait.ge [sflag:s10], $0x2000  }
0x6e: {  	[sflag:s10] =	ssyncset.done $0x0  }
0x6f: {  	[sflag:s10] =	ssyncadd.s32 $0xFFFFE000  }
0x70: {  	_ =	swait.ge [sflag:s10], $0x2000  }
0x71: {  	[sflag:s10] =	ssyncset.done $0x0  }
0x72: {  	[sflag:s10] =	ssyncadd.s32 $0xFFFFE000  }
0x73: {  	_ =	swait.ge [sflag:s10], $0x2000  }
0x74: {  	[sflag:s10] =	ssyncset.done $0x0  }
0x75: {  	[sflag:s10] =	ssyncadd.s32 $0xFFFFE000  }
0x76: {  	_ =	swait.ge [sflag:s10], $0x2000  }
0x77: {  	[sflag:s10] =	ssyncset.done $0x0  }
0x78: {  	[sflag:s10] =	ssyncadd.s32 $0xFFFFE000  }
0x79: {  	[spmem:s2] =	stream.indirect.scatter.add.f32 [tilespmem:s22], [sflag:$0x2], $0x80, s11, s21, $0xb8;
	[tilespmem:$0x1F400] =	vst v63  }
0x7a: {  	_ = 	snop  }
0x7b: {  	[spmem:s2] =	stream.indirect.scatter.add.f32 [tilespmem:s5], [sflag:$0x2], $0x80, s12, s21, $0xb8;
	[tilespmem:$0x1F400] =	vst v63  }
0x7c: {  	_ = 	snop  }
0x7d: {  	[spmem:s2] =	stream.indirect.scatter.add.f32 [tilespmem:s7], [sflag:$0x2], $0x80, s13, s21, $0xb8;
	[tilespmem:$0x1F400] =	vst v63  }
0x7e: {  	_ = 	snop  }
0x7f: {  	[spmem:s2] =	stream.indirect.scatter.add.f32 [tilespmem:s9], [sflag:$0x2], $0x80, s14, s21, $0xb8;
	[tilespmem:$0x1F400] =	vst v63  }
0x80: {  	v2 =	vld [tilespmem:$0x80];
	_ =	sdelay $0x7  }
0x81: {  	[tilespmem:v2+s15+$0x0] =	vst.idx.add.f32.msk $0xffff, v1  }
0x82: {  	v2 =	vld [tilespmem:$0x90];
	_ =	sdelay $0x7  }
0x83: {  	[tilespmem:v2+s15+$0x0] =	vst.idx.add.f32.msk $0xffff, v1  }
0x84: {  	v2 =	vld [tilespmem:$0xA0];
	_ =	sdelay $0x7  }
0x85: {  	[tilespmem:v2+s15+$0x0] =	vst.idx.add.f32.msk $0xffff, v1  }
0x86: {  	v2 =	vld [tilespmem:$0xB0];
	_ =	sdelay $0x7  }
0x87: {  	[tilespmem:v2+s15+$0x0] =	vst.idx.add.f32.msk $0xffff, v1  }
0x88: {  	v2 =	vld [tilespmem:$0x180];
	_ =	sdelay $0x7  }
0x89: {  	[tilespmem:v2+s15+$0x0] =	vst.idx.add.f32.msk $0xffff, v1  }
0x8a: {  	v2 =	vld [tilespmem:$0x190];
	_ =	sdelay $0x7  }
0x8b: {  	[tilespmem:v2+s15+$0x0] =	vst.idx.add.f32.msk $0xffff, v1  }
0x8c: {  	v2 =	vld [tilespmem:$0x1A0];
	_ =	sdelay $0x7  }
0x8d: {  	[tilespmem:v2+s15+$0x0] =	vst.idx.add.f32.msk $0xffff, v1  }
0x8e: {  	v2 =	vld [tilespmem:$0x1B0];
	_ =	sdelay $0x7  }
0x8f: {  	[tilespmem:v2+s15+$0x0] =	vst.idx.add.f32.msk $0xffff, v1  }
0x90: {  	v2 =	vld [tilespmem:$0x280];
	_ =	sdelay $0x7  }
0x91: {  	[tilespmem:v2+s15+$0x0] =	vst.idx.add.f32.msk $0xffff, v1  }
0x92: {  	v2 =	vld [tilespmem:$0x290];
	_ =	sdelay $0x7  }
0x93: {  	[tilespmem:v2+s15+$0x0] =	vst.idx.add.f32.msk $0xffff, v1  }
0x94: {  	v2 =	vld [tilespmem:$0x2A0];
	_ =	sdelay $0x7  }
0x95: {  	[tilespmem:v2+s15+$0x0] =	vst.idx.add.f32.msk $0xffff, v1  }
0x96: {  	v2 =	vld [tilespmem:$0x2B0];
	_ =	sdelay $0x7  }
0x97: {  	[tilespmem:v2+s15+$0x0] =	vst.idx.add.f32.msk $0xffff, v1  }
0x98: {  	v2 =	vld [tilespmem:$0x380];
	_ =	sdelay $0x7  }
0x99: {  	[tilespmem:v2+s15+$0x0] =	vst.idx.add.f32.msk $0xffff, v1  }
0x9a: {  	v2 =	vld [tilespmem:$0x390];
	_ =	sdelay $0x7  }
0x9b: {  	[tilespmem:v2+s15+$0x0] =	vst.idx.add.f32.msk $0xffff, v1  }
0x9c: {  	v2 =	vld [tilespmem:$0x3A0];
	_ =	sdelay $0x7  }
0x9d: {  	[tilespmem:v2+s15+$0x0] =	vst.idx.add.f32.msk $0xffff, v1  }
0x9e: {  	v2 =	vld [tilespmem:$0x3B0];
	_ =	sdelay $0x7  }
0x9f: {  	[tilespmem:v2+s15+$0x0] =	vst.idx.add.f32.msk $0xffff, v1  }
0xa0: {  	_ =	swait.ge [sflag:s16], $0x2000  }
0xa1: {  	[sflag:s16] =	ssyncset.done $0x0  }
0xa2: {  	[sflag:s16] =	ssyncadd.s32 $0xFFFFE000  }
0xa3: {  	_ =	swait.ge [sflag:s16], $0x2000  }
0xa4: {  	[sflag:s16] =	ssyncset.done $0x0  }
0xa5: {  	[sflag:s16] =	ssyncadd.s32 $0xFFFFE000  }
0xa6: {  	p0 =	sne.s32 s23, $0x1380;
	_ =	swait.ge [sflag:s16], $0x2000  }
.Ltmp2:
0xa7: {  	[sflag:s16] =	ssyncset.done $0x0;
	(pc) =	sbr.rel @p0 .LBB2_6-.Ltmp2, $4  }
0xa8: {  	[sflag:s16] =	ssyncadd.s32 $0xFFFFE000  }
0xa9: {  	_ =	swait.ge [sflag:s16], $0x2000  }
0xaa: {  	[sflag:s16] =	ssyncset.done $0x0  }
0xab: {  	s23 =	sadd.s32 $0x80, s23;
	[sflag:s16] =	ssyncadd.s32 $0xFFFFE000  }
0xac: {  	[bflag:$0x0] =	sbarrier.arrive $0xFFFF  }
0xad: {  	[tilespmem:s22], [sflag:$0x1] =	stream.indirect.gather [spmem:s2], $0x80, s19, s21, $0xb8;
	[tilespmem:$0x1F400] =	vst v63  }
0xae: {  	_ =	swait.ge [sflag:s10], $0x2000  }
0xaf: {  	[sflag:s10] =	ssyncset.done $0x0  }
0xb0: {  	s23 =	rddreg [dreg:$0x5];
	[sflag:s10] =	ssyncadd.s32 $0xFFFFE000  }
0xb1: {  	[hbm4b:s23+s3] =	stream.linear.scatter [tilespmem:s22], [sflag:$0x3], $0x2000, $0x38;
	[tilespmem:$0x1F400] =	vst v63  }
0xb2: {  	_ =	swait.ge [sflag:s20], $0x2000  }
0xb3: {  	[sflag:s20] =	ssyncset.done $0x0  }
0xb4: {  	s24 =	simm.s32 $0x480;
	[sflag:s20] =	ssyncadd.s32 $0xFFFFE000  }
0xb5: {  	[tilespmem:s22], [sflag:$0x1] =	stream.indirect.gather [spmem:s2], $0x80, s24, s21, $0xb8;
	[tilespmem:$0x1F400] =	vst v63  }
0xb6: {  	_ =	swait.ge [sflag:s10], $0x2000  }
0xb7: {  	[sflag:s10] =	ssyncset.done $0x0  }
0xb8: {  	s24 =	rddreg [dreg:$0x6];
	[sflag:s10] =	ssyncadd.s32 $0xFFFFE000  }
0xb9: {  	[hbm4b:s24+s3] =	stream.linear.scatter [tilespmem:s22], [sflag:$0x3], $0x2000, $0x38;
	[tilespmem:$0x1F400] =	vst v63  }
0xba: {  	_ =	swait.ge [sflag:s20], $0x2000  }
0xbb: {  	[sflag:s20] =	ssyncset.done $0x0  }
0xbc: {  	s24 =	simm.s32 $0x500;
	[sflag:s20] =	ssyncadd.s32 $0xFFFFE000  }
0xbd: {  	[tilespmem:s22], [sflag:$0x1] =	stream.indirect.gather [spmem:s2], $0x80, s24, s21, $0xb8;
	[tilespmem:$0x1F400] =	vst v63  }
0xbe: {  	_ =	swait.ge [sflag:s10], $0x2000  }
0xbf: {  	[sflag:s10] =	ssyncset.done $0x0  }
0xc0: {  	s24 =	rddreg [dreg:$0x7];
	[sflag:s10] =	ssyncadd.s32 $0xFFFFE000  }
0xc1: {  	[hbm4b:s24+s3] =	stream.linear.scatter [tilespmem:s22], [sflag:$0x3], $0x2000, $0x38;
	[tilespmem:$0x1F400] =	vst v63  }
0xc2: {  	_ =	swait.ge [sflag:s20], $0x2000  }
0xc3: {  	[sflag:s20] =	ssyncset.done $0x0  }
0xc4: {  	[sflag:s20] =	ssyncadd.s32 $0xFFFFE000  }
0xc5: {  	[tilespmem:s22], [sflag:$0x1] =	stream.indirect.gather [spmem:s2], $0x80, s25, s21, $0xb8;
	[tilespmem:$0x1F400] =	vst v63  }
0xc6: {  	_ =	swait.ge [sflag:s10], $0x2000  }
0xc7: {  	[sflag:s10] =	ssyncset.done $0x0  }
0xc8: {  	s24 =	rddreg [dreg:$0x8];
	[sflag:s10] =	ssyncadd.s32 $0xFFFFE000  }
0xc9: {  	[hbm4b:s24+s3] =	stream.linear.scatter [tilespmem:s22], [sflag:$0x3], $0x2000, $0x38;
	[tilespmem:$0x1F400] =	vst v63  }
0xca: {  	_ =	swait.ge [sflag:s20], $0x2000  }
0xcb: {  	[sflag:s20] =	ssyncset.done $0x0  }
0xcc: {  	[sflag:s20] =	ssyncadd.s32 $0xFFFFE000  }
0xcd: {  	[tilespmem:s22], [sflag:$0x1] =	stream.indirect.gather [spmem:s2], $0x80, s26, s21, $0xb8;
	[tilespmem:$0x1F400] =	vst v63  }
0xce: {  	_ =	swait.ge [sflag:s10], $0x2000  }
0xcf: {  	[sflag:s10] =	ssyncset.done $0x0  }
0xd0: {  	s24 =	rddreg [dreg:$0x9];
	[sflag:s10] =	ssyncadd.s32 $0xFFFFE000  }
0xd1: {  	[hbm4b:s24+s3] =	stream.linear.scatter [tilespmem:s22], [sflag:$0x3], $0x2000, $0x38;
	[tilespmem:$0x1F400] =	vst v63  }
0xd2: {  	_ =	swait.ge [sflag:s20], $0x2000  }
0xd3: {  	[sflag:s20] =	ssyncset.done $0x0  }
0xd4: {  	[sflag:s20] =	ssyncadd.s32 $0xFFFFE000  }
0xd5: {  	[tilespmem:s22], [sflag:$0x1] =	stream.indirect.gather [spmem:s2], $0x80, s28, s21, $0xb8;
	[tilespmem:$0x1F400] =	vst v63  }
0xd6: {  	_ =	swait.ge [sflag:s10], $0x2000  }
0xd7: {  	[sflag:s10] =	ssyncset.done $0x0  }
0xd8: {  	s24 =	rddreg [dreg:$0xa];
	[sflag:s10] =	ssyncadd.s32 $0xFFFFE000  }
0xd9: {  	[hbm4b:s24+s3] =	stream.linear.scatter [tilespmem:s22], [sflag:$0x3], $0x2000, $0x38;
	[tilespmem:$0x1F400] =	vst v63  }
0xda: {  	_ =	swait.ge [sflag:s20], $0x2000  }
0xdb: {  	[sflag:s20] =	ssyncset.done $0x0  }
0xdc: {  	[sflag:s20] =	ssyncadd.s32 $0xFFFFE000  }
0xdd: {  	[tilespmem:s22], [sflag:$0x1] =	stream.indirect.gather [spmem:s2], $0x80, s29, s21, $0xb8;
	[tilespmem:$0x1F400] =	vst v63  }
0xde: {  	_ =	swait.ge [sflag:s10], $0x2000  }
0xdf: {  	[sflag:s10] =	ssyncset.done $0x0  }
0xe0: {  	s24 =	rddreg [dreg:$0xb];
	[sflag:s10] =	ssyncadd.s32 $0xFFFFE000  }
0xe1: {  	[hbm4b:s24+s3] =	stream.linear.scatter [tilespmem:s22], [sflag:$0x3], $0x2000, $0x38;
	[tilespmem:$0x1F400] =	vst v63  }
0xe2: {  	_ =	swait.ge [sflag:s20], $0x2000  }
0xe3: {  	[sflag:s20] =	ssyncset.done $0x0  }
0xe4: {  	[sflag:s20] =	ssyncadd.s32 $0xFFFFE000  }
0xe5: {  	[tilespmem:s22], [sflag:$0x1] =	stream.indirect.gather [spmem:s2], $0x80, s30, s21, $0xb8;
	[tilespmem:$0x1F400] =	vst v63  }
0xe6: {  	_ =	swait.ge [sflag:s10], $0x2000  }
0xe7: {  	[sflag:s10] =	ssyncset.done $0x0  }
0xe8: {  	s24 =	rddreg [dreg:$0xc];
	[sflag:s10] =	ssyncadd.s32 $0xFFFFE000  }
0xe9: {  	[hbm4b:s24+s3] =	stream.linear.scatter [tilespmem:s22], [sflag:$0x3], $0x2000, $0x38;
	[tilespmem:$0x1F400] =	vst v63  }
0xea: {  	_ =	swait.ge [sflag:s20], $0x2000  }
0xeb: {  	[sflag:s20] =	ssyncset.done $0x0  }
0xec: {  	[sflag:s20] =	ssyncadd.s32 $0xFFFFE000  }
0xed: {  	[tilespmem:s22], [sflag:$0x1] =	stream.indirect.gather [spmem:s2], $0x80, s31, s21, $0xb8;
	[tilespmem:$0x1F400] =	vst v63  }
0xee: {  	_ =	swait.ge [sflag:s10], $0x2000  }
0xef: {  	[sflag:s10] =	ssyncset.done $0x0  }
0xf0: {  	s24 =	rddreg [dreg:$0xd];
	[sflag:s10] =	ssyncadd.s32 $0xFFFFE000  }
0xf1: {  	[hbm4b:s24+s3] =	stream.linear.scatter [tilespmem:s22], [sflag:$0x3], $0x2000, $0x38;
	[tilespmem:$0x1F400] =	vst v63  }
0xf2: {  	_ =	swait.ge [sflag:s20], $0x2000  }
0xf3: {  	[sflag:s20] =	ssyncset.done $0x0  }
0xf4: {  	[sflag:s20] =	ssyncadd.s32 $0xFFFFE000  }
0xf5: {  	[tilespmem:s22], [sflag:$0x1] =	stream.indirect.gather [spmem:s2], $0x80, s0, s21, $0xb8;
	[tilespmem:$0x1F400] =	vst v63  }
0xf6: {  	_ =	swait.ge [sflag:s10], $0x2000  }
0xf7: {  	[sflag:s10] =	ssyncset.done $0x0  }
0xf8: {  	s24 =	rddreg [dreg:$0xe];
	[sflag:s10] =	ssyncadd.s32 $0xFFFFE000  }
0xf9: {  	[hbm4b:s24+s3] =	stream.linear.scatter [tilespmem:s22], [sflag:$0x3], $0x2000, $0x38;
	[tilespmem:$0x1F400] =	vst v63  }
0xfa: {  	_ =	swait.ge [sflag:s20], $0x2000  }
0xfb: {  	[sflag:s20] =	ssyncset.done $0x0  }
0xfc: {  	s24 =	rddreg [dreg:$0xf];
	[sflag:s20] =	ssyncadd.s32 $0xFFFFE000  }
0xfd: {  	[hbm4b:s24+s11] =	stream.strided.scatter [tilespmem:s15], [sflag:$0x3], $0x2800, s19, s11, $0x38;
	[tilespmem:$0x1F400] =	vst v63  }
0xfe: {  	_ =	swait.ge [sflag:s20], $0x2800  }
0xff: {  	s17 =	sadd.s32 $0x1, s17;
	s24 =	rddreg [dreg:$0x10]  }
0x100: {  	p0 =	sne.s32 s17, s24  }
.Ltmp3:
0x101: {  	_ = 	snop;
	(pc) =	sbr.rel @p0 .LBB2_1-.Ltmp3, $3  }
0x102: {  	_ =	sdelay $0x1  }
0x103: {  	[sflag:s20] =	ssyncset.done $0x0  }
0x104: {  	[sflag:s20] =	ssyncadd.s32 $0xFFFFD800  }
0x105: {  	_ =	sfence.sel $0x180000  }
0x106: {  	[bflag:$0x0] =	sbarrier.arrive $0xFFFF  }
0x107: {  	_ =	strace $0x90000047  }
0x108: {  	s0 =	stileid.u32;
	[bflag:$0x2] =	sbarrier.arrive $0xFFFF  }
0x109: {  	p0 =	sne.s32 s0, $0x0;
	s0 =	rddreg [dreg:$0x3]  }
0x10a: {  	s0 =	sadd.s32 @!p0 $0x100000, s0  }
0x10b: {  	[sflag:s0] =	ssyncadd.tile.s32 @!p0 $0x1;
	_ =	shalt  }
.Lfunc_end2:
_tile_overlayer_lowered:
.L_overlay_start_2:
0x10c: {  	(tag) =	ssettag $0x2  }
0x10d: {  	s0 =	rddreg [dreg:$0x0];
	s2 =	stileid.u32  }
0x10e: {  	s1 =	rddreg [dreg:$0x1];
	p0 =	sne.s32 s2, $0x0  }
0x10f: {  	s3 =	rddreg [dreg:$0x2];
	[bflag:$0x3] =	sbarrier.arrive $0xFFFF;
	s2 =	simm.s32 @!p0 $0x1C03  }
0x110: {  	[timem:s3], [sflag:s2] =	dma.local @!p0 [hbm:s0], s1  }
0x111: {  	s0 =	simm.s32 @!p0 $0x3  }
0x112: {  	_ =	swait.ge @!p0 [sflag:s0], s1  }
0x113: {  	s1 =	ssub.s32 @!p0 $0x0, s1;
	[sflag:s0] =	ssyncset.done @!p0 $0x0  }
0x114: {  	[sflag:s0] =	ssyncadd.s32 @!p0 s1  }
0x115: {  	[bflag:$0x3] =	sbarrier.arrive $0xFFFF  }
0x116: {  	_ =	shalt  }

</sc_bundles>
